<compile_context>
chip_gen: v7x
topology: tpu7x:2x2x1
jax: 0.10.2.dev20260603
libtpu: 0.0.44.dev20260713+nightly
codegen_flags: <defaults>
</compile_context>

<pallas_src>
import functools

import jax
import jax.numpy as jnp
from jax import lax
from jax.experimental import pallas as pl
from jax.experimental.pallas import tpu as pltpu
from jax.experimental.pallas import tpu_sc as plsc

B = 16
N = 4096
S = 512
NS = 32
D_IN = 64
EPS = 1e-5
R2 = float(0.2 ** 2)

NCORES = 2
NSUB = 16
NW = NCORES * NSUB
S_HALF = S // 2



def _fps_body(xyz_ref, idx_ref, nxyz_ref, dist_ref):
    x = xyz_ref[:, 0, :]
    y = xyz_ref[:, 1, :]
    z = xyz_ref[:, 2, :]
    lane_n = lax.broadcasted_iota(jnp.int32, (B, N), 1)
    lane_s = lax.broadcasted_iota(jnp.int32, (B, S), 1)
    dist_ref[...] = jnp.full((B, N), 1e10, jnp.float32)
    idx_ref[...] = jnp.zeros((B, S), jnp.int32)
    nxyz_ref[...] = jnp.zeros((B, 3, S), jnp.float32)

    def body(i, f):
        msel = lane_n == f
        cx = jnp.sum(jnp.where(msel, x, 0.0), axis=1, keepdims=True)
        cy = jnp.sum(jnp.where(msel, y, 0.0), axis=1, keepdims=True)
        cz = jnp.sum(jnp.where(msel, z, 0.0), axis=1, keepdims=True)
        colm = lane_s == i
        idx_ref[...] = jnp.where(colm, jnp.broadcast_to(f, (B, S)), idx_ref[...])
        nxyz_ref[:, 0, :] = jnp.where(colm, jnp.broadcast_to(cx, (B, S)),
                                      nxyz_ref[:, 0, :])
        nxyz_ref[:, 1, :] = jnp.where(colm, jnp.broadcast_to(cy, (B, S)),
                                      nxyz_ref[:, 1, :])
        nxyz_ref[:, 2, :] = jnp.where(colm, jnp.broadcast_to(cz, (B, S)),
                                      nxyz_ref[:, 2, :])
        dx = x - cx
        dy = y - cy
        dz = z - cz
        d = dx * dx + dy * dy + dz * dz
        dist = jnp.minimum(dist_ref[...], d)
        dist_ref[...] = dist
        mx = jnp.max(dist, axis=1, keepdims=True)
        f2 = jnp.min(jnp.where(dist == mx, lane_n, N), axis=1, keepdims=True)
        return f2.astype(jnp.int32)

    lax.fori_loop(0, S, body, jnp.zeros((B, 1), jnp.int32))


def _fps(xyz):
    return pl.pallas_call(
        _fps_body,
        out_shape=(
            jax.ShapeDtypeStruct((B, S), jnp.int32),
            jax.ShapeDtypeStruct((B, 3, S), jnp.float32),
        ),
        scratch_shapes=[
            pltpu.VMEM((B, N), jnp.float32),
        ],
    )(xyz)



_NT = 8


def _pre_body(xyz_ref, pts_ref, w_ref, b_ref, out_ref):
    xp = pts_ref[0]
    xx = xyz_ref[0]
    wx = w_ref[:, 0:3]
    wp = w_ref[:, 3:]
    acc = lax.dot_general(xp, wp, (((1,), (1,)), ((), ())),
                          preferred_element_type=jnp.float32)
    acc = acc + lax.dot_general(xx, wx, (((1,), (1,)), ((), ())),
                                preferred_element_type=jnp.float32)
    acc = acc + b_ref[...]
    out_ref[0] = jnp.concatenate([acc, jnp.zeros((512, 64), jnp.float32)], 1)


def _pretransform(xyz_t, pts_t, w0, b0):
    nt = N // 512
    return pl.pallas_call(
        _pre_body,
        grid=(B, nt),
        in_specs=[
            pl.BlockSpec((1, 512, 3), lambda b, n: (b, n, 0)),
            pl.BlockSpec((1, 512, D_IN), lambda b, n: (b, n, 0)),
            pl.BlockSpec((64, 67), lambda b, n: (0, 0)),
            pl.BlockSpec((64,), lambda b, n: (0,)),
        ],
        out_specs=pl.BlockSpec((1, 512, 128), lambda b, n: (b, n, 0)),
        out_shape=jax.ShapeDtypeStruct((B, N, 128), jnp.float32),
    )(xyz_t, pts_t, w0, b0)



def _q_body(nxyz_ref, w_ref, out_ref):
    wx = w_ref[:, 0:3]
    out_ref[0] = lax.dot_general(nxyz_ref[0], wx, (((1,), (1,)), ((), ())),
                                 preferred_element_type=jnp.float32)


def _q_offsets(new_xyz_t, w0):
    return pl.pallas_call(
        _q_body,
        grid=(B,),
        in_specs=[
            pl.BlockSpec((1, S, 3), lambda b: (b, 0, 0)),
            pl.BlockSpec((64, 67), lambda b: (0, 0)),
        ],
        out_specs=pl.BlockSpec((1, S, 64), lambda b: (b, 0, 0)),
        out_shape=jax.ShapeDtypeStruct((B, S, 64), jnp.float32),
    )(new_xyz_t, w0)



M = B * S * NS
_MT = 1024


def _mlp_body(y_ref, st_ref, g_ref, bt_ref, w_ref, b_ref, out_ref, sout_ref,
              acc_ref, *, cin):
    i = pl.program_id(0)
    ssum = jnp.sum(st_ref[:, 0, 0:cin], axis=0)
    ssq = jnp.sum(st_ref[:, 1, 0:cin], axis=0)
    mean = ssum * (1.0 / M)
    var = ssq * (1.0 / M) - mean * mean
    a = g_ref[...] * lax.rsqrt(var + EPS)
    c = bt_ref[...] - a * mean
    xx = jnp.maximum(y_ref[:, 0:cin] * a + c, 0.0)
    ynext = lax.dot_general(xx, w_ref[...], (((1,), (1,)), ((), ())),
                            preferred_element_type=jnp.float32) + b_ref[...]
    out_ref[...] = ynext

    @pl.when(i == 0)
    def _():
        acc_ref[...] = jnp.zeros_like(acc_ref)

    acc_ref[0, :] += jnp.sum(ynext, axis=0)
    acc_ref[1, :] += jnp.sum(ynext * ynext, axis=0)

    @pl.when(i == pl.num_programs(0) - 1)
    def _():
        sout_ref[0] = acc_ref[...]


def _mlp_layer(y, stats, g, bt, w, b, cin, cout):
    nt = M // _MT
    nw_in = stats.shape[0]
    cin_pad = y.shape[1]
    st_pad = stats.shape[2]
    return pl.pallas_call(
        functools.partial(_mlp_body, cin=cin),
        grid=(nt,),
        in_specs=[
            pl.BlockSpec((_MT, cin_pad), lambda i: (i, 0)),
            pl.BlockSpec((nw_in, 2, st_pad), lambda i: (0, 0, 0)),
            pl.BlockSpec((cin,), lambda i: (0,)),
            pl.BlockSpec((cin,), lambda i: (0,)),
            pl.BlockSpec((cout, cin), lambda i: (0, 0)),
            pl.BlockSpec((cout,), lambda i: (0,)),
        ],
        out_specs=(
            pl.BlockSpec((_MT, cout), lambda i: (i, 0)),
            pl.BlockSpec((1, 2, cout), lambda i: (0, 0, 0)),
        ),
        out_shape=(
            jax.ShapeDtypeStruct((M, cout), jnp.float32),
            jax.ShapeDtypeStruct((1, 2, cout), jnp.float32),
        ),
        scratch_shapes=[pltpu.VMEM((2, cout), jnp.float32)],
    )(y, stats, g, bt, w, b)



_PT = 256


def _pool_body(y_ref, st_ref, g_ref, bt_ref, out_ref):
    ssum = jnp.sum(st_ref[:, 0, :], axis=0)
    ssq = jnp.sum(st_ref[:, 1, :], axis=0)
    mean = ssum * (1.0 / M)
    var = ssq * (1.0 / M) - mean * mean
    a = g_ref[...] * lax.rsqrt(var + EPS)
    c = bt_ref[...] - a * mean
    xx = jnp.maximum(y_ref[...] * a, -c) + c
    xx = xx.reshape(_PT, NS, 128)
    out_ref[...] = jnp.max(xx, axis=1)


def _pool(y3, stats, g, bt):
    nt = (B * S) // _PT
    return pl.pallas_call(
        _pool_body,
        grid=(nt,),
        in_specs=[
            pl.BlockSpec((_PT * NS, 128), lambda i: (i, 0)),
            pl.BlockSpec((1, 2, 128), lambda i: (0, 0, 0)),
            pl.BlockSpec((128,), lambda i: (0,)),
            pl.BlockSpec((128,), lambda i: (0,)),
        ],
        out_specs=pl.BlockSpec((_PT, 128), lambda i: (i, 0)),
        out_shape=jax.ShapeDtypeStruct((B * S, 128), jnp.float32),
    )(y3, stats, g, bt)



CAND = N + 64
INF = 3.0e38


def _rne_bf16(v):
    u = plsc.bitcast(v, jnp.int32)
    u = u + 0x7FFF + jnp.bitwise_and(lax.shift_right_logical(u, 16), 1)
    u = jnp.bitwise_and(u, jnp.int32(-65536))
    return plsc.bitcast(u, jnp.float32)


def _ballq_tec(xyz_hbm, fps_hbm, idx_hbm, x_v, y_v, z_v, fpsrow_v, cxs_v,
               cys_v, czs_v, xb_v, yb_v, zb_v, n2_v, c2s_v, cd_v, ci_v,
               oidx_v):
    cid = lax.axis_index("c")
    sid = lax.axis_index("s")
    wid = sid * NCORES + cid
    b = wid // 2
    h = wid % 2
    pltpu.sync_copy(xyz_hbm.at[b * 3 + 0, 0], x_v)
    pltpu.sync_copy(xyz_hbm.at[b * 3 + 1, 0], y_v)
    pltpu.sync_copy(xyz_hbm.at[b * 3 + 2, 0], z_v)
    pltpu.sync_copy(fps_hbm.at[pl.ds(b * S + h * S_HALF, S_HALF)], fpsrow_v)

    lanes = lax.iota(jnp.int32, 16)

    def prep(j, _):
        sl = pl.ds(j * 16, 16)
        xv, yv, zv = x_v[sl], y_v[sl], z_v[sl]
        xb_v[sl] = _rne_bf16(xv)
        yb_v[sl] = _rne_bf16(yv)
        zb_v[sl] = _rne_bf16(zv)
        n2_v[sl] = xv * xv + yv * yv + zv * zv
        return 0

    lax.fori_loop(0, N // 16, prep, 0)

    def cgather(j, _):
        sl = pl.ds(j * 16, 16)
        iv = fpsrow_v[sl]
        cx = plsc.load_gather(x_v, [iv])
        cy = plsc.load_gather(y_v, [iv])
        cz = plsc.load_gather(z_v, [iv])
        cxs_v[sl] = _rne_bf16(cx)
        cys_v[sl] = _rne_bf16(cy)
        czs_v[sl] = _rne_bf16(cz)
        c2s_v[sl] = cx * cx + cy * cy + cz * cz
        return 0

    lax.fori_loop(0, S_HALF // 16, cgather, 0)

    r2v = jnp.full((16,), R2, jnp.float32)

    def center_body(s, _):
        sv = jnp.full((16,), s, jnp.int32)
        cxv = plsc.load_gather(cxs_v, [sv])
        cyv = plsc.load_gather(cys_v, [sv])
        czv = plsc.load_gather(czs_v, [sv])
        c2v = plsc.load_gather(c2s_v, [sv])

        def chunk4(j4, cnt):
            for u in range(8):
                j = j4 * 8 + u
                sl = pl.ds(j * 16, 16)
                dot = cxv * xb_v[sl] + cyv * yb_v[sl] + czv * zb_v[sl]
                d = (-2.0) * dot + c2v + n2_v[sl]
                m = d <= r2v
                mi = m.astype(jnp.int32)
                pos = cnt + plsc.cumsum(mi) - mi
                plsc.store_scatter(cd_v, [pos], d, mask=m)
                plsc.store_scatter(ci_v, [pos], lanes + j * 16, mask=m)
                cnt = cnt + plsc.all_reduce_population_count(m)
            return cnt

        cntv = lax.fori_loop(0, N // 128, chunk4,
                             jnp.zeros((16,), jnp.int32))
        plsc.store_scatter(cd_v, [cntv + lanes],
                           jnp.full((16,), INF, jnp.float32))
        plsc.store_scatter(ci_v, [cntv + lanes], jnp.zeros((16,), jnp.int32))
        cnt = jnp.sum(jnp.where(lanes == 0, cntv, 0))

        def merge(jc, carry):
            k0, v0, k1, v1 = carry
            kc = cd_v[pl.ds(jc * 16, 16)]
            vc = ci_v[pl.ds(jc * 16, 16)]
            kc, vc = plsc.sort_key_val(kc, vc)
            rk = lax.rev(kc, (0,))
            rv = lax.rev(vc, (0,))
            m1 = k1 <= rk
            k1, v1 = plsc.sort_key_val(jnp.where(m1, k1, rk),
                                       jnp.where(m1, v1, rv))
            rk1 = lax.rev(k1, (0,))
            rv1 = lax.rev(v1, (0,))
            m2 = k0 <= rk1
            lo_k = jnp.where(m2, k0, rk1)
            lo_v = jnp.where(m2, v0, rv1)
            hi_k = jnp.where(m2, rk1, k0)
            hi_v = jnp.where(m2, rv1, v0)
            k0, v0 = plsc.sort_key_val(lo_k, lo_v)
            k1, v1 = plsc.sort_key_val(hi_k, hi_v)
            return k0, v0, k1, v1

        init = (jnp.full((16,), INF, jnp.float32), jnp.zeros((16,), jnp.int32),
                jnp.full((16,), INF, jnp.float32), jnp.zeros((16,), jnp.int32))
        nchunks = (cnt + 15) // 16
        k0, v0, k1, v1 = lax.fori_loop(0, nchunks, merge, init)

        fill = jnp.full((16,), jnp.sum(jnp.where(lanes == 0, v0, 0)), jnp.int32)
        v0 = jnp.where(k0 >= INF, fill, v0)
        v1 = jnp.where(k1 >= INF, fill, v1)
        oidx_v[pl.ds(s * NS, 16)] = v0
        oidx_v[pl.ds(s * NS + 16, 16)] = v1
        return 0

    lax.fori_loop(0, S_HALF, center_body, 0)
    pltpu.sync_copy(oidx_v, idx_hbm.at[wid, 0])


def _ball_query(xyz3, fps_flat):
    mesh = plsc.VectorSubcoreMesh(core_axis_name="c", subcore_axis_name="s")
    return pl.kernel(
        _ballq_tec,
        compiler_params=pltpu.CompilerParams(needs_layout_passes=False),
        out_type=jax.ShapeDtypeStruct((NW, 1, S_HALF * NS), jnp.int32),
        mesh=mesh,
        scratch_types=[
            pltpu.VMEM((N,), jnp.float32),
            pltpu.VMEM((N,), jnp.float32),
            pltpu.VMEM((N,), jnp.float32),
            pltpu.VMEM((S_HALF,), jnp.int32),
            pltpu.VMEM((S_HALF,), jnp.float32),
            pltpu.VMEM((S_HALF,), jnp.float32),
            pltpu.VMEM((S_HALF,), jnp.float32),
            pltpu.VMEM((N,), jnp.float32),
            pltpu.VMEM((N,), jnp.float32),
            pltpu.VMEM((N,), jnp.float32),
            pltpu.VMEM((N,), jnp.float32),
            pltpu.VMEM((S_HALF,), jnp.float32),
            pltpu.VMEM((CAND,), jnp.float32),
            pltpu.VMEM((CAND,), jnp.int32),
            pltpu.VMEM((S_HALF * NS,), jnp.int32),
        ],
    )(xyz3, fps_flat)



GW = 128
ROWS_W = S_HALF * NS
NWIN = ROWS_W // GW


def _gather_tec(f_hbm, idx_hbm, q_hbm, y1_hbm, st_hbm, gidx_v, q_v, rows_v,
                rowsb_v, acc_v, sem0, semb, sem1):
    cid = lax.axis_index("c")
    sid = lax.axis_index("s")
    wid = sid * NCORES + cid
    b = wid // 2
    h = wid % 2
    base_row = (b * S + h * S_HALF) * NS

    pltpu.sync_copy(idx_hbm.at[wid, 0], gidx_v)
    pltpu.sync_copy(q_hbm.at[pl.ds((b * S + h * S_HALF) * 64, S_HALF * 64)],
                    q_v)

    boff = jnp.full((16,), b * N, jnp.int32)

    def addb(j, _):
        gidx_v[pl.ds(j * 16, 16)] = gidx_v[pl.ds(j * 16, 16)] + boff
        return 0

    lax.fori_loop(0, ROWS_W // 16, addb, 0)

    for i in range(8):
        for t in range(8):
            acc_v[i, pl.ds(t * 16, 16)] = jnp.zeros((16,), jnp.float32)

    bufs = (rows_v, rowsb_v)
    sems = (sem0, semb)

    def start_in(w, buf, sem):
        pltpu.make_async_copy(f_hbm.at[gidx_v.at[pl.ds(w * GW, GW)]],
                              buf, sem).start()

    start_in(0, rows_v, sem0)

    def process(w, buf):
        def row4(r4, _):
            for ru in range(8):
                r = r4 * 8 + ru
                qi = (w * (GW // NS) + r // NS) * 64
                for t in range(4):
                    v = (buf[r, pl.ds(t * 16, 16)]
                         - q_v[pl.ds(qi + t * 16, 16)])
                    buf[r, pl.ds(t * 16, 16)] = v
                    acc_v[0, pl.ds(t * 16, 16)] += v
                    acc_v[1, pl.ds(t * 16, 16)] += v * v
            return 0

        lax.fori_loop(0, GW // 8, row4, 0)
        cp2 = pltpu.make_async_copy(
            buf, y1_hbm.at[pl.ds(base_row + w * GW, GW)], sem1)
        cp2.start()
        cp2.wait()

    def window_pair(wp, _):
        for u in range(2):
            w = wp * 2 + u
            cur, csem = bufs[u], sems[u]
            oth, osem = bufs[1 - u], sems[1 - u]

            @pl.when(w + 1 < NWIN)
            def _():
                start_in(w + 1, oth, osem)

            pltpu.make_async_copy(f_hbm.at[gidx_v.at[pl.ds(w * GW, GW)]],
                                  cur, csem).wait()
            process(w, cur)
        return 0

    lax.fori_loop(0, NWIN // 2, window_pair, 0)
    pltpu.sync_copy(acc_v, st_hbm.at[wid])


def _gather_stage(f2d, idx, qflat):
    mesh = plsc.VectorSubcoreMesh(core_axis_name="c", subcore_axis_name="s")
    return pl.kernel(
        _gather_tec,
        compiler_params=pltpu.CompilerParams(needs_layout_passes=False),
        out_type=(
            jax.ShapeDtypeStruct((M, 128), jnp.float32),
            jax.ShapeDtypeStruct((NW, 8, 128), jnp.float32),
        ),
        mesh=mesh,
        scratch_types=[
            pltpu.VMEM((ROWS_W,), jnp.int32),
            pltpu.VMEM((S_HALF * 64,), jnp.float32),
            pltpu.VMEM((GW, 128), jnp.float32),
            pltpu.VMEM((GW, 128), jnp.float32),
            pltpu.VMEM((8, 128), jnp.float32),
            pltpu.SemaphoreType.DMA,
            pltpu.SemaphoreType.DMA,
            pltpu.SemaphoreType.DMA,
        ],
    )(f2d, idx, qflat)



def kernel(xyz, points, W0, b0, g0, bt0, W1, b1, g1, bt1, W2, b2, g2, bt2):
    xyz_t = jnp.transpose(xyz, (0, 2, 1))
    pts_t = jnp.transpose(points, (0, 2, 1))

    fps_idx, new_xyz = _fps(xyz)
    f = _pretransform(xyz_t, pts_t, W0, b0)
    q = _q_offsets(jnp.transpose(new_xyz, (0, 2, 1)), W0)
    idx = _ball_query(xyz.reshape(B * 3, 1, N), fps_idx.reshape(B * S))
    y1, st1p = _gather_stage(f.reshape(B * N, 128), idx, q.reshape(-1))
    st1 = st1p[:, 0:2, :]
    y2, st2 = _mlp_layer(y1, st1, g0, bt0, W1, b1, 64, 64)
    y3, st3 = _mlp_layer(y2, st2, g1, bt1, W2, b2, 64, 128)
    pooled = _pool(y3, st3, g2, bt2)
    new_points = jnp.transpose(pooled.reshape(B, S, 128), (0, 2, 1))
    return (new_xyz, new_points, fps_idx)

# --- scband reference (transcript-rebuilt; emitter-appended) ---
"""Pipeline reference for scband-point-net-set-abstraction-38259568673339 (READ-ONLY COPY).

The authoritative reference and input builder live on the scoring server;
editing this copy changes nothing except your own understanding.
"""

import jax, jax.numpy as jnp
import numpy as np

NPOINT = 512
RADIUS = 0.2
NSAMPLE = 32
IN_CH = 67
MLP = [64, 64, 128]
EPS = 1e-5


def index_points(points, idx):
    return jax.vmap(lambda p, i: p[i])(points, idx)


def square_distance(src, dst):
    dist = -2.0 * jnp.matmul(src, jnp.transpose(dst, (0, 2, 1)))
    dist = dist + jnp.sum(src ** 2, -1)[:, :, None]
    dist = dist + jnp.sum(dst ** 2, -1)[:, None, :]
    return dist


def farthest_point_sample(xyz, npoint):
    B, N, C = xyz.shape

    def body(i, state):
        centroids, distance, farthest = state
        centroids = centroids.at[:, i].set(farthest)
        centroid = index_points(xyz, farthest[:, None])  # [B,1,3]
        dist = jnp.sum((xyz - centroid) ** 2, -1)
        distance = jnp.minimum(distance, dist)
        farthest = jnp.argmax(distance, axis=-1).astype(jnp.int32)
        return (centroids, distance, farthest)

    init = (jnp.zeros((B, npoint), dtype=jnp.int32),
            jnp.full((B, N), 1e10, dtype=xyz.dtype),
            jnp.zeros((B,), dtype=jnp.int32))
    centroids, _, _ = jax.lax.fori_loop(0, npoint, body, init)
    return centroids


def query_ball_point(radius, nsample, xyz, new_xyz):
    B, N, C = xyz.shape
    S = new_xyz.shape[1]
    sqrdists = square_distance(new_xyz, xyz)
    order = jnp.argsort(sqrdists, axis=-1).astype(jnp.int32)
    sorted_dists = jnp.sort(sqrdists, axis=-1)
    group_idx = jnp.where(sorted_dists > radius ** 2, N, order)
    group_idx = group_idx[:, :, :nsample]
    group_first = group_idx[:, :, 0]
    self_idx = jnp.broadcast_to(jnp.arange(S, dtype=jnp.int32)[None, :], (B, S))
    group_first = jnp.where(group_first == N, self_idx, group_first)
    group_idx = jnp.where(group_idx == N, group_first[:, :, None], group_idx)
    return group_idx


def setup_inputs(seed: int = 0):
    key = jax.random.key(seed)
    ks = jax.random.split(key, 8)
    inp = {}
    inp['xyz'] = jax.random.uniform(ks[0], (16, 3, 4096), dtype=jnp.float32)
    inp['points'] = jax.random.normal(ks[1], (16, 64, 4096), dtype=jnp.float32)
    chans = [IN_CH] + MLP
    for i in range(3):
        inp['W%d' % i] = 0.1 * jax.random.normal(ks[2 + i], (chans[i + 1], chans[i]), dtype=jnp.float32)
        inp['b%d' % i] = jnp.zeros((chans[i + 1],), dtype=jnp.float32)
        inp['g%d' % i] = jnp.ones((chans[i + 1],), dtype=jnp.float32)
        inp['bt%d' % i] = jnp.zeros((chans[i + 1],), dtype=jnp.float32)
    return inp


def reference(xyz, points, W0, b0, g0, bt0, W1, b1, g1, bt1, W2, b2, g2, bt2):
    params = [(W0, b0, g0, bt0), (W1, b1, g1, bt1), (W2, b2, g2, bt2)]
    xyz_t = jnp.transpose(xyz, (0, 2, 1))       # [B,N,3]
    pts_t = jnp.transpose(points, (0, 2, 1))    # [B,N,D]
    fps_idx = farthest_point_sample(xyz_t, NPOINT)
    new_xyz = index_points(xyz_t, fps_idx)      # [B,S,3]
    idx = query_ball_point(RADIUS, NSAMPLE, xyz_t, new_xyz)
    grouped_xyz = index_points(xyz_t, idx)      # [B,S,ns,3]
    grouped_xyz_norm = grouped_xyz - new_xyz[:, :, None, :]
    grouped_points = index_points(pts_t, idx)   # [B,S,ns,D]
    new_points = jnp.concatenate([grouped_xyz_norm, grouped_points], axis=-1)
    x = jnp.transpose(new_points, (0, 3, 2, 1))  # [B,C,ns,S]
    for (W, b, g, bt) in params:
        x = jnp.einsum('bchw,oc->bohw', x, W) + b[None, :, None, None]
        mean = jnp.mean(x, axis=(0, 2, 3), keepdims=True)
        var = jnp.var(x, axis=(0, 2, 3), keepdims=True)
        x = (x - mean) / jnp.sqrt(var + EPS)
        x = g[None, :, None, None] * x + bt[None, :, None, None]
        x = jax.nn.relu(x)
    new_points_out = jnp.max(x, axis=2)          # [B,128,S]
    new_xyz_out = jnp.transpose(new_xyz, (0, 2, 1))
    return (new_xyz_out, new_points_out, fps_idx)

if __name__ == "__main__":
    import jax
    _d = setup_inputs()
    print(jax.jit(kernel)(*tuple(_d.values())))

</pallas_src>

<mosaic_0001>
#map = affine_map<(d0, d1) -> (0, 0, 0)>
#map1 = affine_map<(d0, d1) -> (0)>
module attributes {stable_mosaic.version = 14 : i64} {
  func.func @_ballq_tec(%arg0: i32, %arg1: i32, %arg2: memref<48x1x4096xf32, #tpu.memory_space<hbm>>, %arg3: memref<8192xi32, #tpu.memory_space<hbm>>, %arg4: memref<32x1x8192xi32, #tpu.memory_space<hbm>>, %arg5: memref<4096xf32, #tpu.memory_space<vmem>>, %arg6: memref<4096xf32, #tpu.memory_space<vmem>>, %arg7: memref<4096xf32, #tpu.memory_space<vmem>>, %arg8: memref<256xi32, #tpu.memory_space<vmem>>, %arg9: memref<256xf32, #tpu.memory_space<vmem>>, %arg10: memref<256xf32, #tpu.memory_space<vmem>>, %arg11: memref<256xf32, #tpu.memory_space<vmem>>, %arg12: memref<4096xf32, #tpu.memory_space<vmem>>, %arg13: memref<4096xf32, #tpu.memory_space<vmem>>, %arg14: memref<4096xf32, #tpu.memory_space<vmem>>, %arg15: memref<4096xf32, #tpu.memory_space<vmem>>, %arg16: memref<256xf32, #tpu.memory_space<vmem>>, %arg17: memref<4160xf32, #tpu.memory_space<vmem>>, %arg18: memref<4160xi32, #tpu.memory_space<vmem>>, %arg19: memref<8192xi32, #tpu.memory_space<vmem>>) attributes {dimension_semantics = [#tpu.dimension_semantics<core_parallel>, #tpu.dimension_semantics<subcore_parallel>], iteration_bounds = array<i64: 2, 16>, scalar_prefetch = 0 : i64, scratch_operands = 15 : i64, tpu.core_type = #tpu.core_type<sc_vector_subcore>, window_params = [{transform_indices = #map}, {transform_indices = #map1}, {transform_indices = #map}]} {
    %mul3A = arith.constant 2 : i32
    %mul3A_0 = arith.muli %arg1, %mul3A : i32
    %add3A = arith.addi %mul3A_0, %arg0 : i32
    %jit3A = arith.constant 2 : i32
    %div3A = arith.divsi %add3A, %jit3A : i32
    %sign3A = arith.constant 0 : i32
    %sign3A_1 = arith.cmpi sgt, %add3A, %sign3A : i32
    %sign3A_2 = arith.extui %sign3A_1 : i1 to i32
    %sign3A_3 = arith.constant 0 : i32
    %sign3A_4 = arith.cmpi slt, %add3A, %sign3A_3 : i32
    %sign3A_5 = arith.extui %sign3A_4 : i1 to i32
    %sign3A_6 = arith.subi %sign3A_2, %sign3A_5 : i32
    %sign3A_7 = arith.constant 0 : i32
    %sign3A_8 = arith.cmpi sgt, %jit3A, %sign3A_7 : i32
    %sign3A_9 = arith.extui %sign3A_8 : i1 to i32
    %sign3A_10 = arith.constant 0 : i32
    %sign3A_11 = arith.cmpi slt, %jit3A, %sign3A_10 : i32
    %sign3A_12 = arith.extui %sign3A_11 : i1 to i32
    %sign3A_13 = arith.subi %sign3A_9, %sign3A_12 : i32
    %ne3A = arith.cmpi ne, %sign3A_6, %sign3A_13 : i32
    %rem3A = arith.remsi %add3A, %jit3A : i32
    %ne3A_14 = arith.constant 0 : i32
    %ne3A_15 = arith.cmpi ne, %rem3A, %ne3A_14 : i32
    %and3A = arith.andi %ne3A, %ne3A_15 : i1
    %sub3A = arith.constant 1 : i32
    %sub3A_16 = arith.subi %div3A, %sub3A : i32
    %select_n3A = arith.select %and3A, %sub3A_16, %div3A : i32
    %jit3A_17 = arith.constant 2 : i32
    %eq3A = arith.constant 0 : i32
    %eq3A_18 = arith.cmpi eq, %jit3A_17, %eq3A : i32
    %jit3A_19 = arith.constant 1 : i32
    %select_n3A_20 = arith.select %eq3A_18, %jit3A_19, %jit3A_17 : i32
    %rem3A_21 = arith.remsi %add3A, %select_n3A_20 : i32
    %ne3A_22 = arith.constant 0 : i32
    %ne3A_23 = arith.cmpi ne, %rem3A_21, %ne3A_22 : i32
    %lt3A = arith.constant 0 : i32
    %lt3A_24 = arith.cmpi slt, %rem3A_21, %lt3A : i32
    %lt3A_25 = arith.constant 0 : i32
    %lt3A_26 = arith.cmpi slt, %select_n3A_20, %lt3A_25 : i32
    %ne3A_27 = arith.xori %lt3A_24, %lt3A_26 : i1
    %and3A_28 = arith.andi %ne3A_27, %ne3A_23 : i1
    %add3A_29 = arith.addi %rem3A_21, %select_n3A_20 : i32
    %select_n3A_30 = arith.select %and3A_28, %add3A_29, %rem3A_21 : i32
    %mul3A_31 = arith.constant 3 : i32
    %mul3A_32 = arith.muli %select_n3A, %mul3A_31 : i32
    %add3A_33 = arith.constant 0 : i32
    %add3A_34 = arith.addi %mul3A_32, %add3A_33 : i32
    %run_scoped3A = arith.constant 0 : i32
    "tpu.region"() ({
      %run_scoped3A_72 = tpu.sem_alloc : memref<!tpu.dma_semaphore, #tpu.memory_space<semaphore_mem>>
      %dma_start3A = arith.constant 0 : i32
      %dma_start3A_73 = tpu.memref_slice %arg2[%add3A_34, %run_scoped3A, %dma_start3A] : memref<48x1x4096xf32, #tpu.memory_space<hbm>> -> memref<1x1x4096xf32, #tpu.memory_space<hbm>>
      %dma_start3A_74 = tpu.memref_squeeze %dma_start3A_73 : memref<1x1x4096xf32, #tpu.memory_space<hbm>> -> memref<4096xf32, #tpu.memory_space<hbm>>
      %dma_start3A_75 = arith.constant 0 : i32
      %dma_start3A_76 = tpu.memref_slice %arg2[%add3A_34, %run_scoped3A, %dma_start3A_75] : memref<48x1x4096xf32, #tpu.memory_space<hbm>> -> memref<1x1x4096xf32, #tpu.memory_space<hbm>>
      %dma_start3A_77 = tpu.memref_squeeze %dma_start3A_76 : memref<1x1x4096xf32, #tpu.memory_space<hbm>> -> memref<4096xf32, #tpu.memory_space<hbm>>
      tpu.enqueue_dma source(%dma_start3A_77 : memref<4096xf32, #tpu.memory_space<hbm>>) target(%arg5 : memref<4096xf32, #tpu.memory_space<vmem>>) target_semaphore(%run_scoped3A_72 : memref<!tpu.dma_semaphore, #tpu.memory_space<semaphore_mem>>)
      %dma_wait3A = arith.constant 0 : i32
      %dma_wait3A_78 = tpu.memref_slice %arg2[%add3A_34, %run_scoped3A, %dma_wait3A] : memref<48x1x4096xf32, #tpu.memory_space<hbm>> -> memref<1x1x4096xf32, #tpu.memory_space<hbm>>
      %dma_wait3A_79 = tpu.memref_squeeze %dma_wait3A_78 : memref<1x1x4096xf32, #tpu.memory_space<hbm>> -> memref<4096xf32, #tpu.memory_space<hbm>>
      %dma_wait3A_80 = arith.constant 0 : i32
      %dma_wait3A_81 = tpu.memref_slice %arg2[%add3A_34, %run_scoped3A, %dma_wait3A_80] : memref<48x1x4096xf32, #tpu.memory_space<hbm>> -> memref<1x1x4096xf32, #tpu.memory_space<hbm>>
      %dma_wait3A_82 = tpu.memref_squeeze %dma_wait3A_81 : memref<1x1x4096xf32, #tpu.memory_space<hbm>> -> memref<4096xf32, #tpu.memory_space<hbm>>
      tpu.wait_dma2 semaphore(%run_scoped3A_72 : memref<!tpu.dma_semaphore, #tpu.memory_space<semaphore_mem>>) src(%dma_wait3A_82 : memref<4096xf32, #tpu.memory_space<hbm>>) dst(%arg5 : memref<4096xf32, #tpu.memory_space<vmem>>)
      tpu.yield
    }) : () -> ()
    %mul3A_35 = arith.constant 3 : i32
    %mul3A_36 = arith.muli %select_n3A, %mul3A_35 : i32
    %add3A_37 = arith.constant 1 : i32
    %add3A_38 = arith.addi %mul3A_36, %add3A_37 : i32
    %run_scoped3A_39 = arith.constant 0 : i32
    "tpu.region"() ({
      %run_scoped3A_72 = tpu.sem_alloc : memref<!tpu.dma_semaphore, #tpu.memory_space<semaphore_mem>>
      %dma_start3A = arith.constant 0 : i32
      %dma_start3A_73 = tpu.memref_slice %arg2[%add3A_38, %run_scoped3A_39, %dma_start3A] : memref<48x1x4096xf32, #tpu.memory_space<hbm>> -> memref<1x1x4096xf32, #tpu.memory_space<hbm>>
      %dma_start3A_74 = tpu.memref_squeeze %dma_start3A_73 : memref<1x1x4096xf32, #tpu.memory_space<hbm>> -> memref<4096xf32, #tpu.memory_space<hbm>>
      %dma_start3A_75 = arith.constant 0 : i32
      %dma_start3A_76 = tpu.memref_slice %arg2[%add3A_38, %run_scoped3A_39, %dma_start3A_75] : memref<48x1x4096xf32, #tpu.memory_space<hbm>> -> memref<1x1x4096xf32, #tpu.memory_space<hbm>>
      %dma_start3A_77 = tpu.memref_squeeze %dma_start3A_76 : memref<1x1x4096xf32, #tpu.memory_space<hbm>> -> memref<4096xf32, #tpu.memory_space<hbm>>
      tpu.enqueue_dma source(%dma_start3A_77 : memref<4096xf32, #tpu.memory_space<hbm>>) target(%arg6 : memref<4096xf32, #tpu.memory_space<vmem>>) target_semaphore(%run_scoped3A_72 : memref<!tpu.dma_semaphore, #tpu.memory_space<semaphore_mem>>)
      %dma_wait3A = arith.constant 0 : i32
      %dma_wait3A_78 = tpu.memref_slice %arg2[%add3A_38, %run_scoped3A_39, %dma_wait3A] : memref<48x1x4096xf32, #tpu.memory_space<hbm>> -> memref<1x1x4096xf32, #tpu.memory_space<hbm>>
      %dma_wait3A_79 = tpu.memref_squeeze %dma_wait3A_78 : memref<1x1x4096xf32, #tpu.memory_space<hbm>> -> memref<4096xf32, #tpu.memory_space<hbm>>
      %dma_wait3A_80 = arith.constant 0 : i32
      %dma_wait3A_81 = tpu.memref_slice %arg2[%add3A_38, %run_scoped3A_39, %dma_wait3A_80] : memref<48x1x4096xf32, #tpu.memory_space<hbm>> -> memref<1x1x4096xf32, #tpu.memory_space<hbm>>
      %dma_wait3A_82 = tpu.memref_squeeze %dma_wait3A_81 : memref<1x1x4096xf32, #tpu.memory_space<hbm>> -> memref<4096xf32, #tpu.memory_space<hbm>>
      tpu.wait_dma2 semaphore(%run_scoped3A_72 : memref<!tpu.dma_semaphore, #tpu.memory_space<semaphore_mem>>) src(%dma_wait3A_82 : memref<4096xf32, #tpu.memory_space<hbm>>) dst(%arg6 : memref<4096xf32, #tpu.memory_space<vmem>>)
      tpu.yield
    }) : () -> ()
    %mul3A_40 = arith.constant 3 : i32
    %mul3A_41 = arith.muli %select_n3A, %mul3A_40 : i32
    %add3A_42 = arith.constant 2 : i32
    %add3A_43 = arith.addi %mul3A_41, %add3A_42 : i32
    %run_scoped3A_44 = arith.constant 0 : i32
    "tpu.region"() ({
      %run_scoped3A_72 = tpu.sem_alloc : memref<!tpu.dma_semaphore, #tpu.memory_space<semaphore_mem>>
      %dma_start3A = arith.constant 0 : i32
      %dma_start3A_73 = tpu.memref_slice %arg2[%add3A_43, %run_scoped3A_44, %dma_start3A] : memref<48x1x4096xf32, #tpu.memory_space<hbm>> -> memref<1x1x4096xf32, #tpu.memory_space<hbm>>
      %dma_start3A_74 = tpu.memref_squeeze %dma_start3A_73 : memref<1x1x4096xf32, #tpu.memory_space<hbm>> -> memref<4096xf32, #tpu.memory_space<hbm>>
      %dma_start3A_75 = arith.constant 0 : i32
      %dma_start3A_76 = tpu.memref_slice %arg2[%add3A_43, %run_scoped3A_44, %dma_start3A_75] : memref<48x1x4096xf32, #tpu.memory_space<hbm>> -> memref<1x1x4096xf32, #tpu.memory_space<hbm>>
      %dma_start3A_77 = tpu.memref_squeeze %dma_start3A_76 : memref<1x1x4096xf32, #tpu.memory_space<hbm>> -> memref<4096xf32, #tpu.memory_space<hbm>>
      tpu.enqueue_dma source(%dma_start3A_77 : memref<4096xf32, #tpu.memory_space<hbm>>) target(%arg7 : memref<4096xf32, #tpu.memory_space<vmem>>) target_semaphore(%run_scoped3A_72 : memref<!tpu.dma_semaphore, #tpu.memory_space<semaphore_mem>>)
      %dma_wait3A = arith.constant 0 : i32
      %dma_wait3A_78 = tpu.memref_slice %arg2[%add3A_43, %run_scoped3A_44, %dma_wait3A] : memref<48x1x4096xf32, #tpu.memory_space<hbm>> -> memref<1x1x4096xf32, #tpu.memory_space<hbm>>
      %dma_wait3A_79 = tpu.memref_squeeze %dma_wait3A_78 : memref<1x1x4096xf32, #tpu.memory_space<hbm>> -> memref<4096xf32, #tpu.memory_space<hbm>>
      %dma_wait3A_80 = arith.constant 0 : i32
      %dma_wait3A_81 = tpu.memref_slice %arg2[%add3A_43, %run_scoped3A_44, %dma_wait3A_80] : memref<48x1x4096xf32, #tpu.memory_space<hbm>> -> memref<1x1x4096xf32, #tpu.memory_space<hbm>>
      %dma_wait3A_82 = tpu.memref_squeeze %dma_wait3A_81 : memref<1x1x4096xf32, #tpu.memory_space<hbm>> -> memref<4096xf32, #tpu.memory_space<hbm>>
      tpu.wait_dma2 semaphore(%run_scoped3A_72 : memref<!tpu.dma_semaphore, #tpu.memory_space<semaphore_mem>>) src(%dma_wait3A_82 : memref<4096xf32, #tpu.memory_space<hbm>>) dst(%arg7 : memref<4096xf32, #tpu.memory_space<vmem>>)
      tpu.yield
    }) : () -> ()
    %mul3A_45 = arith.constant 512 : i32
    %mul3A_46 = arith.muli %select_n3A, %mul3A_45 : i32
    %mul3A_47 = arith.constant 256 : i32
    %mul3A_48 = arith.muli %select_n3A_30, %mul3A_47 : i32
    %add3A_49 = arith.addi %mul3A_46, %mul3A_48 : i32
    "tpu.region"() ({
      %run_scoped3A_72 = tpu.sem_alloc : memref<!tpu.dma_semaphore, #tpu.memory_space<semaphore_mem>>
      %dma_start3A = tpu.memref_slice %arg3[%add3A_49] : memref<8192xi32, #tpu.memory_space<hbm>> -> memref<256xi32, #tpu.memory_space<hbm>>
      %dma_start3A_73 = tpu.memref_slice %arg3[%add3A_49] : memref<8192xi32, #tpu.memory_space<hbm>> -> memref<256xi32, #tpu.memory_space<hbm>>
      tpu.enqueue_dma source(%dma_start3A_73 : memref<256xi32, #tpu.memory_space<hbm>>) target(%arg8 : memref<256xi32, #tpu.memory_space<vmem>>) target_semaphore(%run_scoped3A_72 : memref<!tpu.dma_semaphore, #tpu.memory_space<semaphore_mem>>)
      %dma_wait3A = tpu.memref_slice %arg3[%add3A_49] : memref<8192xi32, #tpu.memory_space<hbm>> -> memref<256xi32, #tpu.memory_space<hbm>>
      %dma_wait3A_74 = tpu.memref_slice %arg3[%add3A_49] : memref<8192xi32, #tpu.memory_space<hbm>> -> memref<256xi32, #tpu.memory_space<hbm>>
      tpu.wait_dma2 semaphore(%run_scoped3A_72 : memref<!tpu.dma_semaphore, #tpu.memory_space<semaphore_mem>>) src(%dma_wait3A_74 : memref<256xi32, #tpu.memory_space<hbm>>) dst(%arg8 : memref<256xi32, #tpu.memory_space<vmem>>)
      tpu.yield
    }) : () -> ()
    %iota3A = tpu.iota {dimensions = array<i32: 0>} : vector<16xi32>
    %scan3A = arith.constant 0 : i32
    %scan3A_50 = arith.constant 0 : i32
    %scan3A_51 = arith.constant 256 : i32
    %scan3A_52 = arith.addi %scan3A_50, %scan3A_51 : i32
    %scan3A_53 = arith.constant 1 : i32
    %scan3A_54 = scf.for %scan3A_72 = %scan3A_50 to %scan3A_52 step %scan3A_53 iter_args(%scan3A_73 = %scan3A) -> (i32)  : i32 {
      %mul3A_74 = arith.constant 16 : i32
      %mul3A_75 = arith.muli %scan3A_72, %mul3A_74 : i32
      %get3A = arith.index_cast %mul3A_75 : i32 to index
      %get3A_76 = tpu.vector_load %arg5[%get3A] {strides = array<i32>} : memref<4096xf32, #tpu.memory_space<vmem>>, vector<16xf32>,
      %get3A_77 = arith.index_cast %mul3A_75 : i32 to index
      %get3A_78 = tpu.vector_load %arg6[%get3A_77] {strides = array<i32>} : memref<4096xf32, #tpu.memory_space<vmem>>, vector<16xf32>,
      %get3A_79 = arith.index_cast %mul3A_75 : i32 to index
      %get3A_80 = tpu.vector_load %arg7[%get3A_79] {strides = array<i32>} : memref<4096xf32, #tpu.memory_space<vmem>>, vector<16xf32>,
      %bitcast3A = vector.bitcast %get3A_76 : vector<16xf32> to vector<16xi32>
      %add3A_81 = arith.constant 32767 : i32
      %add3A_82 = vector.broadcast %add3A_81 : i32 to vector<16xi32>
      %add3A_83 = arith.addi %bitcast3A, %add3A_82 : vector<16xi32>
      %shift_right_logical3A = arith.constant 16 : i32
      %shift_right_logical3A_84 = vector.broadcast %shift_right_logical3A : i32 to vector<16xi32>
      %shift_right_logical3A_85 = arith.shrui %bitcast3A, %shift_right_logical3A_84 : vector<16xi32>
      %and3A_86 = arith.constant 1 : i32
      %and3A_87 = vector.broadcast %and3A_86 : i32 to vector<16xi32>
      %and3A_88 = arith.andi %shift_right_logical3A_85, %and3A_87 : vector<16xi32>
      %add3A_89 = arith.addi %add3A_83, %and3A_88 : vector<16xi32>
      %and3A_90 = arith.constant -65536 : i32
      %and3A_91 = vector.broadcast %and3A_90 : i32 to vector<16xi32>
      %and3A_92 = arith.andi %add3A_89, %and3A_91 : vector<16xi32>
      %bitcast3A_93 = vector.bitcast %and3A_92 : vector<16xi32> to vector<16xf32>
      %swap3A = arith.index_cast %mul3A_75 : i32 to index
      %swap3A_94 = tpu.vector_load %arg12[%swap3A] {strides = array<i32>} : memref<4096xf32, #tpu.memory_space<vmem>>, vector<16xf32>,
      tpu.vector_store %arg12[%swap3A], %bitcast3A_93 {strides = array<i32>} : memref<4096xf32, #tpu.memory_space<vmem>>, vector<16xf32>,
      %bitcast3A_95 = vector.bitcast %get3A_78 : vector<16xf32> to vector<16xi32>
      %add3A_96 = arith.constant 32767 : i32
      %add3A_97 = vector.broadcast %add3A_96 : i32 to vector<16xi32>
      %add3A_98 = arith.addi %bitcast3A_95, %add3A_97 : vector<16xi32>
      %shift_right_logical3A_99 = arith.constant 16 : i32
      %shift_right_logical3A_100 = vector.broadcast %shift_right_logical3A_99 : i32 to vector<16xi32>
      %shift_right_logical3A_101 = arith.shrui %bitcast3A_95, %shift_right_logical3A_100 : vector<16xi32>
      %and3A_102 = arith.constant 1 : i32
      %and3A_103 = vector.broadcast %and3A_102 : i32 to vector<16xi32>
      %and3A_104 = arith.andi %shift_right_logical3A_101, %and3A_103 : vector<16xi32>
      %add3A_105 = arith.addi %add3A_98, %and3A_104 : vector<16xi32>
      %and3A_106 = arith.constant -65536 : i32
      %and3A_107 = vector.broadcast %and3A_106 : i32 to vector<16xi32>
      %and3A_108 = arith.andi %add3A_105, %and3A_107 : vector<16xi32>
      %bitcast3A_109 = vector.bitcast %and3A_108 : vector<16xi32> to vector<16xf32>
      %swap3A_110 = arith.index_cast %mul3A_75 : i32 to index
      %swap3A_111 = tpu.vector_load %arg13[%swap3A_110] {strides = array<i32>} : memref<4096xf32, #tpu.memory_space<vmem>>, vector<16xf32>,
      tpu.vector_store %arg13[%swap3A_110], %bitcast3A_109 {strides = array<i32>} : memref<4096xf32, #tpu.memory_space<vmem>>, vector<16xf32>,
      %bitcast3A_112 = vector.bitcast %get3A_80 : vector<16xf32> to vector<16xi32>
      %add3A_113 = arith.constant 32767 : i32
      %add3A_114 = vector.broadcast %add3A_113 : i32 to vector<16xi32>
      %add3A_115 = arith.addi %bitcast3A_112, %add3A_114 : vector<16xi32>
      %shift_right_logical3A_116 = arith.constant 16 : i32
      %shift_right_logical3A_117 = vector.broadcast %shift_right_logical3A_116 : i32 to vector<16xi32>
      %shift_right_logical3A_118 = arith.shrui %bitcast3A_112, %shift_right_logical3A_117 : vector<16xi32>
      %and3A_119 = arith.constant 1 : i32
      %and3A_120 = vector.broadcast %and3A_119 : i32 to vector<16xi32>
      %and3A_121 = arith.andi %shift_right_logical3A_118, %and3A_120 : vector<16xi32>
      %add3A_122 = arith.addi %add3A_115, %and3A_121 : vector<16xi32>
      %and3A_123 = arith.constant -65536 : i32
      %and3A_124 = vector.broadcast %and3A_123 : i32 to vector<16xi32>
      %and3A_125 = arith.andi %add3A_122, %and3A_124 : vector<16xi32>
      %bitcast3A_126 = vector.bitcast %and3A_125 : vector<16xi32> to vector<16xf32>
      %swap3A_127 = arith.index_cast %mul3A_75 : i32 to index
      %swap3A_128 = tpu.vector_load %arg14[%swap3A_127] {strides = array<i32>} : memref<4096xf32, #tpu.memory_space<vmem>>, vector<16xf32>,
      tpu.vector_store %arg14[%swap3A_127], %bitcast3A_126 {strides = array<i32>} : memref<4096xf32, #tpu.memory_space<vmem>>, vector<16xf32>,
      %mul3A_129 = arith.mulf %get3A_76, %get3A_76 : vector<16xf32>
      %mul3A_130 = arith.mulf %get3A_78, %get3A_78 : vector<16xf32>
      %add3A_131 = arith.addf %mul3A_129, %mul3A_130 : vector<16xf32>
      %mul3A_132 = arith.mulf %get3A_80, %get3A_80 : vector<16xf32>
      %add3A_133 = arith.addf %add3A_131, %mul3A_132 : vector<16xf32>
      %swap3A_134 = arith.index_cast %mul3A_75 : i32 to index
      %swap3A_135 = tpu.vector_load %arg15[%swap3A_134] {strides = array<i32>} : memref<4096xf32, #tpu.memory_space<vmem>>, vector<16xf32>,
      tpu.vector_store %arg15[%swap3A_134], %add3A_133 {strides = array<i32>} : memref<4096xf32, #tpu.memory_space<vmem>>, vector<16xf32>,
      %scan3A_136 = arith.constant 0 : i32
      scf.yield %scan3A_136 : i32
    }
    %scan3A_55 = arith.constant 256 : i32
    %scan3A_56 = arith.constant 0 : i32
    %scan3A_57 = arith.constant 0 : i32
    %scan3A_58 = arith.constant 16 : i32
    %scan3A_59 = arith.addi %scan3A_57, %scan3A_58 : i32
    %scan3A_60 = arith.constant 1 : i32
    %scan3A_61 = scf.for %scan3A_72 = %scan3A_57 to %scan3A_59 step %scan3A_60 iter_args(%scan3A_73 = %scan3A_56) -> (i32)  : i32 {
      %mul3A_74 = arith.constant 16 : i32
      %mul3A_75 = arith.muli %scan3A_72, %mul3A_74 : i32
      %get3A = arith.index_cast %mul3A_75 : i32 to index
      %get3A_76 = tpu.vector_load %arg8[%get3A] {strides = array<i32>} : memref<256xi32, #tpu.memory_space<vmem>>, vector<16xi32>,
      %gather3A = tpu.vector_load_idx %arg5[%get3A_76] : memref<4096xf32, #tpu.memory_space<vmem>>[vector<16xi32>], vector<16xf32>,
      %gather3A_77 = tpu.vector_load_idx %arg6[%get3A_76] : memref<4096xf32, #tpu.memory_space<vmem>>[vector<16xi32>], vector<16xf32>,
      %gather3A_78 = tpu.vector_load_idx %arg7[%get3A_76] : memref<4096xf32, #tpu.memory_space<vmem>>[vector<16xi32>], vector<16xf32>,
      %bitcast3A = vector.bitcast %gather3A : vector<16xf32> to vector<16xi32>
      %add3A_79 = arith.constant 32767 : i32
      %add3A_80 = vector.broadcast %add3A_79 : i32 to vector<16xi32>
      %add3A_81 = arith.addi %bitcast3A, %add3A_80 : vector<16xi32>
      %shift_right_logical3A = arith.constant 16 : i32
      %shift_right_logical3A_82 = vector.broadcast %shift_right_logical3A : i32 to vector<16xi32>
      %shift_right_logical3A_83 = arith.shrui %bitcast3A, %shift_right_logical3A_82 : vector<16xi32>
      %and3A_84 = arith.constant 1 : i32
      %and3A_85 = vector.broadcast %and3A_84 : i32 to vector<16xi32>
      %and3A_86 = arith.andi %shift_right_logical3A_83, %and3A_85 : vector<16xi32>
      %add3A_87 = arith.addi %add3A_81, %and3A_86 : vector<16xi32>
      %and3A_88 = arith.constant -65536 : i32
      %and3A_89 = vector.broadcast %and3A_88 : i32 to vector<16xi32>
      %and3A_90 = arith.andi %add3A_87, %and3A_89 : vector<16xi32>
      %bitcast3A_91 = vector.bitcast %and3A_90 : vector<16xi32> to vector<16xf32>
      %swap3A = arith.index_cast %mul3A_75 : i32 to index
      %swap3A_92 = tpu.vector_load %arg9[%swap3A] {strides = array<i32>} : memref<256xf32, #tpu.memory_space<vmem>>, vector<16xf32>,
      tpu.vector_store %arg9[%swap3A], %bitcast3A_91 {strides = array<i32>} : memref<256xf32, #tpu.memory_space<vmem>>, vector<16xf32>,
      %bitcast3A_93 = vector.bitcast %gather3A_77 : vector<16xf32> to vector<16xi32>
      %add3A_94 = arith.constant 32767 : i32
      %add3A_95 = vector.broadcast %add3A_94 : i32 to vector<16xi32>
      %add3A_96 = arith.addi %bitcast3A_93, %add3A_95 : vector<16xi32>
      %shift_right_logical3A_97 = arith.constant 16 : i32
      %shift_right_logical3A_98 = vector.broadcast %shift_right_logical3A_97 : i32 to vector<16xi32>
      %shift_right_logical3A_99 = arith.shrui %bitcast3A_93, %shift_right_logical3A_98 : vector<16xi32>
      %and3A_100 = arith.constant 1 : i32
      %and3A_101 = vector.broadcast %and3A_100 : i32 to vector<16xi32>
      %and3A_102 = arith.andi %shift_right_logical3A_99, %and3A_101 : vector<16xi32>
      %add3A_103 = arith.addi %add3A_96, %and3A_102 : vector<16xi32>
      %and3A_104 = arith.constant -65536 : i32
      %and3A_105 = vector.broadcast %and3A_104 : i32 to vector<16xi32>
      %and3A_106 = arith.andi %add3A_103, %and3A_105 : vector<16xi32>
      %bitcast3A_107 = vector.bitcast %and3A_106 : vector<16xi32> to vector<16xf32>
      %swap3A_108 = arith.index_cast %mul3A_75 : i32 to index
      %swap3A_109 = tpu.vector_load %arg10[%swap3A_108] {strides = array<i32>} : memref<256xf32, #tpu.memory_space<vmem>>, vector<16xf32>,
      tpu.vector_store %arg10[%swap3A_108], %bitcast3A_107 {strides = array<i32>} : memref<256xf32, #tpu.memory_space<vmem>>, vector<16xf32>,
      %bitcast3A_110 = vector.bitcast %gather3A_78 : vector<16xf32> to vector<16xi32>
      %add3A_111 = arith.constant 32767 : i32
      %add3A_112 = vector.broadcast %add3A_111 : i32 to vector<16xi32>
      %add3A_113 = arith.addi %bitcast3A_110, %add3A_112 : vector<16xi32>
      %shift_right_logical3A_114 = arith.constant 16 : i32
      %shift_right_logical3A_115 = vector.broadcast %shift_right_logical3A_114 : i32 to vector<16xi32>
      %shift_right_logical3A_116 = arith.shrui %bitcast3A_110, %shift_right_logical3A_115 : vector<16xi32>
      %and3A_117 = arith.constant 1 : i32
      %and3A_118 = vector.broadcast %and3A_117 : i32 to vector<16xi32>
      %and3A_119 = arith.andi %shift_right_logical3A_116, %and3A_118 : vector<16xi32>
      %add3A_120 = arith.addi %add3A_113, %and3A_119 : vector<16xi32>
      %and3A_121 = arith.constant -65536 : i32
      %and3A_122 = vector.broadcast %and3A_121 : i32 to vector<16xi32>
      %and3A_123 = arith.andi %add3A_120, %and3A_122 : vector<16xi32>
      %bitcast3A_124 = vector.bitcast %and3A_123 : vector<16xi32> to vector<16xf32>
      %swap3A_125 = arith.index_cast %mul3A_75 : i32 to index
      %swap3A_126 = tpu.vector_load %arg11[%swap3A_125] {strides = array<i32>} : memref<256xf32, #tpu.memory_space<vmem>>, vector<16xf32>,
      tpu.vector_store %arg11[%swap3A_125], %bitcast3A_124 {strides = array<i32>} : memref<256xf32, #tpu.memory_space<vmem>>, vector<16xf32>,
      %mul3A_127 = arith.mulf %gather3A, %gather3A : vector<16xf32>
      %mul3A_128 = arith.mulf %gather3A_77, %gather3A_77 : vector<16xf32>
      %add3A_129 = arith.addf %mul3A_127, %mul3A_128 : vector<16xf32>
      %mul3A_130 = arith.mulf %gather3A_78, %gather3A_78 : vector<16xf32>
      %add3A_131 = arith.addf %add3A_129, %mul3A_130 : vector<16xf32>
      %swap3A_132 = arith.index_cast %mul3A_75 : i32 to index
      %swap3A_133 = tpu.vector_load %arg16[%swap3A_132] {strides = array<i32>} : memref<256xf32, #tpu.memory_space<vmem>>, vector<16xf32>,
      tpu.vector_store %arg16[%swap3A_132], %add3A_131 {strides = array<i32>} : memref<256xf32, #tpu.memory_space<vmem>>, vector<16xf32>,
      %scan3A_134 = arith.constant 0 : i32
      scf.yield %scan3A_134 : i32
    }
    %scan3A_62 = arith.constant 16 : i32
    %broadcast_in_dim3A = arith.constant 4.000000e-02 : f32
    %broadcast_in_dim3A_63 = vector.broadcast %broadcast_in_dim3A : f32 to vector<16xf32>
    %scan3A_64 = arith.constant 0 : i32
    %scan3A_65 = arith.constant 0 : i32
    %scan3A_66 = arith.constant 256 : i32
    %scan3A_67 = arith.addi %scan3A_65, %scan3A_66 : i32
    %scan3A_68 = arith.constant 1 : i32
    %scan3A_69 = scf.for %scan3A_72 = %scan3A_65 to %scan3A_67 step %scan3A_68 iter_args(%scan3A_73 = %scan3A_64) -> (i32)  : i32 {
      %broadcast_in_dim3A_74 = vector.broadcast %scan3A_72 : i32 to vector<16xi32>
      %gather3A = tpu.vector_load_idx %arg9[%broadcast_in_dim3A_74] : memref<256xf32, #tpu.memory_space<vmem>>[vector<16xi32>], vector<16xf32>,
      %gather3A_75 = tpu.vector_load_idx %arg10[%broadcast_in_dim3A_74] : memref<256xf32, #tpu.memory_space<vmem>>[vector<16xi32>], vector<16xf32>,
      %gather3A_76 = tpu.vector_load_idx %arg11[%broadcast_in_dim3A_74] : memref<256xf32, #tpu.memory_space<vmem>>[vector<16xi32>], vector<16xf32>,
      %gather3A_77 = tpu.vector_load_idx %arg16[%broadcast_in_dim3A_74] : memref<256xf32, #tpu.memory_space<vmem>>[vector<16xi32>], vector<16xf32>,
      %broadcast_in_dim3A_78 = arith.constant 0 : i32
      %broadcast_in_dim3A_79 = vector.broadcast %broadcast_in_dim3A_78 : i32 to vector<16xi32>
      %scan3A_80 = arith.constant 0 : i32
      %scan3A_81 = arith.constant 32 : i32
      %scan3A_82 = arith.addi %scan3A_80, %scan3A_81 : i32
      %scan3A_83 = arith.constant 1 : i32
      %scan3A_84 = scf.for %scan3A_173 = %scan3A_80 to %scan3A_82 step %scan3A_83 iter_args(%scan3A_174 = %broadcast_in_dim3A_79) -> (vector<16xi32>)  : i32 {
        %mul3A_175 = arith.constant 8 : i32
        %mul3A_176 = arith.muli %scan3A_173, %mul3A_175 : i32
        %add3A_177 = arith.constant 0 : i32
        %add3A_178 = arith.addi %mul3A_176, %add3A_177 : i32
        %mul3A_179 = arith.constant 16 : i32
        %mul3A_180 = arith.muli %add3A_178, %mul3A_179 : i32
        %get3A = arith.index_cast %mul3A_180 : i32 to index
        %get3A_181 = tpu.vector_load %arg12[%get3A] {strides = array<i32>} : memref<4096xf32, #tpu.memory_space<vmem>>, vector<16xf32>,
        %mul3A_182 = arith.mulf %gather3A, %get3A_181 : vector<16xf32>
        %get3A_183 = arith.index_cast %mul3A_180 : i32 to index
        %get3A_184 = tpu.vector_load %arg13[%get3A_183] {strides = array<i32>} : memref<4096xf32, #tpu.memory_space<vmem>>, vector<16xf32>,
        %mul3A_185 = arith.mulf %gather3A_75, %get3A_184 : vector<16xf32>
        %add3A_186 = arith.addf %mul3A_182, %mul3A_185 : vector<16xf32>
        %get3A_187 = arith.index_cast %mul3A_180 : i32 to index
        %get3A_188 = tpu.vector_load %arg14[%get3A_187] {strides = array<i32>} : memref<4096xf32, #tpu.memory_space<vmem>>, vector<16xf32>,
        %mul3A_189 = arith.mulf %gather3A_76, %get3A_188 : vector<16xf32>
        %add3A_190 = arith.addf %add3A_186, %mul3A_189 : vector<16xf32>
        %mul3A_191 = arith.constant -2.000000e+00 : f32
        %mul3A_192 = vector.broadcast %mul3A_191 : f32 to vector<16xf32>
        %mul3A_193 = arith.mulf %mul3A_192, %add3A_190 : vector<16xf32>
        %add3A_194 = arith.addf %mul3A_193, %gather3A_77 : vector<16xf32>
        %get3A_195 = arith.index_cast %mul3A_180 : i32 to index
        %get3A_196 = tpu.vector_load %arg15[%get3A_195] {strides = array<i32>} : memref<4096xf32, #tpu.memory_space<vmem>>, vector<16xf32>,
        %add3A_197 = arith.addf %add3A_194, %get3A_196 : vector<16xf32>
        %le3A = arith.cmpf ole, %add3A_197, %broadcast_in_dim3A_63 : vector<16xf32>
        %convert_element_type3A = arith.extui %le3A : vector<16xi1> to vector<16xi32>
        %broadcast_in_dim3A_198 = arith.constant true
        %broadcast_in_dim3A_199 = vector.broadcast %broadcast_in_dim3A_198 : i1 to vector<16xi1>
        %masked_cumsum3A = tpu.scan <sum>, %convert_element_type3A masked %broadcast_in_dim3A_199 : vector<16xi32>, vector<16xi1> -> vector<16xi32>
        %add3A_200 = arith.addi %scan3A_174, %masked_cumsum3A : vector<16xi32>
        %sub3A_201 = arith.subi %add3A_200, %convert_element_type3A : vector<16xi32>
        tpu.vector_store_idx %arg17[%sub3A_201], %add3A_197 masked %le3A : memref<4160xf32, #tpu.memory_space<vmem>>[vector<16xi32>], vector<16xf32>, vector<16xi1>
        %mul3A_202 = arith.constant 16 : i32
        %mul3A_203 = arith.muli %add3A_178, %mul3A_202 : i32
        %add3A_204 = vector.broadcast %mul3A_203 : i32 to vector<16xi32>
        %add3A_205 = arith.addi %iota3A, %add3A_204 : vector<16xi32>
        tpu.vector_store_idx %arg18[%sub3A_201], %add3A_205 masked %le3A : memref<4160xi32, #tpu.memory_space<vmem>>[vector<16xi32>], vector<16xi32>, vector<16xi1>
        %all_reduce_population_count3A = tpu.all_reduce %le3A {dim = 0 : i64, kind = #tpu.reduction_kind<sum>} : vector<16xi1> -> vector<16xi32>
        %add3A_206 = arith.addi %scan3A_174, %all_reduce_population_count3A : vector<16xi32>
        %mul3A_207 = arith.constant 8 : i32
        %mul3A_208 = arith.muli %scan3A_173, %mul3A_207 : i32
        %add3A_209 = arith.constant 1 : i32
        %add3A_210 = arith.addi %mul3A_208, %add3A_209 : i32
        %mul3A_211 = arith.constant 16 : i32
        %mul3A_212 = arith.muli %add3A_210, %mul3A_211 : i32
        %get3A_213 = arith.index_cast %mul3A_212 : i32 to index
        %get3A_214 = tpu.vector_load %arg12[%get3A_213] {strides = array<i32>} : memref<4096xf32, #tpu.memory_space<vmem>>, vector<16xf32>,
        %mul3A_215 = arith.mulf %gather3A, %get3A_214 : vector<16xf32>
        %get3A_216 = arith.index_cast %mul3A_212 : i32 to index
        %get3A_217 = tpu.vector_load %arg13[%get3A_216] {strides = array<i32>} : memref<4096xf32, #tpu.memory_space<vmem>>, vector<16xf32>,
        %mul3A_218 = arith.mulf %gather3A_75, %get3A_217 : vector<16xf32>
        %add3A_219 = arith.addf %mul3A_215, %mul3A_218 : vector<16xf32>
        %get3A_220 = arith.index_cast %mul3A_212 : i32 to index
        %get3A_221 = tpu.vector_load %arg14[%get3A_220] {strides = array<i32>} : memref<4096xf32, #tpu.memory_space<vmem>>, vector<16xf32>,
        %mul3A_222 = arith.mulf %gather3A_76, %get3A_221 : vector<16xf32>
        %add3A_223 = arith.addf %add3A_219, %mul3A_222 : vector<16xf32>
        %mul3A_224 = arith.constant -2.000000e+00 : f32
        %mul3A_225 = vector.broadcast %mul3A_224 : f32 to vector<16xf32>
        %mul3A_226 = arith.mulf %mul3A_225, %add3A_223 : vector<16xf32>
        %add3A_227 = arith.addf %mul3A_226, %gather3A_77 : vector<16xf32>
        %get3A_228 = arith.index_cast %mul3A_212 : i32 to index
        %get3A_229 = tpu.vector_load %arg15[%get3A_228] {strides = array<i32>} : memref<4096xf32, #tpu.memory_space<vmem>>, vector<16xf32>,
        %add3A_230 = arith.addf %add3A_227, %get3A_229 : vector<16xf32>
        %le3A_231 = arith.cmpf ole, %add3A_230, %broadcast_in_dim3A_63 : vector<16xf32>
        %convert_element_type3A_232 = arith.extui %le3A_231 : vector<16xi1> to vector<16xi32>
        %broadcast_in_dim3A_233 = arith.constant true
        %broadcast_in_dim3A_234 = vector.broadcast %broadcast_in_dim3A_233 : i1 to vector<16xi1>
        %masked_cumsum3A_235 = tpu.scan <sum>, %convert_element_type3A_232 masked %broadcast_in_dim3A_234 : vector<16xi32>, vector<16xi1> -> vector<16xi32>
        %add3A_236 = arith.addi %add3A_206, %masked_cumsum3A_235 : vector<16xi32>
        %sub3A_237 = arith.subi %add3A_236, %convert_element_type3A_232 : vector<16xi32>
        tpu.vector_store_idx %arg17[%sub3A_237], %add3A_230 masked %le3A_231 : memref<4160xf32, #tpu.memory_space<vmem>>[vector<16xi32>], vector<16xf32>, vector<16xi1>
        %mul3A_238 = arith.constant 16 : i32
        %mul3A_239 = arith.muli %add3A_210, %mul3A_238 : i32
        %add3A_240 = vector.broadcast %mul3A_239 : i32 to vector<16xi32>
        %add3A_241 = arith.addi %iota3A, %add3A_240 : vector<16xi32>
        tpu.vector_store_idx %arg18[%sub3A_237], %add3A_241 masked %le3A_231 : memref<4160xi32, #tpu.memory_space<vmem>>[vector<16xi32>], vector<16xi32>, vector<16xi1>
        %all_reduce_population_count3A_242 = tpu.all_reduce %le3A_231 {dim = 0 : i64, kind = #tpu.reduction_kind<sum>} : vector<16xi1> -> vector<16xi32>
        %add3A_243 = arith.addi %add3A_206, %all_reduce_population_count3A_242 : vector<16xi32>
        %mul3A_244 = arith.constant 8 : i32
        %mul3A_245 = arith.muli %scan3A_173, %mul3A_244 : i32
        %add3A_246 = arith.constant 2 : i32
        %add3A_247 = arith.addi %mul3A_245, %add3A_246 : i32
        %mul3A_248 = arith.constant 16 : i32
        %mul3A_249 = arith.muli %add3A_247, %mul3A_248 : i32
        %get3A_250 = arith.index_cast %mul3A_249 : i32 to index
        %get3A_251 = tpu.vector_load %arg12[%get3A_250] {strides = array<i32>} : memref<4096xf32, #tpu.memory_space<vmem>>, vector<16xf32>,
        %mul3A_252 = arith.mulf %gather3A, %get3A_251 : vector<16xf32>
        %get3A_253 = arith.index_cast %mul3A_249 : i32 to index
        %get3A_254 = tpu.vector_load %arg13[%get3A_253] {strides = array<i32>} : memref<4096xf32, #tpu.memory_space<vmem>>, vector<16xf32>,
        %mul3A_255 = arith.mulf %gather3A_75, %get3A_254 : vector<16xf32>
        %add3A_256 = arith.addf %mul3A_252, %mul3A_255 : vector<16xf32>
        %get3A_257 = arith.index_cast %mul3A_249 : i32 to index
        %get3A_258 = tpu.vector_load %arg14[%get3A_257] {strides = array<i32>} : memref<4096xf32, #tpu.memory_space<vmem>>, vector<16xf32>,
        %mul3A_259 = arith.mulf %gather3A_76, %get3A_258 : vector<16xf32>
        %add3A_260 = arith.addf %add3A_256, %mul3A_259 : vector<16xf32>
        %mul3A_261 = arith.constant -2.000000e+00 : f32
        %mul3A_262 = vector.broadcast %mul3A_261 : f32 to vector<16xf32>
        %mul3A_263 = arith.mulf %mul3A_262, %add3A_260 : vector<16xf32>
        %add3A_264 = arith.addf %mul3A_263, %gather3A_77 : vector<16xf32>
        %get3A_265 = arith.index_cast %mul3A_249 : i32 to index
        %get3A_266 = tpu.vector_load %arg15[%get3A_265] {strides = array<i32>} : memref<4096xf32, #tpu.memory_space<vmem>>, vector<16xf32>,
        %add3A_267 = arith.addf %add3A_264, %get3A_266 : vector<16xf32>
        %le3A_268 = arith.cmpf ole, %add3A_267, %broadcast_in_dim3A_63 : vector<16xf32>
        %convert_element_type3A_269 = arith.extui %le3A_268 : vector<16xi1> to vector<16xi32>
        %broadcast_in_dim3A_270 = arith.constant true
        %broadcast_in_dim3A_271 = vector.broadcast %broadcast_in_dim3A_270 : i1 to vector<16xi1>
        %masked_cumsum3A_272 = tpu.scan <sum>, %convert_element_type3A_269 masked %broadcast_in_dim3A_271 : vector<16xi32>, vector<16xi1> -> vector<16xi32>
        %add3A_273 = arith.addi %add3A_243, %masked_cumsum3A_272 : vector<16xi32>
        %sub3A_274 = arith.subi %add3A_273, %convert_element_type3A_269 : vector<16xi32>
        tpu.vector_store_idx %arg17[%sub3A_274], %add3A_267 masked %le3A_268 : memref<4160xf32, #tpu.memory_space<vmem>>[vector<16xi32>], vector<16xf32>, vector<16xi1>
        %mul3A_275 = arith.constant 16 : i32
        %mul3A_276 = arith.muli %add3A_247, %mul3A_275 : i32
        %add3A_277 = vector.broadcast %mul3A_276 : i32 to vector<16xi32>
        %add3A_278 = arith.addi %iota3A, %add3A_277 : vector<16xi32>
        tpu.vector_store_idx %arg18[%sub3A_274], %add3A_278 masked %le3A_268 : memref<4160xi32, #tpu.memory_space<vmem>>[vector<16xi32>], vector<16xi32>, vector<16xi1>
        %all_reduce_population_count3A_279 = tpu.all_reduce %le3A_268 {dim = 0 : i64, kind = #tpu.reduction_kind<sum>} : vector<16xi1> -> vector<16xi32>
        %add3A_280 = arith.addi %add3A_243, %all_reduce_population_count3A_279 : vector<16xi32>
        %mul3A_281 = arith.constant 8 : i32
        %mul3A_282 = arith.muli %scan3A_173, %mul3A_281 : i32
        %add3A_283 = arith.constant 3 : i32
        %add3A_284 = arith.addi %mul3A_282, %add3A_283 : i32
        %mul3A_285 = arith.constant 16 : i32
        %mul3A_286 = arith.muli %add3A_284, %mul3A_285 : i32
        %get3A_287 = arith.index_cast %mul3A_286 : i32 to index
        %get3A_288 = tpu.vector_load %arg12[%get3A_287] {strides = array<i32>} : memref<4096xf32, #tpu.memory_space<vmem>>, vector<16xf32>,
        %mul3A_289 = arith.mulf %gather3A, %get3A_288 : vector<16xf32>
        %get3A_290 = arith.index_cast %mul3A_286 : i32 to index
        %get3A_291 = tpu.vector_load %arg13[%get3A_290] {strides = array<i32>} : memref<4096xf32, #tpu.memory_space<vmem>>, vector<16xf32>,
        %mul3A_292 = arith.mulf %gather3A_75, %get3A_291 : vector<16xf32>
        %add3A_293 = arith.addf %mul3A_289, %mul3A_292 : vector<16xf32>
        %get3A_294 = arith.index_cast %mul3A_286 : i32 to index
        %get3A_295 = tpu.vector_load %arg14[%get3A_294] {strides = array<i32>} : memref<4096xf32, #tpu.memory_space<vmem>>, vector<16xf32>,
        %mul3A_296 = arith.mulf %gather3A_76, %get3A_295 : vector<16xf32>
        %add3A_297 = arith.addf %add3A_293, %mul3A_296 : vector<16xf32>
        %mul3A_298 = arith.constant -2.000000e+00 : f32
        %mul3A_299 = vector.broadcast %mul3A_298 : f32 to vector<16xf32>
        %mul3A_300 = arith.mulf %mul3A_299, %add3A_297 : vector<16xf32>
        %add3A_301 = arith.addf %mul3A_300, %gather3A_77 : vector<16xf32>
        %get3A_302 = arith.index_cast %mul3A_286 : i32 to index
        %get3A_303 = tpu.vector_load %arg15[%get3A_302] {strides = array<i32>} : memref<4096xf32, #tpu.memory_space<vmem>>, vector<16xf32>,
        %add3A_304 = arith.addf %add3A_301, %get3A_303 : vector<16xf32>
        %le3A_305 = arith.cmpf ole, %add3A_304, %broadcast_in_dim3A_63 : vector<16xf32>
        %convert_element_type3A_306 = arith.extui %le3A_305 : vector<16xi1> to vector<16xi32>
        %broadcast_in_dim3A_307 = arith.constant true
        %broadcast_in_dim3A_308 = vector.broadcast %broadcast_in_dim3A_307 : i1 to vector<16xi1>
        %masked_cumsum3A_309 = tpu.scan <sum>, %convert_element_type3A_306 masked %broadcast_in_dim3A_308 : vector<16xi32>, vector<16xi1> -> vector<16xi32>
        %add3A_310 = arith.addi %add3A_280, %masked_cumsum3A_309 : vector<16xi32>
        %sub3A_311 = arith.subi %add3A_310, %convert_element_type3A_306 : vector<16xi32>
        tpu.vector_store_idx %arg17[%sub3A_311], %add3A_304 masked %le3A_305 : memref<4160xf32, #tpu.memory_space<vmem>>[vector<16xi32>], vector<16xf32>, vector<16xi1>
        %mul3A_312 = arith.constant 16 : i32
        %mul3A_313 = arith.muli %add3A_284, %mul3A_312 : i32
        %add3A_314 = vector.broadcast %mul3A_313 : i32 to vector<16xi32>
        %add3A_315 = arith.addi %iota3A, %add3A_314 : vector<16xi32>
        tpu.vector_store_idx %arg18[%sub3A_311], %add3A_315 masked %le3A_305 : memref<4160xi32, #tpu.memory_space<vmem>>[vector<16xi32>], vector<16xi32>, vector<16xi1>
        %all_reduce_population_count3A_316 = tpu.all_reduce %le3A_305 {dim = 0 : i64, kind = #tpu.reduction_kind<sum>} : vector<16xi1> -> vector<16xi32>
        %add3A_317 = arith.addi %add3A_280, %all_reduce_population_count3A_316 : vector<16xi32>
        %mul3A_318 = arith.constant 8 : i32
        %mul3A_319 = arith.muli %scan3A_173, %mul3A_318 : i32
        %add3A_320 = arith.constant 4 : i32
        %add3A_321 = arith.addi %mul3A_319, %add3A_320 : i32
        %mul3A_322 = arith.constant 16 : i32
        %mul3A_323 = arith.muli %add3A_321, %mul3A_322 : i32
        %get3A_324 = arith.index_cast %mul3A_323 : i32 to index
        %get3A_325 = tpu.vector_load %arg12[%get3A_324] {strides = array<i32>} : memref<4096xf32, #tpu.memory_space<vmem>>, vector<16xf32>,
        %mul3A_326 = arith.mulf %gather3A, %get3A_325 : vector<16xf32>
        %get3A_327 = arith.index_cast %mul3A_323 : i32 to index
        %get3A_328 = tpu.vector_load %arg13[%get3A_327] {strides = array<i32>} : memref<4096xf32, #tpu.memory_space<vmem>>, vector<16xf32>,
        %mul3A_329 = arith.mulf %gather3A_75, %get3A_328 : vector<16xf32>
        %add3A_330 = arith.addf %mul3A_326, %mul3A_329 : vector<16xf32>
        %get3A_331 = arith.index_cast %mul3A_323 : i32 to index
        %get3A_332 = tpu.vector_load %arg14[%get3A_331] {strides = array<i32>} : memref<4096xf32, #tpu.memory_space<vmem>>, vector<16xf32>,
        %mul3A_333 = arith.mulf %gather3A_76, %get3A_332 : vector<16xf32>
        %add3A_334 = arith.addf %add3A_330, %mul3A_333 : vector<16xf32>
        %mul3A_335 = arith.constant -2.000000e+00 : f32
        %mul3A_336 = vector.broadcast %mul3A_335 : f32 to vector<16xf32>
        %mul3A_337 = arith.mulf %mul3A_336, %add3A_334 : vector<16xf32>
        %add3A_338 = arith.addf %mul3A_337, %gather3A_77 : vector<16xf32>
        %get3A_339 = arith.index_cast %mul3A_323 : i32 to index
        %get3A_340 = tpu.vector_load %arg15[%get3A_339] {strides = array<i32>} : memref<4096xf32, #tpu.memory_space<vmem>>, vector<16xf32>,
        %add3A_341 = arith.addf %add3A_338, %get3A_340 : vector<16xf32>
        %le3A_342 = arith.cmpf ole, %add3A_341, %broadcast_in_dim3A_63 : vector<16xf32>
        %convert_element_type3A_343 = arith.extui %le3A_342 : vector<16xi1> to vector<16xi32>
        %broadcast_in_dim3A_344 = arith.constant true
        %broadcast_in_dim3A_345 = vector.broadcast %broadcast_in_dim3A_344 : i1 to vector<16xi1>
        %masked_cumsum3A_346 = tpu.scan <sum>, %convert_element_type3A_343 masked %broadcast_in_dim3A_345 : vector<16xi32>, vector<16xi1> -> vector<16xi32>
        %add3A_347 = arith.addi %add3A_317, %masked_cumsum3A_346 : vector<16xi32>
        %sub3A_348 = arith.subi %add3A_347, %convert_element_type3A_343 : vector<16xi32>
        tpu.vector_store_idx %arg17[%sub3A_348], %add3A_341 masked %le3A_342 : memref<4160xf32, #tpu.memory_space<vmem>>[vector<16xi32>], vector<16xf32>, vector<16xi1>
        %mul3A_349 = arith.constant 16 : i32
        %mul3A_350 = arith.muli %add3A_321, %mul3A_349 : i32
        %add3A_351 = vector.broadcast %mul3A_350 : i32 to vector<16xi32>
        %add3A_352 = arith.addi %iota3A, %add3A_351 : vector<16xi32>
        tpu.vector_store_idx %arg18[%sub3A_348], %add3A_352 masked %le3A_342 : memref<4160xi32, #tpu.memory_space<vmem>>[vector<16xi32>], vector<16xi32>, vector<16xi1>
        %all_reduce_population_count3A_353 = tpu.all_reduce %le3A_342 {dim = 0 : i64, kind = #tpu.reduction_kind<sum>} : vector<16xi1> -> vector<16xi32>
        %add3A_354 = arith.addi %add3A_317, %all_reduce_population_count3A_353 : vector<16xi32>
        %mul3A_355 = arith.constant 8 : i32
        %mul3A_356 = arith.muli %scan3A_173, %mul3A_355 : i32
        %add3A_357 = arith.constant 5 : i32
        %add3A_358 = arith.addi %mul3A_356, %add3A_357 : i32
        %mul3A_359 = arith.constant 16 : i32
        %mul3A_360 = arith.muli %add3A_358, %mul3A_359 : i32
        %get3A_361 = arith.index_cast %mul3A_360 : i32 to index
        %get3A_362 = tpu.vector_load %arg12[%get3A_361] {strides = array<i32>} : memref<4096xf32, #tpu.memory_space<vmem>>, vector<16xf32>,
        %mul3A_363 = arith.mulf %gather3A, %get3A_362 : vector<16xf32>
        %get3A_364 = arith.index_cast %mul3A_360 : i32 to index
        %get3A_365 = tpu.vector_load %arg13[%get3A_364] {strides = array<i32>} : memref<4096xf32, #tpu.memory_space<vmem>>, vector<16xf32>,
        %mul3A_366 = arith.mulf %gather3A_75, %get3A_365 : vector<16xf32>
        %add3A_367 = arith.addf %mul3A_363, %mul3A_366 : vector<16xf32>
        %get3A_368 = arith.index_cast %mul3A_360 : i32 to index
        %get3A_369 = tpu.vector_load %arg14[%get3A_368] {strides = array<i32>} : memref<4096xf32, #tpu.memory_space<vmem>>, vector<16xf32>,
        %mul3A_370 = arith.mulf %gather3A_76, %get3A_369 : vector<16xf32>
        %add3A_371 = arith.addf %add3A_367, %mul3A_370 : vector<16xf32>
        %mul3A_372 = arith.constant -2.000000e+00 : f32
        %mul3A_373 = vector.broadcast %mul3A_372 : f32 to vector<16xf32>
        %mul3A_374 = arith.mulf %mul3A_373, %add3A_371 : vector<16xf32>
        %add3A_375 = arith.addf %mul3A_374, %gather3A_77 : vector<16xf32>
        %get3A_376 = arith.index_cast %mul3A_360 : i32 to index
        %get3A_377 = tpu.vector_load %arg15[%get3A_376] {strides = array<i32>} : memref<4096xf32, #tpu.memory_space<vmem>>, vector<16xf32>,
        %add3A_378 = arith.addf %add3A_375, %get3A_377 : vector<16xf32>
        %le3A_379 = arith.cmpf ole, %add3A_378, %broadcast_in_dim3A_63 : vector<16xf32>
        %convert_element_type3A_380 = arith.extui %le3A_379 : vector<16xi1> to vector<16xi32>
        %broadcast_in_dim3A_381 = arith.constant true
        %broadcast_in_dim3A_382 = vector.broadcast %broadcast_in_dim3A_381 : i1 to vector<16xi1>
        %masked_cumsum3A_383 = tpu.scan <sum>, %convert_element_type3A_380 masked %broadcast_in_dim3A_382 : vector<16xi32>, vector<16xi1> -> vector<16xi32>
        %add3A_384 = arith.addi %add3A_354, %masked_cumsum3A_383 : vector<16xi32>
        %sub3A_385 = arith.subi %add3A_384, %convert_element_type3A_380 : vector<16xi32>
        tpu.vector_store_idx %arg17[%sub3A_385], %add3A_378 masked %le3A_379 : memref<4160xf32, #tpu.memory_space<vmem>>[vector<16xi32>], vector<16xf32>, vector<16xi1>
        %mul3A_386 = arith.constant 16 : i32
        %mul3A_387 = arith.muli %add3A_358, %mul3A_386 : i32
        %add3A_388 = vector.broadcast %mul3A_387 : i32 to vector<16xi32>
        %add3A_389 = arith.addi %iota3A, %add3A_388 : vector<16xi32>
        tpu.vector_store_idx %arg18[%sub3A_385], %add3A_389 masked %le3A_379 : memref<4160xi32, #tpu.memory_space<vmem>>[vector<16xi32>], vector<16xi32>, vector<16xi1>
        %all_reduce_population_count3A_390 = tpu.all_reduce %le3A_379 {dim = 0 : i64, kind = #tpu.reduction_kind<sum>} : vector<16xi1> -> vector<16xi32>
        %add3A_391 = arith.addi %add3A_354, %all_reduce_population_count3A_390 : vector<16xi32>
        %mul3A_392 = arith.constant 8 : i32
        %mul3A_393 = arith.muli %scan3A_173, %mul3A_392 : i32
        %add3A_394 = arith.constant 6 : i32
        %add3A_395 = arith.addi %mul3A_393, %add3A_394 : i32
        %mul3A_396 = arith.constant 16 : i32
        %mul3A_397 = arith.muli %add3A_395, %mul3A_396 : i32
        %get3A_398 = arith.index_cast %mul3A_397 : i32 to index
        %get3A_399 = tpu.vector_load %arg12[%get3A_398] {strides = array<i32>} : memref<4096xf32, #tpu.memory_space<vmem>>, vector<16xf32>,
        %mul3A_400 = arith.mulf %gather3A, %get3A_399 : vector<16xf32>
        %get3A_401 = arith.index_cast %mul3A_397 : i32 to index
        %get3A_402 = tpu.vector_load %arg13[%get3A_401] {strides = array<i32>} : memref<4096xf32, #tpu.memory_space<vmem>>, vector<16xf32>,
        %mul3A_403 = arith.mulf %gather3A_75, %get3A_402 : vector<16xf32>
        %add3A_404 = arith.addf %mul3A_400, %mul3A_403 : vector<16xf32>
        %get3A_405 = arith.index_cast %mul3A_397 : i32 to index
        %get3A_406 = tpu.vector_load %arg14[%get3A_405] {strides = array<i32>} : memref<4096xf32, #tpu.memory_space<vmem>>, vector<16xf32>,
        %mul3A_407 = arith.mulf %gather3A_76, %get3A_406 : vector<16xf32>
        %add3A_408 = arith.addf %add3A_404, %mul3A_407 : vector<16xf32>
        %mul3A_409 = arith.constant -2.000000e+00 : f32
        %mul3A_410 = vector.broadcast %mul3A_409 : f32 to vector<16xf32>
        %mul3A_411 = arith.mulf %mul3A_410, %add3A_408 : vector<16xf32>
        %add3A_412 = arith.addf %mul3A_411, %gather3A_77 : vector<16xf32>
        %get3A_413 = arith.index_cast %mul3A_397 : i32 to index
        %get3A_414 = tpu.vector_load %arg15[%get3A_413] {strides = array<i32>} : memref<4096xf32, #tpu.memory_space<vmem>>, vector<16xf32>,
        %add3A_415 = arith.addf %add3A_412, %get3A_414 : vector<16xf32>
        %le3A_416 = arith.cmpf ole, %add3A_415, %broadcast_in_dim3A_63 : vector<16xf32>
        %convert_element_type3A_417 = arith.extui %le3A_416 : vector<16xi1> to vector<16xi32>
        %broadcast_in_dim3A_418 = arith.constant true
        %broadcast_in_dim3A_419 = vector.broadcast %broadcast_in_dim3A_418 : i1 to vector<16xi1>
        %masked_cumsum3A_420 = tpu.scan <sum>, %convert_element_type3A_417 masked %broadcast_in_dim3A_419 : vector<16xi32>, vector<16xi1> -> vector<16xi32>
        %add3A_421 = arith.addi %add3A_391, %masked_cumsum3A_420 : vector<16xi32>
        %sub3A_422 = arith.subi %add3A_421, %convert_element_type3A_417 : vector<16xi32>
        tpu.vector_store_idx %arg17[%sub3A_422], %add3A_415 masked %le3A_416 : memref<4160xf32, #tpu.memory_space<vmem>>[vector<16xi32>], vector<16xf32>, vector<16xi1>
        %mul3A_423 = arith.constant 16 : i32
        %mul3A_424 = arith.muli %add3A_395, %mul3A_423 : i32
        %add3A_425 = vector.broadcast %mul3A_424 : i32 to vector<16xi32>
        %add3A_426 = arith.addi %iota3A, %add3A_425 : vector<16xi32>
        tpu.vector_store_idx %arg18[%sub3A_422], %add3A_426 masked %le3A_416 : memref<4160xi32, #tpu.memory_space<vmem>>[vector<16xi32>], vector<16xi32>, vector<16xi1>
        %all_reduce_population_count3A_427 = tpu.all_reduce %le3A_416 {dim = 0 : i64, kind = #tpu.reduction_kind<sum>} : vector<16xi1> -> vector<16xi32>
        %add3A_428 = arith.addi %add3A_391, %all_reduce_population_count3A_427 : vector<16xi32>
        %mul3A_429 = arith.constant 8 : i32
        %mul3A_430 = arith.muli %scan3A_173, %mul3A_429 : i32
        %add3A_431 = arith.constant 7 : i32
        %add3A_432 = arith.addi %mul3A_430, %add3A_431 : i32
        %mul3A_433 = arith.constant 16 : i32
        %mul3A_434 = arith.muli %add3A_432, %mul3A_433 : i32
        %get3A_435 = arith.index_cast %mul3A_434 : i32 to index
        %get3A_436 = tpu.vector_load %arg12[%get3A_435] {strides = array<i32>} : memref<4096xf32, #tpu.memory_space<vmem>>, vector<16xf32>,
        %mul3A_437 = arith.mulf %gather3A, %get3A_436 : vector<16xf32>
        %get3A_438 = arith.index_cast %mul3A_434 : i32 to index
        %get3A_439 = tpu.vector_load %arg13[%get3A_438] {strides = array<i32>} : memref<4096xf32, #tpu.memory_space<vmem>>, vector<16xf32>,
        %mul3A_440 = arith.mulf %gather3A_75, %get3A_439 : vector<16xf32>
        %add3A_441 = arith.addf %mul3A_437, %mul3A_440 : vector<16xf32>
        %get3A_442 = arith.index_cast %mul3A_434 : i32 to index
        %get3A_443 = tpu.vector_load %arg14[%get3A_442] {strides = array<i32>} : memref<4096xf32, #tpu.memory_space<vmem>>, vector<16xf32>,
        %mul3A_444 = arith.mulf %gather3A_76, %get3A_443 : vector<16xf32>
        %add3A_445 = arith.addf %add3A_441, %mul3A_444 : vector<16xf32>
        %mul3A_446 = arith.constant -2.000000e+00 : f32
        %mul3A_447 = vector.broadcast %mul3A_446 : f32 to vector<16xf32>
        %mul3A_448 = arith.mulf %mul3A_447, %add3A_445 : vector<16xf32>
        %add3A_449 = arith.addf %mul3A_448, %gather3A_77 : vector<16xf32>
        %get3A_450 = arith.index_cast %mul3A_434 : i32 to index
        %get3A_451 = tpu.vector_load %arg15[%get3A_450] {strides = array<i32>} : memref<4096xf32, #tpu.memory_space<vmem>>, vector<16xf32>,
        %add3A_452 = arith.addf %add3A_449, %get3A_451 : vector<16xf32>
        %le3A_453 = arith.cmpf ole, %add3A_452, %broadcast_in_dim3A_63 : vector<16xf32>
        %convert_element_type3A_454 = arith.extui %le3A_453 : vector<16xi1> to vector<16xi32>
        %broadcast_in_dim3A_455 = arith.constant true
        %broadcast_in_dim3A_456 = vector.broadcast %broadcast_in_dim3A_455 : i1 to vector<16xi1>
        %masked_cumsum3A_457 = tpu.scan <sum>, %convert_element_type3A_454 masked %broadcast_in_dim3A_456 : vector<16xi32>, vector<16xi1> -> vector<16xi32>
        %add3A_458 = arith.addi %add3A_428, %masked_cumsum3A_457 : vector<16xi32>
        %sub3A_459 = arith.subi %add3A_458, %convert_element_type3A_454 : vector<16xi32>
        tpu.vector_store_idx %arg17[%sub3A_459], %add3A_452 masked %le3A_453 : memref<4160xf32, #tpu.memory_space<vmem>>[vector<16xi32>], vector<16xf32>, vector<16xi1>
        %mul3A_460 = arith.constant 16 : i32
        %mul3A_461 = arith.muli %add3A_432, %mul3A_460 : i32
        %add3A_462 = vector.broadcast %mul3A_461 : i32 to vector<16xi32>
        %add3A_463 = arith.addi %iota3A, %add3A_462 : vector<16xi32>
        tpu.vector_store_idx %arg18[%sub3A_459], %add3A_463 masked %le3A_453 : memref<4160xi32, #tpu.memory_space<vmem>>[vector<16xi32>], vector<16xi32>, vector<16xi1>
        %all_reduce_population_count3A_464 = tpu.all_reduce %le3A_453 {dim = 0 : i64, kind = #tpu.reduction_kind<sum>} : vector<16xi1> -> vector<16xi32>
        %add3A_465 = arith.addi %add3A_428, %all_reduce_population_count3A_464 : vector<16xi32>
        scf.yield %add3A_465 : vector<16xi32>
      }
      %scan3A_85 = arith.constant 32 : i32
      %add3A_86 = arith.addi %scan3A_84, %iota3A : vector<16xi32>
      %broadcast_in_dim3A_87 = arith.constant 3.000000e+38 : f32
      %broadcast_in_dim3A_88 = vector.broadcast %broadcast_in_dim3A_87 : f32 to vector<16xf32>
      tpu.vector_store_idx %arg17[%add3A_86], %broadcast_in_dim3A_88 : memref<4160xf32, #tpu.memory_space<vmem>>[vector<16xi32>], vector<16xf32>,
      %add3A_89 = arith.addi %scan3A_84, %iota3A : vector<16xi32>
      %broadcast_in_dim3A_90 = arith.constant 0 : i32
      %broadcast_in_dim3A_91 = vector.broadcast %broadcast_in_dim3A_90 : i32 to vector<16xi32>
      tpu.vector_store_idx %arg18[%add3A_89], %broadcast_in_dim3A_91 : memref<4160xi32, #tpu.memory_space<vmem>>[vector<16xi32>], vector<16xi32>,
      %eq3A_92 = arith.constant 0 : i32
      %eq3A_93 = vector.broadcast %eq3A_92 : i32 to vector<16xi32>
      %eq3A_94 = arith.cmpi eq, %iota3A, %eq3A_93 : vector<16xi32>
      %jit3A_95 = arith.constant 0 : i32
      %broadcast_in_dim3A_96 = vector.broadcast %jit3A_95 : i32 to vector<16xi32>
      %select_n3A_97 = arith.select %eq3A_94, %scan3A_84, %broadcast_in_dim3A_96 : vector<16xi1>, vector<16xi32>
      %reduce_sum3A = arith.constant true
      %reduce_sum3A_98 = vector.broadcast %reduce_sum3A : i1 to vector<16xi1>
      %reduce_sum3A_99 = tpu.scan <sum>, %select_n3A_97 masked %reduce_sum3A_98 : vector<16xi32>, vector<16xi1> -> vector<16xi32>
      %reduce_sum3A_100 = vector.extract %reduce_sum3A_99[15] : i32 from vector<16xi32>
      %broadcast_in_dim3A_101 = arith.constant 3.000000e+38 : f32
      %broadcast_in_dim3A_102 = vector.broadcast %broadcast_in_dim3A_101 : f32 to vector<16xf32>
      %broadcast_in_dim3A_103 = arith.constant 0 : i32
      %broadcast_in_dim3A_104 = vector.broadcast %broadcast_in_dim3A_103 : i32 to vector<16xi32>
      %broadcast_in_dim3A_105 = arith.constant 3.000000e+38 : f32
      %broadcast_in_dim3A_106 = vector.broadcast %broadcast_in_dim3A_105 : f32 to vector<16xf32>
      %broadcast_in_dim3A_107 = arith.constant 0 : i32
      %broadcast_in_dim3A_108 = vector.broadcast %broadcast_in_dim3A_107 : i32 to vector<16xi32>
      %add3A_109 = arith.constant 15 : i32
      %add3A_110 = arith.addi %reduce_sum3A_100, %add3A_109 : i32
      %jit3A_111 = arith.constant 16 : i32
      %div3A_112 = arith.divsi %add3A_110, %jit3A_111 : i32
      %sign3A_113 = arith.constant 0 : i32
      %sign3A_114 = arith.cmpi sgt, %add3A_110, %sign3A_113 : i32
      %sign3A_115 = arith.extui %sign3A_114 : i1 to i32
      %sign3A_116 = arith.constant 0 : i32
      %sign3A_117 = arith.cmpi slt, %add3A_110, %sign3A_116 : i32
      %sign3A_118 = arith.extui %sign3A_117 : i1 to i32
      %sign3A_119 = arith.subi %sign3A_115, %sign3A_118 : i32
      %sign3A_120 = arith.constant 0 : i32
      %sign3A_121 = arith.cmpi sgt, %jit3A_111, %sign3A_120 : i32
      %sign3A_122 = arith.extui %sign3A_121 : i1 to i32
      %sign3A_123 = arith.constant 0 : i32
      %sign3A_124 = arith.cmpi slt, %jit3A_111, %sign3A_123 : i32
      %sign3A_125 = arith.extui %sign3A_124 : i1 to i32
      %sign3A_126 = arith.subi %sign3A_122, %sign3A_125 : i32
      %ne3A_127 = arith.cmpi ne, %sign3A_119, %sign3A_126 : i32
      %rem3A_128 = arith.remsi %add3A_110, %jit3A_111 : i32
      %ne3A_129 = arith.constant 0 : i32
      %ne3A_130 = arith.cmpi ne, %rem3A_128, %ne3A_129 : i32
      %and3A_131 = arith.andi %ne3A_127, %ne3A_130 : i1
      %sub3A_132 = arith.constant 1 : i32
      %sub3A_133 = arith.subi %div3A_112, %sub3A_132 : i32
      %select_n3A_134 = arith.select %and3A_131, %sub3A_133, %div3A_112 : i32
      %while3A = arith.constant 0 : i32
      %while3A_135 = arith.subi %select_n3A_134, %while3A : i32
      %while3A_136 = arith.addi %while3A, %while3A_135 : i32
      %while3A_137 = arith.constant 1 : i32
      %while3A_138 = arith.divsi %while3A_135, %while3A_137 : i32
      %while3A_139 = arith.muli %while3A_138, %while3A_137 : i32
      %while3A_140 = arith.addi %while3A, %while3A_139 : i32
      %while3A_141 = arith.constant 1 : i32
      %while3A_142:4 = scf.for %while3A_173 = %while3A to %while3A_140 step %while3A_141 iter_args(%while3A_174 = %broadcast_in_dim3A_102, %while3A_175 = %broadcast_in_dim3A_104, %while3A_176 = %broadcast_in_dim3A_106, %while3A_177 = %broadcast_in_dim3A_108) -> (vector<16xf32>, vector<16xi32>, vector<16xf32>, vector<16xi32>)  : i32 {
        %mul3A_178 = arith.constant 16 : i32
        %mul3A_179 = arith.muli %while3A_173, %mul3A_178 : i32
        %get3A = arith.index_cast %mul3A_179 : i32 to index
        %get3A_180 = tpu.vector_load %arg17[%get3A] {strides = array<i32>} : memref<4160xf32, #tpu.memory_space<vmem>>, vector<16xf32>,
        %mul3A_181 = arith.constant 16 : i32
        %mul3A_182 = arith.muli %while3A_173, %mul3A_181 : i32
        %get3A_183 = arith.index_cast %mul3A_182 : i32 to index
        %get3A_184 = tpu.vector_load %arg18[%get3A_183] {strides = array<i32>} : memref<4160xi32, #tpu.memory_space<vmem>>, vector<16xi32>,
        %masked_sort3A = arith.constant dense<true> : vector<16xi1>
        %masked_sort3A_185, %masked_sort3A_186, %masked_sort3A_187 = tpu.sort %get3A_180, %get3A_184 masked %masked_sort3A : (vector<16xf32>, vector<16xi32>, vector<16xi1>) -> (vector<16xi1>, vector<16xf32>, vector<16xi32>)
        %rev3A = arith.constant 15 : i32
        %rev3A_188 = vector.broadcast %rev3A : i32 to vector<16xi32>
        %rev3A_189 = tpu.iota {dimensions = array<i32: 0>} : vector<16xi32>
        %rev3A_190 = arith.subi %rev3A_188, %rev3A_189 : vector<16xi32>
        %rev3A_191 = tpu.dynamic_gather %masked_sort3A_186[%rev3A_190] in [0] : vector<16xf32>, vector<16xi32> -> vector<16xf32>
        %rev3A_192 = arith.constant 15 : i32
        %rev3A_193 = vector.broadcast %rev3A_192 : i32 to vector<16xi32>
        %rev3A_194 = tpu.iota {dimensions = array<i32: 0>} : vector<16xi32>
        %rev3A_195 = arith.subi %rev3A_193, %rev3A_194 : vector<16xi32>
        %rev3A_196 = tpu.dynamic_gather %masked_sort3A_187[%rev3A_195] in [0] : vector<16xi32>, vector<16xi32> -> vector<16xi32>
        %le3A = arith.cmpf ole, %while3A_176, %rev3A_191 : vector<16xf32>
        %select_n3A_197 = arith.select %le3A, %while3A_176, %rev3A_191 : vector<16xi1>, vector<16xf32>
        %select_n3A_198 = arith.select %le3A, %while3A_177, %rev3A_196 : vector<16xi1>, vector<16xi32>
        %masked_sort3A_199 = arith.constant dense<true> : vector<16xi1>
        %masked_sort3A_200, %masked_sort3A_201, %masked_sort3A_202 = tpu.sort %select_n3A_197, %select_n3A_198 masked %masked_sort3A_199 : (vector<16xf32>, vector<16xi32>, vector<16xi1>) -> (vector<16xi1>, vector<16xf32>, vector<16xi32>)
        %rev3A_203 = arith.constant 15 : i32
        %rev3A_204 = vector.broadcast %rev3A_203 : i32 to vector<16xi32>
        %rev3A_205 = tpu.iota {dimensions = array<i32: 0>} : vector<16xi32>
        %rev3A_206 = arith.subi %rev3A_204, %rev3A_205 : vector<16xi32>
        %rev3A_207 = tpu.dynamic_gather %masked_sort3A_201[%rev3A_206] in [0] : vector<16xf32>, vector<16xi32> -> vector<16xf32>
        %rev3A_208 = arith.constant 15 : i32
        %rev3A_209 = vector.broadcast %rev3A_208 : i32 to vector<16xi32>
        %rev3A_210 = tpu.iota {dimensions = array<i32: 0>} : vector<16xi32>
        %rev3A_211 = arith.subi %rev3A_209, %rev3A_210 : vector<16xi32>
        %rev3A_212 = tpu.dynamic_gather %masked_sort3A_202[%rev3A_211] in [0] : vector<16xi32>, vector<16xi32> -> vector<16xi32>
        %le3A_213 = arith.cmpf ole, %while3A_174, %rev3A_207 : vector<16xf32>
        %select_n3A_214 = arith.select %le3A_213, %while3A_174, %rev3A_207 : vector<16xi1>, vector<16xf32>
        %select_n3A_215 = arith.select %le3A_213, %while3A_175, %rev3A_212 : vector<16xi1>, vector<16xi32>
        %select_n3A_216 = arith.select %le3A_213, %rev3A_207, %while3A_174 : vector<16xi1>, vector<16xf32>
        %select_n3A_217 = arith.select %le3A_213, %rev3A_212, %while3A_175 : vector<16xi1>, vector<16xi32>
        %masked_sort3A_218 = arith.constant dense<true> : vector<16xi1>
        %masked_sort3A_219, %masked_sort3A_220, %masked_sort3A_221 = tpu.sort %select_n3A_214, %select_n3A_215 masked %masked_sort3A_218 : (vector<16xf32>, vector<16xi32>, vector<16xi1>) -> (vector<16xi1>, vector<16xf32>, vector<16xi32>)
        %masked_sort3A_222 = arith.constant dense<true> : vector<16xi1>
        %masked_sort3A_223, %masked_sort3A_224, %masked_sort3A_225 = tpu.sort %select_n3A_216, %select_n3A_217 masked %masked_sort3A_222 : (vector<16xf32>, vector<16xi32>, vector<16xi1>) -> (vector<16xi1>, vector<16xf32>, vector<16xi32>)
        scf.yield %masked_sort3A_220, %masked_sort3A_221, %masked_sort3A_224, %masked_sort3A_225 : vector<16xf32>, vector<16xi32>, vector<16xf32>, vector<16xi32>
      }
      %while3A_143 = arith.constant 1 : i32
      %while3A_144:4 = scf.for %while3A_173 = %while3A_140 to %while3A_136 step %while3A_143 iter_args(%while3A_174 = %while3A_142#0, %while3A_175 = %while3A_142#1, %while3A_176 = %while3A_142#2, %while3A_177 = %while3A_142#3) -> (vector<16xf32>, vector<16xi32>, vector<16xf32>, vector<16xi32>)  : i32 {
        %mul3A_178 = arith.constant 16 : i32
        %mul3A_179 = arith.muli %while3A_173, %mul3A_178 : i32
        %get3A = arith.index_cast %mul3A_179 : i32 to index
        %get3A_180 = tpu.vector_load %arg17[%get3A] {strides = array<i32>} : memref<4160xf32, #tpu.memory_space<vmem>>, vector<16xf32>,
        %mul3A_181 = arith.constant 16 : i32
        %mul3A_182 = arith.muli %while3A_173, %mul3A_181 : i32
        %get3A_183 = arith.index_cast %mul3A_182 : i32 to index
        %get3A_184 = tpu.vector_load %arg18[%get3A_183] {strides = array<i32>} : memref<4160xi32, #tpu.memory_space<vmem>>, vector<16xi32>,
        %masked_sort3A = arith.constant dense<true> : vector<16xi1>
        %masked_sort3A_185, %masked_sort3A_186, %masked_sort3A_187 = tpu.sort %get3A_180, %get3A_184 masked %masked_sort3A : (vector<16xf32>, vector<16xi32>, vector<16xi1>) -> (vector<16xi1>, vector<16xf32>, vector<16xi32>)
        %rev3A = arith.constant 15 : i32
        %rev3A_188 = vector.broadcast %rev3A : i32 to vector<16xi32>
        %rev3A_189 = tpu.iota {dimensions = array<i32: 0>} : vector<16xi32>
        %rev3A_190 = arith.subi %rev3A_188, %rev3A_189 : vector<16xi32>
        %rev3A_191 = tpu.dynamic_gather %masked_sort3A_186[%rev3A_190] in [0] : vector<16xf32>, vector<16xi32> -> vector<16xf32>
        %rev3A_192 = arith.constant 15 : i32
        %rev3A_193 = vector.broadcast %rev3A_192 : i32 to vector<16xi32>
        %rev3A_194 = tpu.iota {dimensions = array<i32: 0>} : vector<16xi32>
        %rev3A_195 = arith.subi %rev3A_193, %rev3A_194 : vector<16xi32>
        %rev3A_196 = tpu.dynamic_gather %masked_sort3A_187[%rev3A_195] in [0] : vector<16xi32>, vector<16xi32> -> vector<16xi32>
        %le3A = arith.cmpf ole, %while3A_176, %rev3A_191 : vector<16xf32>
        %select_n3A_197 = arith.select %le3A, %while3A_176, %rev3A_191 : vector<16xi1>, vector<16xf32>
        %select_n3A_198 = arith.select %le3A, %while3A_177, %rev3A_196 : vector<16xi1>, vector<16xi32>
        %masked_sort3A_199 = arith.constant dense<true> : vector<16xi1>
        %masked_sort3A_200, %masked_sort3A_201, %masked_sort3A_202 = tpu.sort %select_n3A_197, %select_n3A_198 masked %masked_sort3A_199 : (vector<16xf32>, vector<16xi32>, vector<16xi1>) -> (vector<16xi1>, vector<16xf32>, vector<16xi32>)
        %rev3A_203 = arith.constant 15 : i32
        %rev3A_204 = vector.broadcast %rev3A_203 : i32 to vector<16xi32>
        %rev3A_205 = tpu.iota {dimensions = array<i32: 0>} : vector<16xi32>
        %rev3A_206 = arith.subi %rev3A_204, %rev3A_205 : vector<16xi32>
        %rev3A_207 = tpu.dynamic_gather %masked_sort3A_201[%rev3A_206] in [0] : vector<16xf32>, vector<16xi32> -> vector<16xf32>
        %rev3A_208 = arith.constant 15 : i32
        %rev3A_209 = vector.broadcast %rev3A_208 : i32 to vector<16xi32>
        %rev3A_210 = tpu.iota {dimensions = array<i32: 0>} : vector<16xi32>
        %rev3A_211 = arith.subi %rev3A_209, %rev3A_210 : vector<16xi32>
        %rev3A_212 = tpu.dynamic_gather %masked_sort3A_202[%rev3A_211] in [0] : vector<16xi32>, vector<16xi32> -> vector<16xi32>
        %le3A_213 = arith.cmpf ole, %while3A_174, %rev3A_207 : vector<16xf32>
        %select_n3A_214 = arith.select %le3A_213, %while3A_174, %rev3A_207 : vector<16xi1>, vector<16xf32>
        %select_n3A_215 = arith.select %le3A_213, %while3A_175, %rev3A_212 : vector<16xi1>, vector<16xi32>
        %select_n3A_216 = arith.select %le3A_213, %rev3A_207, %while3A_174 : vector<16xi1>, vector<16xf32>
        %select_n3A_217 = arith.select %le3A_213, %rev3A_212, %while3A_175 : vector<16xi1>, vector<16xi32>
        %masked_sort3A_218 = arith.constant dense<true> : vector<16xi1>
        %masked_sort3A_219, %masked_sort3A_220, %masked_sort3A_221 = tpu.sort %select_n3A_214, %select_n3A_215 masked %masked_sort3A_218 : (vector<16xf32>, vector<16xi32>, vector<16xi1>) -> (vector<16xi1>, vector<16xf32>, vector<16xi32>)
        %masked_sort3A_222 = arith.constant dense<true> : vector<16xi1>
        %masked_sort3A_223, %masked_sort3A_224, %masked_sort3A_225 = tpu.sort %select_n3A_216, %select_n3A_217 masked %masked_sort3A_222 : (vector<16xf32>, vector<16xi32>, vector<16xi1>) -> (vector<16xi1>, vector<16xf32>, vector<16xi32>)
        scf.yield %masked_sort3A_220, %masked_sort3A_221, %masked_sort3A_224, %masked_sort3A_225 : vector<16xf32>, vector<16xi32>, vector<16xf32>, vector<16xi32>
      }
      %eq3A_145 = arith.constant 0 : i32
      %eq3A_146 = vector.broadcast %eq3A_145 : i32 to vector<16xi32>
      %eq3A_147 = arith.cmpi eq, %iota3A, %eq3A_146 : vector<16xi32>
      %jit3A_148 = arith.constant 0 : i32
      %broadcast_in_dim3A_149 = vector.broadcast %jit3A_148 : i32 to vector<16xi32>
      %select_n3A_150 = arith.select %eq3A_147, %while3A_144#1, %broadcast_in_dim3A_149 : vector<16xi1>, vector<16xi32>
      %reduce_sum3A_151 = arith.constant true
      %reduce_sum3A_152 = vector.broadcast %reduce_sum3A_151 : i1 to vector<16xi1>
      %reduce_sum3A_153 = tpu.scan <sum>, %select_n3A_150 masked %reduce_sum3A_152 : vector<16xi32>, vector<16xi1> -> vector<16xi32>
      %reduce_sum3A_154 = vector.extract %reduce_sum3A_153[15] : i32 from vector<16xi32>
      %broadcast_in_dim3A_155 = vector.broadcast %reduce_sum3A_154 : i32 to vector<16xi32>
      %ge3A = arith.constant 3.000000e+38 : f32
      %ge3A_156 = vector.broadcast %ge3A : f32 to vector<16xf32>
      %ge3A_157 = arith.cmpf oge, %while3A_144#0, %ge3A_156 : vector<16xf32>
      %select_n3A_158 = arith.select %ge3A_157, %broadcast_in_dim3A_155, %while3A_144#1 : vector<16xi1>, vector<16xi32>
      %ge3A_159 = arith.constant 3.000000e+38 : f32
      %ge3A_160 = vector.broadcast %ge3A_159 : f32 to vector<16xf32>
      %ge3A_161 = arith.cmpf oge, %while3A_144#2, %ge3A_160 : vector<16xf32>
      %select_n3A_162 = arith.select %ge3A_161, %broadcast_in_dim3A_155, %while3A_144#3 : vector<16xi1>, vector<16xi32>
      %mul3A_163 = arith.constant 32 : i32
      %mul3A_164 = arith.muli %scan3A_72, %mul3A_163 : i32
      %swap3A = arith.index_cast %mul3A_164 : i32 to index
      %swap3A_165 = tpu.vector_load %arg19[%swap3A] {strides = array<i32>} : memref<8192xi32, #tpu.memory_space<vmem>>, vector<16xi32>,
      tpu.vector_store %arg19[%swap3A], %select_n3A_158 {strides = array<i32>} : memref<8192xi32, #tpu.memory_space<vmem>>, vector<16xi32>,
      %mul3A_166 = arith.constant 32 : i32
      %mul3A_167 = arith.muli %scan3A_72, %mul3A_166 : i32
      %add3A_168 = arith.constant 16 : i32
      %add3A_169 = arith.addi %mul3A_167, %add3A_168 : i32
      %swap3A_170 = arith.index_cast %add3A_169 : i32 to index
      %swap3A_171 = tpu.vector_load %arg19[%swap3A_170] {strides = array<i32>} : memref<8192xi32, #tpu.memory_space<vmem>>, vector<16xi32>,
      tpu.vector_store %arg19[%swap3A_170], %select_n3A_162 {strides = array<i32>} : memref<8192xi32, #tpu.memory_space<vmem>>, vector<16xi32>,
      %scan3A_172 = arith.constant 0 : i32
      scf.yield %scan3A_172 : i32
    }
    %scan3A_70 = arith.constant 256 : i32
    %run_scoped3A_71 = arith.constant 0 : i32
    "tpu.region"() ({
      %run_scoped3A_72 = tpu.sem_alloc : memref<!tpu.dma_semaphore, #tpu.memory_space<semaphore_mem>>
      %dma_start3A = arith.constant 0 : i32
      %dma_start3A_73 = tpu.memref_slice %arg4[%add3A, %run_scoped3A_71, %dma_start3A] : memref<32x1x8192xi32, #tpu.memory_space<hbm>> -> memref<1x1x8192xi32, #tpu.memory_space<hbm>>
      %dma_start3A_74 = tpu.memref_squeeze %dma_start3A_73 : memref<1x1x8192xi32, #tpu.memory_space<hbm>> -> memref<8192xi32, #tpu.memory_space<hbm>>
      %dma_start3A_75 = arith.constant 0 : i32
      %dma_start3A_76 = tpu.memref_slice %arg4[%add3A, %run_scoped3A_71, %dma_start3A_75] : memref<32x1x8192xi32, #tpu.memory_space<hbm>> -> memref<1x1x8192xi32, #tpu.memory_space<hbm>>
      %dma_start3A_77 = tpu.memref_squeeze %dma_start3A_76 : memref<1x1x8192xi32, #tpu.memory_space<hbm>> -> memref<8192xi32, #tpu.memory_space<hbm>>
      tpu.enqueue_dma source(%arg19 : memref<8192xi32, #tpu.memory_space<vmem>>) target(%dma_start3A_77 : memref<8192xi32, #tpu.memory_space<hbm>>) target_semaphore(%run_scoped3A_72 : memref<!tpu.dma_semaphore, #tpu.memory_space<semaphore_mem>>)
      %dma_wait3A = arith.constant 0 : i32
      %dma_wait3A_78 = tpu.memref_slice %arg4[%add3A, %run_scoped3A_71, %dma_wait3A] : memref<32x1x8192xi32, #tpu.memory_space<hbm>> -> memref<1x1x8192xi32, #tpu.memory_space<hbm>>
      %dma_wait3A_79 = tpu.memref_squeeze %dma_wait3A_78 : memref<1x1x8192xi32, #tpu.memory_space<hbm>> -> memref<8192xi32, #tpu.memory_space<hbm>>
      %dma_wait3A_80 = arith.constant 0 : i32
      %dma_wait3A_81 = tpu.memref_slice %arg4[%add3A, %run_scoped3A_71, %dma_wait3A_80] : memref<32x1x8192xi32, #tpu.memory_space<hbm>> -> memref<1x1x8192xi32, #tpu.memory_space<hbm>>
      %dma_wait3A_82 = tpu.memref_squeeze %dma_wait3A_81 : memref<1x1x8192xi32, #tpu.memory_space<hbm>> -> memref<8192xi32, #tpu.memory_space<hbm>>
      tpu.wait_dma2 semaphore(%run_scoped3A_72 : memref<!tpu.dma_semaphore, #tpu.memory_space<semaphore_mem>>) src(%arg19 : memref<8192xi32, #tpu.memory_space<vmem>>) dst(%dma_wait3A_82 : memref<8192xi32, #tpu.memory_space<hbm>>)
      tpu.yield
    }) : () -> ()
    return
  }
}

#map = affine_map<(d0, d1) -> (0, 0)>
#map1 = affine_map<(d0, d1) -> (0, 0, 0)>
#map2 = affine_map<(d0, d1) -> (0)>
module attributes {stable_mosaic.version = 14 : i64} {
  func.func @_gather_tec(%arg0: i32, %arg1: i32, %arg2: memref<65536x128xf32, #tpu.memory_space<hbm>>, %arg3: memref<32x1x8192xi32, #tpu.memory_space<hbm>>, %arg4: memref<524288xf32, #tpu.memory_space<hbm>>, %arg5: memref<262144x128xf32, #tpu.memory_space<hbm>>, %arg6: memref<32x8x128xf32, #tpu.memory_space<hbm>>, %arg7: memref<8192xi32, #tpu.memory_space<vmem>>, %arg8: memref<16384xf32, #tpu.memory_space<vmem>>, %arg9: memref<128x128xf32, #tpu.memory_space<vmem>>, %arg10: memref<128x128xf32, #tpu.memory_space<vmem>>, %arg11: memref<8x128xf32, #tpu.memory_space<vmem>>, %arg12: memref<!tpu.dma_semaphore, #tpu.memory_space<semaphore_mem>>, %arg13: memref<!tpu.dma_semaphore, #tpu.memory_space<semaphore_mem>>, %arg14: memref<!tpu.dma_semaphore, #tpu.memory_space<semaphore_mem>>) attributes {dimension_semantics = [#tpu.dimension_semantics<core_parallel>, #tpu.dimension_semantics<subcore_parallel>], iteration_bounds = array<i64: 2, 16>, scalar_prefetch = 0 : i64, scratch_operands = 8 : i64, tpu.core_type = #tpu.core_type<sc_vector_subcore>, window_params = [{transform_indices = #map}, {transform_indices = #map1}, {transform_indices = #map2}, {transform_indices = #map}, {transform_indices = #map1}]} {
    %mul3A = arith.constant 2 : i32
    %mul3A_0 = arith.muli %arg1, %mul3A : i32
    %add3A = arith.addi %mul3A_0, %arg0 : i32
    %jit3A = arith.constant 2 : i32
    %div3A = arith.divsi %add3A, %jit3A : i32
    %sign3A = arith.constant 0 : i32
    %sign3A_1 = arith.cmpi sgt, %add3A, %sign3A : i32
    %sign3A_2 = arith.extui %sign3A_1 : i1 to i32
    %sign3A_3 = arith.constant 0 : i32
    %sign3A_4 = arith.cmpi slt, %add3A, %sign3A_3 : i32
    %sign3A_5 = arith.extui %sign3A_4 : i1 to i32
    %sign3A_6 = arith.subi %sign3A_2, %sign3A_5 : i32
    %sign3A_7 = arith.constant 0 : i32
    %sign3A_8 = arith.cmpi sgt, %jit3A, %sign3A_7 : i32
    %sign3A_9 = arith.extui %sign3A_8 : i1 to i32
    %sign3A_10 = arith.constant 0 : i32
    %sign3A_11 = arith.cmpi slt, %jit3A, %sign3A_10 : i32
    %sign3A_12 = arith.extui %sign3A_11 : i1 to i32
    %sign3A_13 = arith.subi %sign3A_9, %sign3A_12 : i32
    %ne3A = arith.cmpi ne, %sign3A_6, %sign3A_13 : i32
    %rem3A = arith.remsi %add3A, %jit3A : i32
    %ne3A_14 = arith.constant 0 : i32
    %ne3A_15 = arith.cmpi ne, %rem3A, %ne3A_14 : i32
    %and3A = arith.andi %ne3A, %ne3A_15 : i1
    %sub3A = arith.constant 1 : i32
    %sub3A_16 = arith.subi %div3A, %sub3A : i32
    %select_n3A = arith.select %and3A, %sub3A_16, %div3A : i32
    %jit3A_17 = arith.constant 2 : i32
    %eq3A = arith.constant 0 : i32
    %eq3A_18 = arith.cmpi eq, %jit3A_17, %eq3A : i32
    %jit3A_19 = arith.constant 1 : i32
    %select_n3A_20 = arith.select %eq3A_18, %jit3A_19, %jit3A_17 : i32
    %rem3A_21 = arith.remsi %add3A, %select_n3A_20 : i32
    %ne3A_22 = arith.constant 0 : i32
    %ne3A_23 = arith.cmpi ne, %rem3A_21, %ne3A_22 : i32
    %lt3A = arith.constant 0 : i32
    %lt3A_24 = arith.cmpi slt, %rem3A_21, %lt3A : i32
    %lt3A_25 = arith.constant 0 : i32
    %lt3A_26 = arith.cmpi slt, %select_n3A_20, %lt3A_25 : i32
    %ne3A_27 = arith.xori %lt3A_24, %lt3A_26 : i1
    %and3A_28 = arith.andi %ne3A_27, %ne3A_23 : i1
    %add3A_29 = arith.addi %rem3A_21, %select_n3A_20 : i32
    %select_n3A_30 = arith.select %and3A_28, %add3A_29, %rem3A_21 : i32
    %mul3A_31 = arith.constant 512 : i32
    %mul3A_32 = arith.muli %select_n3A, %mul3A_31 : i32
    %mul3A_33 = arith.constant 256 : i32
    %mul3A_34 = arith.muli %select_n3A_30, %mul3A_33 : i32
    %add3A_35 = arith.addi %mul3A_32, %mul3A_34 : i32
    %mul3A_36 = arith.constant 32 : i32
    %mul3A_37 = arith.muli %add3A_35, %mul3A_36 : i32
    %run_scoped3A = arith.constant 0 : i32
    "tpu.region"() ({
      %run_scoped3A_447 = tpu.sem_alloc : memref<!tpu.dma_semaphore, #tpu.memory_space<semaphore_mem>>
      %dma_start3A_448 = arith.constant 0 : i32
      %dma_start3A_449 = tpu.memref_slice %arg3[%add3A, %run_scoped3A, %dma_start3A_448] : memref<32x1x8192xi32, #tpu.memory_space<hbm>> -> memref<1x1x8192xi32, #tpu.memory_space<hbm>>
      %dma_start3A_450 = tpu.memref_squeeze %dma_start3A_449 : memref<1x1x8192xi32, #tpu.memory_space<hbm>> -> memref<8192xi32, #tpu.memory_space<hbm>>
      %dma_start3A_451 = arith.constant 0 : i32
      %dma_start3A_452 = tpu.memref_slice %arg3[%add3A, %run_scoped3A, %dma_start3A_451] : memref<32x1x8192xi32, #tpu.memory_space<hbm>> -> memref<1x1x8192xi32, #tpu.memory_space<hbm>>
      %dma_start3A_453 = tpu.memref_squeeze %dma_start3A_452 : memref<1x1x8192xi32, #tpu.memory_space<hbm>> -> memref<8192xi32, #tpu.memory_space<hbm>>
      tpu.enqueue_dma source(%dma_start3A_453 : memref<8192xi32, #tpu.memory_space<hbm>>) target(%arg7 : memref<8192xi32, #tpu.memory_space<vmem>>) target_semaphore(%run_scoped3A_447 : memref<!tpu.dma_semaphore, #tpu.memory_space<semaphore_mem>>)
      %dma_wait3A = arith.constant 0 : i32
      %dma_wait3A_454 = tpu.memref_slice %arg3[%add3A, %run_scoped3A, %dma_wait3A] : memref<32x1x8192xi32, #tpu.memory_space<hbm>> -> memref<1x1x8192xi32, #tpu.memory_space<hbm>>
      %dma_wait3A_455 = tpu.memref_squeeze %dma_wait3A_454 : memref<1x1x8192xi32, #tpu.memory_space<hbm>> -> memref<8192xi32, #tpu.memory_space<hbm>>
      %dma_wait3A_456 = arith.constant 0 : i32
      %dma_wait3A_457 = tpu.memref_slice %arg3[%add3A, %run_scoped3A, %dma_wait3A_456] : memref<32x1x8192xi32, #tpu.memory_space<hbm>> -> memref<1x1x8192xi32, #tpu.memory_space<hbm>>
      %dma_wait3A_458 = tpu.memref_squeeze %dma_wait3A_457 : memref<1x1x8192xi32, #tpu.memory_space<hbm>> -> memref<8192xi32, #tpu.memory_space<hbm>>
      tpu.wait_dma2 semaphore(%run_scoped3A_447 : memref<!tpu.dma_semaphore, #tpu.memory_space<semaphore_mem>>) src(%dma_wait3A_458 : memref<8192xi32, #tpu.memory_space<hbm>>) dst(%arg7 : memref<8192xi32, #tpu.memory_space<vmem>>)
      tpu.yield
    }) : () -> ()
    %mul3A_38 = arith.constant 512 : i32
    %mul3A_39 = arith.muli %select_n3A, %mul3A_38 : i32
    %mul3A_40 = arith.constant 256 : i32
    %mul3A_41 = arith.muli %select_n3A_30, %mul3A_40 : i32
    %add3A_42 = arith.addi %mul3A_39, %mul3A_41 : i32
    %mul3A_43 = arith.constant 64 : i32
    %mul3A_44 = arith.muli %add3A_42, %mul3A_43 : i32
    "tpu.region"() ({
      %run_scoped3A_447 = tpu.sem_alloc : memref<!tpu.dma_semaphore, #tpu.memory_space<semaphore_mem>>
      %dma_start3A_448 = tpu.memref_slice %arg4[%mul3A_44] : memref<524288xf32, #tpu.memory_space<hbm>> -> memref<16384xf32, #tpu.memory_space<hbm>>
      %dma_start3A_449 = tpu.memref_slice %arg4[%mul3A_44] : memref<524288xf32, #tpu.memory_space<hbm>> -> memref<16384xf32, #tpu.memory_space<hbm>>
      tpu.enqueue_dma source(%dma_start3A_449 : memref<16384xf32, #tpu.memory_space<hbm>>) target(%arg8 : memref<16384xf32, #tpu.memory_space<vmem>>) target_semaphore(%run_scoped3A_447 : memref<!tpu.dma_semaphore, #tpu.memory_space<semaphore_mem>>)
      %dma_wait3A = tpu.memref_slice %arg4[%mul3A_44] : memref<524288xf32, #tpu.memory_space<hbm>> -> memref<16384xf32, #tpu.memory_space<hbm>>
      %dma_wait3A_450 = tpu.memref_slice %arg4[%mul3A_44] : memref<524288xf32, #tpu.memory_space<hbm>> -> memref<16384xf32, #tpu.memory_space<hbm>>
      tpu.wait_dma2 semaphore(%run_scoped3A_447 : memref<!tpu.dma_semaphore, #tpu.memory_space<semaphore_mem>>) src(%dma_wait3A_450 : memref<16384xf32, #tpu.memory_space<hbm>>) dst(%arg8 : memref<16384xf32, #tpu.memory_space<vmem>>)
      tpu.yield
    }) : () -> ()
    %mul3A_45 = arith.constant 4096 : i32
    %mul3A_46 = arith.muli %select_n3A, %mul3A_45 : i32
    %broadcast_in_dim3A = vector.broadcast %mul3A_46 : i32 to vector<16xi32>
    %scan3A = arith.constant 0 : i32
    %scan3A_47 = arith.constant 0 : i32
    %scan3A_48 = arith.constant 512 : i32
    %scan3A_49 = arith.addi %scan3A_47, %scan3A_48 : i32
    %scan3A_50 = arith.constant 1 : i32
    %scan3A_51 = scf.for %scan3A_447 = %scan3A_47 to %scan3A_49 step %scan3A_50 iter_args(%scan3A_448 = %scan3A) -> (i32)  : i32 {
      %mul3A_449 = arith.constant 16 : i32
      %mul3A_450 = arith.muli %scan3A_447, %mul3A_449 : i32
      %get3A = arith.index_cast %mul3A_450 : i32 to index
      %get3A_451 = tpu.vector_load %arg7[%get3A] {strides = array<i32>} : memref<8192xi32, #tpu.memory_space<vmem>>, vector<16xi32>,
      %add3A_452 = arith.addi %get3A_451, %broadcast_in_dim3A : vector<16xi32>
      %mul3A_453 = arith.constant 16 : i32
      %mul3A_454 = arith.muli %scan3A_447, %mul3A_453 : i32
      %swap3A_455 = arith.index_cast %mul3A_454 : i32 to index
      %swap3A_456 = tpu.vector_load %arg7[%swap3A_455] {strides = array<i32>} : memref<8192xi32, #tpu.memory_space<vmem>>, vector<16xi32>,
      tpu.vector_store %arg7[%swap3A_455], %add3A_452 {strides = array<i32>} : memref<8192xi32, #tpu.memory_space<vmem>>, vector<16xi32>,
      %scan3A_457 = arith.constant 0 : i32
      scf.yield %scan3A_457 : i32
    }
    %scan3A_52 = arith.constant 512 : i32
    %broadcast_in_dim3A_53 = arith.constant 0.000000e+00 : f32
    %broadcast_in_dim3A_54 = vector.broadcast %broadcast_in_dim3A_53 : f32 to vector<16xf32>
    %swap3A = arith.constant 0 : i32
    %swap3A_55 = arith.index_cast %swap3A : i32 to index
    %swap3A_56 = arith.constant 0 : index
    %swap3A_57 = tpu.vector_load %arg11[%swap3A_55, %swap3A_56] {strides = array<i32>} : memref<8x128xf32, #tpu.memory_space<vmem>>, vector<16xf32>,
    tpu.vector_store %arg11[%swap3A_55, %swap3A_56], %broadcast_in_dim3A_54 {strides = array<i32>} : memref<8x128xf32, #tpu.memory_space<vmem>>, vector<16xf32>,
    %broadcast_in_dim3A_58 = arith.constant 0.000000e+00 : f32
    %broadcast_in_dim3A_59 = vector.broadcast %broadcast_in_dim3A_58 : f32 to vector<16xf32>
    %swap3A_60 = arith.constant 0 : i32
    %swap3A_61 = arith.index_cast %swap3A_60 : i32 to index
    %swap3A_62 = arith.constant 16 : index
    %swap3A_63 = tpu.vector_load %arg11[%swap3A_61, %swap3A_62] {strides = array<i32>} : memref<8x128xf32, #tpu.memory_space<vmem>>, vector<16xf32>,
    tpu.vector_store %arg11[%swap3A_61, %swap3A_62], %broadcast_in_dim3A_59 {strides = array<i32>} : memref<8x128xf32, #tpu.memory_space<vmem>>, vector<16xf32>,
    %broadcast_in_dim3A_64 = arith.constant 0.000000e+00 : f32
    %broadcast_in_dim3A_65 = vector.broadcast %broadcast_in_dim3A_64 : f32 to vector<16xf32>
    %swap3A_66 = arith.constant 0 : i32
    %swap3A_67 = arith.index_cast %swap3A_66 : i32 to index
    %swap3A_68 = arith.constant 32 : index
    %swap3A_69 = tpu.vector_load %arg11[%swap3A_67, %swap3A_68] {strides = array<i32>} : memref<8x128xf32, #tpu.memory_space<vmem>>, vector<16xf32>,
    tpu.vector_store %arg11[%swap3A_67, %swap3A_68], %broadcast_in_dim3A_65 {strides = array<i32>} : memref<8x128xf32, #tpu.memory_space<vmem>>, vector<16xf32>,
    %broadcast_in_dim3A_70 = arith.constant 0.000000e+00 : f32
    %broadcast_in_dim3A_71 = vector.broadcast %broadcast_in_dim3A_70 : f32 to vector<16xf32>
    %swap3A_72 = arith.constant 0 : i32
    %swap3A_73 = arith.index_cast %swap3A_72 : i32 to index
    %swap3A_74 = arith.constant 48 : index
    %swap3A_75 = tpu.vector_load %arg11[%swap3A_73, %swap3A_74] {strides = array<i32>} : memref<8x128xf32, #tpu.memory_space<vmem>>, vector<16xf32>,
    tpu.vector_store %arg11[%swap3A_73, %swap3A_74], %broadcast_in_dim3A_71 {strides = array<i32>} : memref<8x128xf32, #tpu.memory_space<vmem>>, vector<16xf32>,
    %broadcast_in_dim3A_76 = arith.constant 0.000000e+00 : f32
    %broadcast_in_dim3A_77 = vector.broadcast %broadcast_in_dim3A_76 : f32 to vector<16xf32>
    %swap3A_78 = arith.constant 0 : i32
    %swap3A_79 = arith.index_cast %swap3A_78 : i32 to index
    %swap3A_80 = arith.constant 64 : index
    %swap3A_81 = tpu.vector_load %arg11[%swap3A_79, %swap3A_80] {strides = array<i32>} : memref<8x128xf32, #tpu.memory_space<vmem>>, vector<16xf32>,
    tpu.vector_store %arg11[%swap3A_79, %swap3A_80], %broadcast_in_dim3A_77 {strides = array<i32>} : memref<8x128xf32, #tpu.memory_space<vmem>>, vector<16xf32>,
    %broadcast_in_dim3A_82 = arith.constant 0.000000e+00 : f32
    %broadcast_in_dim3A_83 = vector.broadcast %broadcast_in_dim3A_82 : f32 to vector<16xf32>
    %swap3A_84 = arith.constant 0 : i32
    %swap3A_85 = arith.index_cast %swap3A_84 : i32 to index
    %swap3A_86 = arith.constant 80 : index
    %swap3A_87 = tpu.vector_load %arg11[%swap3A_85, %swap3A_86] {strides = array<i32>} : memref<8x128xf32, #tpu.memory_space<vmem>>, vector<16xf32>,
    tpu.vector_store %arg11[%swap3A_85, %swap3A_86], %broadcast_in_dim3A_83 {strides = array<i32>} : memref<8x128xf32, #tpu.memory_space<vmem>>, vector<16xf32>,
    %broadcast_in_dim3A_88 = arith.constant 0.000000e+00 : f32
    %broadcast_in_dim3A_89 = vector.broadcast %broadcast_in_dim3A_88 : f32 to vector<16xf32>
    %swap3A_90 = arith.constant 0 : i32
    %swap3A_91 = arith.index_cast %swap3A_90 : i32 to index
    %swap3A_92 = arith.constant 96 : index
    %swap3A_93 = tpu.vector_load %arg11[%swap3A_91, %swap3A_92] {strides = array<i32>} : memref<8x128xf32, #tpu.memory_space<vmem>>, vector<16xf32>,
    tpu.vector_store %arg11[%swap3A_91, %swap3A_92], %broadcast_in_dim3A_89 {strides = array<i32>} : memref<8x128xf32, #tpu.memory_space<vmem>>, vector<16xf32>,
    %broadcast_in_dim3A_94 = arith.constant 0.000000e+00 : f32
    %broadcast_in_dim3A_95 = vector.broadcast %broadcast_in_dim3A_94 : f32 to vector<16xf32>
    %swap3A_96 = arith.constant 0 : i32
    %swap3A_97 = arith.index_cast %swap3A_96 : i32 to index
    %swap3A_98 = arith.constant 112 : index
    %swap3A_99 = tpu.vector_load %arg11[%swap3A_97, %swap3A_98] {strides = array<i32>} : memref<8x128xf32, #tpu.memory_space<vmem>>, vector<16xf32>,
    tpu.vector_store %arg11[%swap3A_97, %swap3A_98], %broadcast_in_dim3A_95 {strides = array<i32>} : memref<8x128xf32, #tpu.memory_space<vmem>>, vector<16xf32>,
    %broadcast_in_dim3A_100 = arith.constant 0.000000e+00 : f32
    %broadcast_in_dim3A_101 = vector.broadcast %broadcast_in_dim3A_100 : f32 to vector<16xf32>
    %swap3A_102 = arith.constant 1 : i32
    %swap3A_103 = arith.index_cast %swap3A_102 : i32 to index
    %swap3A_104 = arith.constant 0 : index
    %swap3A_105 = tpu.vector_load %arg11[%swap3A_103, %swap3A_104] {strides = array<i32>} : memref<8x128xf32, #tpu.memory_space<vmem>>, vector<16xf32>,
    tpu.vector_store %arg11[%swap3A_103, %swap3A_104], %broadcast_in_dim3A_101 {strides = array<i32>} : memref<8x128xf32, #tpu.memory_space<vmem>>, vector<16xf32>,
    %broadcast_in_dim3A_106 = arith.constant 0.000000e+00 : f32
    %broadcast_in_dim3A_107 = vector.broadcast %broadcast_in_dim3A_106 : f32 to vector<16xf32>
    %swap3A_108 = arith.constant 1 : i32
    %swap3A_109 = arith.index_cast %swap3A_108 : i32 to index
    %swap3A_110 = arith.constant 16 : index
    %swap3A_111 = tpu.vector_load %arg11[%swap3A_109, %swap3A_110] {strides = array<i32>} : memref<8x128xf32, #tpu.memory_space<vmem>>, vector<16xf32>,
    tpu.vector_store %arg11[%swap3A_109, %swap3A_110], %broadcast_in_dim3A_107 {strides = array<i32>} : memref<8x128xf32, #tpu.memory_space<vmem>>, vector<16xf32>,
    %broadcast_in_dim3A_112 = arith.constant 0.000000e+00 : f32
    %broadcast_in_dim3A_113 = vector.broadcast %broadcast_in_dim3A_112 : f32 to vector<16xf32>
    %swap3A_114 = arith.constant 1 : i32
    %swap3A_115 = arith.index_cast %swap3A_114 : i32 to index
    %swap3A_116 = arith.constant 32 : index
    %swap3A_117 = tpu.vector_load %arg11[%swap3A_115, %swap3A_116] {strides = array<i32>} : memref<8x128xf32, #tpu.memory_space<vmem>>, vector<16xf32>,
    tpu.vector_store %arg11[%swap3A_115, %swap3A_116], %broadcast_in_dim3A_113 {strides = array<i32>} : memref<8x128xf32, #tpu.memory_space<vmem>>, vector<16xf32>,
    %broadcast_in_dim3A_118 = arith.constant 0.000000e+00 : f32
    %broadcast_in_dim3A_119 = vector.broadcast %broadcast_in_dim3A_118 : f32 to vector<16xf32>
    %swap3A_120 = arith.constant 1 : i32
    %swap3A_121 = arith.index_cast %swap3A_120 : i32 to index
    %swap3A_122 = arith.constant 48 : index
    %swap3A_123 = tpu.vector_load %arg11[%swap3A_121, %swap3A_122] {strides = array<i32>} : memref<8x128xf32, #tpu.memory_space<vmem>>, vector<16xf32>,
    tpu.vector_store %arg11[%swap3A_121, %swap3A_122], %broadcast_in_dim3A_119 {strides = array<i32>} : memref<8x128xf32, #tpu.memory_space<vmem>>, vector<16xf32>,
    %broadcast_in_dim3A_124 = arith.constant 0.000000e+00 : f32
    %broadcast_in_dim3A_125 = vector.broadcast %broadcast_in_dim3A_124 : f32 to vector<16xf32>
    %swap3A_126 = arith.constant 1 : i32
    %swap3A_127 = arith.index_cast %swap3A_126 : i32 to index
    %swap3A_128 = arith.constant 64 : index
    %swap3A_129 = tpu.vector_load %arg11[%swap3A_127, %swap3A_128] {strides = array<i32>} : memref<8x128xf32, #tpu.memory_space<vmem>>, vector<16xf32>,
    tpu.vector_store %arg11[%swap3A_127, %swap3A_128], %broadcast_in_dim3A_125 {strides = array<i32>} : memref<8x128xf32, #tpu.memory_space<vmem>>, vector<16xf32>,
    %broadcast_in_dim3A_130 = arith.constant 0.000000e+00 : f32
    %broadcast_in_dim3A_131 = vector.broadcast %broadcast_in_dim3A_130 : f32 to vector<16xf32>
    %swap3A_132 = arith.constant 1 : i32
    %swap3A_133 = arith.index_cast %swap3A_132 : i32 to index
    %swap3A_134 = arith.constant 80 : index
    %swap3A_135 = tpu.vector_load %arg11[%swap3A_133, %swap3A_134] {strides = array<i32>} : memref<8x128xf32, #tpu.memory_space<vmem>>, vector<16xf32>,
    tpu.vector_store %arg11[%swap3A_133, %swap3A_134], %broadcast_in_dim3A_131 {strides = array<i32>} : memref<8x128xf32, #tpu.memory_space<vmem>>, vector<16xf32>,
    %broadcast_in_dim3A_136 = arith.constant 0.000000e+00 : f32
    %broadcast_in_dim3A_137 = vector.broadcast %broadcast_in_dim3A_136 : f32 to vector<16xf32>
    %swap3A_138 = arith.constant 1 : i32
    %swap3A_139 = arith.index_cast %swap3A_138 : i32 to index
    %swap3A_140 = arith.constant 96 : index
    %swap3A_141 = tpu.vector_load %arg11[%swap3A_139, %swap3A_140] {strides = array<i32>} : memref<8x128xf32, #tpu.memory_space<vmem>>, vector<16xf32>,
    tpu.vector_store %arg11[%swap3A_139, %swap3A_140], %broadcast_in_dim3A_137 {strides = array<i32>} : memref<8x128xf32, #tpu.memory_space<vmem>>, vector<16xf32>,
    %broadcast_in_dim3A_142 = arith.constant 0.000000e+00 : f32
    %broadcast_in_dim3A_143 = vector.broadcast %broadcast_in_dim3A_142 : f32 to vector<16xf32>
    %swap3A_144 = arith.constant 1 : i32
    %swap3A_145 = arith.index_cast %swap3A_144 : i32 to index
    %swap3A_146 = arith.constant 112 : index
    %swap3A_147 = tpu.vector_load %arg11[%swap3A_145, %swap3A_146] {strides = array<i32>} : memref<8x128xf32, #tpu.memory_space<vmem>>, vector<16xf32>,
    tpu.vector_store %arg11[%swap3A_145, %swap3A_146], %broadcast_in_dim3A_143 {strides = array<i32>} : memref<8x128xf32, #tpu.memory_space<vmem>>, vector<16xf32>,
    %broadcast_in_dim3A_148 = arith.constant 0.000000e+00 : f32
    %broadcast_in_dim3A_149 = vector.broadcast %broadcast_in_dim3A_148 : f32 to vector<16xf32>
    %swap3A_150 = arith.constant 2 : i32
    %swap3A_151 = arith.index_cast %swap3A_150 : i32 to index
    %swap3A_152 = arith.constant 0 : index
    %swap3A_153 = tpu.vector_load %arg11[%swap3A_151, %swap3A_152] {strides = array<i32>} : memref<8x128xf32, #tpu.memory_space<vmem>>, vector<16xf32>,
    tpu.vector_store %arg11[%swap3A_151, %swap3A_152], %broadcast_in_dim3A_149 {strides = array<i32>} : memref<8x128xf32, #tpu.memory_space<vmem>>, vector<16xf32>,
    %broadcast_in_dim3A_154 = arith.constant 0.000000e+00 : f32
    %broadcast_in_dim3A_155 = vector.broadcast %broadcast_in_dim3A_154 : f32 to vector<16xf32>
    %swap3A_156 = arith.constant 2 : i32
    %swap3A_157 = arith.index_cast %swap3A_156 : i32 to index
    %swap3A_158 = arith.constant 16 : index
    %swap3A_159 = tpu.vector_load %arg11[%swap3A_157, %swap3A_158] {strides = array<i32>} : memref<8x128xf32, #tpu.memory_space<vmem>>, vector<16xf32>,
    tpu.vector_store %arg11[%swap3A_157, %swap3A_158], %broadcast_in_dim3A_155 {strides = array<i32>} : memref<8x128xf32, #tpu.memory_space<vmem>>, vector<16xf32>,
    %broadcast_in_dim3A_160 = arith.constant 0.000000e+00 : f32
    %broadcast_in_dim3A_161 = vector.broadcast %broadcast_in_dim3A_160 : f32 to vector<16xf32>
    %swap3A_162 = arith.constant 2 : i32
    %swap3A_163 = arith.index_cast %swap3A_162 : i32 to index
    %swap3A_164 = arith.constant 32 : index
    %swap3A_165 = tpu.vector_load %arg11[%swap3A_163, %swap3A_164] {strides = array<i32>} : memref<8x128xf32, #tpu.memory_space<vmem>>, vector<16xf32>,
    tpu.vector_store %arg11[%swap3A_163, %swap3A_164], %broadcast_in_dim3A_161 {strides = array<i32>} : memref<8x128xf32, #tpu.memory_space<vmem>>, vector<16xf32>,
    %broadcast_in_dim3A_166 = arith.constant 0.000000e+00 : f32
    %broadcast_in_dim3A_167 = vector.broadcast %broadcast_in_dim3A_166 : f32 to vector<16xf32>
    %swap3A_168 = arith.constant 2 : i32
    %swap3A_169 = arith.index_cast %swap3A_168 : i32 to index
    %swap3A_170 = arith.constant 48 : index
    %swap3A_171 = tpu.vector_load %arg11[%swap3A_169, %swap3A_170] {strides = array<i32>} : memref<8x128xf32, #tpu.memory_space<vmem>>, vector<16xf32>,
    tpu.vector_store %arg11[%swap3A_169, %swap3A_170], %broadcast_in_dim3A_167 {strides = array<i32>} : memref<8x128xf32, #tpu.memory_space<vmem>>, vector<16xf32>,
    %broadcast_in_dim3A_172 = arith.constant 0.000000e+00 : f32
    %broadcast_in_dim3A_173 = vector.broadcast %broadcast_in_dim3A_172 : f32 to vector<16xf32>
    %swap3A_174 = arith.constant 2 : i32
    %swap3A_175 = arith.index_cast %swap3A_174 : i32 to index
    %swap3A_176 = arith.constant 64 : index
    %swap3A_177 = tpu.vector_load %arg11[%swap3A_175, %swap3A_176] {strides = array<i32>} : memref<8x128xf32, #tpu.memory_space<vmem>>, vector<16xf32>,
    tpu.vector_store %arg11[%swap3A_175, %swap3A_176], %broadcast_in_dim3A_173 {strides = array<i32>} : memref<8x128xf32, #tpu.memory_space<vmem>>, vector<16xf32>,
    %broadcast_in_dim3A_178 = arith.constant 0.000000e+00 : f32
    %broadcast_in_dim3A_179 = vector.broadcast %broadcast_in_dim3A_178 : f32 to vector<16xf32>
    %swap3A_180 = arith.constant 2 : i32
    %swap3A_181 = arith.index_cast %swap3A_180 : i32 to index
    %swap3A_182 = arith.constant 80 : index
    %swap3A_183 = tpu.vector_load %arg11[%swap3A_181, %swap3A_182] {strides = array<i32>} : memref<8x128xf32, #tpu.memory_space<vmem>>, vector<16xf32>,
    tpu.vector_store %arg11[%swap3A_181, %swap3A_182], %broadcast_in_dim3A_179 {strides = array<i32>} : memref<8x128xf32, #tpu.memory_space<vmem>>, vector<16xf32>,
    %broadcast_in_dim3A_184 = arith.constant 0.000000e+00 : f32
    %broadcast_in_dim3A_185 = vector.broadcast %broadcast_in_dim3A_184 : f32 to vector<16xf32>
    %swap3A_186 = arith.constant 2 : i32
    %swap3A_187 = arith.index_cast %swap3A_186 : i32 to index
    %swap3A_188 = arith.constant 96 : index
    %swap3A_189 = tpu.vector_load %arg11[%swap3A_187, %swap3A_188] {strides = array<i32>} : memref<8x128xf32, #tpu.memory_space<vmem>>, vector<16xf32>,
    tpu.vector_store %arg11[%swap3A_187, %swap3A_188], %broadcast_in_dim3A_185 {strides = array<i32>} : memref<8x128xf32, #tpu.memory_space<vmem>>, vector<16xf32>,
    %broadcast_in_dim3A_190 = arith.constant 0.000000e+00 : f32
    %broadcast_in_dim3A_191 = vector.broadcast %broadcast_in_dim3A_190 : f32 to vector<16xf32>
    %swap3A_192 = arith.constant 2 : i32
    %swap3A_193 = arith.index_cast %swap3A_192 : i32 to index
    %swap3A_194 = arith.constant 112 : index
    %swap3A_195 = tpu.vector_load %arg11[%swap3A_193, %swap3A_194] {strides = array<i32>} : memref<8x128xf32, #tpu.memory_space<vmem>>, vector<16xf32>,
    tpu.vector_store %arg11[%swap3A_193, %swap3A_194], %broadcast_in_dim3A_191 {strides = array<i32>} : memref<8x128xf32, #tpu.memory_space<vmem>>, vector<16xf32>,
    %broadcast_in_dim3A_196 = arith.constant 0.000000e+00 : f32
    %broadcast_in_dim3A_197 = vector.broadcast %broadcast_in_dim3A_196 : f32 to vector<16xf32>
    %swap3A_198 = arith.constant 3 : i32
    %swap3A_199 = arith.index_cast %swap3A_198 : i32 to index
    %swap3A_200 = arith.constant 0 : index
    %swap3A_201 = tpu.vector_load %arg11[%swap3A_199, %swap3A_200] {strides = array<i32>} : memref<8x128xf32, #tpu.memory_space<vmem>>, vector<16xf32>,
    tpu.vector_store %arg11[%swap3A_199, %swap3A_200], %broadcast_in_dim3A_197 {strides = array<i32>} : memref<8x128xf32, #tpu.memory_space<vmem>>, vector<16xf32>,
    %broadcast_in_dim3A_202 = arith.constant 0.000000e+00 : f32
    %broadcast_in_dim3A_203 = vector.broadcast %broadcast_in_dim3A_202 : f32 to vector<16xf32>
    %swap3A_204 = arith.constant 3 : i32
    %swap3A_205 = arith.index_cast %swap3A_204 : i32 to index
    %swap3A_206 = arith.constant 16 : index
    %swap3A_207 = tpu.vector_load %arg11[%swap3A_205, %swap3A_206] {strides = array<i32>} : memref<8x128xf32, #tpu.memory_space<vmem>>, vector<16xf32>,
    tpu.vector_store %arg11[%swap3A_205, %swap3A_206], %broadcast_in_dim3A_203 {strides = array<i32>} : memref<8x128xf32, #tpu.memory_space<vmem>>, vector<16xf32>,
    %broadcast_in_dim3A_208 = arith.constant 0.000000e+00 : f32
    %broadcast_in_dim3A_209 = vector.broadcast %broadcast_in_dim3A_208 : f32 to vector<16xf32>
    %swap3A_210 = arith.constant 3 : i32
    %swap3A_211 = arith.index_cast %swap3A_210 : i32 to index
    %swap3A_212 = arith.constant 32 : index
    %swap3A_213 = tpu.vector_load %arg11[%swap3A_211, %swap3A_212] {strides = array<i32>} : memref<8x128xf32, #tpu.memory_space<vmem>>, vector<16xf32>,
    tpu.vector_store %arg11[%swap3A_211, %swap3A_212], %broadcast_in_dim3A_209 {strides = array<i32>} : memref<8x128xf32, #tpu.memory_space<vmem>>, vector<16xf32>,
    %broadcast_in_dim3A_214 = arith.constant 0.000000e+00 : f32
    %broadcast_in_dim3A_215 = vector.broadcast %broadcast_in_dim3A_214 : f32 to vector<16xf32>
    %swap3A_216 = arith.constant 3 : i32
    %swap3A_217 = arith.index_cast %swap3A_216 : i32 to index
    %swap3A_218 = arith.constant 48 : index
    %swap3A_219 = tpu.vector_load %arg11[%swap3A_217, %swap3A_218] {strides = array<i32>} : memref<8x128xf32, #tpu.memory_space<vmem>>, vector<16xf32>,
    tpu.vector_store %arg11[%swap3A_217, %swap3A_218], %broadcast_in_dim3A_215 {strides = array<i32>} : memref<8x128xf32, #tpu.memory_space<vmem>>, vector<16xf32>,
    %broadcast_in_dim3A_220 = arith.constant 0.000000e+00 : f32
    %broadcast_in_dim3A_221 = vector.broadcast %broadcast_in_dim3A_220 : f32 to vector<16xf32>
    %swap3A_222 = arith.constant 3 : i32
    %swap3A_223 = arith.index_cast %swap3A_222 : i32 to index
    %swap3A_224 = arith.constant 64 : index
    %swap3A_225 = tpu.vector_load %arg11[%swap3A_223, %swap3A_224] {strides = array<i32>} : memref<8x128xf32, #tpu.memory_space<vmem>>, vector<16xf32>,
    tpu.vector_store %arg11[%swap3A_223, %swap3A_224], %broadcast_in_dim3A_221 {strides = array<i32>} : memref<8x128xf32, #tpu.memory_space<vmem>>, vector<16xf32>,
    %broadcast_in_dim3A_226 = arith.constant 0.000000e+00 : f32
    %broadcast_in_dim3A_227 = vector.broadcast %broadcast_in_dim3A_226 : f32 to vector<16xf32>
    %swap3A_228 = arith.constant 3 : i32
    %swap3A_229 = arith.index_cast %swap3A_228 : i32 to index
    %swap3A_230 = arith.constant 80 : index
    %swap3A_231 = tpu.vector_load %arg11[%swap3A_229, %swap3A_230] {strides = array<i32>} : memref<8x128xf32, #tpu.memory_space<vmem>>, vector<16xf32>,
    tpu.vector_store %arg11[%swap3A_229, %swap3A_230], %broadcast_in_dim3A_227 {strides = array<i32>} : memref<8x128xf32, #tpu.memory_space<vmem>>, vector<16xf32>,
    %broadcast_in_dim3A_232 = arith.constant 0.000000e+00 : f32
    %broadcast_in_dim3A_233 = vector.broadcast %broadcast_in_dim3A_232 : f32 to vector<16xf32>
    %swap3A_234 = arith.constant 3 : i32
    %swap3A_235 = arith.index_cast %swap3A_234 : i32 to index
    %swap3A_236 = arith.constant 96 : index
    %swap3A_237 = tpu.vector_load %arg11[%swap3A_235, %swap3A_236] {strides = array<i32>} : memref<8x128xf32, #tpu.memory_space<vmem>>, vector<16xf32>,
    tpu.vector_store %arg11[%swap3A_235, %swap3A_236], %broadcast_in_dim3A_233 {strides = array<i32>} : memref<8x128xf32, #tpu.memory_space<vmem>>, vector<16xf32>,
    %broadcast_in_dim3A_238 = arith.constant 0.000000e+00 : f32
    %broadcast_in_dim3A_239 = vector.broadcast %broadcast_in_dim3A_238 : f32 to vector<16xf32>
    %swap3A_240 = arith.constant 3 : i32
    %swap3A_241 = arith.index_cast %swap3A_240 : i32 to index
    %swap3A_242 = arith.constant 112 : index
    %swap3A_243 = tpu.vector_load %arg11[%swap3A_241, %swap3A_242] {strides = array<i32>} : memref<8x128xf32, #tpu.memory_space<vmem>>, vector<16xf32>,
    tpu.vector_store %arg11[%swap3A_241, %swap3A_242], %broadcast_in_dim3A_239 {strides = array<i32>} : memref<8x128xf32, #tpu.memory_space<vmem>>, vector<16xf32>,
    %broadcast_in_dim3A_244 = arith.constant 0.000000e+00 : f32
    %broadcast_in_dim3A_245 = vector.broadcast %broadcast_in_dim3A_244 : f32 to vector<16xf32>
    %swap3A_246 = arith.constant 4 : i32
    %swap3A_247 = arith.index_cast %swap3A_246 : i32 to index
    %swap3A_248 = arith.constant 0 : index
    %swap3A_249 = tpu.vector_load %arg11[%swap3A_247, %swap3A_248] {strides = array<i32>} : memref<8x128xf32, #tpu.memory_space<vmem>>, vector<16xf32>,
    tpu.vector_store %arg11[%swap3A_247, %swap3A_248], %broadcast_in_dim3A_245 {strides = array<i32>} : memref<8x128xf32, #tpu.memory_space<vmem>>, vector<16xf32>,
    %broadcast_in_dim3A_250 = arith.constant 0.000000e+00 : f32
    %broadcast_in_dim3A_251 = vector.broadcast %broadcast_in_dim3A_250 : f32 to vector<16xf32>
    %swap3A_252 = arith.constant 4 : i32
    %swap3A_253 = arith.index_cast %swap3A_252 : i32 to index
    %swap3A_254 = arith.constant 16 : index
    %swap3A_255 = tpu.vector_load %arg11[%swap3A_253, %swap3A_254] {strides = array<i32>} : memref<8x128xf32, #tpu.memory_space<vmem>>, vector<16xf32>,
    tpu.vector_store %arg11[%swap3A_253, %swap3A_254], %broadcast_in_dim3A_251 {strides = array<i32>} : memref<8x128xf32, #tpu.memory_space<vmem>>, vector<16xf32>,
    %broadcast_in_dim3A_256 = arith.constant 0.000000e+00 : f32
    %broadcast_in_dim3A_257 = vector.broadcast %broadcast_in_dim3A_256 : f32 to vector<16xf32>
    %swap3A_258 = arith.constant 4 : i32
    %swap3A_259 = arith.index_cast %swap3A_258 : i32 to index
    %swap3A_260 = arith.constant 32 : index
    %swap3A_261 = tpu.vector_load %arg11[%swap3A_259, %swap3A_260] {strides = array<i32>} : memref<8x128xf32, #tpu.memory_space<vmem>>, vector<16xf32>,
    tpu.vector_store %arg11[%swap3A_259, %swap3A_260], %broadcast_in_dim3A_257 {strides = array<i32>} : memref<8x128xf32, #tpu.memory_space<vmem>>, vector<16xf32>,
    %broadcast_in_dim3A_262 = arith.constant 0.000000e+00 : f32
    %broadcast_in_dim3A_263 = vector.broadcast %broadcast_in_dim3A_262 : f32 to vector<16xf32>
    %swap3A_264 = arith.constant 4 : i32
    %swap3A_265 = arith.index_cast %swap3A_264 : i32 to index
    %swap3A_266 = arith.constant 48 : index
    %swap3A_267 = tpu.vector_load %arg11[%swap3A_265, %swap3A_266] {strides = array<i32>} : memref<8x128xf32, #tpu.memory_space<vmem>>, vector<16xf32>,
    tpu.vector_store %arg11[%swap3A_265, %swap3A_266], %broadcast_in_dim3A_263 {strides = array<i32>} : memref<8x128xf32, #tpu.memory_space<vmem>>, vector<16xf32>,
    %broadcast_in_dim3A_268 = arith.constant 0.000000e+00 : f32
    %broadcast_in_dim3A_269 = vector.broadcast %broadcast_in_dim3A_268 : f32 to vector<16xf32>
    %swap3A_270 = arith.constant 4 : i32
    %swap3A_271 = arith.index_cast %swap3A_270 : i32 to index
    %swap3A_272 = arith.constant 64 : index
    %swap3A_273 = tpu.vector_load %arg11[%swap3A_271, %swap3A_272] {strides = array<i32>} : memref<8x128xf32, #tpu.memory_space<vmem>>, vector<16xf32>,
    tpu.vector_store %arg11[%swap3A_271, %swap3A_272], %broadcast_in_dim3A_269 {strides = array<i32>} : memref<8x128xf32, #tpu.memory_space<vmem>>, vector<16xf32>,
    %broadcast_in_dim3A_274 = arith.constant 0.000000e+00 : f32
    %broadcast_in_dim3A_275 = vector.broadcast %broadcast_in_dim3A_274 : f32 to vector<16xf32>
    %swap3A_276 = arith.constant 4 : i32
    %swap3A_277 = arith.index_cast %swap3A_276 : i32 to index
    %swap3A_278 = arith.constant 80 : index
    %swap3A_279 = tpu.vector_load %arg11[%swap3A_277, %swap3A_278] {strides = array<i32>} : memref<8x128xf32, #tpu.memory_space<vmem>>, vector<16xf32>,
    tpu.vector_store %arg11[%swap3A_277, %swap3A_278], %broadcast_in_dim3A_275 {strides = array<i32>} : memref<8x128xf32, #tpu.memory_space<vmem>>, vector<16xf32>,
    %broadcast_in_dim3A_280 = arith.constant 0.000000e+00 : f32
    %broadcast_in_dim3A_281 = vector.broadcast %broadcast_in_dim3A_280 : f32 to vector<16xf32>
    %swap3A_282 = arith.constant 4 : i32
    %swap3A_283 = arith.index_cast %swap3A_282 : i32 to index
    %swap3A_284 = arith.constant 96 : index
    %swap3A_285 = tpu.vector_load %arg11[%swap3A_283, %swap3A_284] {strides = array<i32>} : memref<8x128xf32, #tpu.memory_space<vmem>>, vector<16xf32>,
    tpu.vector_store %arg11[%swap3A_283, %swap3A_284], %broadcast_in_dim3A_281 {strides = array<i32>} : memref<8x128xf32, #tpu.memory_space<vmem>>, vector<16xf32>,
    %broadcast_in_dim3A_286 = arith.constant 0.000000e+00 : f32
    %broadcast_in_dim3A_287 = vector.broadcast %broadcast_in_dim3A_286 : f32 to vector<16xf32>
    %swap3A_288 = arith.constant 4 : i32
    %swap3A_289 = arith.index_cast %swap3A_288 : i32 to index
    %swap3A_290 = arith.constant 112 : index
    %swap3A_291 = tpu.vector_load %arg11[%swap3A_289, %swap3A_290] {strides = array<i32>} : memref<8x128xf32, #tpu.memory_space<vmem>>, vector<16xf32>,
    tpu.vector_store %arg11[%swap3A_289, %swap3A_290], %broadcast_in_dim3A_287 {strides = array<i32>} : memref<8x128xf32, #tpu.memory_space<vmem>>, vector<16xf32>,
    %broadcast_in_dim3A_292 = arith.constant 0.000000e+00 : f32
    %broadcast_in_dim3A_293 = vector.broadcast %broadcast_in_dim3A_292 : f32 to vector<16xf32>
    %swap3A_294 = arith.constant 5 : i32
    %swap3A_295 = arith.index_cast %swap3A_294 : i32 to index
    %swap3A_296 = arith.constant 0 : index
    %swap3A_297 = tpu.vector_load %arg11[%swap3A_295, %swap3A_296] {strides = array<i32>} : memref<8x128xf32, #tpu.memory_space<vmem>>, vector<16xf32>,
    tpu.vector_store %arg11[%swap3A_295, %swap3A_296], %broadcast_in_dim3A_293 {strides = array<i32>} : memref<8x128xf32, #tpu.memory_space<vmem>>, vector<16xf32>,
    %broadcast_in_dim3A_298 = arith.constant 0.000000e+00 : f32
    %broadcast_in_dim3A_299 = vector.broadcast %broadcast_in_dim3A_298 : f32 to vector<16xf32>
    %swap3A_300 = arith.constant 5 : i32
    %swap3A_301 = arith.index_cast %swap3A_300 : i32 to index
    %swap3A_302 = arith.constant 16 : index
    %swap3A_303 = tpu.vector_load %arg11[%swap3A_301, %swap3A_302] {strides = array<i32>} : memref<8x128xf32, #tpu.memory_space<vmem>>, vector<16xf32>,
    tpu.vector_store %arg11[%swap3A_301, %swap3A_302], %broadcast_in_dim3A_299 {strides = array<i32>} : memref<8x128xf32, #tpu.memory_space<vmem>>, vector<16xf32>,
    %broadcast_in_dim3A_304 = arith.constant 0.000000e+00 : f32
    %broadcast_in_dim3A_305 = vector.broadcast %broadcast_in_dim3A_304 : f32 to vector<16xf32>
    %swap3A_306 = arith.constant 5 : i32
    %swap3A_307 = arith.index_cast %swap3A_306 : i32 to index
    %swap3A_308 = arith.constant 32 : index
    %swap3A_309 = tpu.vector_load %arg11[%swap3A_307, %swap3A_308] {strides = array<i32>} : memref<8x128xf32, #tpu.memory_space<vmem>>, vector<16xf32>,
    tpu.vector_store %arg11[%swap3A_307, %swap3A_308], %broadcast_in_dim3A_305 {strides = array<i32>} : memref<8x128xf32, #tpu.memory_space<vmem>>, vector<16xf32>,
    %broadcast_in_dim3A_310 = arith.constant 0.000000e+00 : f32
    %broadcast_in_dim3A_311 = vector.broadcast %broadcast_in_dim3A_310 : f32 to vector<16xf32>
    %swap3A_312 = arith.constant 5 : i32
    %swap3A_313 = arith.index_cast %swap3A_312 : i32 to index
    %swap3A_314 = arith.constant 48 : index
    %swap3A_315 = tpu.vector_load %arg11[%swap3A_313, %swap3A_314] {strides = array<i32>} : memref<8x128xf32, #tpu.memory_space<vmem>>, vector<16xf32>,
    tpu.vector_store %arg11[%swap3A_313, %swap3A_314], %broadcast_in_dim3A_311 {strides = array<i32>} : memref<8x128xf32, #tpu.memory_space<vmem>>, vector<16xf32>,
    %broadcast_in_dim3A_316 = arith.constant 0.000000e+00 : f32
    %broadcast_in_dim3A_317 = vector.broadcast %broadcast_in_dim3A_316 : f32 to vector<16xf32>
    %swap3A_318 = arith.constant 5 : i32
    %swap3A_319 = arith.index_cast %swap3A_318 : i32 to index
    %swap3A_320 = arith.constant 64 : index
    %swap3A_321 = tpu.vector_load %arg11[%swap3A_319, %swap3A_320] {strides = array<i32>} : memref<8x128xf32, #tpu.memory_space<vmem>>, vector<16xf32>,
    tpu.vector_store %arg11[%swap3A_319, %swap3A_320], %broadcast_in_dim3A_317 {strides = array<i32>} : memref<8x128xf32, #tpu.memory_space<vmem>>, vector<16xf32>,
    %broadcast_in_dim3A_322 = arith.constant 0.000000e+00 : f32
    %broadcast_in_dim3A_323 = vector.broadcast %broadcast_in_dim3A_322 : f32 to vector<16xf32>
    %swap3A_324 = arith.constant 5 : i32
    %swap3A_325 = arith.index_cast %swap3A_324 : i32 to index
    %swap3A_326 = arith.constant 80 : index
    %swap3A_327 = tpu.vector_load %arg11[%swap3A_325, %swap3A_326] {strides = array<i32>} : memref<8x128xf32, #tpu.memory_space<vmem>>, vector<16xf32>,
    tpu.vector_store %arg11[%swap3A_325, %swap3A_326], %broadcast_in_dim3A_323 {strides = array<i32>} : memref<8x128xf32, #tpu.memory_space<vmem>>, vector<16xf32>,
    %broadcast_in_dim3A_328 = arith.constant 0.000000e+00 : f32
    %broadcast_in_dim3A_329 = vector.broadcast %broadcast_in_dim3A_328 : f32 to vector<16xf32>
    %swap3A_330 = arith.constant 5 : i32
    %swap3A_331 = arith.index_cast %swap3A_330 : i32 to index
    %swap3A_332 = arith.constant 96 : index
    %swap3A_333 = tpu.vector_load %arg11[%swap3A_331, %swap3A_332] {strides = array<i32>} : memref<8x128xf32, #tpu.memory_space<vmem>>, vector<16xf32>,
    tpu.vector_store %arg11[%swap3A_331, %swap3A_332], %broadcast_in_dim3A_329 {strides = array<i32>} : memref<8x128xf32, #tpu.memory_space<vmem>>, vector<16xf32>,
    %broadcast_in_dim3A_334 = arith.constant 0.000000e+00 : f32
    %broadcast_in_dim3A_335 = vector.broadcast %broadcast_in_dim3A_334 : f32 to vector<16xf32>
    %swap3A_336 = arith.constant 5 : i32
    %swap3A_337 = arith.index_cast %swap3A_336 : i32 to index
    %swap3A_338 = arith.constant 112 : index
    %swap3A_339 = tpu.vector_load %arg11[%swap3A_337, %swap3A_338] {strides = array<i32>} : memref<8x128xf32, #tpu.memory_space<vmem>>, vector<16xf32>,
    tpu.vector_store %arg11[%swap3A_337, %swap3A_338], %broadcast_in_dim3A_335 {strides = array<i32>} : memref<8x128xf32, #tpu.memory_space<vmem>>, vector<16xf32>,
    %broadcast_in_dim3A_340 = arith.constant 0.000000e+00 : f32
    %broadcast_in_dim3A_341 = vector.broadcast %broadcast_in_dim3A_340 : f32 to vector<16xf32>
    %swap3A_342 = arith.constant 6 : i32
    %swap3A_343 = arith.index_cast %swap3A_342 : i32 to index
    %swap3A_344 = arith.constant 0 : index
    %swap3A_345 = tpu.vector_load %arg11[%swap3A_343, %swap3A_344] {strides = array<i32>} : memref<8x128xf32, #tpu.memory_space<vmem>>, vector<16xf32>,
    tpu.vector_store %arg11[%swap3A_343, %swap3A_344], %broadcast_in_dim3A_341 {strides = array<i32>} : memref<8x128xf32, #tpu.memory_space<vmem>>, vector<16xf32>,
    %broadcast_in_dim3A_346 = arith.constant 0.000000e+00 : f32
    %broadcast_in_dim3A_347 = vector.broadcast %broadcast_in_dim3A_346 : f32 to vector<16xf32>
    %swap3A_348 = arith.constant 6 : i32
    %swap3A_349 = arith.index_cast %swap3A_348 : i32 to index
    %swap3A_350 = arith.constant 16 : index
    %swap3A_351 = tpu.vector_load %arg11[%swap3A_349, %swap3A_350] {strides = array<i32>} : memref<8x128xf32, #tpu.memory_space<vmem>>, vector<16xf32>,
    tpu.vector_store %arg11[%swap3A_349, %swap3A_350], %broadcast_in_dim3A_347 {strides = array<i32>} : memref<8x128xf32, #tpu.memory_space<vmem>>, vector<16xf32>,
    %broadcast_in_dim3A_352 = arith.constant 0.000000e+00 : f32
    %broadcast_in_dim3A_353 = vector.broadcast %broadcast_in_dim3A_352 : f32 to vector<16xf32>
    %swap3A_354 = arith.constant 6 : i32
    %swap3A_355 = arith.index_cast %swap3A_354 : i32 to index
    %swap3A_356 = arith.constant 32 : index
    %swap3A_357 = tpu.vector_load %arg11[%swap3A_355, %swap3A_356] {strides = array<i32>} : memref<8x128xf32, #tpu.memory_space<vmem>>, vector<16xf32>,
    tpu.vector_store %arg11[%swap3A_355, %swap3A_356], %broadcast_in_dim3A_353 {strides = array<i32>} : memref<8x128xf32, #tpu.memory_space<vmem>>, vector<16xf32>,
    %broadcast_in_dim3A_358 = arith.constant 0.000000e+00 : f32
    %broadcast_in_dim3A_359 = vector.broadcast %broadcast_in_dim3A_358 : f32 to vector<16xf32>
    %swap3A_360 = arith.constant 6 : i32
    %swap3A_361 = arith.index_cast %swap3A_360 : i32 to index
    %swap3A_362 = arith.constant 48 : index
    %swap3A_363 = tpu.vector_load %arg11[%swap3A_361, %swap3A_362] {strides = array<i32>} : memref<8x128xf32, #tpu.memory_space<vmem>>, vector<16xf32>,
    tpu.vector_store %arg11[%swap3A_361, %swap3A_362], %broadcast_in_dim3A_359 {strides = array<i32>} : memref<8x128xf32, #tpu.memory_space<vmem>>, vector<16xf32>,
    %broadcast_in_dim3A_364 = arith.constant 0.000000e+00 : f32
    %broadcast_in_dim3A_365 = vector.broadcast %broadcast_in_dim3A_364 : f32 to vector<16xf32>
    %swap3A_366 = arith.constant 6 : i32
    %swap3A_367 = arith.index_cast %swap3A_366 : i32 to index
    %swap3A_368 = arith.constant 64 : index
    %swap3A_369 = tpu.vector_load %arg11[%swap3A_367, %swap3A_368] {strides = array<i32>} : memref<8x128xf32, #tpu.memory_space<vmem>>, vector<16xf32>,
    tpu.vector_store %arg11[%swap3A_367, %swap3A_368], %broadcast_in_dim3A_365 {strides = array<i32>} : memref<8x128xf32, #tpu.memory_space<vmem>>, vector<16xf32>,
    %broadcast_in_dim3A_370 = arith.constant 0.000000e+00 : f32
    %broadcast_in_dim3A_371 = vector.broadcast %broadcast_in_dim3A_370 : f32 to vector<16xf32>
    %swap3A_372 = arith.constant 6 : i32
    %swap3A_373 = arith.index_cast %swap3A_372 : i32 to index
    %swap3A_374 = arith.constant 80 : index
    %swap3A_375 = tpu.vector_load %arg11[%swap3A_373, %swap3A_374] {strides = array<i32>} : memref<8x128xf32, #tpu.memory_space<vmem>>, vector<16xf32>,
    tpu.vector_store %arg11[%swap3A_373, %swap3A_374], %broadcast_in_dim3A_371 {strides = array<i32>} : memref<8x128xf32, #tpu.memory_space<vmem>>, vector<16xf32>,
    %broadcast_in_dim3A_376 = arith.constant 0.000000e+00 : f32
    %broadcast_in_dim3A_377 = vector.broadcast %broadcast_in_dim3A_376 : f32 to vector<16xf32>
    %swap3A_378 = arith.constant 6 : i32
    %swap3A_379 = arith.index_cast %swap3A_378 : i32 to index
    %swap3A_380 = arith.constant 96 : index
    %swap3A_381 = tpu.vector_load %arg11[%swap3A_379, %swap3A_380] {strides = array<i32>} : memref<8x128xf32, #tpu.memory_space<vmem>>, vector<16xf32>,
    tpu.vector_store %arg11[%swap3A_379, %swap3A_380], %broadcast_in_dim3A_377 {strides = array<i32>} : memref<8x128xf32, #tpu.memory_space<vmem>>, vector<16xf32>,
    %broadcast_in_dim3A_382 = arith.constant 0.000000e+00 : f32
    %broadcast_in_dim3A_383 = vector.broadcast %broadcast_in_dim3A_382 : f32 to vector<16xf32>
    %swap3A_384 = arith.constant 6 : i32
    %swap3A_385 = arith.index_cast %swap3A_384 : i32 to index
    %swap3A_386 = arith.constant 112 : index
    %swap3A_387 = tpu.vector_load %arg11[%swap3A_385, %swap3A_386] {strides = array<i32>} : memref<8x128xf32, #tpu.memory_space<vmem>>, vector<16xf32>,
    tpu.vector_store %arg11[%swap3A_385, %swap3A_386], %broadcast_in_dim3A_383 {strides = array<i32>} : memref<8x128xf32, #tpu.memory_space<vmem>>, vector<16xf32>,
    %broadcast_in_dim3A_388 = arith.constant 0.000000e+00 : f32
    %broadcast_in_dim3A_389 = vector.broadcast %broadcast_in_dim3A_388 : f32 to vector<16xf32>
    %swap3A_390 = arith.constant 7 : i32
    %swap3A_391 = arith.index_cast %swap3A_390 : i32 to index
    %swap3A_392 = arith.constant 0 : index
    %swap3A_393 = tpu.vector_load %arg11[%swap3A_391, %swap3A_392] {strides = array<i32>} : memref<8x128xf32, #tpu.memory_space<vmem>>, vector<16xf32>,
    tpu.vector_store %arg11[%swap3A_391, %swap3A_392], %broadcast_in_dim3A_389 {strides = array<i32>} : memref<8x128xf32, #tpu.memory_space<vmem>>, vector<16xf32>,
    %broadcast_in_dim3A_394 = arith.constant 0.000000e+00 : f32
    %broadcast_in_dim3A_395 = vector.broadcast %broadcast_in_dim3A_394 : f32 to vector<16xf32>
    %swap3A_396 = arith.constant 7 : i32
    %swap3A_397 = arith.index_cast %swap3A_396 : i32 to index
    %swap3A_398 = arith.constant 16 : index
    %swap3A_399 = tpu.vector_load %arg11[%swap3A_397, %swap3A_398] {strides = array<i32>} : memref<8x128xf32, #tpu.memory_space<vmem>>, vector<16xf32>,
    tpu.vector_store %arg11[%swap3A_397, %swap3A_398], %broadcast_in_dim3A_395 {strides = array<i32>} : memref<8x128xf32, #tpu.memory_space<vmem>>, vector<16xf32>,
    %broadcast_in_dim3A_400 = arith.constant 0.000000e+00 : f32
    %broadcast_in_dim3A_401 = vector.broadcast %broadcast_in_dim3A_400 : f32 to vector<16xf32>
    %swap3A_402 = arith.constant 7 : i32
    %swap3A_403 = arith.index_cast %swap3A_402 : i32 to index
    %swap3A_404 = arith.constant 32 : index
    %swap3A_405 = tpu.vector_load %arg11[%swap3A_403, %swap3A_404] {strides = array<i32>} : memref<8x128xf32, #tpu.memory_space<vmem>>, vector<16xf32>,
    tpu.vector_store %arg11[%swap3A_403, %swap3A_404], %broadcast_in_dim3A_401 {strides = array<i32>} : memref<8x128xf32, #tpu.memory_space<vmem>>, vector<16xf32>,
    %broadcast_in_dim3A_406 = arith.constant 0.000000e+00 : f32
    %broadcast_in_dim3A_407 = vector.broadcast %broadcast_in_dim3A_406 : f32 to vector<16xf32>
    %swap3A_408 = arith.constant 7 : i32
    %swap3A_409 = arith.index_cast %swap3A_408 : i32 to index
    %swap3A_410 = arith.constant 48 : index
    %swap3A_411 = tpu.vector_load %arg11[%swap3A_409, %swap3A_410] {strides = array<i32>} : memref<8x128xf32, #tpu.memory_space<vmem>>, vector<16xf32>,
    tpu.vector_store %arg11[%swap3A_409, %swap3A_410], %broadcast_in_dim3A_407 {strides = array<i32>} : memref<8x128xf32, #tpu.memory_space<vmem>>, vector<16xf32>,
    %broadcast_in_dim3A_412 = arith.constant 0.000000e+00 : f32
    %broadcast_in_dim3A_413 = vector.broadcast %broadcast_in_dim3A_412 : f32 to vector<16xf32>
    %swap3A_414 = arith.constant 7 : i32
    %swap3A_415 = arith.index_cast %swap3A_414 : i32 to index
    %swap3A_416 = arith.constant 64 : index
    %swap3A_417 = tpu.vector_load %arg11[%swap3A_415, %swap3A_416] {strides = array<i32>} : memref<8x128xf32, #tpu.memory_space<vmem>>, vector<16xf32>,
    tpu.vector_store %arg11[%swap3A_415, %swap3A_416], %broadcast_in_dim3A_413 {strides = array<i32>} : memref<8x128xf32, #tpu.memory_space<vmem>>, vector<16xf32>,
    %broadcast_in_dim3A_418 = arith.constant 0.000000e+00 : f32
    %broadcast_in_dim3A_419 = vector.broadcast %broadcast_in_dim3A_418 : f32 to vector<16xf32>
    %swap3A_420 = arith.constant 7 : i32
    %swap3A_421 = arith.index_cast %swap3A_420 : i32 to index
    %swap3A_422 = arith.constant 80 : index
    %swap3A_423 = tpu.vector_load %arg11[%swap3A_421, %swap3A_422] {strides = array<i32>} : memref<8x128xf32, #tpu.memory_space<vmem>>, vector<16xf32>,
    tpu.vector_store %arg11[%swap3A_421, %swap3A_422], %broadcast_in_dim3A_419 {strides = array<i32>} : memref<8x128xf32, #tpu.memory_space<vmem>>, vector<16xf32>,
    %broadcast_in_dim3A_424 = arith.constant 0.000000e+00 : f32
    %broadcast_in_dim3A_425 = vector.broadcast %broadcast_in_dim3A_424 : f32 to vector<16xf32>
    %swap3A_426 = arith.constant 7 : i32
    %swap3A_427 = arith.index_cast %swap3A_426 : i32 to index
    %swap3A_428 = arith.constant 96 : index
    %swap3A_429 = tpu.vector_load %arg11[%swap3A_427, %swap3A_428] {strides = array<i32>} : memref<8x128xf32, #tpu.memory_space<vmem>>, vector<16xf32>,
    tpu.vector_store %arg11[%swap3A_427, %swap3A_428], %broadcast_in_dim3A_425 {strides = array<i32>} : memref<8x128xf32, #tpu.memory_space<vmem>>, vector<16xf32>,
    %broadcast_in_dim3A_430 = arith.constant 0.000000e+00 : f32
    %broadcast_in_dim3A_431 = vector.broadcast %broadcast_in_dim3A_430 : f32 to vector<16xf32>
    %swap3A_432 = arith.constant 7 : i32
    %swap3A_433 = arith.index_cast %swap3A_432 : i32 to index
    %swap3A_434 = arith.constant 112 : index
    %swap3A_435 = tpu.vector_load %arg11[%swap3A_433, %swap3A_434] {strides = array<i32>} : memref<8x128xf32, #tpu.memory_space<vmem>>, vector<16xf32>,
    tpu.vector_store %arg11[%swap3A_433, %swap3A_434], %broadcast_in_dim3A_431 {strides = array<i32>} : memref<8x128xf32, #tpu.memory_space<vmem>>, vector<16xf32>,
    %dma_start3A = arith.constant 0 : i32
    %dma_start3A_436 = tpu.memref_slice %arg7[%dma_start3A] : memref<8192xi32, #tpu.memory_space<vmem>> -> memref<128xi32, #tpu.memory_space<vmem>>
    %dma_start3A_437 = arith.constant 0 : i32
    %dma_start3A_438 = arith.constant 0 : i32
    %dma_start3A_439 = tpu.memref_slice %arg2[%dma_start3A_437, %dma_start3A_438] : memref<65536x128xf32, #tpu.memory_space<hbm>> -> memref<65536x128xf32, #tpu.memory_space<hbm>>
    tpu.enqueue_indirect_dma source(%dma_start3A_439 : memref<65536x128xf32, #tpu.memory_space<hbm>>) target(%arg9 : memref<128x128xf32, #tpu.memory_space<vmem>>) offsets(%dma_start3A_436 : memref<128xi32, #tpu.memory_space<vmem>>) semaphore(%arg12 : memref<!tpu.dma_semaphore, #tpu.memory_space<semaphore_mem>>)
    %scan3A_440 = arith.constant 0 : i32
    %scan3A_441 = arith.constant 0 : i32
    %scan3A_442 = arith.constant 32 : i32
    %scan3A_443 = arith.addi %scan3A_441, %scan3A_442 : i32
    %scan3A_444 = arith.constant 1 : i32
    %scan3A_445 = scf.for %scan3A_447 = %scan3A_441 to %scan3A_443 step %scan3A_444 iter_args(%scan3A_448 = %scan3A_440) -> (i32)  : i32 {
      %mul3A_449 = arith.constant 2 : i32
      %mul3A_450 = arith.muli %scan3A_447, %mul3A_449 : i32
      %add3A_451 = arith.constant 0 : i32
      %add3A_452 = arith.addi %mul3A_450, %add3A_451 : i32
      %add3A_453 = arith.constant 1 : i32
      %add3A_454 = arith.addi %add3A_452, %add3A_453 : i32
      %lt3A_455 = arith.constant 64 : i32
      %lt3A_456 = arith.cmpi slt, %add3A_454, %lt3A_455 : i32
      %convert_element_type3A = arith.extui %lt3A_456 : i1 to i32
      %cond3A = arith.constant 0 : i32
      %cond3A_457 = arith.cmpi ne, %convert_element_type3A, %cond3A : i32
      scf.if %cond3A_457 {
        %add3A_517 = arith.constant 1 : i32
        %add3A_518 = arith.addi %add3A_452, %add3A_517 : i32
        %mul3A_519 = arith.constant 128 : i32
        %mul3A_520 = arith.muli %add3A_518, %mul3A_519 : i32
        %dma_start3A_521 = tpu.memref_slice %arg7[%mul3A_520] : memref<8192xi32, #tpu.memory_space<vmem>> -> memref<128xi32, #tpu.memory_space<vmem>>
        %dma_start3A_522 = arith.constant 0 : i32
        %dma_start3A_523 = arith.constant 0 : i32
        %dma_start3A_524 = tpu.memref_slice %arg2[%dma_start3A_522, %dma_start3A_523] : memref<65536x128xf32, #tpu.memory_space<hbm>> -> memref<65536x128xf32, #tpu.memory_space<hbm>>
        tpu.enqueue_indirect_dma source(%dma_start3A_524 : memref<65536x128xf32, #tpu.memory_space<hbm>>) target(%arg10 : memref<128x128xf32, #tpu.memory_space<vmem>>) offsets(%dma_start3A_521 : memref<128xi32, #tpu.memory_space<vmem>>) semaphore(%arg13 : memref<!tpu.dma_semaphore, #tpu.memory_space<semaphore_mem>>)
      } else {
      }
      %mul3A_458 = arith.constant 128 : i32
      %mul3A_459 = arith.muli %add3A_452, %mul3A_458 : i32
      %dma_wait3A = tpu.memref_slice %arg7[%mul3A_459] : memref<8192xi32, #tpu.memory_space<vmem>> -> memref<128xi32, #tpu.memory_space<vmem>>
      %dma_wait3A_460 = arith.constant 0 : i32
      %dma_wait3A_461 = arith.constant 0 : i32
      %dma_wait3A_462 = tpu.memref_slice %arg2[%dma_wait3A_460, %dma_wait3A_461] : memref<65536x128xf32, #tpu.memory_space<hbm>> -> memref<65536x128xf32, #tpu.memory_space<hbm>>
      tpu.wait_indirect_dma semaphore(%arg12 : memref<!tpu.dma_semaphore, #tpu.memory_space<semaphore_mem>>) src(%dma_wait3A_462 : memref<65536x128xf32, #tpu.memory_space<hbm>>) dst(%arg9 : memref<128x128xf32, #tpu.memory_space<vmem>>)
      %scan3A_463 = arith.constant 0 : i32
      %scan3A_464 = arith.constant 0 : i32
      %scan3A_465 = arith.constant 16 : i32
      %scan3A_466 = arith.addi %scan3A_464, %scan3A_465 : i32
      %scan3A_467 = arith.constant 1 : i32
      %scan3A_468 = scf.for %scan3A_517 = %scan3A_464 to %scan3A_466 step %scan3A_467 iter_args(%scan3A_518 = %scan3A_463) -> (i32)  : i32 {
        %mul3A_519 = arith.constant 8 : i32
        %mul3A_520 = arith.muli %scan3A_517, %mul3A_519 : i32
        %add3A_521 = arith.constant 0 : i32
        %add3A_522 = arith.addi %mul3A_520, %add3A_521 : i32
        %mul3A_523 = arith.constant 4 : i32
        %mul3A_524 = arith.muli %add3A_452, %mul3A_523 : i32
        %jit3A_525 = arith.constant 32 : i32
        %div3A_526 = arith.divsi %add3A_522, %jit3A_525 : i32
        %sign3A_527 = arith.constant 0 : i32
        %sign3A_528 = arith.cmpi sgt, %add3A_522, %sign3A_527 : i32
        %sign3A_529 = arith.extui %sign3A_528 : i1 to i32
        %sign3A_530 = arith.constant 0 : i32
        %sign3A_531 = arith.cmpi slt, %add3A_522, %sign3A_530 : i32
        %sign3A_532 = arith.extui %sign3A_531 : i1 to i32
        %sign3A_533 = arith.subi %sign3A_529, %sign3A_532 : i32
        %sign3A_534 = arith.constant 0 : i32
        %sign3A_535 = arith.cmpi sgt, %jit3A_525, %sign3A_534 : i32
        %sign3A_536 = arith.extui %sign3A_535 : i1 to i32
        %sign3A_537 = arith.constant 0 : i32
        %sign3A_538 = arith.cmpi slt, %jit3A_525, %sign3A_537 : i32
        %sign3A_539 = arith.extui %sign3A_538 : i1 to i32
        %sign3A_540 = arith.subi %sign3A_536, %sign3A_539 : i32
        %ne3A_541 = arith.cmpi ne, %sign3A_533, %sign3A_540 : i32
        %rem3A_542 = arith.remsi %add3A_522, %jit3A_525 : i32
        %ne3A_543 = arith.constant 0 : i32
        %ne3A_544 = arith.cmpi ne, %rem3A_542, %ne3A_543 : i32
        %and3A_545 = arith.andi %ne3A_541, %ne3A_544 : i1
        %sub3A_546 = arith.constant 1 : i32
        %sub3A_547 = arith.subi %div3A_526, %sub3A_546 : i32
        %select_n3A_548 = arith.select %and3A_545, %sub3A_547, %div3A_526 : i32
        %add3A_549 = arith.addi %mul3A_524, %select_n3A_548 : i32
        %mul3A_550 = arith.constant 64 : i32
        %mul3A_551 = arith.muli %add3A_549, %mul3A_550 : i32
        %get3A = arith.index_cast %add3A_522 : i32 to index
        %get3A_552 = arith.constant 0 : index
        %get3A_553 = tpu.vector_load %arg9[%get3A, %get3A_552] {strides = array<i32>} : memref<128x128xf32, #tpu.memory_space<vmem>>, vector<16xf32>,
        %add3A_554 = arith.constant 0 : i32
        %add3A_555 = arith.addi %mul3A_551, %add3A_554 : i32
        %get3A_556 = arith.index_cast %add3A_555 : i32 to index
        %get3A_557 = tpu.vector_load %arg8[%get3A_556] {strides = array<i32>} : memref<16384xf32, #tpu.memory_space<vmem>>, vector<16xf32>,
        %sub3A_558 = arith.subf %get3A_553, %get3A_557 : vector<16xf32>
        %swap3A_559 = arith.index_cast %add3A_522 : i32 to index
        %swap3A_560 = arith.constant 0 : index
        %swap3A_561 = tpu.vector_load %arg9[%swap3A_559, %swap3A_560] {strides = array<i32>} : memref<128x128xf32, #tpu.memory_space<vmem>>, vector<16xf32>,
        tpu.vector_store %arg9[%swap3A_559, %swap3A_560], %sub3A_558 {strides = array<i32>} : memref<128x128xf32, #tpu.memory_space<vmem>>, vector<16xf32>,
        %get3A_562 = arith.constant 0 : i32
        %get3A_563 = arith.index_cast %get3A_562 : i32 to index
        %get3A_564 = arith.constant 0 : index
        %get3A_565 = tpu.vector_load %arg11[%get3A_563, %get3A_564] {strides = array<i32>} : memref<8x128xf32, #tpu.memory_space<vmem>>, vector<16xf32>,
        %add3A_566 = arith.addf %get3A_565, %sub3A_558 : vector<16xf32>
        %swap3A_567 = arith.constant 0 : i32
        %swap3A_568 = arith.index_cast %swap3A_567 : i32 to index
        %swap3A_569 = arith.constant 0 : index
        %swap3A_570 = tpu.vector_load %arg11[%swap3A_568, %swap3A_569] {strides = array<i32>} : memref<8x128xf32, #tpu.memory_space<vmem>>, vector<16xf32>,
        tpu.vector_store %arg11[%swap3A_568, %swap3A_569], %add3A_566 {strides = array<i32>} : memref<8x128xf32, #tpu.memory_space<vmem>>, vector<16xf32>,
        %get3A_571 = arith.constant 1 : i32
        %get3A_572 = arith.index_cast %get3A_571 : i32 to index
        %get3A_573 = arith.constant 0 : index
        %get3A_574 = tpu.vector_load %arg11[%get3A_572, %get3A_573] {strides = array<i32>} : memref<8x128xf32, #tpu.memory_space<vmem>>, vector<16xf32>,
        %mul3A_575 = arith.mulf %sub3A_558, %sub3A_558 : vector<16xf32>
        %add3A_576 = arith.addf %get3A_574, %mul3A_575 : vector<16xf32>
        %swap3A_577 = arith.constant 1 : i32
        %swap3A_578 = arith.index_cast %swap3A_577 : i32 to index
        %swap3A_579 = arith.constant 0 : index
        %swap3A_580 = tpu.vector_load %arg11[%swap3A_578, %swap3A_579] {strides = array<i32>} : memref<8x128xf32, #tpu.memory_space<vmem>>, vector<16xf32>,
        tpu.vector_store %arg11[%swap3A_578, %swap3A_579], %add3A_576 {strides = array<i32>} : memref<8x128xf32, #tpu.memory_space<vmem>>, vector<16xf32>,
        %get3A_581 = arith.index_cast %add3A_522 : i32 to index
        %get3A_582 = arith.constant 16 : index
        %get3A_583 = tpu.vector_load %arg9[%get3A_581, %get3A_582] {strides = array<i32>} : memref<128x128xf32, #tpu.memory_space<vmem>>, vector<16xf32>,
        %add3A_584 = arith.constant 16 : i32
        %add3A_585 = arith.addi %mul3A_551, %add3A_584 : i32
        %get3A_586 = arith.index_cast %add3A_585 : i32 to index
        %get3A_587 = tpu.vector_load %arg8[%get3A_586] {strides = array<i32>} : memref<16384xf32, #tpu.memory_space<vmem>>, vector<16xf32>,
        %sub3A_588 = arith.subf %get3A_583, %get3A_587 : vector<16xf32>
        %swap3A_589 = arith.index_cast %add3A_522 : i32 to index
        %swap3A_590 = arith.constant 16 : index
        %swap3A_591 = tpu.vector_load %arg9[%swap3A_589, %swap3A_590] {strides = array<i32>} : memref<128x128xf32, #tpu.memory_space<vmem>>, vector<16xf32>,
        tpu.vector_store %arg9[%swap3A_589, %swap3A_590], %sub3A_588 {strides = array<i32>} : memref<128x128xf32, #tpu.memory_space<vmem>>, vector<16xf32>,
        %get3A_592 = arith.constant 0 : i32
        %get3A_593 = arith.index_cast %get3A_592 : i32 to index
        %get3A_594 = arith.constant 16 : index
        %get3A_595 = tpu.vector_load %arg11[%get3A_593, %get3A_594] {strides = array<i32>} : memref<8x128xf32, #tpu.memory_space<vmem>>, vector<16xf32>,
        %add3A_596 = arith.addf %get3A_595, %sub3A_588 : vector<16xf32>
        %swap3A_597 = arith.constant 0 : i32
        %swap3A_598 = arith.index_cast %swap3A_597 : i32 to index
        %swap3A_599 = arith.constant 16 : index
        %swap3A_600 = tpu.vector_load %arg11[%swap3A_598, %swap3A_599] {strides = array<i32>} : memref<8x128xf32, #tpu.memory_space<vmem>>, vector<16xf32>,
        tpu.vector_store %arg11[%swap3A_598, %swap3A_599], %add3A_596 {strides = array<i32>} : memref<8x128xf32, #tpu.memory_space<vmem>>, vector<16xf32>,
        %get3A_601 = arith.constant 1 : i32
        %get3A_602 = arith.index_cast %get3A_601 : i32 to index
        %get3A_603 = arith.constant 16 : index
        %get3A_604 = tpu.vector_load %arg11[%get3A_602, %get3A_603] {strides = array<i32>} : memref<8x128xf32, #tpu.memory_space<vmem>>, vector<16xf32>,
        %mul3A_605 = arith.mulf %sub3A_588, %sub3A_588 : vector<16xf32>
        %add3A_606 = arith.addf %get3A_604, %mul3A_605 : vector<16xf32>
        %swap3A_607 = arith.constant 1 : i32
        %swap3A_608 = arith.index_cast %swap3A_607 : i32 to index
        %swap3A_609 = arith.constant 16 : index
        %swap3A_610 = tpu.vector_load %arg11[%swap3A_608, %swap3A_609] {strides = array<i32>} : memref<8x128xf32, #tpu.memory_space<vmem>>, vector<16xf32>,
        tpu.vector_store %arg11[%swap3A_608, %swap3A_609], %add3A_606 {strides = array<i32>} : memref<8x128xf32, #tpu.memory_space<vmem>>, vector<16xf32>,
        %get3A_611 = arith.index_cast %add3A_522 : i32 to index
        %get3A_612 = arith.constant 32 : index
        %get3A_613 = tpu.vector_load %arg9[%get3A_611, %get3A_612] {strides = array<i32>} : memref<128x128xf32, #tpu.memory_space<vmem>>, vector<16xf32>,
        %add3A_614 = arith.constant 32 : i32
        %add3A_615 = arith.addi %mul3A_551, %add3A_614 : i32
        %get3A_616 = arith.index_cast %add3A_615 : i32 to index
        %get3A_617 = tpu.vector_load %arg8[%get3A_616] {strides = array<i32>} : memref<16384xf32, #tpu.memory_space<vmem>>, vector<16xf32>,
        %sub3A_618 = arith.subf %get3A_613, %get3A_617 : vector<16xf32>
        %swap3A_619 = arith.index_cast %add3A_522 : i32 to index
        %swap3A_620 = arith.constant 32 : index
        %swap3A_621 = tpu.vector_load %arg9[%swap3A_619, %swap3A_620] {strides = array<i32>} : memref<128x128xf32, #tpu.memory_space<vmem>>, vector<16xf32>,
        tpu.vector_store %arg9[%swap3A_619, %swap3A_620], %sub3A_618 {strides = array<i32>} : memref<128x128xf32, #tpu.memory_space<vmem>>, vector<16xf32>,
        %get3A_622 = arith.constant 0 : i32
        %get3A_623 = arith.index_cast %get3A_622 : i32 to index
        %get3A_624 = arith.constant 32 : index
        %get3A_625 = tpu.vector_load %arg11[%get3A_623, %get3A_624] {strides = array<i32>} : memref<8x128xf32, #tpu.memory_space<vmem>>, vector<16xf32>,
        %add3A_626 = arith.addf %get3A_625, %sub3A_618 : vector<16xf32>
        %swap3A_627 = arith.constant 0 : i32
        %swap3A_628 = arith.index_cast %swap3A_627 : i32 to index
        %swap3A_629 = arith.constant 32 : index
        %swap3A_630 = tpu.vector_load %arg11[%swap3A_628, %swap3A_629] {strides = array<i32>} : memref<8x128xf32, #tpu.memory_space<vmem>>, vector<16xf32>,
        tpu.vector_store %arg11[%swap3A_628, %swap3A_629], %add3A_626 {strides = array<i32>} : memref<8x128xf32, #tpu.memory_space<vmem>>, vector<16xf32>,
        %get3A_631 = arith.constant 1 : i32
        %get3A_632 = arith.index_cast %get3A_631 : i32 to index
        %get3A_633 = arith.constant 32 : index
        %get3A_634 = tpu.vector_load %arg11[%get3A_632, %get3A_633] {strides = array<i32>} : memref<8x128xf32, #tpu.memory_space<vmem>>, vector<16xf32>,
        %mul3A_635 = arith.mulf %sub3A_618, %sub3A_618 : vector<16xf32>
        %add3A_636 = arith.addf %get3A_634, %mul3A_635 : vector<16xf32>
        %swap3A_637 = arith.constant 1 : i32
        %swap3A_638 = arith.index_cast %swap3A_637 : i32 to index
        %swap3A_639 = arith.constant 32 : index
        %swap3A_640 = tpu.vector_load %arg11[%swap3A_638, %swap3A_639] {strides = array<i32>} : memref<8x128xf32, #tpu.memory_space<vmem>>, vector<16xf32>,
        tpu.vector_store %arg11[%swap3A_638, %swap3A_639], %add3A_636 {strides = array<i32>} : memref<8x128xf32, #tpu.memory_space<vmem>>, vector<16xf32>,
        %get3A_641 = arith.index_cast %add3A_522 : i32 to index
        %get3A_642 = arith.constant 48 : index
        %get3A_643 = tpu.vector_load %arg9[%get3A_641, %get3A_642] {strides = array<i32>} : memref<128x128xf32, #tpu.memory_space<vmem>>, vector<16xf32>,
        %add3A_644 = arith.constant 48 : i32
        %add3A_645 = arith.addi %mul3A_551, %add3A_644 : i32
        %get3A_646 = arith.index_cast %add3A_645 : i32 to index
        %get3A_647 = tpu.vector_load %arg8[%get3A_646] {strides = array<i32>} : memref<16384xf32, #tpu.memory_space<vmem>>, vector<16xf32>,
        %sub3A_648 = arith.subf %get3A_643, %get3A_647 : vector<16xf32>
        %swap3A_649 = arith.index_cast %add3A_522 : i32 to index
        %swap3A_650 = arith.constant 48 : index
        %swap3A_651 = tpu.vector_load %arg9[%swap3A_649, %swap3A_650] {strides = array<i32>} : memref<128x128xf32, #tpu.memory_space<vmem>>, vector<16xf32>,
        tpu.vector_store %arg9[%swap3A_649, %swap3A_650], %sub3A_648 {strides = array<i32>} : memref<128x128xf32, #tpu.memory_space<vmem>>, vector<16xf32>,
        %get3A_652 = arith.constant 0 : i32
        %get3A_653 = arith.index_cast %get3A_652 : i32 to index
        %get3A_654 = arith.constant 48 : index
        %get3A_655 = tpu.vector_load %arg11[%get3A_653, %get3A_654] {strides = array<i32>} : memref<8x128xf32, #tpu.memory_space<vmem>>, vector<16xf32>,
        %add3A_656 = arith.addf %get3A_655, %sub3A_648 : vector<16xf32>
        %swap3A_657 = arith.constant 0 : i32
        %swap3A_658 = arith.index_cast %swap3A_657 : i32 to index
        %swap3A_659 = arith.constant 48 : index
        %swap3A_660 = tpu.vector_load %arg11[%swap3A_658, %swap3A_659] {strides = array<i32>} : memref<8x128xf32, #tpu.memory_space<vmem>>, vector<16xf32>,
        tpu.vector_store %arg11[%swap3A_658, %swap3A_659], %add3A_656 {strides = array<i32>} : memref<8x128xf32, #tpu.memory_space<vmem>>, vector<16xf32>,
        %get3A_661 = arith.constant 1 : i32
        %get3A_662 = arith.index_cast %get3A_661 : i32 to index
        %get3A_663 = arith.constant 48 : index
        %get3A_664 = tpu.vector_load %arg11[%get3A_662, %get3A_663] {strides = array<i32>} : memref<8x128xf32, #tpu.memory_space<vmem>>, vector<16xf32>,
        %mul3A_665 = arith.mulf %sub3A_648, %sub3A_648 : vector<16xf32>
        %add3A_666 = arith.addf %get3A_664, %mul3A_665 : vector<16xf32>
        %swap3A_667 = arith.constant 1 : i32
        %swap3A_668 = arith.index_cast %swap3A_667 : i32 to index
        %swap3A_669 = arith.constant 48 : index
        %swap3A_670 = tpu.vector_load %arg11[%swap3A_668, %swap3A_669] {strides = array<i32>} : memref<8x128xf32, #tpu.memory_space<vmem>>, vector<16xf32>,
        tpu.vector_store %arg11[%swap3A_668, %swap3A_669], %add3A_666 {strides = array<i32>} : memref<8x128xf32, #tpu.memory_space<vmem>>, vector<16xf32>,
        %mul3A_671 = arith.constant 8 : i32
        %mul3A_672 = arith.muli %scan3A_517, %mul3A_671 : i32
        %add3A_673 = arith.constant 1 : i32
        %add3A_674 = arith.addi %mul3A_672, %add3A_673 : i32
        %mul3A_675 = arith.constant 4 : i32
        %mul3A_676 = arith.muli %add3A_452, %mul3A_675 : i32
        %jit3A_677 = arith.constant 32 : i32
        %div3A_678 = arith.divsi %add3A_674, %jit3A_677 : i32
        %sign3A_679 = arith.constant 0 : i32
        %sign3A_680 = arith.cmpi sgt, %add3A_674, %sign3A_679 : i32
        %sign3A_681 = arith.extui %sign3A_680 : i1 to i32
        %sign3A_682 = arith.constant 0 : i32
        %sign3A_683 = arith.cmpi slt, %add3A_674, %sign3A_682 : i32
        %sign3A_684 = arith.extui %sign3A_683 : i1 to i32
        %sign3A_685 = arith.subi %sign3A_681, %sign3A_684 : i32
        %sign3A_686 = arith.constant 0 : i32
        %sign3A_687 = arith.cmpi sgt, %jit3A_677, %sign3A_686 : i32
        %sign3A_688 = arith.extui %sign3A_687 : i1 to i32
        %sign3A_689 = arith.constant 0 : i32
        %sign3A_690 = arith.cmpi slt, %jit3A_677, %sign3A_689 : i32
        %sign3A_691 = arith.extui %sign3A_690 : i1 to i32
        %sign3A_692 = arith.subi %sign3A_688, %sign3A_691 : i32
        %ne3A_693 = arith.cmpi ne, %sign3A_685, %sign3A_692 : i32
        %rem3A_694 = arith.remsi %add3A_674, %jit3A_677 : i32
        %ne3A_695 = arith.constant 0 : i32
        %ne3A_696 = arith.cmpi ne, %rem3A_694, %ne3A_695 : i32
        %and3A_697 = arith.andi %ne3A_693, %ne3A_696 : i1
        %sub3A_698 = arith.constant 1 : i32
        %sub3A_699 = arith.subi %div3A_678, %sub3A_698 : i32
        %select_n3A_700 = arith.select %and3A_697, %sub3A_699, %div3A_678 : i32
        %add3A_701 = arith.addi %mul3A_676, %select_n3A_700 : i32
        %mul3A_702 = arith.constant 64 : i32
        %mul3A_703 = arith.muli %add3A_701, %mul3A_702 : i32
        %get3A_704 = arith.index_cast %add3A_674 : i32 to index
        %get3A_705 = arith.constant 0 : index
        %get3A_706 = tpu.vector_load %arg9[%get3A_704, %get3A_705] {strides = array<i32>} : memref<128x128xf32, #tpu.memory_space<vmem>>, vector<16xf32>,
        %add3A_707 = arith.constant 0 : i32
        %add3A_708 = arith.addi %mul3A_703, %add3A_707 : i32
        %get3A_709 = arith.index_cast %add3A_708 : i32 to index
        %get3A_710 = tpu.vector_load %arg8[%get3A_709] {strides = array<i32>} : memref<16384xf32, #tpu.memory_space<vmem>>, vector<16xf32>,
        %sub3A_711 = arith.subf %get3A_706, %get3A_710 : vector<16xf32>
        %swap3A_712 = arith.index_cast %add3A_674 : i32 to index
        %swap3A_713 = arith.constant 0 : index
        %swap3A_714 = tpu.vector_load %arg9[%swap3A_712, %swap3A_713] {strides = array<i32>} : memref<128x128xf32, #tpu.memory_space<vmem>>, vector<16xf32>,
        tpu.vector_store %arg9[%swap3A_712, %swap3A_713], %sub3A_711 {strides = array<i32>} : memref<128x128xf32, #tpu.memory_space<vmem>>, vector<16xf32>,
        %get3A_715 = arith.constant 0 : i32
        %get3A_716 = arith.index_cast %get3A_715 : i32 to index
        %get3A_717 = arith.constant 0 : index
        %get3A_718 = tpu.vector_load %arg11[%get3A_716, %get3A_717] {strides = array<i32>} : memref<8x128xf32, #tpu.memory_space<vmem>>, vector<16xf32>,
        %add3A_719 = arith.addf %get3A_718, %sub3A_711 : vector<16xf32>
        %swap3A_720 = arith.constant 0 : i32
        %swap3A_721 = arith.index_cast %swap3A_720 : i32 to index
        %swap3A_722 = arith.constant 0 : index
        %swap3A_723 = tpu.vector_load %arg11[%swap3A_721, %swap3A_722] {strides = array<i32>} : memref<8x128xf32, #tpu.memory_space<vmem>>, vector<16xf32>,
        tpu.vector_store %arg11[%swap3A_721, %swap3A_722], %add3A_719 {strides = array<i32>} : memref<8x128xf32, #tpu.memory_space<vmem>>, vector<16xf32>,
        %get3A_724 = arith.constant 1 : i32
        %get3A_725 = arith.index_cast %get3A_724 : i32 to index
        %get3A_726 = arith.constant 0 : index
        %get3A_727 = tpu.vector_load %arg11[%get3A_725, %get3A_726] {strides = array<i32>} : memref<8x128xf32, #tpu.memory_space<vmem>>, vector<16xf32>,
        %mul3A_728 = arith.mulf %sub3A_711, %sub3A_711 : vector<16xf32>
        %add3A_729 = arith.addf %get3A_727, %mul3A_728 : vector<16xf32>
        %swap3A_730 = arith.constant 1 : i32
        %swap3A_731 = arith.index_cast %swap3A_730 : i32 to index
        %swap3A_732 = arith.constant 0 : index
        %swap3A_733 = tpu.vector_load %arg11[%swap3A_731, %swap3A_732] {strides = array<i32>} : memref<8x128xf32, #tpu.memory_space<vmem>>, vector<16xf32>,
        tpu.vector_store %arg11[%swap3A_731, %swap3A_732], %add3A_729 {strides = array<i32>} : memref<8x128xf32, #tpu.memory_space<vmem>>, vector<16xf32>,
        %get3A_734 = arith.index_cast %add3A_674 : i32 to index
        %get3A_735 = arith.constant 16 : index
        %get3A_736 = tpu.vector_load %arg9[%get3A_734, %get3A_735] {strides = array<i32>} : memref<128x128xf32, #tpu.memory_space<vmem>>, vector<16xf32>,
        %add3A_737 = arith.constant 16 : i32
        %add3A_738 = arith.addi %mul3A_703, %add3A_737 : i32
        %get3A_739 = arith.index_cast %add3A_738 : i32 to index
        %get3A_740 = tpu.vector_load %arg8[%get3A_739] {strides = array<i32>} : memref<16384xf32, #tpu.memory_space<vmem>>, vector<16xf32>,
        %sub3A_741 = arith.subf %get3A_736, %get3A_740 : vector<16xf32>
        %swap3A_742 = arith.index_cast %add3A_674 : i32 to index
        %swap3A_743 = arith.constant 16 : index
        %swap3A_744 = tpu.vector_load %arg9[%swap3A_742, %swap3A_743] {strides = array<i32>} : memref<128x128xf32, #tpu.memory_space<vmem>>, vector<16xf32>,
        tpu.vector_store %arg9[%swap3A_742, %swap3A_743], %sub3A_741 {strides = array<i32>} : memref<128x128xf32, #tpu.memory_space<vmem>>, vector<16xf32>,
        %get3A_745 = arith.constant 0 : i32
        %get3A_746 = arith.index_cast %get3A_745 : i32 to index
        %get3A_747 = arith.constant 16 : index
        %get3A_748 = tpu.vector_load %arg11[%get3A_746, %get3A_747] {strides = array<i32>} : memref<8x128xf32, #tpu.memory_space<vmem>>, vector<16xf32>,
        %add3A_749 = arith.addf %get3A_748, %sub3A_741 : vector<16xf32>
        %swap3A_750 = arith.constant 0 : i32
        %swap3A_751 = arith.index_cast %swap3A_750 : i32 to index
        %swap3A_752 = arith.constant 16 : index
        %swap3A_753 = tpu.vector_load %arg11[%swap3A_751, %swap3A_752] {strides = array<i32>} : memref<8x128xf32, #tpu.memory_space<vmem>>, vector<16xf32>,
        tpu.vector_store %arg11[%swap3A_751, %swap3A_752], %add3A_749 {strides = array<i32>} : memref<8x128xf32, #tpu.memory_space<vmem>>, vector<16xf32>,
        %get3A_754 = arith.constant 1 : i32
        %get3A_755 = arith.index_cast %get3A_754 : i32 to index
        %get3A_756 = arith.constant 16 : index
        %get3A_757 = tpu.vector_load %arg11[%get3A_755, %get3A_756] {strides = array<i32>} : memref<8x128xf32, #tpu.memory_space<vmem>>, vector<16xf32>,
        %mul3A_758 = arith.mulf %sub3A_741, %sub3A_741 : vector<16xf32>
        %add3A_759 = arith.addf %get3A_757, %mul3A_758 : vector<16xf32>
        %swap3A_760 = arith.constant 1 : i32
        %swap3A_761 = arith.index_cast %swap3A_760 : i32 to index
        %swap3A_762 = arith.constant 16 : index
        %swap3A_763 = tpu.vector_load %arg11[%swap3A_761, %swap3A_762] {strides = array<i32>} : memref<8x128xf32, #tpu.memory_space<vmem>>, vector<16xf32>,
        tpu.vector_store %arg11[%swap3A_761, %swap3A_762], %add3A_759 {strides = array<i32>} : memref<8x128xf32, #tpu.memory_space<vmem>>, vector<16xf32>,
        %get3A_764 = arith.index_cast %add3A_674 : i32 to index
        %get3A_765 = arith.constant 32 : index
        %get3A_766 = tpu.vector_load %arg9[%get3A_764, %get3A_765] {strides = array<i32>} : memref<128x128xf32, #tpu.memory_space<vmem>>, vector<16xf32>,
        %add3A_767 = arith.constant 32 : i32
        %add3A_768 = arith.addi %mul3A_703, %add3A_767 : i32
        %get3A_769 = arith.index_cast %add3A_768 : i32 to index
        %get3A_770 = tpu.vector_load %arg8[%get3A_769] {strides = array<i32>} : memref<16384xf32, #tpu.memory_space<vmem>>, vector<16xf32>,
        %sub3A_771 = arith.subf %get3A_766, %get3A_770 : vector<16xf32>
        %swap3A_772 = arith.index_cast %add3A_674 : i32 to index
        %swap3A_773 = arith.constant 32 : index
        %swap3A_774 = tpu.vector_load %arg9[%swap3A_772, %swap3A_773] {strides = array<i32>} : memref<128x128xf32, #tpu.memory_space<vmem>>, vector<16xf32>,
        tpu.vector_store %arg9[%swap3A_772, %swap3A_773], %sub3A_771 {strides = array<i32>} : memref<128x128xf32, #tpu.memory_space<vmem>>, vector<16xf32>,
        %get3A_775 = arith.constant 0 : i32
        %get3A_776 = arith.index_cast %get3A_775 : i32 to index
        %get3A_777 = arith.constant 32 : index
        %get3A_778 = tpu.vector_load %arg11[%get3A_776, %get3A_777] {strides = array<i32>} : memref<8x128xf32, #tpu.memory_space<vmem>>, vector<16xf32>,
        %add3A_779 = arith.addf %get3A_778, %sub3A_771 : vector<16xf32>
        %swap3A_780 = arith.constant 0 : i32
        %swap3A_781 = arith.index_cast %swap3A_780 : i32 to index
        %swap3A_782 = arith.constant 32 : index
        %swap3A_783 = tpu.vector_load %arg11[%swap3A_781, %swap3A_782] {strides = array<i32>} : memref<8x128xf32, #tpu.memory_space<vmem>>, vector<16xf32>,
        tpu.vector_store %arg11[%swap3A_781, %swap3A_782], %add3A_779 {strides = array<i32>} : memref<8x128xf32, #tpu.memory_space<vmem>>, vector<16xf32>,
        %get3A_784 = arith.constant 1 : i32
        %get3A_785 = arith.index_cast %get3A_784 : i32 to index
        %get3A_786 = arith.constant 32 : index
        %get3A_787 = tpu.vector_load %arg11[%get3A_785, %get3A_786] {strides = array<i32>} : memref<8x128xf32, #tpu.memory_space<vmem>>, vector<16xf32>,
        %mul3A_788 = arith.mulf %sub3A_771, %sub3A_771 : vector<16xf32>
        %add3A_789 = arith.addf %get3A_787, %mul3A_788 : vector<16xf32>
        %swap3A_790 = arith.constant 1 : i32
        %swap3A_791 = arith.index_cast %swap3A_790 : i32 to index
        %swap3A_792 = arith.constant 32 : index
        %swap3A_793 = tpu.vector_load %arg11[%swap3A_791, %swap3A_792] {strides = array<i32>} : memref<8x128xf32, #tpu.memory_space<vmem>>, vector<16xf32>,
        tpu.vector_store %arg11[%swap3A_791, %swap3A_792], %add3A_789 {strides = array<i32>} : memref<8x128xf32, #tpu.memory_space<vmem>>, vector<16xf32>,
        %get3A_794 = arith.index_cast %add3A_674 : i32 to index
        %get3A_795 = arith.constant 48 : index
        %get3A_796 = tpu.vector_load %arg9[%get3A_794, %get3A_795] {strides = array<i32>} : memref<128x128xf32, #tpu.memory_space<vmem>>, vector<16xf32>,
        %add3A_797 = arith.constant 48 : i32
        %add3A_798 = arith.addi %mul3A_703, %add3A_797 : i32
        %get3A_799 = arith.index_cast %add3A_798 : i32 to index
        %get3A_800 = tpu.vector_load %arg8[%get3A_799] {strides = array<i32>} : memref<16384xf32, #tpu.memory_space<vmem>>, vector<16xf32>,
        %sub3A_801 = arith.subf %get3A_796, %get3A_800 : vector<16xf32>
        %swap3A_802 = arith.index_cast %add3A_674 : i32 to index
        %swap3A_803 = arith.constant 48 : index
        %swap3A_804 = tpu.vector_load %arg9[%swap3A_802, %swap3A_803] {strides = array<i32>} : memref<128x128xf32, #tpu.memory_space<vmem>>, vector<16xf32>,
        tpu.vector_store %arg9[%swap3A_802, %swap3A_803], %sub3A_801 {strides = array<i32>} : memref<128x128xf32, #tpu.memory_space<vmem>>, vector<16xf32>,
        %get3A_805 = arith.constant 0 : i32
        %get3A_806 = arith.index_cast %get3A_805 : i32 to index
        %get3A_807 = arith.constant 48 : index
        %get3A_808 = tpu.vector_load %arg11[%get3A_806, %get3A_807] {strides = array<i32>} : memref<8x128xf32, #tpu.memory_space<vmem>>, vector<16xf32>,
        %add3A_809 = arith.addf %get3A_808, %sub3A_801 : vector<16xf32>
        %swap3A_810 = arith.constant 0 : i32
        %swap3A_811 = arith.index_cast %swap3A_810 : i32 to index
        %swap3A_812 = arith.constant 48 : index
        %swap3A_813 = tpu.vector_load %arg11[%swap3A_811, %swap3A_812] {strides = array<i32>} : memref<8x128xf32, #tpu.memory_space<vmem>>, vector<16xf32>,
        tpu.vector_store %arg11[%swap3A_811, %swap3A_812], %add3A_809 {strides = array<i32>} : memref<8x128xf32, #tpu.memory_space<vmem>>, vector<16xf32>,
        %get3A_814 = arith.constant 1 : i32
        %get3A_815 = arith.index_cast %get3A_814 : i32 to index
        %get3A_816 = arith.constant 48 : index
        %get3A_817 = tpu.vector_load %arg11[%get3A_815, %get3A_816] {strides = array<i32>} : memref<8x128xf32, #tpu.memory_space<vmem>>, vector<16xf32>,
        %mul3A_818 = arith.mulf %sub3A_801, %sub3A_801 : vector<16xf32>
        %add3A_819 = arith.addf %get3A_817, %mul3A_818 : vector<16xf32>
        %swap3A_820 = arith.constant 1 : i32
        %swap3A_821 = arith.index_cast %swap3A_820 : i32 to index
        %swap3A_822 = arith.constant 48 : index
        %swap3A_823 = tpu.vector_load %arg11[%swap3A_821, %swap3A_822] {strides = array<i32>} : memref<8x128xf32, #tpu.memory_space<vmem>>, vector<16xf32>,
        tpu.vector_store %arg11[%swap3A_821, %swap3A_822], %add3A_819 {strides = array<i32>} : memref<8x128xf32, #tpu.memory_space<vmem>>, vector<16xf32>,
        %mul3A_824 = arith.constant 8 : i32
        %mul3A_825 = arith.muli %scan3A_517, %mul3A_824 : i32
        %add3A_826 = arith.constant 2 : i32
        %add3A_827 = arith.addi %mul3A_825, %add3A_826 : i32
        %mul3A_828 = arith.constant 4 : i32
        %mul3A_829 = arith.muli %add3A_452, %mul3A_828 : i32
        %jit3A_830 = arith.constant 32 : i32
        %div3A_831 = arith.divsi %add3A_827, %jit3A_830 : i32
        %sign3A_832 = arith.constant 0 : i32
        %sign3A_833 = arith.cmpi sgt, %add3A_827, %sign3A_832 : i32
        %sign3A_834 = arith.extui %sign3A_833 : i1 to i32
        %sign3A_835 = arith.constant 0 : i32
        %sign3A_836 = arith.cmpi slt, %add3A_827, %sign3A_835 : i32
        %sign3A_837 = arith.extui %sign3A_836 : i1 to i32
        %sign3A_838 = arith.subi %sign3A_834, %sign3A_837 : i32
        %sign3A_839 = arith.constant 0 : i32
        %sign3A_840 = arith.cmpi sgt, %jit3A_830, %sign3A_839 : i32
        %sign3A_841 = arith.extui %sign3A_840 : i1 to i32
        %sign3A_842 = arith.constant 0 : i32
        %sign3A_843 = arith.cmpi slt, %jit3A_830, %sign3A_842 : i32
        %sign3A_844 = arith.extui %sign3A_843 : i1 to i32
        %sign3A_845 = arith.subi %sign3A_841, %sign3A_844 : i32
        %ne3A_846 = arith.cmpi ne, %sign3A_838, %sign3A_845 : i32
        %rem3A_847 = arith.remsi %add3A_827, %jit3A_830 : i32
        %ne3A_848 = arith.constant 0 : i32
        %ne3A_849 = arith.cmpi ne, %rem3A_847, %ne3A_848 : i32
        %and3A_850 = arith.andi %ne3A_846, %ne3A_849 : i1
        %sub3A_851 = arith.constant 1 : i32
        %sub3A_852 = arith.subi %div3A_831, %sub3A_851 : i32
        %select_n3A_853 = arith.select %and3A_850, %sub3A_852, %div3A_831 : i32
        %add3A_854 = arith.addi %mul3A_829, %select_n3A_853 : i32
        %mul3A_855 = arith.constant 64 : i32
        %mul3A_856 = arith.muli %add3A_854, %mul3A_855 : i32
        %get3A_857 = arith.index_cast %add3A_827 : i32 to index
        %get3A_858 = arith.constant 0 : index
        %get3A_859 = tpu.vector_load %arg9[%get3A_857, %get3A_858] {strides = array<i32>} : memref<128x128xf32, #tpu.memory_space<vmem>>, vector<16xf32>,
        %add3A_860 = arith.constant 0 : i32
        %add3A_861 = arith.addi %mul3A_856, %add3A_860 : i32
        %get3A_862 = arith.index_cast %add3A_861 : i32 to index
        %get3A_863 = tpu.vector_load %arg8[%get3A_862] {strides = array<i32>} : memref<16384xf32, #tpu.memory_space<vmem>>, vector<16xf32>,
        %sub3A_864 = arith.subf %get3A_859, %get3A_863 : vector<16xf32>
        %swap3A_865 = arith.index_cast %add3A_827 : i32 to index
        %swap3A_866 = arith.constant 0 : index
        %swap3A_867 = tpu.vector_load %arg9[%swap3A_865, %swap3A_866] {strides = array<i32>} : memref<128x128xf32, #tpu.memory_space<vmem>>, vector<16xf32>,
        tpu.vector_store %arg9[%swap3A_865, %swap3A_866], %sub3A_864 {strides = array<i32>} : memref<128x128xf32, #tpu.memory_space<vmem>>, vector<16xf32>,
        %get3A_868 = arith.constant 0 : i32
        %get3A_869 = arith.index_cast %get3A_868 : i32 to index
        %get3A_870 = arith.constant 0 : index
        %get3A_871 = tpu.vector_load %arg11[%get3A_869, %get3A_870] {strides = array<i32>} : memref<8x128xf32, #tpu.memory_space<vmem>>, vector<16xf32>,
        %add3A_872 = arith.addf %get3A_871, %sub3A_864 : vector<16xf32>
        %swap3A_873 = arith.constant 0 : i32
        %swap3A_874 = arith.index_cast %swap3A_873 : i32 to index
        %swap3A_875 = arith.constant 0 : index
        %swap3A_876 = tpu.vector_load %arg11[%swap3A_874, %swap3A_875] {strides = array<i32>} : memref<8x128xf32, #tpu.memory_space<vmem>>, vector<16xf32>,
        tpu.vector_store %arg11[%swap3A_874, %swap3A_875], %add3A_872 {strides = array<i32>} : memref<8x128xf32, #tpu.memory_space<vmem>>, vector<16xf32>,
        %get3A_877 = arith.constant 1 : i32
        %get3A_878 = arith.index_cast %get3A_877 : i32 to index
        %get3A_879 = arith.constant 0 : index
        %get3A_880 = tpu.vector_load %arg11[%get3A_878, %get3A_879] {strides = array<i32>} : memref<8x128xf32, #tpu.memory_space<vmem>>, vector<16xf32>,
        %mul3A_881 = arith.mulf %sub3A_864, %sub3A_864 : vector<16xf32>
        %add3A_882 = arith.addf %get3A_880, %mul3A_881 : vector<16xf32>
        %swap3A_883 = arith.constant 1 : i32
        %swap3A_884 = arith.index_cast %swap3A_883 : i32 to index
        %swap3A_885 = arith.constant 0 : index
        %swap3A_886 = tpu.vector_load %arg11[%swap3A_884, %swap3A_885] {strides = array<i32>} : memref<8x128xf32, #tpu.memory_space<vmem>>, vector<16xf32>,
        tpu.vector_store %arg11[%swap3A_884, %swap3A_885], %add3A_882 {strides = array<i32>} : memref<8x128xf32, #tpu.memory_space<vmem>>, vector<16xf32>,
        %get3A_887 = arith.index_cast %add3A_827 : i32 to index
        %get3A_888 = arith.constant 16 : index
        %get3A_889 = tpu.vector_load %arg9[%get3A_887, %get3A_888] {strides = array<i32>} : memref<128x128xf32, #tpu.memory_space<vmem>>, vector<16xf32>,
        %add3A_890 = arith.constant 16 : i32
        %add3A_891 = arith.addi %mul3A_856, %add3A_890 : i32
        %get3A_892 = arith.index_cast %add3A_891 : i32 to index
        %get3A_893 = tpu.vector_load %arg8[%get3A_892] {strides = array<i32>} : memref<16384xf32, #tpu.memory_space<vmem>>, vector<16xf32>,
        %sub3A_894 = arith.subf %get3A_889, %get3A_893 : vector<16xf32>
        %swap3A_895 = arith.index_cast %add3A_827 : i32 to index
        %swap3A_896 = arith.constant 16 : index
        %swap3A_897 = tpu.vector_load %arg9[%swap3A_895, %swap3A_896] {strides = array<i32>} : memref<128x128xf32, #tpu.memory_space<vmem>>, vector<16xf32>,
        tpu.vector_store %arg9[%swap3A_895, %swap3A_896], %sub3A_894 {strides = array<i32>} : memref<128x128xf32, #tpu.memory_space<vmem>>, vector<16xf32>,
        %get3A_898 = arith.constant 0 : i32
        %get3A_899 = arith.index_cast %get3A_898 : i32 to index
        %get3A_900 = arith.constant 16 : index
        %get3A_901 = tpu.vector_load %arg11[%get3A_899, %get3A_900] {strides = array<i32>} : memref<8x128xf32, #tpu.memory_space<vmem>>, vector<16xf32>,
        %add3A_902 = arith.addf %get3A_901, %sub3A_894 : vector<16xf32>
        %swap3A_903 = arith.constant 0 : i32
        %swap3A_904 = arith.index_cast %swap3A_903 : i32 to index
        %swap3A_905 = arith.constant 16 : index
        %swap3A_906 = tpu.vector_load %arg11[%swap3A_904, %swap3A_905] {strides = array<i32>} : memref<8x128xf32, #tpu.memory_space<vmem>>, vector<16xf32>,
        tpu.vector_store %arg11[%swap3A_904, %swap3A_905], %add3A_902 {strides = array<i32>} : memref<8x128xf32, #tpu.memory_space<vmem>>, vector<16xf32>,
        %get3A_907 = arith.constant 1 : i32
        %get3A_908 = arith.index_cast %get3A_907 : i32 to index
        %get3A_909 = arith.constant 16 : index
        %get3A_910 = tpu.vector_load %arg11[%get3A_908, %get3A_909] {strides = array<i32>} : memref<8x128xf32, #tpu.memory_space<vmem>>, vector<16xf32>,
        %mul3A_911 = arith.mulf %sub3A_894, %sub3A_894 : vector<16xf32>
        %add3A_912 = arith.addf %get3A_910, %mul3A_911 : vector<16xf32>
        %swap3A_913 = arith.constant 1 : i32
        %swap3A_914 = arith.index_cast %swap3A_913 : i32 to index
        %swap3A_915 = arith.constant 16 : index
        %swap3A_916 = tpu.vector_load %arg11[%swap3A_914, %swap3A_915] {strides = array<i32>} : memref<8x128xf32, #tpu.memory_space<vmem>>, vector<16xf32>,
        tpu.vector_store %arg11[%swap3A_914, %swap3A_915], %add3A_912 {strides = array<i32>} : memref<8x128xf32, #tpu.memory_space<vmem>>, vector<16xf32>,
        %get3A_917 = arith.index_cast %add3A_827 : i32 to index
        %get3A_918 = arith.constant 32 : index
        %get3A_919 = tpu.vector_load %arg9[%get3A_917, %get3A_918] {strides = array<i32>} : memref<128x128xf32, #tpu.memory_space<vmem>>, vector<16xf32>,
        %add3A_920 = arith.constant 32 : i32
        %add3A_921 = arith.addi %mul3A_856, %add3A_920 : i32
        %get3A_922 = arith.index_cast %add3A_921 : i32 to index
        %get3A_923 = tpu.vector_load %arg8[%get3A_922] {strides = array<i32>} : memref<16384xf32, #tpu.memory_space<vmem>>, vector<16xf32>,
        %sub3A_924 = arith.subf %get3A_919, %get3A_923 : vector<16xf32>
        %swap3A_925 = arith.index_cast %add3A_827 : i32 to index
        %swap3A_926 = arith.constant 32 : index
        %swap3A_927 = tpu.vector_load %arg9[%swap3A_925, %swap3A_926] {strides = array<i32>} : memref<128x128xf32, #tpu.memory_space<vmem>>, vector<16xf32>,
        tpu.vector_store %arg9[%swap3A_925, %swap3A_926], %sub3A_924 {strides = array<i32>} : memref<128x128xf32, #tpu.memory_space<vmem>>, vector<16xf32>,
        %get3A_928 = arith.constant 0 : i32
        %get3A_929 = arith.index_cast %get3A_928 : i32 to index
        %get3A_930 = arith.constant 32 : index
        %get3A_931 = tpu.vector_load %arg11[%get3A_929, %get3A_930] {strides = array<i32>} : memref<8x128xf32, #tpu.memory_space<vmem>>, vector<16xf32>,
        %add3A_932 = arith.addf %get3A_931, %sub3A_924 : vector<16xf32>
        %swap3A_933 = arith.constant 0 : i32
        %swap3A_934 = arith.index_cast %swap3A_933 : i32 to index
        %swap3A_935 = arith.constant 32 : index
        %swap3A_936 = tpu.vector_load %arg11[%swap3A_934, %swap3A_935] {strides = array<i32>} : memref<8x128xf32, #tpu.memory_space<vmem>>, vector<16xf32>,
        tpu.vector_store %arg11[%swap3A_934, %swap3A_935], %add3A_932 {strides = array<i32>} : memref<8x128xf32, #tpu.memory_space<vmem>>, vector<16xf32>,
        %get3A_937 = arith.constant 1 : i32
        %get3A_938 = arith.index_cast %get3A_937 : i32 to index
        %get3A_939 = arith.constant 32 : index
        %get3A_940 = tpu.vector_load %arg11[%get3A_938, %get3A_939] {strides = array<i32>} : memref<8x128xf32, #tpu.memory_space<vmem>>, vector<16xf32>,
        %mul3A_941 = arith.mulf %sub3A_924, %sub3A_924 : vector<16xf32>
        %add3A_942 = arith.addf %get3A_940, %mul3A_941 : vector<16xf32>
        %swap3A_943 = arith.constant 1 : i32
        %swap3A_944 = arith.index_cast %swap3A_943 : i32 to index
        %swap3A_945 = arith.constant 32 : index
        %swap3A_946 = tpu.vector_load %arg11[%swap3A_944, %swap3A_945] {strides = array<i32>} : memref<8x128xf32, #tpu.memory_space<vmem>>, vector<16xf32>,
        tpu.vector_store %arg11[%swap3A_944, %swap3A_945], %add3A_942 {strides = array<i32>} : memref<8x128xf32, #tpu.memory_space<vmem>>, vector<16xf32>,
        %get3A_947 = arith.index_cast %add3A_827 : i32 to index
        %get3A_948 = arith.constant 48 : index
        %get3A_949 = tpu.vector_load %arg9[%get3A_947, %get3A_948] {strides = array<i32>} : memref<128x128xf32, #tpu.memory_space<vmem>>, vector<16xf32>,
        %add3A_950 = arith.constant 48 : i32
        %add3A_951 = arith.addi %mul3A_856, %add3A_950 : i32
        %get3A_952 = arith.index_cast %add3A_951 : i32 to index
        %get3A_953 = tpu.vector_load %arg8[%get3A_952] {strides = array<i32>} : memref<16384xf32, #tpu.memory_space<vmem>>, vector<16xf32>,
        %sub3A_954 = arith.subf %get3A_949, %get3A_953 : vector<16xf32>
        %swap3A_955 = arith.index_cast %add3A_827 : i32 to index
        %swap3A_956 = arith.constant 48 : index
        %swap3A_957 = tpu.vector_load %arg9[%swap3A_955, %swap3A_956] {strides = array<i32>} : memref<128x128xf32, #tpu.memory_space<vmem>>, vector<16xf32>,
        tpu.vector_store %arg9[%swap3A_955, %swap3A_956], %sub3A_954 {strides = array<i32>} : memref<128x128xf32, #tpu.memory_space<vmem>>, vector<16xf32>,
        %get3A_958 = arith.constant 0 : i32
        %get3A_959 = arith.index_cast %get3A_958 : i32 to index
        %get3A_960 = arith.constant 48 : index
        %get3A_961 = tpu.vector_load %arg11[%get3A_959, %get3A_960] {strides = array<i32>} : memref<8x128xf32, #tpu.memory_space<vmem>>, vector<16xf32>,
        %add3A_962 = arith.addf %get3A_961, %sub3A_954 : vector<16xf32>
        %swap3A_963 = arith.constant 0 : i32
        %swap3A_964 = arith.index_cast %swap3A_963 : i32 to index
        %swap3A_965 = arith.constant 48 : index
        %swap3A_966 = tpu.vector_load %arg11[%swap3A_964, %swap3A_965] {strides = array<i32>} : memref<8x128xf32, #tpu.memory_space<vmem>>, vector<16xf32>,
        tpu.vector_store %arg11[%swap3A_964, %swap3A_965], %add3A_962 {strides = array<i32>} : memref<8x128xf32, #tpu.memory_space<vmem>>, vector<16xf32>,
        %get3A_967 = arith.constant 1 : i32
        %get3A_968 = arith.index_cast %get3A_967 : i32 to index
        %get3A_969 = arith.constant 48 : index
        %get3A_970 = tpu.vector_load %arg11[%get3A_968, %get3A_969] {strides = array<i32>} : memref<8x128xf32, #tpu.memory_space<vmem>>, vector<16xf32>,
        %mul3A_971 = arith.mulf %sub3A_954, %sub3A_954 : vector<16xf32>
        %add3A_972 = arith.addf %get3A_970, %mul3A_971 : vector<16xf32>
        %swap3A_973 = arith.constant 1 : i32
        %swap3A_974 = arith.index_cast %swap3A_973 : i32 to index
        %swap3A_975 = arith.constant 48 : index
        %swap3A_976 = tpu.vector_load %arg11[%swap3A_974, %swap3A_975] {strides = array<i32>} : memref<8x128xf32, #tpu.memory_space<vmem>>, vector<16xf32>,
        tpu.vector_store %arg11[%swap3A_974, %swap3A_975], %add3A_972 {strides = array<i32>} : memref<8x128xf32, #tpu.memory_space<vmem>>, vector<16xf32>,
        %mul3A_977 = arith.constant 8 : i32
        %mul3A_978 = arith.muli %scan3A_517, %mul3A_977 : i32
        %add3A_979 = arith.constant 3 : i32
        %add3A_980 = arith.addi %mul3A_978, %add3A_979 : i32
        %mul3A_981 = arith.constant 4 : i32
        %mul3A_982 = arith.muli %add3A_452, %mul3A_981 : i32
        %jit3A_983 = arith.constant 32 : i32
        %div3A_984 = arith.divsi %add3A_980, %jit3A_983 : i32
        %sign3A_985 = arith.constant 0 : i32
        %sign3A_986 = arith.cmpi sgt, %add3A_980, %sign3A_985 : i32
        %sign3A_987 = arith.extui %sign3A_986 : i1 to i32
        %sign3A_988 = arith.constant 0 : i32
        %sign3A_989 = arith.cmpi slt, %add3A_980, %sign3A_988 : i32
        %sign3A_990 = arith.extui %sign3A_989 : i1 to i32
        %sign3A_991 = arith.subi %sign3A_987, %sign3A_990 : i32
        %sign3A_992 = arith.constant 0 : i32
        %sign3A_993 = arith.cmpi sgt, %jit3A_983, %sign3A_992 : i32
        %sign3A_994 = arith.extui %sign3A_993 : i1 to i32
        %sign3A_995 = arith.constant 0 : i32
        %sign3A_996 = arith.cmpi slt, %jit3A_983, %sign3A_995 : i32
        %sign3A_997 = arith.extui %sign3A_996 : i1 to i32
        %sign3A_998 = arith.subi %sign3A_994, %sign3A_997 : i32
        %ne3A_999 = arith.cmpi ne, %sign3A_991, %sign3A_998 : i32
        %rem3A_1000 = arith.remsi %add3A_980, %jit3A_983 : i32
        %ne3A_1001 = arith.constant 0 : i32
        %ne3A_1002 = arith.cmpi ne, %rem3A_1000, %ne3A_1001 : i32
        %and3A_1003 = arith.andi %ne3A_999, %ne3A_1002 : i1
        %sub3A_1004 = arith.constant 1 : i32
        %sub3A_1005 = arith.subi %div3A_984, %sub3A_1004 : i32
        %select_n3A_1006 = arith.select %and3A_1003, %sub3A_1005, %div3A_984 : i32
        %add3A_1007 = arith.addi %mul3A_982, %select_n3A_1006 : i32
        %mul3A_1008 = arith.constant 64 : i32
        %mul3A_1009 = arith.muli %add3A_1007, %mul3A_1008 : i32
        %get3A_1010 = arith.index_cast %add3A_980 : i32 to index
        %get3A_1011 = arith.constant 0 : index
        %get3A_1012 = tpu.vector_load %arg9[%get3A_1010, %get3A_1011] {strides = array<i32>} : memref<128x128xf32, #tpu.memory_space<vmem>>, vector<16xf32>,
        %add3A_1013 = arith.constant 0 : i32
        %add3A_1014 = arith.addi %mul3A_1009, %add3A_1013 : i32
        %get3A_1015 = arith.index_cast %add3A_1014 : i32 to index
        %get3A_1016 = tpu.vector_load %arg8[%get3A_1015] {strides = array<i32>} : memref<16384xf32, #tpu.memory_space<vmem>>, vector<16xf32>,
        %sub3A_1017 = arith.subf %get3A_1012, %get3A_1016 : vector<16xf32>
        %swap3A_1018 = arith.index_cast %add3A_980 : i32 to index
        %swap3A_1019 = arith.constant 0 : index
        %swap3A_1020 = tpu.vector_load %arg9[%swap3A_1018, %swap3A_1019] {strides = array<i32>} : memref<128x128xf32, #tpu.memory_space<vmem>>, vector<16xf32>,
        tpu.vector_store %arg9[%swap3A_1018, %swap3A_1019], %sub3A_1017 {strides = array<i32>} : memref<128x128xf32, #tpu.memory_space<vmem>>, vector<16xf32>,
        %get3A_1021 = arith.constant 0 : i32
        %get3A_1022 = arith.index_cast %get3A_1021 : i32 to index
        %get3A_1023 = arith.constant 0 : index
        %get3A_1024 = tpu.vector_load %arg11[%get3A_1022, %get3A_1023] {strides = array<i32>} : memref<8x128xf32, #tpu.memory_space<vmem>>, vector<16xf32>,
        %add3A_1025 = arith.addf %get3A_1024, %sub3A_1017 : vector<16xf32>
        %swap3A_1026 = arith.constant 0 : i32
        %swap3A_1027 = arith.index_cast %swap3A_1026 : i32 to index
        %swap3A_1028 = arith.constant 0 : index
        %swap3A_1029 = tpu.vector_load %arg11[%swap3A_1027, %swap3A_1028] {strides = array<i32>} : memref<8x128xf32, #tpu.memory_space<vmem>>, vector<16xf32>,
        tpu.vector_store %arg11[%swap3A_1027, %swap3A_1028], %add3A_1025 {strides = array<i32>} : memref<8x128xf32, #tpu.memory_space<vmem>>, vector<16xf32>,
        %get3A_1030 = arith.constant 1 : i32
        %get3A_1031 = arith.index_cast %get3A_1030 : i32 to index
        %get3A_1032 = arith.constant 0 : index
        %get3A_1033 = tpu.vector_load %arg11[%get3A_1031, %get3A_1032] {strides = array<i32>} : memref<8x128xf32, #tpu.memory_space<vmem>>, vector<16xf32>,
        %mul3A_1034 = arith.mulf %sub3A_1017, %sub3A_1017 : vector<16xf32>
        %add3A_1035 = arith.addf %get3A_1033, %mul3A_1034 : vector<16xf32>
        %swap3A_1036 = arith.constant 1 : i32
        %swap3A_1037 = arith.index_cast %swap3A_1036 : i32 to index
        %swap3A_1038 = arith.constant 0 : index
        %swap3A_1039 = tpu.vector_load %arg11[%swap3A_1037, %swap3A_1038] {strides = array<i32>} : memref<8x128xf32, #tpu.memory_space<vmem>>, vector<16xf32>,
        tpu.vector_store %arg11[%swap3A_1037, %swap3A_1038], %add3A_1035 {strides = array<i32>} : memref<8x128xf32, #tpu.memory_space<vmem>>, vector<16xf32>,
        %get3A_1040 = arith.index_cast %add3A_980 : i32 to index
        %get3A_1041 = arith.constant 16 : index
        %get3A_1042 = tpu.vector_load %arg9[%get3A_1040, %get3A_1041] {strides = array<i32>} : memref<128x128xf32, #tpu.memory_space<vmem>>, vector<16xf32>,
        %add3A_1043 = arith.constant 16 : i32
        %add3A_1044 = arith.addi %mul3A_1009, %add3A_1043 : i32
        %get3A_1045 = arith.index_cast %add3A_1044 : i32 to index
        %get3A_1046 = tpu.vector_load %arg8[%get3A_1045] {strides = array<i32>} : memref<16384xf32, #tpu.memory_space<vmem>>, vector<16xf32>,
        %sub3A_1047 = arith.subf %get3A_1042, %get3A_1046 : vector<16xf32>
        %swap3A_1048 = arith.index_cast %add3A_980 : i32 to index
        %swap3A_1049 = arith.constant 16 : index
        %swap3A_1050 = tpu.vector_load %arg9[%swap3A_1048, %swap3A_1049] {strides = array<i32>} : memref<128x128xf32, #tpu.memory_space<vmem>>, vector<16xf32>,
        tpu.vector_store %arg9[%swap3A_1048, %swap3A_1049], %sub3A_1047 {strides = array<i32>} : memref<128x128xf32, #tpu.memory_space<vmem>>, vector<16xf32>,
        %get3A_1051 = arith.constant 0 : i32
        %get3A_1052 = arith.index_cast %get3A_1051 : i32 to index
        %get3A_1053 = arith.constant 16 : index
        %get3A_1054 = tpu.vector_load %arg11[%get3A_1052, %get3A_1053] {strides = array<i32>} : memref<8x128xf32, #tpu.memory_space<vmem>>, vector<16xf32>,
        %add3A_1055 = arith.addf %get3A_1054, %sub3A_1047 : vector<16xf32>
        %swap3A_1056 = arith.constant 0 : i32
        %swap3A_1057 = arith.index_cast %swap3A_1056 : i32 to index
        %swap3A_1058 = arith.constant 16 : index
        %swap3A_1059 = tpu.vector_load %arg11[%swap3A_1057, %swap3A_1058] {strides = array<i32>} : memref<8x128xf32, #tpu.memory_space<vmem>>, vector<16xf32>,
        tpu.vector_store %arg11[%swap3A_1057, %swap3A_1058], %add3A_1055 {strides = array<i32>} : memref<8x128xf32, #tpu.memory_space<vmem>>, vector<16xf32>,
        %get3A_1060 = arith.constant 1 : i32
        %get3A_1061 = arith.index_cast %get3A_1060 : i32 to index
        %get3A_1062 = arith.constant 16 : index
        %get3A_1063 = tpu.vector_load %arg11[%get3A_1061, %get3A_1062] {strides = array<i32>} : memref<8x128xf32, #tpu.memory_space<vmem>>, vector<16xf32>,
        %mul3A_1064 = arith.mulf %sub3A_1047, %sub3A_1047 : vector<16xf32>
        %add3A_1065 = arith.addf %get3A_1063, %mul3A_1064 : vector<16xf32>
        %swap3A_1066 = arith.constant 1 : i32
        %swap3A_1067 = arith.index_cast %swap3A_1066 : i32 to index
        %swap3A_1068 = arith.constant 16 : index
        %swap3A_1069 = tpu.vector_load %arg11[%swap3A_1067, %swap3A_1068] {strides = array<i32>} : memref<8x128xf32, #tpu.memory_space<vmem>>, vector<16xf32>,
        tpu.vector_store %arg11[%swap3A_1067, %swap3A_1068], %add3A_1065 {strides = array<i32>} : memref<8x128xf32, #tpu.memory_space<vmem>>, vector<16xf32>,
        %get3A_1070 = arith.index_cast %add3A_980 : i32 to index
        %get3A_1071 = arith.constant 32 : index
        %get3A_1072 = tpu.vector_load %arg9[%get3A_1070, %get3A_1071] {strides = array<i32>} : memref<128x128xf32, #tpu.memory_space<vmem>>, vector<16xf32>,
        %add3A_1073 = arith.constant 32 : i32
        %add3A_1074 = arith.addi %mul3A_1009, %add3A_1073 : i32
        %get3A_1075 = arith.index_cast %add3A_1074 : i32 to index
        %get3A_1076 = tpu.vector_load %arg8[%get3A_1075] {strides = array<i32>} : memref<16384xf32, #tpu.memory_space<vmem>>, vector<16xf32>,
        %sub3A_1077 = arith.subf %get3A_1072, %get3A_1076 : vector<16xf32>
        %swap3A_1078 = arith.index_cast %add3A_980 : i32 to index
        %swap3A_1079 = arith.constant 32 : index
        %swap3A_1080 = tpu.vector_load %arg9[%swap3A_1078, %swap3A_1079] {strides = array<i32>} : memref<128x128xf32, #tpu.memory_space<vmem>>, vector<16xf32>,
        tpu.vector_store %arg9[%swap3A_1078, %swap3A_1079], %sub3A_1077 {strides = array<i32>} : memref<128x128xf32, #tpu.memory_space<vmem>>, vector<16xf32>,
        %get3A_1081 = arith.constant 0 : i32
        %get3A_1082 = arith.index_cast %get3A_1081 : i32 to index
        %get3A_1083 = arith.constant 32 : index
        %get3A_1084 = tpu.vector_load %arg11[%get3A_1082, %get3A_1083] {strides = array<i32>} : memref<8x128xf32, #tpu.memory_space<vmem>>, vector<16xf32>,
        %add3A_1085 = arith.addf %get3A_1084, %sub3A_1077 : vector<16xf32>
        %swap3A_1086 = arith.constant 0 : i32
        %swap3A_1087 = arith.index_cast %swap3A_1086 : i32 to index
        %swap3A_1088 = arith.constant 32 : index
        %swap3A_1089 = tpu.vector_load %arg11[%swap3A_1087, %swap3A_1088] {strides = array<i32>} : memref<8x128xf32, #tpu.memory_space<vmem>>, vector<16xf32>,
        tpu.vector_store %arg11[%swap3A_1087, %swap3A_1088], %add3A_1085 {strides = array<i32>} : memref<8x128xf32, #tpu.memory_space<vmem>>, vector<16xf32>,
        %get3A_1090 = arith.constant 1 : i32
        %get3A_1091 = arith.index_cast %get3A_1090 : i32 to index
        %get3A_1092 = arith.constant 32 : index
        %get3A_1093 = tpu.vector_load %arg11[%get3A_1091, %get3A_1092] {strides = array<i32>} : memref<8x128xf32, #tpu.memory_space<vmem>>, vector<16xf32>,
        %mul3A_1094 = arith.mulf %sub3A_1077, %sub3A_1077 : vector<16xf32>
        %add3A_1095 = arith.addf %get3A_1093, %mul3A_1094 : vector<16xf32>
        %swap3A_1096 = arith.constant 1 : i32
        %swap3A_1097 = arith.index_cast %swap3A_1096 : i32 to index
        %swap3A_1098 = arith.constant 32 : index
        %swap3A_1099 = tpu.vector_load %arg11[%swap3A_1097, %swap3A_1098] {strides = array<i32>} : memref<8x128xf32, #tpu.memory_space<vmem>>, vector<16xf32>,
        tpu.vector_store %arg11[%swap3A_1097, %swap3A_1098], %add3A_1095 {strides = array<i32>} : memref<8x128xf32, #tpu.memory_space<vmem>>, vector<16xf32>,
        %get3A_1100 = arith.index_cast %add3A_980 : i32 to index
        %get3A_1101 = arith.constant 48 : index
        %get3A_1102 = tpu.vector_load %arg9[%get3A_1100, %get3A_1101] {strides = array<i32>} : memref<128x128xf32, #tpu.memory_space<vmem>>, vector<16xf32>,
        %add3A_1103 = arith.constant 48 : i32
        %add3A_1104 = arith.addi %mul3A_1009, %add3A_1103 : i32
        %get3A_1105 = arith.index_cast %add3A_1104 : i32 to index
        %get3A_1106 = tpu.vector_load %arg8[%get3A_1105] {strides = array<i32>} : memref<16384xf32, #tpu.memory_space<vmem>>, vector<16xf32>,
        %sub3A_1107 = arith.subf %get3A_1102, %get3A_1106 : vector<16xf32>
        %swap3A_1108 = arith.index_cast %add3A_980 : i32 to index
        %swap3A_1109 = arith.constant 48 : index
        %swap3A_1110 = tpu.vector_load %arg9[%swap3A_1108, %swap3A_1109] {strides = array<i32>} : memref<128x128xf32, #tpu.memory_space<vmem>>, vector<16xf32>,
        tpu.vector_store %arg9[%swap3A_1108, %swap3A_1109], %sub3A_1107 {strides = array<i32>} : memref<128x128xf32, #tpu.memory_space<vmem>>, vector<16xf32>,
        %get3A_1111 = arith.constant 0 : i32
        %get3A_1112 = arith.index_cast %get3A_1111 : i32 to index
        %get3A_1113 = arith.constant 48 : index
        %get3A_1114 = tpu.vector_load %arg11[%get3A_1112, %get3A_1113] {strides = array<i32>} : memref<8x128xf32, #tpu.memory_space<vmem>>, vector<16xf32>,
        %add3A_1115 = arith.addf %get3A_1114, %sub3A_1107 : vector<16xf32>
        %swap3A_1116 = arith.constant 0 : i32
        %swap3A_1117 = arith.index_cast %swap3A_1116 : i32 to index
        %swap3A_1118 = arith.constant 48 : index
        %swap3A_1119 = tpu.vector_load %arg11[%swap3A_1117, %swap3A_1118] {strides = array<i32>} : memref<8x128xf32, #tpu.memory_space<vmem>>, vector<16xf32>,
        tpu.vector_store %arg11[%swap3A_1117, %swap3A_1118], %add3A_1115 {strides = array<i32>} : memref<8x128xf32, #tpu.memory_space<vmem>>, vector<16xf32>,
        %get3A_1120 = arith.constant 1 : i32
        %get3A_1121 = arith.index_cast %get3A_1120 : i32 to index
        %get3A_1122 = arith.constant 48 : index
        %get3A_1123 = tpu.vector_load %arg11[%get3A_1121, %get3A_1122] {strides = array<i32>} : memref<8x128xf32, #tpu.memory_space<vmem>>, vector<16xf32>,
        %mul3A_1124 = arith.mulf %sub3A_1107, %sub3A_1107 : vector<16xf32>
        %add3A_1125 = arith.addf %get3A_1123, %mul3A_1124 : vector<16xf32>
        %swap3A_1126 = arith.constant 1 : i32
        %swap3A_1127 = arith.index_cast %swap3A_1126 : i32 to index
        %swap3A_1128 = arith.constant 48 : index
        %swap3A_1129 = tpu.vector_load %arg11[%swap3A_1127, %swap3A_1128] {strides = array<i32>} : memref<8x128xf32, #tpu.memory_space<vmem>>, vector<16xf32>,
        tpu.vector_store %arg11[%swap3A_1127, %swap3A_1128], %add3A_1125 {strides = array<i32>} : memref<8x128xf32, #tpu.memory_space<vmem>>, vector<16xf32>,
        %mul3A_1130 = arith.constant 8 : i32
        %mul3A_1131 = arith.muli %scan3A_517, %mul3A_1130 : i32
        %add3A_1132 = arith.constant 4 : i32
        %add3A_1133 = arith.addi %mul3A_1131, %add3A_1132 : i32
        %mul3A_1134 = arith.constant 4 : i32
        %mul3A_1135 = arith.muli %add3A_452, %mul3A_1134 : i32
        %jit3A_1136 = arith.constant 32 : i32
        %div3A_1137 = arith.divsi %add3A_1133, %jit3A_1136 : i32
        %sign3A_1138 = arith.constant 0 : i32
        %sign3A_1139 = arith.cmpi sgt, %add3A_1133, %sign3A_1138 : i32
        %sign3A_1140 = arith.extui %sign3A_1139 : i1 to i32
        %sign3A_1141 = arith.constant 0 : i32
        %sign3A_1142 = arith.cmpi slt, %add3A_1133, %sign3A_1141 : i32
        %sign3A_1143 = arith.extui %sign3A_1142 : i1 to i32
        %sign3A_1144 = arith.subi %sign3A_1140, %sign3A_1143 : i32
        %sign3A_1145 = arith.constant 0 : i32
        %sign3A_1146 = arith.cmpi sgt, %jit3A_1136, %sign3A_1145 : i32
        %sign3A_1147 = arith.extui %sign3A_1146 : i1 to i32
        %sign3A_1148 = arith.constant 0 : i32
        %sign3A_1149 = arith.cmpi slt, %jit3A_1136, %sign3A_1148 : i32
        %sign3A_1150 = arith.extui %sign3A_1149 : i1 to i32
        %sign3A_1151 = arith.subi %sign3A_1147, %sign3A_1150 : i32
        %ne3A_1152 = arith.cmpi ne, %sign3A_1144, %sign3A_1151 : i32
        %rem3A_1153 = arith.remsi %add3A_1133, %jit3A_1136 : i32
        %ne3A_1154 = arith.constant 0 : i32
        %ne3A_1155 = arith.cmpi ne, %rem3A_1153, %ne3A_1154 : i32
        %and3A_1156 = arith.andi %ne3A_1152, %ne3A_1155 : i1
        %sub3A_1157 = arith.constant 1 : i32
        %sub3A_1158 = arith.subi %div3A_1137, %sub3A_1157 : i32
        %select_n3A_1159 = arith.select %and3A_1156, %sub3A_1158, %div3A_1137 : i32
        %add3A_1160 = arith.addi %mul3A_1135, %select_n3A_1159 : i32
        %mul3A_1161 = arith.constant 64 : i32
        %mul3A_1162 = arith.muli %add3A_1160, %mul3A_1161 : i32
        %get3A_1163 = arith.index_cast %add3A_1133 : i32 to index
        %get3A_1164 = arith.constant 0 : index
        %get3A_1165 = tpu.vector_load %arg9[%get3A_1163, %get3A_1164] {strides = array<i32>} : memref<128x128xf32, #tpu.memory_space<vmem>>, vector<16xf32>,
        %add3A_1166 = arith.constant 0 : i32
        %add3A_1167 = arith.addi %mul3A_1162, %add3A_1166 : i32
        %get3A_1168 = arith.index_cast %add3A_1167 : i32 to index
        %get3A_1169 = tpu.vector_load %arg8[%get3A_1168] {strides = array<i32>} : memref<16384xf32, #tpu.memory_space<vmem>>, vector<16xf32>,
        %sub3A_1170 = arith.subf %get3A_1165, %get3A_1169 : vector<16xf32>
        %swap3A_1171 = arith.index_cast %add3A_1133 : i32 to index
        %swap3A_1172 = arith.constant 0 : index
        %swap3A_1173 = tpu.vector_load %arg9[%swap3A_1171, %swap3A_1172] {strides = array<i32>} : memref<128x128xf32, #tpu.memory_space<vmem>>, vector<16xf32>,
        tpu.vector_store %arg9[%swap3A_1171, %swap3A_1172], %sub3A_1170 {strides = array<i32>} : memref<128x128xf32, #tpu.memory_space<vmem>>, vector<16xf32>,
        %get3A_1174 = arith.constant 0 : i32
        %get3A_1175 = arith.index_cast %get3A_1174 : i32 to index
        %get3A_1176 = arith.constant 0 : index
        %get3A_1177 = tpu.vector_load %arg11[%get3A_1175, %get3A_1176] {strides = array<i32>} : memref<8x128xf32, #tpu.memory_space<vmem>>, vector<16xf32>,
        %add3A_1178 = arith.addf %get3A_1177, %sub3A_1170 : vector<16xf32>
        %swap3A_1179 = arith.constant 0 : i32
        %swap3A_1180 = arith.index_cast %swap3A_1179 : i32 to index
        %swap3A_1181 = arith.constant 0 : index
        %swap3A_1182 = tpu.vector_load %arg11[%swap3A_1180, %swap3A_1181] {strides = array<i32>} : memref<8x128xf32, #tpu.memory_space<vmem>>, vector<16xf32>,
        tpu.vector_store %arg11[%swap3A_1180, %swap3A_1181], %add3A_1178 {strides = array<i32>} : memref<8x128xf32, #tpu.memory_space<vmem>>, vector<16xf32>,
        %get3A_1183 = arith.constant 1 : i32
        %get3A_1184 = arith.index_cast %get3A_1183 : i32 to index
        %get3A_1185 = arith.constant 0 : index
        %get3A_1186 = tpu.vector_load %arg11[%get3A_1184, %get3A_1185] {strides = array<i32>} : memref<8x128xf32, #tpu.memory_space<vmem>>, vector<16xf32>,
        %mul3A_1187 = arith.mulf %sub3A_1170, %sub3A_1170 : vector<16xf32>
        %add3A_1188 = arith.addf %get3A_1186, %mul3A_1187 : vector<16xf32>
        %swap3A_1189 = arith.constant 1 : i32
        %swap3A_1190 = arith.index_cast %swap3A_1189 : i32 to index
        %swap3A_1191 = arith.constant 0 : index
        %swap3A_1192 = tpu.vector_load %arg11[%swap3A_1190, %swap3A_1191] {strides = array<i32>} : memref<8x128xf32, #tpu.memory_space<vmem>>, vector<16xf32>,
        tpu.vector_store %arg11[%swap3A_1190, %swap3A_1191], %add3A_1188 {strides = array<i32>} : memref<8x128xf32, #tpu.memory_space<vmem>>, vector<16xf32>,
        %get3A_1193 = arith.index_cast %add3A_1133 : i32 to index
        %get3A_1194 = arith.constant 16 : index
        %get3A_1195 = tpu.vector_load %arg9[%get3A_1193, %get3A_1194] {strides = array<i32>} : memref<128x128xf32, #tpu.memory_space<vmem>>, vector<16xf32>,
        %add3A_1196 = arith.constant 16 : i32
        %add3A_1197 = arith.addi %mul3A_1162, %add3A_1196 : i32
        %get3A_1198 = arith.index_cast %add3A_1197 : i32 to index
        %get3A_1199 = tpu.vector_load %arg8[%get3A_1198] {strides = array<i32>} : memref<16384xf32, #tpu.memory_space<vmem>>, vector<16xf32>,
        %sub3A_1200 = arith.subf %get3A_1195, %get3A_1199 : vector<16xf32>
        %swap3A_1201 = arith.index_cast %add3A_1133 : i32 to index
        %swap3A_1202 = arith.constant 16 : index
        %swap3A_1203 = tpu.vector_load %arg9[%swap3A_1201, %swap3A_1202] {strides = array<i32>} : memref<128x128xf32, #tpu.memory_space<vmem>>, vector<16xf32>,
        tpu.vector_store %arg9[%swap3A_1201, %swap3A_1202], %sub3A_1200 {strides = array<i32>} : memref<128x128xf32, #tpu.memory_space<vmem>>, vector<16xf32>,
        %get3A_1204 = arith.constant 0 : i32
        %get3A_1205 = arith.index_cast %get3A_1204 : i32 to index
        %get3A_1206 = arith.constant 16 : index
        %get3A_1207 = tpu.vector_load %arg11[%get3A_1205, %get3A_1206] {strides = array<i32>} : memref<8x128xf32, #tpu.memory_space<vmem>>, vector<16xf32>,
        %add3A_1208 = arith.addf %get3A_1207, %sub3A_1200 : vector<16xf32>
        %swap3A_1209 = arith.constant 0 : i32
        %swap3A_1210 = arith.index_cast %swap3A_1209 : i32 to index
        %swap3A_1211 = arith.constant 16 : index
        %swap3A_1212 = tpu.vector_load %arg11[%swap3A_1210, %swap3A_1211] {strides = array<i32>} : memref<8x128xf32, #tpu.memory_space<vmem>>, vector<16xf32>,
        tpu.vector_store %arg11[%swap3A_1210, %swap3A_1211], %add3A_1208 {strides = array<i32>} : memref<8x128xf32, #tpu.memory_space<vmem>>, vector<16xf32>,
        %get3A_1213 = arith.constant 1 : i32
        %get3A_1214 = arith.index_cast %get3A_1213 : i32 to index
        %get3A_1215 = arith.constant 16 : index
        %get3A_1216 = tpu.vector_load %arg11[%get3A_1214, %get3A_1215] {strides = array<i32>} : memref<8x128xf32, #tpu.memory_space<vmem>>, vector<16xf32>,
        %mul3A_1217 = arith.mulf %sub3A_1200, %sub3A_1200 : vector<16xf32>
        %add3A_1218 = arith.addf %get3A_1216, %mul3A_1217 : vector<16xf32>
        %swap3A_1219 = arith.constant 1 : i32
        %swap3A_1220 = arith.index_cast %swap3A_1219 : i32 to index
        %swap3A_1221 = arith.constant 16 : index
        %swap3A_1222 = tpu.vector_load %arg11[%swap3A_1220, %swap3A_1221] {strides = array<i32>} : memref<8x128xf32, #tpu.memory_space<vmem>>, vector<16xf32>,
        tpu.vector_store %arg11[%swap3A_1220, %swap3A_1221], %add3A_1218 {strides = array<i32>} : memref<8x128xf32, #tpu.memory_space<vmem>>, vector<16xf32>,
        %get3A_1223 = arith.index_cast %add3A_1133 : i32 to index
        %get3A_1224 = arith.constant 32 : index
        %get3A_1225 = tpu.vector_load %arg9[%get3A_1223, %get3A_1224] {strides = array<i32>} : memref<128x128xf32, #tpu.memory_space<vmem>>, vector<16xf32>,
        %add3A_1226 = arith.constant 32 : i32
        %add3A_1227 = arith.addi %mul3A_1162, %add3A_1226 : i32
        %get3A_1228 = arith.index_cast %add3A_1227 : i32 to index
        %get3A_1229 = tpu.vector_load %arg8[%get3A_1228] {strides = array<i32>} : memref<16384xf32, #tpu.memory_space<vmem>>, vector<16xf32>,
        %sub3A_1230 = arith.subf %get3A_1225, %get3A_1229 : vector<16xf32>
        %swap3A_1231 = arith.index_cast %add3A_1133 : i32 to index
        %swap3A_1232 = arith.constant 32 : index
        %swap3A_1233 = tpu.vector_load %arg9[%swap3A_1231, %swap3A_1232] {strides = array<i32>} : memref<128x128xf32, #tpu.memory_space<vmem>>, vector<16xf32>,
        tpu.vector_store %arg9[%swap3A_1231, %swap3A_1232], %sub3A_1230 {strides = array<i32>} : memref<128x128xf32, #tpu.memory_space<vmem>>, vector<16xf32>,
        %get3A_1234 = arith.constant 0 : i32
        %get3A_1235 = arith.index_cast %get3A_1234 : i32 to index
        %get3A_1236 = arith.constant 32 : index
        %get3A_1237 = tpu.vector_load %arg11[%get3A_1235, %get3A_1236] {strides = array<i32>} : memref<8x128xf32, #tpu.memory_space<vmem>>, vector<16xf32>,
        %add3A_1238 = arith.addf %get3A_1237, %sub3A_1230 : vector<16xf32>
        %swap3A_1239 = arith.constant 0 : i32
        %swap3A_1240 = arith.index_cast %swap3A_1239 : i32 to index
        %swap3A_1241 = arith.constant 32 : index
        %swap3A_1242 = tpu.vector_load %arg11[%swap3A_1240, %swap3A_1241] {strides = array<i32>} : memref<8x128xf32, #tpu.memory_space<vmem>>, vector<16xf32>,
        tpu.vector_store %arg11[%swap3A_1240, %swap3A_1241], %add3A_1238 {strides = array<i32>} : memref<8x128xf32, #tpu.memory_space<vmem>>, vector<16xf32>,
        %get3A_1243 = arith.constant 1 : i32
        %get3A_1244 = arith.index_cast %get3A_1243 : i32 to index
        %get3A_1245 = arith.constant 32 : index
        %get3A_1246 = tpu.vector_load %arg11[%get3A_1244, %get3A_1245] {strides = array<i32>} : memref<8x128xf32, #tpu.memory_space<vmem>>, vector<16xf32>,
        %mul3A_1247 = arith.mulf %sub3A_1230, %sub3A_1230 : vector<16xf32>
        %add3A_1248 = arith.addf %get3A_1246, %mul3A_1247 : vector<16xf32>
        %swap3A_1249 = arith.constant 1 : i32
        %swap3A_1250 = arith.index_cast %swap3A_1249 : i32 to index
        %swap3A_1251 = arith.constant 32 : index
        %swap3A_1252 = tpu.vector_load %arg11[%swap3A_1250, %swap3A_1251] {strides = array<i32>} : memref<8x128xf32, #tpu.memory_space<vmem>>, vector<16xf32>,
        tpu.vector_store %arg11[%swap3A_1250, %swap3A_1251], %add3A_1248 {strides = array<i32>} : memref<8x128xf32, #tpu.memory_space<vmem>>, vector<16xf32>,
        %get3A_1253 = arith.index_cast %add3A_1133 : i32 to index
        %get3A_1254 = arith.constant 48 : index
        %get3A_1255 = tpu.vector_load %arg9[%get3A_1253, %get3A_1254] {strides = array<i32>} : memref<128x128xf32, #tpu.memory_space<vmem>>, vector<16xf32>,
        %add3A_1256 = arith.constant 48 : i32
        %add3A_1257 = arith.addi %mul3A_1162, %add3A_1256 : i32
        %get3A_1258 = arith.index_cast %add3A_1257 : i32 to index
        %get3A_1259 = tpu.vector_load %arg8[%get3A_1258] {strides = array<i32>} : memref<16384xf32, #tpu.memory_space<vmem>>, vector<16xf32>,
        %sub3A_1260 = arith.subf %get3A_1255, %get3A_1259 : vector<16xf32>
        %swap3A_1261 = arith.index_cast %add3A_1133 : i32 to index
        %swap3A_1262 = arith.constant 48 : index
        %swap3A_1263 = tpu.vector_load %arg9[%swap3A_1261, %swap3A_1262] {strides = array<i32>} : memref<128x128xf32, #tpu.memory_space<vmem>>, vector<16xf32>,
        tpu.vector_store %arg9[%swap3A_1261, %swap3A_1262], %sub3A_1260 {strides = array<i32>} : memref<128x128xf32, #tpu.memory_space<vmem>>, vector<16xf32>,
        %get3A_1264 = arith.constant 0 : i32
        %get3A_1265 = arith.index_cast %get3A_1264 : i32 to index
        %get3A_1266 = arith.constant 48 : index
        %get3A_1267 = tpu.vector_load %arg11[%get3A_1265, %get3A_1266] {strides = array<i32>} : memref<8x128xf32, #tpu.memory_space<vmem>>, vector<16xf32>,
        %add3A_1268 = arith.addf %get3A_1267, %sub3A_1260 : vector<16xf32>
        %swap3A_1269 = arith.constant 0 : i32
        %swap3A_1270 = arith.index_cast %swap3A_1269 : i32 to index
        %swap3A_1271 = arith.constant 48 : index
        %swap3A_1272 = tpu.vector_load %arg11[%swap3A_1270, %swap3A_1271] {strides = array<i32>} : memref<8x128xf32, #tpu.memory_space<vmem>>, vector<16xf32>,
        tpu.vector_store %arg11[%swap3A_1270, %swap3A_1271], %add3A_1268 {strides = array<i32>} : memref<8x128xf32, #tpu.memory_space<vmem>>, vector<16xf32>,
        %get3A_1273 = arith.constant 1 : i32
        %get3A_1274 = arith.index_cast %get3A_1273 : i32 to index
        %get3A_1275 = arith.constant 48 : index
        %get3A_1276 = tpu.vector_load %arg11[%get3A_1274, %get3A_1275] {strides = array<i32>} : memref<8x128xf32, #tpu.memory_space<vmem>>, vector<16xf32>,
        %mul3A_1277 = arith.mulf %sub3A_1260, %sub3A_1260 : vector<16xf32>
        %add3A_1278 = arith.addf %get3A_1276, %mul3A_1277 : vector<16xf32>
        %swap3A_1279 = arith.constant 1 : i32
        %swap3A_1280 = arith.index_cast %swap3A_1279 : i32 to index
        %swap3A_1281 = arith.constant 48 : index
        %swap3A_1282 = tpu.vector_load %arg11[%swap3A_1280, %swap3A_1281] {strides = array<i32>} : memref<8x128xf32, #tpu.memory_space<vmem>>, vector<16xf32>,
        tpu.vector_store %arg11[%swap3A_1280, %swap3A_1281], %add3A_1278 {strides = array<i32>} : memref<8x128xf32, #tpu.memory_space<vmem>>, vector<16xf32>,
        %mul3A_1283 = arith.constant 8 : i32
        %mul3A_1284 = arith.muli %scan3A_517, %mul3A_1283 : i32
        %add3A_1285 = arith.constant 5 : i32
        %add3A_1286 = arith.addi %mul3A_1284, %add3A_1285 : i32
        %mul3A_1287 = arith.constant 4 : i32
        %mul3A_1288 = arith.muli %add3A_452, %mul3A_1287 : i32
        %jit3A_1289 = arith.constant 32 : i32
        %div3A_1290 = arith.divsi %add3A_1286, %jit3A_1289 : i32
        %sign3A_1291 = arith.constant 0 : i32
        %sign3A_1292 = arith.cmpi sgt, %add3A_1286, %sign3A_1291 : i32
        %sign3A_1293 = arith.extui %sign3A_1292 : i1 to i32
        %sign3A_1294 = arith.constant 0 : i32
        %sign3A_1295 = arith.cmpi slt, %add3A_1286, %sign3A_1294 : i32
        %sign3A_1296 = arith.extui %sign3A_1295 : i1 to i32
        %sign3A_1297 = arith.subi %sign3A_1293, %sign3A_1296 : i32
        %sign3A_1298 = arith.constant 0 : i32
        %sign3A_1299 = arith.cmpi sgt, %jit3A_1289, %sign3A_1298 : i32
        %sign3A_1300 = arith.extui %sign3A_1299 : i1 to i32
        %sign3A_1301 = arith.constant 0 : i32
        %sign3A_1302 = arith.cmpi slt, %jit3A_1289, %sign3A_1301 : i32
        %sign3A_1303 = arith.extui %sign3A_1302 : i1 to i32
        %sign3A_1304 = arith.subi %sign3A_1300, %sign3A_1303 : i32
        %ne3A_1305 = arith.cmpi ne, %sign3A_1297, %sign3A_1304 : i32
        %rem3A_1306 = arith.remsi %add3A_1286, %jit3A_1289 : i32
        %ne3A_1307 = arith.constant 0 : i32
        %ne3A_1308 = arith.cmpi ne, %rem3A_1306, %ne3A_1307 : i32
        %and3A_1309 = arith.andi %ne3A_1305, %ne3A_1308 : i1
        %sub3A_1310 = arith.constant 1 : i32
        %sub3A_1311 = arith.subi %div3A_1290, %sub3A_1310 : i32
        %select_n3A_1312 = arith.select %and3A_1309, %sub3A_1311, %div3A_1290 : i32
        %add3A_1313 = arith.addi %mul3A_1288, %select_n3A_1312 : i32
        %mul3A_1314 = arith.constant 64 : i32
        %mul3A_1315 = arith.muli %add3A_1313, %mul3A_1314 : i32
        %get3A_1316 = arith.index_cast %add3A_1286 : i32 to index
        %get3A_1317 = arith.constant 0 : index
        %get3A_1318 = tpu.vector_load %arg9[%get3A_1316, %get3A_1317] {strides = array<i32>} : memref<128x128xf32, #tpu.memory_space<vmem>>, vector<16xf32>,
        %add3A_1319 = arith.constant 0 : i32
        %add3A_1320 = arith.addi %mul3A_1315, %add3A_1319 : i32
        %get3A_1321 = arith.index_cast %add3A_1320 : i32 to index
        %get3A_1322 = tpu.vector_load %arg8[%get3A_1321] {strides = array<i32>} : memref<16384xf32, #tpu.memory_space<vmem>>, vector<16xf32>,
        %sub3A_1323 = arith.subf %get3A_1318, %get3A_1322 : vector<16xf32>
        %swap3A_1324 = arith.index_cast %add3A_1286 : i32 to index
        %swap3A_1325 = arith.constant 0 : index
        %swap3A_1326 = tpu.vector_load %arg9[%swap3A_1324, %swap3A_1325] {strides = array<i32>} : memref<128x128xf32, #tpu.memory_space<vmem>>, vector<16xf32>,
        tpu.vector_store %arg9[%swap3A_1324, %swap3A_1325], %sub3A_1323 {strides = array<i32>} : memref<128x128xf32, #tpu.memory_space<vmem>>, vector<16xf32>,
        %get3A_1327 = arith.constant 0 : i32
        %get3A_1328 = arith.index_cast %get3A_1327 : i32 to index
        %get3A_1329 = arith.constant 0 : index
        %get3A_1330 = tpu.vector_load %arg11[%get3A_1328, %get3A_1329] {strides = array<i32>} : memref<8x128xf32, #tpu.memory_space<vmem>>, vector<16xf32>,
        %add3A_1331 = arith.addf %get3A_1330, %sub3A_1323 : vector<16xf32>
        %swap3A_1332 = arith.constant 0 : i32
        %swap3A_1333 = arith.index_cast %swap3A_1332 : i32 to index
        %swap3A_1334 = arith.constant 0 : index
        %swap3A_1335 = tpu.vector_load %arg11[%swap3A_1333, %swap3A_1334] {strides = array<i32>} : memref<8x128xf32, #tpu.memory_space<vmem>>, vector<16xf32>,
        tpu.vector_store %arg11[%swap3A_1333, %swap3A_1334], %add3A_1331 {strides = array<i32>} : memref<8x128xf32, #tpu.memory_space<vmem>>, vector<16xf32>,
        %get3A_1336 = arith.constant 1 : i32
        %get3A_1337 = arith.index_cast %get3A_1336 : i32 to index
        %get3A_1338 = arith.constant 0 : index
        %get3A_1339 = tpu.vector_load %arg11[%get3A_1337, %get3A_1338] {strides = array<i32>} : memref<8x128xf32, #tpu.memory_space<vmem>>, vector<16xf32>,
        %mul3A_1340 = arith.mulf %sub3A_1323, %sub3A_1323 : vector<16xf32>
        %add3A_1341 = arith.addf %get3A_1339, %mul3A_1340 : vector<16xf32>
        %swap3A_1342 = arith.constant 1 : i32
        %swap3A_1343 = arith.index_cast %swap3A_1342 : i32 to index
        %swap3A_1344 = arith.constant 0 : index
        %swap3A_1345 = tpu.vector_load %arg11[%swap3A_1343, %swap3A_1344] {strides = array<i32>} : memref<8x128xf32, #tpu.memory_space<vmem>>, vector<16xf32>,
        tpu.vector_store %arg11[%swap3A_1343, %swap3A_1344], %add3A_1341 {strides = array<i32>} : memref<8x128xf32, #tpu.memory_space<vmem>>, vector<16xf32>,
        %get3A_1346 = arith.index_cast %add3A_1286 : i32 to index
        %get3A_1347 = arith.constant 16 : index
        %get3A_1348 = tpu.vector_load %arg9[%get3A_1346, %get3A_1347] {strides = array<i32>} : memref<128x128xf32, #tpu.memory_space<vmem>>, vector<16xf32>,
        %add3A_1349 = arith.constant 16 : i32
        %add3A_1350 = arith.addi %mul3A_1315, %add3A_1349 : i32
        %get3A_1351 = arith.index_cast %add3A_1350 : i32 to index
        %get3A_1352 = tpu.vector_load %arg8[%get3A_1351] {strides = array<i32>} : memref<16384xf32, #tpu.memory_space<vmem>>, vector<16xf32>,
        %sub3A_1353 = arith.subf %get3A_1348, %get3A_1352 : vector<16xf32>
        %swap3A_1354 = arith.index_cast %add3A_1286 : i32 to index
        %swap3A_1355 = arith.constant 16 : index
        %swap3A_1356 = tpu.vector_load %arg9[%swap3A_1354, %swap3A_1355] {strides = array<i32>} : memref<128x128xf32, #tpu.memory_space<vmem>>, vector<16xf32>,
        tpu.vector_store %arg9[%swap3A_1354, %swap3A_1355], %sub3A_1353 {strides = array<i32>} : memref<128x128xf32, #tpu.memory_space<vmem>>, vector<16xf32>,
        %get3A_1357 = arith.constant 0 : i32
        %get3A_1358 = arith.index_cast %get3A_1357 : i32 to index
        %get3A_1359 = arith.constant 16 : index
        %get3A_1360 = tpu.vector_load %arg11[%get3A_1358, %get3A_1359] {strides = array<i32>} : memref<8x128xf32, #tpu.memory_space<vmem>>, vector<16xf32>,
        %add3A_1361 = arith.addf %get3A_1360, %sub3A_1353 : vector<16xf32>
        %swap3A_1362 = arith.constant 0 : i32
        %swap3A_1363 = arith.index_cast %swap3A_1362 : i32 to index
        %swap3A_1364 = arith.constant 16 : index
        %swap3A_1365 = tpu.vector_load %arg11[%swap3A_1363, %swap3A_1364] {strides = array<i32>} : memref<8x128xf32, #tpu.memory_space<vmem>>, vector<16xf32>,
        tpu.vector_store %arg11[%swap3A_1363, %swap3A_1364], %add3A_1361 {strides = array<i32>} : memref<8x128xf32, #tpu.memory_space<vmem>>, vector<16xf32>,
        %get3A_1366 = arith.constant 1 : i32
        %get3A_1367 = arith.index_cast %get3A_1366 : i32 to index
        %get3A_1368 = arith.constant 16 : index
        %get3A_1369 = tpu.vector_load %arg11[%get3A_1367, %get3A_1368] {strides = array<i32>} : memref<8x128xf32, #tpu.memory_space<vmem>>, vector<16xf32>,
        %mul3A_1370 = arith.mulf %sub3A_1353, %sub3A_1353 : vector<16xf32>
        %add3A_1371 = arith.addf %get3A_1369, %mul3A_1370 : vector<16xf32>
        %swap3A_1372 = arith.constant 1 : i32
        %swap3A_1373 = arith.index_cast %swap3A_1372 : i32 to index
        %swap3A_1374 = arith.constant 16 : index
        %swap3A_1375 = tpu.vector_load %arg11[%swap3A_1373, %swap3A_1374] {strides = array<i32>} : memref<8x128xf32, #tpu.memory_space<vmem>>, vector<16xf32>,
        tpu.vector_store %arg11[%swap3A_1373, %swap3A_1374], %add3A_1371 {strides = array<i32>} : memref<8x128xf32, #tpu.memory_space<vmem>>, vector<16xf32>,
        %get3A_1376 = arith.index_cast %add3A_1286 : i32 to index
        %get3A_1377 = arith.constant 32 : index
        %get3A_1378 = tpu.vector_load %arg9[%get3A_1376, %get3A_1377] {strides = array<i32>} : memref<128x128xf32, #tpu.memory_space<vmem>>, vector<16xf32>,
        %add3A_1379 = arith.constant 32 : i32
        %add3A_1380 = arith.addi %mul3A_1315, %add3A_1379 : i32
        %get3A_1381 = arith.index_cast %add3A_1380 : i32 to index
        %get3A_1382 = tpu.vector_load %arg8[%get3A_1381] {strides = array<i32>} : memref<16384xf32, #tpu.memory_space<vmem>>, vector<16xf32>,
        %sub3A_1383 = arith.subf %get3A_1378, %get3A_1382 : vector<16xf32>
        %swap3A_1384 = arith.index_cast %add3A_1286 : i32 to index
        %swap3A_1385 = arith.constant 32 : index
        %swap3A_1386 = tpu.vector_load %arg9[%swap3A_1384, %swap3A_1385] {strides = array<i32>} : memref<128x128xf32, #tpu.memory_space<vmem>>, vector<16xf32>,
        tpu.vector_store %arg9[%swap3A_1384, %swap3A_1385], %sub3A_1383 {strides = array<i32>} : memref<128x128xf32, #tpu.memory_space<vmem>>, vector<16xf32>,
        %get3A_1387 = arith.constant 0 : i32
        %get3A_1388 = arith.index_cast %get3A_1387 : i32 to index
        %get3A_1389 = arith.constant 32 : index
        %get3A_1390 = tpu.vector_load %arg11[%get3A_1388, %get3A_1389] {strides = array<i32>} : memref<8x128xf32, #tpu.memory_space<vmem>>, vector<16xf32>,
        %add3A_1391 = arith.addf %get3A_1390, %sub3A_1383 : vector<16xf32>
        %swap3A_1392 = arith.constant 0 : i32
        %swap3A_1393 = arith.index_cast %swap3A_1392 : i32 to index
        %swap3A_1394 = arith.constant 32 : index
        %swap3A_1395 = tpu.vector_load %arg11[%swap3A_1393, %swap3A_1394] {strides = array<i32>} : memref<8x128xf32, #tpu.memory_space<vmem>>, vector<16xf32>,
        tpu.vector_store %arg11[%swap3A_1393, %swap3A_1394], %add3A_1391 {strides = array<i32>} : memref<8x128xf32, #tpu.memory_space<vmem>>, vector<16xf32>,
        %get3A_1396 = arith.constant 1 : i32
        %get3A_1397 = arith.index_cast %get3A_1396 : i32 to index
        %get3A_1398 = arith.constant 32 : index
        %get3A_1399 = tpu.vector_load %arg11[%get3A_1397, %get3A_1398] {strides = array<i32>} : memref<8x128xf32, #tpu.memory_space<vmem>>, vector<16xf32>,
        %mul3A_1400 = arith.mulf %sub3A_1383, %sub3A_1383 : vector<16xf32>
        %add3A_1401 = arith.addf %get3A_1399, %mul3A_1400 : vector<16xf32>
        %swap3A_1402 = arith.constant 1 : i32
        %swap3A_1403 = arith.index_cast %swap3A_1402 : i32 to index
        %swap3A_1404 = arith.constant 32 : index
        %swap3A_1405 = tpu.vector_load %arg11[%swap3A_1403, %swap3A_1404] {strides = array<i32>} : memref<8x128xf32, #tpu.memory_space<vmem>>, vector<16xf32>,
        tpu.vector_store %arg11[%swap3A_1403, %swap3A_1404], %add3A_1401 {strides = array<i32>} : memref<8x128xf32, #tpu.memory_space<vmem>>, vector<16xf32>,
        %get3A_1406 = arith.index_cast %add3A_1286 : i32 to index
        %get3A_1407 = arith.constant 48 : index
        %get3A_1408 = tpu.vector_load %arg9[%get3A_1406, %get3A_1407] {strides = array<i32>} : memref<128x128xf32, #tpu.memory_space<vmem>>, vector<16xf32>,
        %add3A_1409 = arith.constant 48 : i32
        %add3A_1410 = arith.addi %mul3A_1315, %add3A_1409 : i32
        %get3A_1411 = arith.index_cast %add3A_1410 : i32 to index
        %get3A_1412 = tpu.vector_load %arg8[%get3A_1411] {strides = array<i32>} : memref<16384xf32, #tpu.memory_space<vmem>>, vector<16xf32>,
        %sub3A_1413 = arith.subf %get3A_1408, %get3A_1412 : vector<16xf32>
        %swap3A_1414 = arith.index_cast %add3A_1286 : i32 to index
        %swap3A_1415 = arith.constant 48 : index
        %swap3A_1416 = tpu.vector_load %arg9[%swap3A_1414, %swap3A_1415] {strides = array<i32>} : memref<128x128xf32, #tpu.memory_space<vmem>>, vector<16xf32>,
        tpu.vector_store %arg9[%swap3A_1414, %swap3A_1415], %sub3A_1413 {strides = array<i32>} : memref<128x128xf32, #tpu.memory_space<vmem>>, vector<16xf32>,
        %get3A_1417 = arith.constant 0 : i32
        %get3A_1418 = arith.index_cast %get3A_1417 : i32 to index
        %get3A_1419 = arith.constant 48 : index
        %get3A_1420 = tpu.vector_load %arg11[%get3A_1418, %get3A_1419] {strides = array<i32>} : memref<8x128xf32, #tpu.memory_space<vmem>>, vector<16xf32>,
        %add3A_1421 = arith.addf %get3A_1420, %sub3A_1413 : vector<16xf32>
        %swap3A_1422 = arith.constant 0 : i32
        %swap3A_1423 = arith.index_cast %swap3A_1422 : i32 to index
        %swap3A_1424 = arith.constant 48 : index
        %swap3A_1425 = tpu.vector_load %arg11[%swap3A_1423, %swap3A_1424] {strides = array<i32>} : memref<8x128xf32, #tpu.memory_space<vmem>>, vector<16xf32>,
        tpu.vector_store %arg11[%swap3A_1423, %swap3A_1424], %add3A_1421 {strides = array<i32>} : memref<8x128xf32, #tpu.memory_space<vmem>>, vector<16xf32>,
        %get3A_1426 = arith.constant 1 : i32
        %get3A_1427 = arith.index_cast %get3A_1426 : i32 to index
        %get3A_1428 = arith.constant 48 : index
        %get3A_1429 = tpu.vector_load %arg11[%get3A_1427, %get3A_1428] {strides = array<i32>} : memref<8x128xf32, #tpu.memory_space<vmem>>, vector<16xf32>,
        %mul3A_1430 = arith.mulf %sub3A_1413, %sub3A_1413 : vector<16xf32>
        %add3A_1431 = arith.addf %get3A_1429, %mul3A_1430 : vector<16xf32>
        %swap3A_1432 = arith.constant 1 : i32
        %swap3A_1433 = arith.index_cast %swap3A_1432 : i32 to index
        %swap3A_1434 = arith.constant 48 : index
        %swap3A_1435 = tpu.vector_load %arg11[%swap3A_1433, %swap3A_1434] {strides = array<i32>} : memref<8x128xf32, #tpu.memory_space<vmem>>, vector<16xf32>,
        tpu.vector_store %arg11[%swap3A_1433, %swap3A_1434], %add3A_1431 {strides = array<i32>} : memref<8x128xf32, #tpu.memory_space<vmem>>, vector<16xf32>,
        %mul3A_1436 = arith.constant 8 : i32
        %mul3A_1437 = arith.muli %scan3A_517, %mul3A_1436 : i32
        %add3A_1438 = arith.constant 6 : i32
        %add3A_1439 = arith.addi %mul3A_1437, %add3A_1438 : i32
        %mul3A_1440 = arith.constant 4 : i32
        %mul3A_1441 = arith.muli %add3A_452, %mul3A_1440 : i32
        %jit3A_1442 = arith.constant 32 : i32
        %div3A_1443 = arith.divsi %add3A_1439, %jit3A_1442 : i32
        %sign3A_1444 = arith.constant 0 : i32
        %sign3A_1445 = arith.cmpi sgt, %add3A_1439, %sign3A_1444 : i32
        %sign3A_1446 = arith.extui %sign3A_1445 : i1 to i32
        %sign3A_1447 = arith.constant 0 : i32
        %sign3A_1448 = arith.cmpi slt, %add3A_1439, %sign3A_1447 : i32
        %sign3A_1449 = arith.extui %sign3A_1448 : i1 to i32
        %sign3A_1450 = arith.subi %sign3A_1446, %sign3A_1449 : i32
        %sign3A_1451 = arith.constant 0 : i32
        %sign3A_1452 = arith.cmpi sgt, %jit3A_1442, %sign3A_1451 : i32
        %sign3A_1453 = arith.extui %sign3A_1452 : i1 to i32
        %sign3A_1454 = arith.constant 0 : i32
        %sign3A_1455 = arith.cmpi slt, %jit3A_1442, %sign3A_1454 : i32
        %sign3A_1456 = arith.extui %sign3A_1455 : i1 to i32
        %sign3A_1457 = arith.subi %sign3A_1453, %sign3A_1456 : i32
        %ne3A_1458 = arith.cmpi ne, %sign3A_1450, %sign3A_1457 : i32
        %rem3A_1459 = arith.remsi %add3A_1439, %jit3A_1442 : i32
        %ne3A_1460 = arith.constant 0 : i32
        %ne3A_1461 = arith.cmpi ne, %rem3A_1459, %ne3A_1460 : i32
        %and3A_1462 = arith.andi %ne3A_1458, %ne3A_1461 : i1
        %sub3A_1463 = arith.constant 1 : i32
        %sub3A_1464 = arith.subi %div3A_1443, %sub3A_1463 : i32
        %select_n3A_1465 = arith.select %and3A_1462, %sub3A_1464, %div3A_1443 : i32
        %add3A_1466 = arith.addi %mul3A_1441, %select_n3A_1465 : i32
        %mul3A_1467 = arith.constant 64 : i32
        %mul3A_1468 = arith.muli %add3A_1466, %mul3A_1467 : i32
        %get3A_1469 = arith.index_cast %add3A_1439 : i32 to index
        %get3A_1470 = arith.constant 0 : index
        %get3A_1471 = tpu.vector_load %arg9[%get3A_1469, %get3A_1470] {strides = array<i32>} : memref<128x128xf32, #tpu.memory_space<vmem>>, vector<16xf32>,
        %add3A_1472 = arith.constant 0 : i32
        %add3A_1473 = arith.addi %mul3A_1468, %add3A_1472 : i32
        %get3A_1474 = arith.index_cast %add3A_1473 : i32 to index
        %get3A_1475 = tpu.vector_load %arg8[%get3A_1474] {strides = array<i32>} : memref<16384xf32, #tpu.memory_space<vmem>>, vector<16xf32>,
        %sub3A_1476 = arith.subf %get3A_1471, %get3A_1475 : vector<16xf32>
        %swap3A_1477 = arith.index_cast %add3A_1439 : i32 to index
        %swap3A_1478 = arith.constant 0 : index
        %swap3A_1479 = tpu.vector_load %arg9[%swap3A_1477, %swap3A_1478] {strides = array<i32>} : memref<128x128xf32, #tpu.memory_space<vmem>>, vector<16xf32>,
        tpu.vector_store %arg9[%swap3A_1477, %swap3A_1478], %sub3A_1476 {strides = array<i32>} : memref<128x128xf32, #tpu.memory_space<vmem>>, vector<16xf32>,
        %get3A_1480 = arith.constant 0 : i32
        %get3A_1481 = arith.index_cast %get3A_1480 : i32 to index
        %get3A_1482 = arith.constant 0 : index
        %get3A_1483 = tpu.vector_load %arg11[%get3A_1481, %get3A_1482] {strides = array<i32>} : memref<8x128xf32, #tpu.memory_space<vmem>>, vector<16xf32>,
        %add3A_1484 = arith.addf %get3A_1483, %sub3A_1476 : vector<16xf32>
        %swap3A_1485 = arith.constant 0 : i32
        %swap3A_1486 = arith.index_cast %swap3A_1485 : i32 to index
        %swap3A_1487 = arith.constant 0 : index
        %swap3A_1488 = tpu.vector_load %arg11[%swap3A_1486, %swap3A_1487] {strides = array<i32>} : memref<8x128xf32, #tpu.memory_space<vmem>>, vector<16xf32>,
        tpu.vector_store %arg11[%swap3A_1486, %swap3A_1487], %add3A_1484 {strides = array<i32>} : memref<8x128xf32, #tpu.memory_space<vmem>>, vector<16xf32>,
        %get3A_1489 = arith.constant 1 : i32
        %get3A_1490 = arith.index_cast %get3A_1489 : i32 to index
        %get3A_1491 = arith.constant 0 : index
        %get3A_1492 = tpu.vector_load %arg11[%get3A_1490, %get3A_1491] {strides = array<i32>} : memref<8x128xf32, #tpu.memory_space<vmem>>, vector<16xf32>,
        %mul3A_1493 = arith.mulf %sub3A_1476, %sub3A_1476 : vector<16xf32>
        %add3A_1494 = arith.addf %get3A_1492, %mul3A_1493 : vector<16xf32>
        %swap3A_1495 = arith.constant 1 : i32
        %swap3A_1496 = arith.index_cast %swap3A_1495 : i32 to index
        %swap3A_1497 = arith.constant 0 : index
        %swap3A_1498 = tpu.vector_load %arg11[%swap3A_1496, %swap3A_1497] {strides = array<i32>} : memref<8x128xf32, #tpu.memory_space<vmem>>, vector<16xf32>,
        tpu.vector_store %arg11[%swap3A_1496, %swap3A_1497], %add3A_1494 {strides = array<i32>} : memref<8x128xf32, #tpu.memory_space<vmem>>, vector<16xf32>,
        %get3A_1499 = arith.index_cast %add3A_1439 : i32 to index
        %get3A_1500 = arith.constant 16 : index
        %get3A_1501 = tpu.vector_load %arg9[%get3A_1499, %get3A_1500] {strides = array<i32>} : memref<128x128xf32, #tpu.memory_space<vmem>>, vector<16xf32>,
        %add3A_1502 = arith.constant 16 : i32
        %add3A_1503 = arith.addi %mul3A_1468, %add3A_1502 : i32
        %get3A_1504 = arith.index_cast %add3A_1503 : i32 to index
        %get3A_1505 = tpu.vector_load %arg8[%get3A_1504] {strides = array<i32>} : memref<16384xf32, #tpu.memory_space<vmem>>, vector<16xf32>,
        %sub3A_1506 = arith.subf %get3A_1501, %get3A_1505 : vector<16xf32>
        %swap3A_1507 = arith.index_cast %add3A_1439 : i32 to index
        %swap3A_1508 = arith.constant 16 : index
        %swap3A_1509 = tpu.vector_load %arg9[%swap3A_1507, %swap3A_1508] {strides = array<i32>} : memref<128x128xf32, #tpu.memory_space<vmem>>, vector<16xf32>,
        tpu.vector_store %arg9[%swap3A_1507, %swap3A_1508], %sub3A_1506 {strides = array<i32>} : memref<128x128xf32, #tpu.memory_space<vmem>>, vector<16xf32>,
        %get3A_1510 = arith.constant 0 : i32
        %get3A_1511 = arith.index_cast %get3A_1510 : i32 to index
        %get3A_1512 = arith.constant 16 : index
        %get3A_1513 = tpu.vector_load %arg11[%get3A_1511, %get3A_1512] {strides = array<i32>} : memref<8x128xf32, #tpu.memory_space<vmem>>, vector<16xf32>,
        %add3A_1514 = arith.addf %get3A_1513, %sub3A_1506 : vector<16xf32>
        %swap3A_1515 = arith.constant 0 : i32
        %swap3A_1516 = arith.index_cast %swap3A_1515 : i32 to index
        %swap3A_1517 = arith.constant 16 : index
        %swap3A_1518 = tpu.vector_load %arg11[%swap3A_1516, %swap3A_1517] {strides = array<i32>} : memref<8x128xf32, #tpu.memory_space<vmem>>, vector<16xf32>,
        tpu.vector_store %arg11[%swap3A_1516, %swap3A_1517], %add3A_1514 {strides = array<i32>} : memref<8x128xf32, #tpu.memory_space<vmem>>, vector<16xf32>,
        %get3A_1519 = arith.constant 1 : i32
        %get3A_1520 = arith.index_cast %get3A_1519 : i32 to index
        %get3A_1521 = arith.constant 16 : index
        %get3A_1522 = tpu.vector_load %arg11[%get3A_1520, %get3A_1521] {strides = array<i32>} : memref<8x128xf32, #tpu.memory_space<vmem>>, vector<16xf32>,
        %mul3A_1523 = arith.mulf %sub3A_1506, %sub3A_1506 : vector<16xf32>
        %add3A_1524 = arith.addf %get3A_1522, %mul3A_1523 : vector<16xf32>
        %swap3A_1525 = arith.constant 1 : i32
        %swap3A_1526 = arith.index_cast %swap3A_1525 : i32 to index
        %swap3A_1527 = arith.constant 16 : index
        %swap3A_1528 = tpu.vector_load %arg11[%swap3A_1526, %swap3A_1527] {strides = array<i32>} : memref<8x128xf32, #tpu.memory_space<vmem>>, vector<16xf32>,
        tpu.vector_store %arg11[%swap3A_1526, %swap3A_1527], %add3A_1524 {strides = array<i32>} : memref<8x128xf32, #tpu.memory_space<vmem>>, vector<16xf32>,
        %get3A_1529 = arith.index_cast %add3A_1439 : i32 to index
        %get3A_1530 = arith.constant 32 : index
        %get3A_1531 = tpu.vector_load %arg9[%get3A_1529, %get3A_1530] {strides = array<i32>} : memref<128x128xf32, #tpu.memory_space<vmem>>, vector<16xf32>,
        %add3A_1532 = arith.constant 32 : i32
        %add3A_1533 = arith.addi %mul3A_1468, %add3A_1532 : i32
        %get3A_1534 = arith.index_cast %add3A_1533 : i32 to index
        %get3A_1535 = tpu.vector_load %arg8[%get3A_1534] {strides = array<i32>} : memref<16384xf32, #tpu.memory_space<vmem>>, vector<16xf32>,
        %sub3A_1536 = arith.subf %get3A_1531, %get3A_1535 : vector<16xf32>
        %swap3A_1537 = arith.index_cast %add3A_1439 : i32 to index
        %swap3A_1538 = arith.constant 32 : index
        %swap3A_1539 = tpu.vector_load %arg9[%swap3A_1537, %swap3A_1538] {strides = array<i32>} : memref<128x128xf32, #tpu.memory_space<vmem>>, vector<16xf32>,
        tpu.vector_store %arg9[%swap3A_1537, %swap3A_1538], %sub3A_1536 {strides = array<i32>} : memref<128x128xf32, #tpu.memory_space<vmem>>, vector<16xf32>,
        %get3A_1540 = arith.constant 0 : i32
        %get3A_1541 = arith.index_cast %get3A_1540 : i32 to index
        %get3A_1542 = arith.constant 32 : index
        %get3A_1543 = tpu.vector_load %arg11[%get3A_1541, %get3A_1542] {strides = array<i32>} : memref<8x128xf32, #tpu.memory_space<vmem>>, vector<16xf32>,
        %add3A_1544 = arith.addf %get3A_1543, %sub3A_1536 : vector<16xf32>
        %swap3A_1545 = arith.constant 0 : i32
        %swap3A_1546 = arith.index_cast %swap3A_1545 : i32 to index
        %swap3A_1547 = arith.constant 32 : index
        %swap3A_1548 = tpu.vector_load %arg11[%swap3A_1546, %swap3A_1547] {strides = array<i32>} : memref<8x128xf32, #tpu.memory_space<vmem>>, vector<16xf32>,
        tpu.vector_store %arg11[%swap3A_1546, %swap3A_1547], %add3A_1544 {strides = array<i32>} : memref<8x128xf32, #tpu.memory_space<vmem>>, vector<16xf32>,
        %get3A_1549 = arith.constant 1 : i32
        %get3A_1550 = arith.index_cast %get3A_1549 : i32 to index
        %get3A_1551 = arith.constant 32 : index
        %get3A_1552 = tpu.vector_load %arg11[%get3A_1550, %get3A_1551] {strides = array<i32>} : memref<8x128xf32, #tpu.memory_space<vmem>>, vector<16xf32>,
        %mul3A_1553 = arith.mulf %sub3A_1536, %sub3A_1536 : vector<16xf32>
        %add3A_1554 = arith.addf %get3A_1552, %mul3A_1553 : vector<16xf32>
        %swap3A_1555 = arith.constant 1 : i32
        %swap3A_1556 = arith.index_cast %swap3A_1555 : i32 to index
        %swap3A_1557 = arith.constant 32 : index
        %swap3A_1558 = tpu.vector_load %arg11[%swap3A_1556, %swap3A_1557] {strides = array<i32>} : memref<8x128xf32, #tpu.memory_space<vmem>>, vector<16xf32>,
        tpu.vector_store %arg11[%swap3A_1556, %swap3A_1557], %add3A_1554 {strides = array<i32>} : memref<8x128xf32, #tpu.memory_space<vmem>>, vector<16xf32>,
        %get3A_1559 = arith.index_cast %add3A_1439 : i32 to index
        %get3A_1560 = arith.constant 48 : index
        %get3A_1561 = tpu.vector_load %arg9[%get3A_1559, %get3A_1560] {strides = array<i32>} : memref<128x128xf32, #tpu.memory_space<vmem>>, vector<16xf32>,
        %add3A_1562 = arith.constant 48 : i32
        %add3A_1563 = arith.addi %mul3A_1468, %add3A_1562 : i32
        %get3A_1564 = arith.index_cast %add3A_1563 : i32 to index
        %get3A_1565 = tpu.vector_load %arg8[%get3A_1564] {strides = array<i32>} : memref<16384xf32, #tpu.memory_space<vmem>>, vector<16xf32>,
        %sub3A_1566 = arith.subf %get3A_1561, %get3A_1565 : vector<16xf32>
        %swap3A_1567 = arith.index_cast %add3A_1439 : i32 to index
        %swap3A_1568 = arith.constant 48 : index
        %swap3A_1569 = tpu.vector_load %arg9[%swap3A_1567, %swap3A_1568] {strides = array<i32>} : memref<128x128xf32, #tpu.memory_space<vmem>>, vector<16xf32>,
        tpu.vector_store %arg9[%swap3A_1567, %swap3A_1568], %sub3A_1566 {strides = array<i32>} : memref<128x128xf32, #tpu.memory_space<vmem>>, vector<16xf32>,
        %get3A_1570 = arith.constant 0 : i32
        %get3A_1571 = arith.index_cast %get3A_1570 : i32 to index
        %get3A_1572 = arith.constant 48 : index
        %get3A_1573 = tpu.vector_load %arg11[%get3A_1571, %get3A_1572] {strides = array<i32>} : memref<8x128xf32, #tpu.memory_space<vmem>>, vector<16xf32>,
        %add3A_1574 = arith.addf %get3A_1573, %sub3A_1566 : vector<16xf32>
        %swap3A_1575 = arith.constant 0 : i32
        %swap3A_1576 = arith.index_cast %swap3A_1575 : i32 to index
        %swap3A_1577 = arith.constant 48 : index
        %swap3A_1578 = tpu.vector_load %arg11[%swap3A_1576, %swap3A_1577] {strides = array<i32>} : memref<8x128xf32, #tpu.memory_space<vmem>>, vector<16xf32>,
        tpu.vector_store %arg11[%swap3A_1576, %swap3A_1577], %add3A_1574 {strides = array<i32>} : memref<8x128xf32, #tpu.memory_space<vmem>>, vector<16xf32>,
        %get3A_1579 = arith.constant 1 : i32
        %get3A_1580 = arith.index_cast %get3A_1579 : i32 to index
        %get3A_1581 = arith.constant 48 : index
        %get3A_1582 = tpu.vector_load %arg11[%get3A_1580, %get3A_1581] {strides = array<i32>} : memref<8x128xf32, #tpu.memory_space<vmem>>, vector<16xf32>,
        %mul3A_1583 = arith.mulf %sub3A_1566, %sub3A_1566 : vector<16xf32>
        %add3A_1584 = arith.addf %get3A_1582, %mul3A_1583 : vector<16xf32>
        %swap3A_1585 = arith.constant 1 : i32
        %swap3A_1586 = arith.index_cast %swap3A_1585 : i32 to index
        %swap3A_1587 = arith.constant 48 : index
        %swap3A_1588 = tpu.vector_load %arg11[%swap3A_1586, %swap3A_1587] {strides = array<i32>} : memref<8x128xf32, #tpu.memory_space<vmem>>, vector<16xf32>,
        tpu.vector_store %arg11[%swap3A_1586, %swap3A_1587], %add3A_1584 {strides = array<i32>} : memref<8x128xf32, #tpu.memory_space<vmem>>, vector<16xf32>,
        %mul3A_1589 = arith.constant 8 : i32
        %mul3A_1590 = arith.muli %scan3A_517, %mul3A_1589 : i32
        %add3A_1591 = arith.constant 7 : i32
        %add3A_1592 = arith.addi %mul3A_1590, %add3A_1591 : i32
        %mul3A_1593 = arith.constant 4 : i32
        %mul3A_1594 = arith.muli %add3A_452, %mul3A_1593 : i32
        %jit3A_1595 = arith.constant 32 : i32
        %div3A_1596 = arith.divsi %add3A_1592, %jit3A_1595 : i32
        %sign3A_1597 = arith.constant 0 : i32
        %sign3A_1598 = arith.cmpi sgt, %add3A_1592, %sign3A_1597 : i32
        %sign3A_1599 = arith.extui %sign3A_1598 : i1 to i32
        %sign3A_1600 = arith.constant 0 : i32
        %sign3A_1601 = arith.cmpi slt, %add3A_1592, %sign3A_1600 : i32
        %sign3A_1602 = arith.extui %sign3A_1601 : i1 to i32
        %sign3A_1603 = arith.subi %sign3A_1599, %sign3A_1602 : i32
        %sign3A_1604 = arith.constant 0 : i32
        %sign3A_1605 = arith.cmpi sgt, %jit3A_1595, %sign3A_1604 : i32
        %sign3A_1606 = arith.extui %sign3A_1605 : i1 to i32
        %sign3A_1607 = arith.constant 0 : i32
        %sign3A_1608 = arith.cmpi slt, %jit3A_1595, %sign3A_1607 : i32
        %sign3A_1609 = arith.extui %sign3A_1608 : i1 to i32
        %sign3A_1610 = arith.subi %sign3A_1606, %sign3A_1609 : i32
        %ne3A_1611 = arith.cmpi ne, %sign3A_1603, %sign3A_1610 : i32
        %rem3A_1612 = arith.remsi %add3A_1592, %jit3A_1595 : i32
        %ne3A_1613 = arith.constant 0 : i32
        %ne3A_1614 = arith.cmpi ne, %rem3A_1612, %ne3A_1613 : i32
        %and3A_1615 = arith.andi %ne3A_1611, %ne3A_1614 : i1
        %sub3A_1616 = arith.constant 1 : i32
        %sub3A_1617 = arith.subi %div3A_1596, %sub3A_1616 : i32
        %select_n3A_1618 = arith.select %and3A_1615, %sub3A_1617, %div3A_1596 : i32
        %add3A_1619 = arith.addi %mul3A_1594, %select_n3A_1618 : i32
        %mul3A_1620 = arith.constant 64 : i32
        %mul3A_1621 = arith.muli %add3A_1619, %mul3A_1620 : i32
        %get3A_1622 = arith.index_cast %add3A_1592 : i32 to index
        %get3A_1623 = arith.constant 0 : index
        %get3A_1624 = tpu.vector_load %arg9[%get3A_1622, %get3A_1623] {strides = array<i32>} : memref<128x128xf32, #tpu.memory_space<vmem>>, vector<16xf32>,
        %add3A_1625 = arith.constant 0 : i32
        %add3A_1626 = arith.addi %mul3A_1621, %add3A_1625 : i32
        %get3A_1627 = arith.index_cast %add3A_1626 : i32 to index
        %get3A_1628 = tpu.vector_load %arg8[%get3A_1627] {strides = array<i32>} : memref<16384xf32, #tpu.memory_space<vmem>>, vector<16xf32>,
        %sub3A_1629 = arith.subf %get3A_1624, %get3A_1628 : vector<16xf32>
        %swap3A_1630 = arith.index_cast %add3A_1592 : i32 to index
        %swap3A_1631 = arith.constant 0 : index
        %swap3A_1632 = tpu.vector_load %arg9[%swap3A_1630, %swap3A_1631] {strides = array<i32>} : memref<128x128xf32, #tpu.memory_space<vmem>>, vector<16xf32>,
        tpu.vector_store %arg9[%swap3A_1630, %swap3A_1631], %sub3A_1629 {strides = array<i32>} : memref<128x128xf32, #tpu.memory_space<vmem>>, vector<16xf32>,
        %get3A_1633 = arith.constant 0 : i32
        %get3A_1634 = arith.index_cast %get3A_1633 : i32 to index
        %get3A_1635 = arith.constant 0 : index
        %get3A_1636 = tpu.vector_load %arg11[%get3A_1634, %get3A_1635] {strides = array<i32>} : memref<8x128xf32, #tpu.memory_space<vmem>>, vector<16xf32>,
        %add3A_1637 = arith.addf %get3A_1636, %sub3A_1629 : vector<16xf32>
        %swap3A_1638 = arith.constant 0 : i32
        %swap3A_1639 = arith.index_cast %swap3A_1638 : i32 to index
        %swap3A_1640 = arith.constant 0 : index
        %swap3A_1641 = tpu.vector_load %arg11[%swap3A_1639, %swap3A_1640] {strides = array<i32>} : memref<8x128xf32, #tpu.memory_space<vmem>>, vector<16xf32>,
        tpu.vector_store %arg11[%swap3A_1639, %swap3A_1640], %add3A_1637 {strides = array<i32>} : memref<8x128xf32, #tpu.memory_space<vmem>>, vector<16xf32>,
        %get3A_1642 = arith.constant 1 : i32
        %get3A_1643 = arith.index_cast %get3A_1642 : i32 to index
        %get3A_1644 = arith.constant 0 : index
        %get3A_1645 = tpu.vector_load %arg11[%get3A_1643, %get3A_1644] {strides = array<i32>} : memref<8x128xf32, #tpu.memory_space<vmem>>, vector<16xf32>,
        %mul3A_1646 = arith.mulf %sub3A_1629, %sub3A_1629 : vector<16xf32>
        %add3A_1647 = arith.addf %get3A_1645, %mul3A_1646 : vector<16xf32>
        %swap3A_1648 = arith.constant 1 : i32
        %swap3A_1649 = arith.index_cast %swap3A_1648 : i32 to index
        %swap3A_1650 = arith.constant 0 : index
        %swap3A_1651 = tpu.vector_load %arg11[%swap3A_1649, %swap3A_1650] {strides = array<i32>} : memref<8x128xf32, #tpu.memory_space<vmem>>, vector<16xf32>,
        tpu.vector_store %arg11[%swap3A_1649, %swap3A_1650], %add3A_1647 {strides = array<i32>} : memref<8x128xf32, #tpu.memory_space<vmem>>, vector<16xf32>,
        %get3A_1652 = arith.index_cast %add3A_1592 : i32 to index
        %get3A_1653 = arith.constant 16 : index
        %get3A_1654 = tpu.vector_load %arg9[%get3A_1652, %get3A_1653] {strides = array<i32>} : memref<128x128xf32, #tpu.memory_space<vmem>>, vector<16xf32>,
        %add3A_1655 = arith.constant 16 : i32
        %add3A_1656 = arith.addi %mul3A_1621, %add3A_1655 : i32
        %get3A_1657 = arith.index_cast %add3A_1656 : i32 to index
        %get3A_1658 = tpu.vector_load %arg8[%get3A_1657] {strides = array<i32>} : memref<16384xf32, #tpu.memory_space<vmem>>, vector<16xf32>,
        %sub3A_1659 = arith.subf %get3A_1654, %get3A_1658 : vector<16xf32>
        %swap3A_1660 = arith.index_cast %add3A_1592 : i32 to index
        %swap3A_1661 = arith.constant 16 : index
        %swap3A_1662 = tpu.vector_load %arg9[%swap3A_1660, %swap3A_1661] {strides = array<i32>} : memref<128x128xf32, #tpu.memory_space<vmem>>, vector<16xf32>,
        tpu.vector_store %arg9[%swap3A_1660, %swap3A_1661], %sub3A_1659 {strides = array<i32>} : memref<128x128xf32, #tpu.memory_space<vmem>>, vector<16xf32>,
        %get3A_1663 = arith.constant 0 : i32
        %get3A_1664 = arith.index_cast %get3A_1663 : i32 to index
        %get3A_1665 = arith.constant 16 : index
        %get3A_1666 = tpu.vector_load %arg11[%get3A_1664, %get3A_1665] {strides = array<i32>} : memref<8x128xf32, #tpu.memory_space<vmem>>, vector<16xf32>,
        %add3A_1667 = arith.addf %get3A_1666, %sub3A_1659 : vector<16xf32>
        %swap3A_1668 = arith.constant 0 : i32
        %swap3A_1669 = arith.index_cast %swap3A_1668 : i32 to index
        %swap3A_1670 = arith.constant 16 : index
        %swap3A_1671 = tpu.vector_load %arg11[%swap3A_1669, %swap3A_1670] {strides = array<i32>} : memref<8x128xf32, #tpu.memory_space<vmem>>, vector<16xf32>,
        tpu.vector_store %arg11[%swap3A_1669, %swap3A_1670], %add3A_1667 {strides = array<i32>} : memref<8x128xf32, #tpu.memory_space<vmem>>, vector<16xf32>,
        %get3A_1672 = arith.constant 1 : i32
        %get3A_1673 = arith.index_cast %get3A_1672 : i32 to index
        %get3A_1674 = arith.constant 16 : index
        %get3A_1675 = tpu.vector_load %arg11[%get3A_1673, %get3A_1674] {strides = array<i32>} : memref<8x128xf32, #tpu.memory_space<vmem>>, vector<16xf32>,
        %mul3A_1676 = arith.mulf %sub3A_1659, %sub3A_1659 : vector<16xf32>
        %add3A_1677 = arith.addf %get3A_1675, %mul3A_1676 : vector<16xf32>
        %swap3A_1678 = arith.constant 1 : i32
        %swap3A_1679 = arith.index_cast %swap3A_1678 : i32 to index
        %swap3A_1680 = arith.constant 16 : index
        %swap3A_1681 = tpu.vector_load %arg11[%swap3A_1679, %swap3A_1680] {strides = array<i32>} : memref<8x128xf32, #tpu.memory_space<vmem>>, vector<16xf32>,
        tpu.vector_store %arg11[%swap3A_1679, %swap3A_1680], %add3A_1677 {strides = array<i32>} : memref<8x128xf32, #tpu.memory_space<vmem>>, vector<16xf32>,
        %get3A_1682 = arith.index_cast %add3A_1592 : i32 to index
        %get3A_1683 = arith.constant 32 : index
        %get3A_1684 = tpu.vector_load %arg9[%get3A_1682, %get3A_1683] {strides = array<i32>} : memref<128x128xf32, #tpu.memory_space<vmem>>, vector<16xf32>,
        %add3A_1685 = arith.constant 32 : i32
        %add3A_1686 = arith.addi %mul3A_1621, %add3A_1685 : i32
        %get3A_1687 = arith.index_cast %add3A_1686 : i32 to index
        %get3A_1688 = tpu.vector_load %arg8[%get3A_1687] {strides = array<i32>} : memref<16384xf32, #tpu.memory_space<vmem>>, vector<16xf32>,
        %sub3A_1689 = arith.subf %get3A_1684, %get3A_1688 : vector<16xf32>
        %swap3A_1690 = arith.index_cast %add3A_1592 : i32 to index
        %swap3A_1691 = arith.constant 32 : index
        %swap3A_1692 = tpu.vector_load %arg9[%swap3A_1690, %swap3A_1691] {strides = array<i32>} : memref<128x128xf32, #tpu.memory_space<vmem>>, vector<16xf32>,
        tpu.vector_store %arg9[%swap3A_1690, %swap3A_1691], %sub3A_1689 {strides = array<i32>} : memref<128x128xf32, #tpu.memory_space<vmem>>, vector<16xf32>,
        %get3A_1693 = arith.constant 0 : i32
        %get3A_1694 = arith.index_cast %get3A_1693 : i32 to index
        %get3A_1695 = arith.constant 32 : index
        %get3A_1696 = tpu.vector_load %arg11[%get3A_1694, %get3A_1695] {strides = array<i32>} : memref<8x128xf32, #tpu.memory_space<vmem>>, vector<16xf32>,
        %add3A_1697 = arith.addf %get3A_1696, %sub3A_1689 : vector<16xf32>
        %swap3A_1698 = arith.constant 0 : i32
        %swap3A_1699 = arith.index_cast %swap3A_1698 : i32 to index
        %swap3A_1700 = arith.constant 32 : index
        %swap3A_1701 = tpu.vector_load %arg11[%swap3A_1699, %swap3A_1700] {strides = array<i32>} : memref<8x128xf32, #tpu.memory_space<vmem>>, vector<16xf32>,
        tpu.vector_store %arg11[%swap3A_1699, %swap3A_1700], %add3A_1697 {strides = array<i32>} : memref<8x128xf32, #tpu.memory_space<vmem>>, vector<16xf32>,
        %get3A_1702 = arith.constant 1 : i32
        %get3A_1703 = arith.index_cast %get3A_1702 : i32 to index
        %get3A_1704 = arith.constant 32 : index
        %get3A_1705 = tpu.vector_load %arg11[%get3A_1703, %get3A_1704] {strides = array<i32>} : memref<8x128xf32, #tpu.memory_space<vmem>>, vector<16xf32>,
        %mul3A_1706 = arith.mulf %sub3A_1689, %sub3A_1689 : vector<16xf32>
        %add3A_1707 = arith.addf %get3A_1705, %mul3A_1706 : vector<16xf32>
        %swap3A_1708 = arith.constant 1 : i32
        %swap3A_1709 = arith.index_cast %swap3A_1708 : i32 to index
        %swap3A_1710 = arith.constant 32 : index
        %swap3A_1711 = tpu.vector_load %arg11[%swap3A_1709, %swap3A_1710] {strides = array<i32>} : memref<8x128xf32, #tpu.memory_space<vmem>>, vector<16xf32>,
        tpu.vector_store %arg11[%swap3A_1709, %swap3A_1710], %add3A_1707 {strides = array<i32>} : memref<8x128xf32, #tpu.memory_space<vmem>>, vector<16xf32>,
        %get3A_1712 = arith.index_cast %add3A_1592 : i32 to index
        %get3A_1713 = arith.constant 48 : index
        %get3A_1714 = tpu.vector_load %arg9[%get3A_1712, %get3A_1713] {strides = array<i32>} : memref<128x128xf32, #tpu.memory_space<vmem>>, vector<16xf32>,
        %add3A_1715 = arith.constant 48 : i32
        %add3A_1716 = arith.addi %mul3A_1621, %add3A_1715 : i32
        %get3A_1717 = arith.index_cast %add3A_1716 : i32 to index
        %get3A_1718 = tpu.vector_load %arg8[%get3A_1717] {strides = array<i32>} : memref<16384xf32, #tpu.memory_space<vmem>>, vector<16xf32>,
        %sub3A_1719 = arith.subf %get3A_1714, %get3A_1718 : vector<16xf32>
        %swap3A_1720 = arith.index_cast %add3A_1592 : i32 to index
        %swap3A_1721 = arith.constant 48 : index
        %swap3A_1722 = tpu.vector_load %arg9[%swap3A_1720, %swap3A_1721] {strides = array<i32>} : memref<128x128xf32, #tpu.memory_space<vmem>>, vector<16xf32>,
        tpu.vector_store %arg9[%swap3A_1720, %swap3A_1721], %sub3A_1719 {strides = array<i32>} : memref<128x128xf32, #tpu.memory_space<vmem>>, vector<16xf32>,
        %get3A_1723 = arith.constant 0 : i32
        %get3A_1724 = arith.index_cast %get3A_1723 : i32 to index
        %get3A_1725 = arith.constant 48 : index
        %get3A_1726 = tpu.vector_load %arg11[%get3A_1724, %get3A_1725] {strides = array<i32>} : memref<8x128xf32, #tpu.memory_space<vmem>>, vector<16xf32>,
        %add3A_1727 = arith.addf %get3A_1726, %sub3A_1719 : vector<16xf32>
        %swap3A_1728 = arith.constant 0 : i32
        %swap3A_1729 = arith.index_cast %swap3A_1728 : i32 to index
        %swap3A_1730 = arith.constant 48 : index
        %swap3A_1731 = tpu.vector_load %arg11[%swap3A_1729, %swap3A_1730] {strides = array<i32>} : memref<8x128xf32, #tpu.memory_space<vmem>>, vector<16xf32>,
        tpu.vector_store %arg11[%swap3A_1729, %swap3A_1730], %add3A_1727 {strides = array<i32>} : memref<8x128xf32, #tpu.memory_space<vmem>>, vector<16xf32>,
        %get3A_1732 = arith.constant 1 : i32
        %get3A_1733 = arith.index_cast %get3A_1732 : i32 to index
        %get3A_1734 = arith.constant 48 : index
        %get3A_1735 = tpu.vector_load %arg11[%get3A_1733, %get3A_1734] {strides = array<i32>} : memref<8x128xf32, #tpu.memory_space<vmem>>, vector<16xf32>,
        %mul3A_1736 = arith.mulf %sub3A_1719, %sub3A_1719 : vector<16xf32>
        %add3A_1737 = arith.addf %get3A_1735, %mul3A_1736 : vector<16xf32>
        %swap3A_1738 = arith.constant 1 : i32
        %swap3A_1739 = arith.index_cast %swap3A_1738 : i32 to index
        %swap3A_1740 = arith.constant 48 : index
        %swap3A_1741 = tpu.vector_load %arg11[%swap3A_1739, %swap3A_1740] {strides = array<i32>} : memref<8x128xf32, #tpu.memory_space<vmem>>, vector<16xf32>,
        tpu.vector_store %arg11[%swap3A_1739, %swap3A_1740], %add3A_1737 {strides = array<i32>} : memref<8x128xf32, #tpu.memory_space<vmem>>, vector<16xf32>,
        %scan3A_1742 = arith.constant 0 : i32
        scf.yield %scan3A_1742 : i32
      }
      %scan3A_469 = arith.constant 16 : i32
      %mul3A_470 = arith.constant 128 : i32
      %mul3A_471 = arith.muli %add3A_452, %mul3A_470 : i32
      %add3A_472 = arith.addi %mul3A_37, %mul3A_471 : i32
      %dma_start3A_473 = arith.constant 0 : i32
      %dma_start3A_474 = tpu.memref_slice %arg5[%add3A_472, %dma_start3A_473] : memref<262144x128xf32, #tpu.memory_space<hbm>> -> memref<128x128xf32, #tpu.memory_space<hbm>>
      %dma_start3A_475 = arith.constant 0 : i32
      %dma_start3A_476 = tpu.memref_slice %arg5[%add3A_472, %dma_start3A_475] : memref<262144x128xf32, #tpu.memory_space<hbm>> -> memref<128x128xf32, #tpu.memory_space<hbm>>
      tpu.enqueue_dma source(%arg9 : memref<128x128xf32, #tpu.memory_space<vmem>>) target(%dma_start3A_476 : memref<128x128xf32, #tpu.memory_space<hbm>>) target_semaphore(%arg14 : memref<!tpu.dma_semaphore, #tpu.memory_space<semaphore_mem>>)
      %dma_wait3A_477 = arith.constant 0 : i32
      %dma_wait3A_478 = tpu.memref_slice %arg5[%add3A_472, %dma_wait3A_477] : memref<262144x128xf32, #tpu.memory_space<hbm>> -> memref<128x128xf32, #tpu.memory_space<hbm>>
      %dma_wait3A_479 = arith.constant 0 : i32
      %dma_wait3A_480 = tpu.memref_slice %arg5[%add3A_472, %dma_wait3A_479] : memref<262144x128xf32, #tpu.memory_space<hbm>> -> memref<128x128xf32, #tpu.memory_space<hbm>>
      tpu.wait_dma2 semaphore(%arg14 : memref<!tpu.dma_semaphore, #tpu.memory_space<semaphore_mem>>) src(%arg9 : memref<128x128xf32, #tpu.memory_space<vmem>>) dst(%dma_wait3A_480 : memref<128x128xf32, #tpu.memory_space<hbm>>)
      %mul3A_481 = arith.constant 2 : i32
      %mul3A_482 = arith.muli %scan3A_447, %mul3A_481 : i32
      %add3A_483 = arith.constant 1 : i32
      %add3A_484 = arith.addi %mul3A_482, %add3A_483 : i32
      %add3A_485 = arith.constant 1 : i32
      %add3A_486 = arith.addi %add3A_484, %add3A_485 : i32
      %lt3A_487 = arith.constant 64 : i32
      %lt3A_488 = arith.cmpi slt, %add3A_486, %lt3A_487 : i32
      %convert_element_type3A_489 = arith.extui %lt3A_488 : i1 to i32
      %cond3A_490 = arith.constant 0 : i32
      %cond3A_491 = arith.cmpi ne, %convert_element_type3A_489, %cond3A_490 : i32
      scf.if %cond3A_491 {
        %add3A_517 = arith.constant 1 : i32
        %add3A_518 = arith.addi %add3A_484, %add3A_517 : i32
        %mul3A_519 = arith.constant 128 : i32
        %mul3A_520 = arith.muli %add3A_518, %mul3A_519 : i32
        %dma_start3A_521 = tpu.memref_slice %arg7[%mul3A_520] : memref<8192xi32, #tpu.memory_space<vmem>> -> memref<128xi32, #tpu.memory_space<vmem>>
        %dma_start3A_522 = arith.constant 0 : i32
        %dma_start3A_523 = arith.constant 0 : i32
        %dma_start3A_524 = tpu.memref_slice %arg2[%dma_start3A_522, %dma_start3A_523] : memref<65536x128xf32, #tpu.memory_space<hbm>> -> memref<65536x128xf32, #tpu.memory_space<hbm>>
        tpu.enqueue_indirect_dma source(%dma_start3A_524 : memref<65536x128xf32, #tpu.memory_space<hbm>>) target(%arg9 : memref<128x128xf32, #tpu.memory_space<vmem>>) offsets(%dma_start3A_521 : memref<128xi32, #tpu.memory_space<vmem>>) semaphore(%arg12 : memref<!tpu.dma_semaphore, #tpu.memory_space<semaphore_mem>>)
      } else {
      }
      %mul3A_492 = arith.constant 128 : i32
      %mul3A_493 = arith.muli %add3A_484, %mul3A_492 : i32
      %dma_wait3A_494 = tpu.memref_slice %arg7[%mul3A_493] : memref<8192xi32, #tpu.memory_space<vmem>> -> memref<128xi32, #tpu.memory_space<vmem>>
      %dma_wait3A_495 = arith.constant 0 : i32
      %dma_wait3A_496 = arith.constant 0 : i32
      %dma_wait3A_497 = tpu.memref_slice %arg2[%dma_wait3A_495, %dma_wait3A_496] : memref<65536x128xf32, #tpu.memory_space<hbm>> -> memref<65536x128xf32, #tpu.memory_space<hbm>>
      tpu.wait_indirect_dma semaphore(%arg13 : memref<!tpu.dma_semaphore, #tpu.memory_space<semaphore_mem>>) src(%dma_wait3A_497 : memref<65536x128xf32, #tpu.memory_space<hbm>>) dst(%arg10 : memref<128x128xf32, #tpu.memory_space<vmem>>)
      %scan3A_498 = arith.constant 0 : i32
      %scan3A_499 = arith.constant 0 : i32
      %scan3A_500 = arith.constant 16 : i32
      %scan3A_501 = arith.addi %scan3A_499, %scan3A_500 : i32
      %scan3A_502 = arith.constant 1 : i32
      %scan3A_503 = scf.for %scan3A_517 = %scan3A_499 to %scan3A_501 step %scan3A_502 iter_args(%scan3A_518 = %scan3A_498) -> (i32)  : i32 {
        %mul3A_519 = arith.constant 8 : i32
        %mul3A_520 = arith.muli %scan3A_517, %mul3A_519 : i32
        %add3A_521 = arith.constant 0 : i32
        %add3A_522 = arith.addi %mul3A_520, %add3A_521 : i32
        %mul3A_523 = arith.constant 4 : i32
        %mul3A_524 = arith.muli %add3A_484, %mul3A_523 : i32
        %jit3A_525 = arith.constant 32 : i32
        %div3A_526 = arith.divsi %add3A_522, %jit3A_525 : i32
        %sign3A_527 = arith.constant 0 : i32
        %sign3A_528 = arith.cmpi sgt, %add3A_522, %sign3A_527 : i32
        %sign3A_529 = arith.extui %sign3A_528 : i1 to i32
        %sign3A_530 = arith.constant 0 : i32
        %sign3A_531 = arith.cmpi slt, %add3A_522, %sign3A_530 : i32
        %sign3A_532 = arith.extui %sign3A_531 : i1 to i32
        %sign3A_533 = arith.subi %sign3A_529, %sign3A_532 : i32
        %sign3A_534 = arith.constant 0 : i32
        %sign3A_535 = arith.cmpi sgt, %jit3A_525, %sign3A_534 : i32
        %sign3A_536 = arith.extui %sign3A_535 : i1 to i32
        %sign3A_537 = arith.constant 0 : i32
        %sign3A_538 = arith.cmpi slt, %jit3A_525, %sign3A_537 : i32
        %sign3A_539 = arith.extui %sign3A_538 : i1 to i32
        %sign3A_540 = arith.subi %sign3A_536, %sign3A_539 : i32
        %ne3A_541 = arith.cmpi ne, %sign3A_533, %sign3A_540 : i32
        %rem3A_542 = arith.remsi %add3A_522, %jit3A_525 : i32
        %ne3A_543 = arith.constant 0 : i32
        %ne3A_544 = arith.cmpi ne, %rem3A_542, %ne3A_543 : i32
        %and3A_545 = arith.andi %ne3A_541, %ne3A_544 : i1
        %sub3A_546 = arith.constant 1 : i32
        %sub3A_547 = arith.subi %div3A_526, %sub3A_546 : i32
        %select_n3A_548 = arith.select %and3A_545, %sub3A_547, %div3A_526 : i32
        %add3A_549 = arith.addi %mul3A_524, %select_n3A_548 : i32
        %mul3A_550 = arith.constant 64 : i32
        %mul3A_551 = arith.muli %add3A_549, %mul3A_550 : i32
        %get3A = arith.index_cast %add3A_522 : i32 to index
        %get3A_552 = arith.constant 0 : index
        %get3A_553 = tpu.vector_load %arg10[%get3A, %get3A_552] {strides = array<i32>} : memref<128x128xf32, #tpu.memory_space<vmem>>, vector<16xf32>,
        %add3A_554 = arith.constant 0 : i32
        %add3A_555 = arith.addi %mul3A_551, %add3A_554 : i32
        %get3A_556 = arith.index_cast %add3A_555 : i32 to index
        %get3A_557 = tpu.vector_load %arg8[%get3A_556] {strides = array<i32>} : memref<16384xf32, #tpu.memory_space<vmem>>, vector<16xf32>,
        %sub3A_558 = arith.subf %get3A_553, %get3A_557 : vector<16xf32>
        %swap3A_559 = arith.index_cast %add3A_522 : i32 to index
        %swap3A_560 = arith.constant 0 : index
        %swap3A_561 = tpu.vector_load %arg10[%swap3A_559, %swap3A_560] {strides = array<i32>} : memref<128x128xf32, #tpu.memory_space<vmem>>, vector<16xf32>,
        tpu.vector_store %arg10[%swap3A_559, %swap3A_560], %sub3A_558 {strides = array<i32>} : memref<128x128xf32, #tpu.memory_space<vmem>>, vector<16xf32>,
        %get3A_562 = arith.constant 0 : i32
        %get3A_563 = arith.index_cast %get3A_562 : i32 to index
        %get3A_564 = arith.constant 0 : index
        %get3A_565 = tpu.vector_load %arg11[%get3A_563, %get3A_564] {strides = array<i32>} : memref<8x128xf32, #tpu.memory_space<vmem>>, vector<16xf32>,
        %add3A_566 = arith.addf %get3A_565, %sub3A_558 : vector<16xf32>
        %swap3A_567 = arith.constant 0 : i32
        %swap3A_568 = arith.index_cast %swap3A_567 : i32 to index
        %swap3A_569 = arith.constant 0 : index
        %swap3A_570 = tpu.vector_load %arg11[%swap3A_568, %swap3A_569] {strides = array<i32>} : memref<8x128xf32, #tpu.memory_space<vmem>>, vector<16xf32>,
        tpu.vector_store %arg11[%swap3A_568, %swap3A_569], %add3A_566 {strides = array<i32>} : memref<8x128xf32, #tpu.memory_space<vmem>>, vector<16xf32>,
        %get3A_571 = arith.constant 1 : i32
        %get3A_572 = arith.index_cast %get3A_571 : i32 to index
        %get3A_573 = arith.constant 0 : index
        %get3A_574 = tpu.vector_load %arg11[%get3A_572, %get3A_573] {strides = array<i32>} : memref<8x128xf32, #tpu.memory_space<vmem>>, vector<16xf32>,
        %mul3A_575 = arith.mulf %sub3A_558, %sub3A_558 : vector<16xf32>
        %add3A_576 = arith.addf %get3A_574, %mul3A_575 : vector<16xf32>
        %swap3A_577 = arith.constant 1 : i32
        %swap3A_578 = arith.index_cast %swap3A_577 : i32 to index
        %swap3A_579 = arith.constant 0 : index
        %swap3A_580 = tpu.vector_load %arg11[%swap3A_578, %swap3A_579] {strides = array<i32>} : memref<8x128xf32, #tpu.memory_space<vmem>>, vector<16xf32>,
        tpu.vector_store %arg11[%swap3A_578, %swap3A_579], %add3A_576 {strides = array<i32>} : memref<8x128xf32, #tpu.memory_space<vmem>>, vector<16xf32>,
        %get3A_581 = arith.index_cast %add3A_522 : i32 to index
        %get3A_582 = arith.constant 16 : index
        %get3A_583 = tpu.vector_load %arg10[%get3A_581, %get3A_582] {strides = array<i32>} : memref<128x128xf32, #tpu.memory_space<vmem>>, vector<16xf32>,
        %add3A_584 = arith.constant 16 : i32
        %add3A_585 = arith.addi %mul3A_551, %add3A_584 : i32
        %get3A_586 = arith.index_cast %add3A_585 : i32 to index
        %get3A_587 = tpu.vector_load %arg8[%get3A_586] {strides = array<i32>} : memref<16384xf32, #tpu.memory_space<vmem>>, vector<16xf32>,
        %sub3A_588 = arith.subf %get3A_583, %get3A_587 : vector<16xf32>
        %swap3A_589 = arith.index_cast %add3A_522 : i32 to index
        %swap3A_590 = arith.constant 16 : index
        %swap3A_591 = tpu.vector_load %arg10[%swap3A_589, %swap3A_590] {strides = array<i32>} : memref<128x128xf32, #tpu.memory_space<vmem>>, vector<16xf32>,
        tpu.vector_store %arg10[%swap3A_589, %swap3A_590], %sub3A_588 {strides = array<i32>} : memref<128x128xf32, #tpu.memory_space<vmem>>, vector<16xf32>,
        %get3A_592 = arith.constant 0 : i32
        %get3A_593 = arith.index_cast %get3A_592 : i32 to index
        %get3A_594 = arith.constant 16 : index
        %get3A_595 = tpu.vector_load %arg11[%get3A_593, %get3A_594] {strides = array<i32>} : memref<8x128xf32, #tpu.memory_space<vmem>>, vector<16xf32>,
        %add3A_596 = arith.addf %get3A_595, %sub3A_588 : vector<16xf32>
        %swap3A_597 = arith.constant 0 : i32
        %swap3A_598 = arith.index_cast %swap3A_597 : i32 to index
        %swap3A_599 = arith.constant 16 : index
        %swap3A_600 = tpu.vector_load %arg11[%swap3A_598, %swap3A_599] {strides = array<i32>} : memref<8x128xf32, #tpu.memory_space<vmem>>, vector<16xf32>,
        tpu.vector_store %arg11[%swap3A_598, %swap3A_599], %add3A_596 {strides = array<i32>} : memref<8x128xf32, #tpu.memory_space<vmem>>, vector<16xf32>,
        %get3A_601 = arith.constant 1 : i32
        %get3A_602 = arith.index_cast %get3A_601 : i32 to index
        %get3A_603 = arith.constant 16 : index
        %get3A_604 = tpu.vector_load %arg11[%get3A_602, %get3A_603] {strides = array<i32>} : memref<8x128xf32, #tpu.memory_space<vmem>>, vector<16xf32>,
        %mul3A_605 = arith.mulf %sub3A_588, %sub3A_588 : vector<16xf32>
        %add3A_606 = arith.addf %get3A_604, %mul3A_605 : vector<16xf32>
        %swap3A_607 = arith.constant 1 : i32
        %swap3A_608 = arith.index_cast %swap3A_607 : i32 to index
        %swap3A_609 = arith.constant 16 : index
        %swap3A_610 = tpu.vector_load %arg11[%swap3A_608, %swap3A_609] {strides = array<i32>} : memref<8x128xf32, #tpu.memory_space<vmem>>, vector<16xf32>,
        tpu.vector_store %arg11[%swap3A_608, %swap3A_609], %add3A_606 {strides = array<i32>} : memref<8x128xf32, #tpu.memory_space<vmem>>, vector<16xf32>,
        %get3A_611 = arith.index_cast %add3A_522 : i32 to index
        %get3A_612 = arith.constant 32 : index
        %get3A_613 = tpu.vector_load %arg10[%get3A_611, %get3A_612] {strides = array<i32>} : memref<128x128xf32, #tpu.memory_space<vmem>>, vector<16xf32>,
        %add3A_614 = arith.constant 32 : i32
        %add3A_615 = arith.addi %mul3A_551, %add3A_614 : i32
        %get3A_616 = arith.index_cast %add3A_615 : i32 to index
        %get3A_617 = tpu.vector_load %arg8[%get3A_616] {strides = array<i32>} : memref<16384xf32, #tpu.memory_space<vmem>>, vector<16xf32>,
        %sub3A_618 = arith.subf %get3A_613, %get3A_617 : vector<16xf32>
        %swap3A_619 = arith.index_cast %add3A_522 : i32 to index
        %swap3A_620 = arith.constant 32 : index
        %swap3A_621 = tpu.vector_load %arg10[%swap3A_619, %swap3A_620] {strides = array<i32>} : memref<128x128xf32, #tpu.memory_space<vmem>>, vector<16xf32>,
        tpu.vector_store %arg10[%swap3A_619, %swap3A_620], %sub3A_618 {strides = array<i32>} : memref<128x128xf32, #tpu.memory_space<vmem>>, vector<16xf32>,
        %get3A_622 = arith.constant 0 : i32
        %get3A_623 = arith.index_cast %get3A_622 : i32 to index
        %get3A_624 = arith.constant 32 : index
        %get3A_625 = tpu.vector_load %arg11[%get3A_623, %get3A_624] {strides = array<i32>} : memref<8x128xf32, #tpu.memory_space<vmem>>, vector<16xf32>,
        %add3A_626 = arith.addf %get3A_625, %sub3A_618 : vector<16xf32>
        %swap3A_627 = arith.constant 0 : i32
        %swap3A_628 = arith.index_cast %swap3A_627 : i32 to index
        %swap3A_629 = arith.constant 32 : index
        %swap3A_630 = tpu.vector_load %arg11[%swap3A_628, %swap3A_629] {strides = array<i32>} : memref<8x128xf32, #tpu.memory_space<vmem>>, vector<16xf32>,
        tpu.vector_store %arg11[%swap3A_628, %swap3A_629], %add3A_626 {strides = array<i32>} : memref<8x128xf32, #tpu.memory_space<vmem>>, vector<16xf32>,
        %get3A_631 = arith.constant 1 : i32
        %get3A_632 = arith.index_cast %get3A_631 : i32 to index
        %get3A_633 = arith.constant 32 : index
        %get3A_634 = tpu.vector_load %arg11[%get3A_632, %get3A_633] {strides = array<i32>} : memref<8x128xf32, #tpu.memory_space<vmem>>, vector<16xf32>,
        %mul3A_635 = arith.mulf %sub3A_618, %sub3A_618 : vector<16xf32>
        %add3A_636 = arith.addf %get3A_634, %mul3A_635 : vector<16xf32>
        %swap3A_637 = arith.constant 1 : i32
        %swap3A_638 = arith.index_cast %swap3A_637 : i32 to index
        %swap3A_639 = arith.constant 32 : index
        %swap3A_640 = tpu.vector_load %arg11[%swap3A_638, %swap3A_639] {strides = array<i32>} : memref<8x128xf32, #tpu.memory_space<vmem>>, vector<16xf32>,
        tpu.vector_store %arg11[%swap3A_638, %swap3A_639], %add3A_636 {strides = array<i32>} : memref<8x128xf32, #tpu.memory_space<vmem>>, vector<16xf32>,
        %get3A_641 = arith.index_cast %add3A_522 : i32 to index
        %get3A_642 = arith.constant 48 : index
        %get3A_643 = tpu.vector_load %arg10[%get3A_641, %get3A_642] {strides = array<i32>} : memref<128x128xf32, #tpu.memory_space<vmem>>, vector<16xf32>,
        %add3A_644 = arith.constant 48 : i32
        %add3A_645 = arith.addi %mul3A_551, %add3A_644 : i32
        %get3A_646 = arith.index_cast %add3A_645 : i32 to index
        %get3A_647 = tpu.vector_load %arg8[%get3A_646] {strides = array<i32>} : memref<16384xf32, #tpu.memory_space<vmem>>, vector<16xf32>,
        %sub3A_648 = arith.subf %get3A_643, %get3A_647 : vector<16xf32>
        %swap3A_649 = arith.index_cast %add3A_522 : i32 to index
        %swap3A_650 = arith.constant 48 : index
        %swap3A_651 = tpu.vector_load %arg10[%swap3A_649, %swap3A_650] {strides = array<i32>} : memref<128x128xf32, #tpu.memory_space<vmem>>, vector<16xf32>,
        tpu.vector_store %arg10[%swap3A_649, %swap3A_650], %sub3A_648 {strides = array<i32>} : memref<128x128xf32, #tpu.memory_space<vmem>>, vector<16xf32>,
        %get3A_652 = arith.constant 0 : i32
        %get3A_653 = arith.index_cast %get3A_652 : i32 to index
        %get3A_654 = arith.constant 48 : index
        %get3A_655 = tpu.vector_load %arg11[%get3A_653, %get3A_654] {strides = array<i32>} : memref<8x128xf32, #tpu.memory_space<vmem>>, vector<16xf32>,
        %add3A_656 = arith.addf %get3A_655, %sub3A_648 : vector<16xf32>
        %swap3A_657 = arith.constant 0 : i32
        %swap3A_658 = arith.index_cast %swap3A_657 : i32 to index
        %swap3A_659 = arith.constant 48 : index
        %swap3A_660 = tpu.vector_load %arg11[%swap3A_658, %swap3A_659] {strides = array<i32>} : memref<8x128xf32, #tpu.memory_space<vmem>>, vector<16xf32>,
        tpu.vector_store %arg11[%swap3A_658, %swap3A_659], %add3A_656 {strides = array<i32>} : memref<8x128xf32, #tpu.memory_space<vmem>>, vector<16xf32>,
        %get3A_661 = arith.constant 1 : i32
        %get3A_662 = arith.index_cast %get3A_661 : i32 to index
        %get3A_663 = arith.constant 48 : index
        %get3A_664 = tpu.vector_load %arg11[%get3A_662, %get3A_663] {strides = array<i32>} : memref<8x128xf32, #tpu.memory_space<vmem>>, vector<16xf32>,
        %mul3A_665 = arith.mulf %sub3A_648, %sub3A_648 : vector<16xf32>
        %add3A_666 = arith.addf %get3A_664, %mul3A_665 : vector<16xf32>
        %swap3A_667 = arith.constant 1 : i32
        %swap3A_668 = arith.index_cast %swap3A_667 : i32 to index
        %swap3A_669 = arith.constant 48 : index
        %swap3A_670 = tpu.vector_load %arg11[%swap3A_668, %swap3A_669] {strides = array<i32>} : memref<8x128xf32, #tpu.memory_space<vmem>>, vector<16xf32>,
        tpu.vector_store %arg11[%swap3A_668, %swap3A_669], %add3A_666 {strides = array<i32>} : memref<8x128xf32, #tpu.memory_space<vmem>>, vector<16xf32>,
        %mul3A_671 = arith.constant 8 : i32
        %mul3A_672 = arith.muli %scan3A_517, %mul3A_671 : i32
        %add3A_673 = arith.constant 1 : i32
        %add3A_674 = arith.addi %mul3A_672, %add3A_673 : i32
        %mul3A_675 = arith.constant 4 : i32
        %mul3A_676 = arith.muli %add3A_484, %mul3A_675 : i32
        %jit3A_677 = arith.constant 32 : i32
        %div3A_678 = arith.divsi %add3A_674, %jit3A_677 : i32
        %sign3A_679 = arith.constant 0 : i32
        %sign3A_680 = arith.cmpi sgt, %add3A_674, %sign3A_679 : i32
        %sign3A_681 = arith.extui %sign3A_680 : i1 to i32
        %sign3A_682 = arith.constant 0 : i32
        %sign3A_683 = arith.cmpi slt, %add3A_674, %sign3A_682 : i32
        %sign3A_684 = arith.extui %sign3A_683 : i1 to i32
        %sign3A_685 = arith.subi %sign3A_681, %sign3A_684 : i32
        %sign3A_686 = arith.constant 0 : i32
        %sign3A_687 = arith.cmpi sgt, %jit3A_677, %sign3A_686 : i32
        %sign3A_688 = arith.extui %sign3A_687 : i1 to i32
        %sign3A_689 = arith.constant 0 : i32
        %sign3A_690 = arith.cmpi slt, %jit3A_677, %sign3A_689 : i32
        %sign3A_691 = arith.extui %sign3A_690 : i1 to i32
        %sign3A_692 = arith.subi %sign3A_688, %sign3A_691 : i32
        %ne3A_693 = arith.cmpi ne, %sign3A_685, %sign3A_692 : i32
        %rem3A_694 = arith.remsi %add3A_674, %jit3A_677 : i32
        %ne3A_695 = arith.constant 0 : i32
        %ne3A_696 = arith.cmpi ne, %rem3A_694, %ne3A_695 : i32
        %and3A_697 = arith.andi %ne3A_693, %ne3A_696 : i1
        %sub3A_698 = arith.constant 1 : i32
        %sub3A_699 = arith.subi %div3A_678, %sub3A_698 : i32
        %select_n3A_700 = arith.select %and3A_697, %sub3A_699, %div3A_678 : i32
        %add3A_701 = arith.addi %mul3A_676, %select_n3A_700 : i32
        %mul3A_702 = arith.constant 64 : i32
        %mul3A_703 = arith.muli %add3A_701, %mul3A_702 : i32
        %get3A_704 = arith.index_cast %add3A_674 : i32 to index
        %get3A_705 = arith.constant 0 : index
        %get3A_706 = tpu.vector_load %arg10[%get3A_704, %get3A_705] {strides = array<i32>} : memref<128x128xf32, #tpu.memory_space<vmem>>, vector<16xf32>,
        %add3A_707 = arith.constant 0 : i32
        %add3A_708 = arith.addi %mul3A_703, %add3A_707 : i32
        %get3A_709 = arith.index_cast %add3A_708 : i32 to index
        %get3A_710 = tpu.vector_load %arg8[%get3A_709] {strides = array<i32>} : memref<16384xf32, #tpu.memory_space<vmem>>, vector<16xf32>,
        %sub3A_711 = arith.subf %get3A_706, %get3A_710 : vector<16xf32>
        %swap3A_712 = arith.index_cast %add3A_674 : i32 to index
        %swap3A_713 = arith.constant 0 : index
        %swap3A_714 = tpu.vector_load %arg10[%swap3A_712, %swap3A_713] {strides = array<i32>} : memref<128x128xf32, #tpu.memory_space<vmem>>, vector<16xf32>,
        tpu.vector_store %arg10[%swap3A_712, %swap3A_713], %sub3A_711 {strides = array<i32>} : memref<128x128xf32, #tpu.memory_space<vmem>>, vector<16xf32>,
        %get3A_715 = arith.constant 0 : i32
        %get3A_716 = arith.index_cast %get3A_715 : i32 to index
        %get3A_717 = arith.constant 0 : index
        %get3A_718 = tpu.vector_load %arg11[%get3A_716, %get3A_717] {strides = array<i32>} : memref<8x128xf32, #tpu.memory_space<vmem>>, vector<16xf32>,
        %add3A_719 = arith.addf %get3A_718, %sub3A_711 : vector<16xf32>
        %swap3A_720 = arith.constant 0 : i32
        %swap3A_721 = arith.index_cast %swap3A_720 : i32 to index
        %swap3A_722 = arith.constant 0 : index
        %swap3A_723 = tpu.vector_load %arg11[%swap3A_721, %swap3A_722] {strides = array<i32>} : memref<8x128xf32, #tpu.memory_space<vmem>>, vector<16xf32>,
        tpu.vector_store %arg11[%swap3A_721, %swap3A_722], %add3A_719 {strides = array<i32>} : memref<8x128xf32, #tpu.memory_space<vmem>>, vector<16xf32>,
        %get3A_724 = arith.constant 1 : i32
        %get3A_725 = arith.index_cast %get3A_724 : i32 to index
        %get3A_726 = arith.constant 0 : index
        %get3A_727 = tpu.vector_load %arg11[%get3A_725, %get3A_726] {strides = array<i32>} : memref<8x128xf32, #tpu.memory_space<vmem>>, vector<16xf32>,
        %mul3A_728 = arith.mulf %sub3A_711, %sub3A_711 : vector<16xf32>
        %add3A_729 = arith.addf %get3A_727, %mul3A_728 : vector<16xf32>
        %swap3A_730 = arith.constant 1 : i32
        %swap3A_731 = arith.index_cast %swap3A_730 : i32 to index
        %swap3A_732 = arith.constant 0 : index
        %swap3A_733 = tpu.vector_load %arg11[%swap3A_731, %swap3A_732] {strides = array<i32>} : memref<8x128xf32, #tpu.memory_space<vmem>>, vector<16xf32>,
        tpu.vector_store %arg11[%swap3A_731, %swap3A_732], %add3A_729 {strides = array<i32>} : memref<8x128xf32, #tpu.memory_space<vmem>>, vector<16xf32>,
        %get3A_734 = arith.index_cast %add3A_674 : i32 to index
        %get3A_735 = arith.constant 16 : index
        %get3A_736 = tpu.vector_load %arg10[%get3A_734, %get3A_735] {strides = array<i32>} : memref<128x128xf32, #tpu.memory_space<vmem>>, vector<16xf32>,
        %add3A_737 = arith.constant 16 : i32
        %add3A_738 = arith.addi %mul3A_703, %add3A_737 : i32
        %get3A_739 = arith.index_cast %add3A_738 : i32 to index
        %get3A_740 = tpu.vector_load %arg8[%get3A_739] {strides = array<i32>} : memref<16384xf32, #tpu.memory_space<vmem>>, vector<16xf32>,
        %sub3A_741 = arith.subf %get3A_736, %get3A_740 : vector<16xf32>
        %swap3A_742 = arith.index_cast %add3A_674 : i32 to index
        %swap3A_743 = arith.constant 16 : index
        %swap3A_744 = tpu.vector_load %arg10[%swap3A_742, %swap3A_743] {strides = array<i32>} : memref<128x128xf32, #tpu.memory_space<vmem>>, vector<16xf32>,
        tpu.vector_store %arg10[%swap3A_742, %swap3A_743], %sub3A_741 {strides = array<i32>} : memref<128x128xf32, #tpu.memory_space<vmem>>, vector<16xf32>,
        %get3A_745 = arith.constant 0 : i32
        %get3A_746 = arith.index_cast %get3A_745 : i32 to index
        %get3A_747 = arith.constant 16 : index
        %get3A_748 = tpu.vector_load %arg11[%get3A_746, %get3A_747] {strides = array<i32>} : memref<8x128xf32, #tpu.memory_space<vmem>>, vector<16xf32>,
        %add3A_749 = arith.addf %get3A_748, %sub3A_741 : vector<16xf32>
        %swap3A_750 = arith.constant 0 : i32
        %swap3A_751 = arith.index_cast %swap3A_750 : i32 to index
        %swap3A_752 = arith.constant 16 : index
        %swap3A_753 = tpu.vector_load %arg11[%swap3A_751, %swap3A_752] {strides = array<i32>} : memref<8x128xf32, #tpu.memory_space<vmem>>, vector<16xf32>,
        tpu.vector_store %arg11[%swap3A_751, %swap3A_752], %add3A_749 {strides = array<i32>} : memref<8x128xf32, #tpu.memory_space<vmem>>, vector<16xf32>,
        %get3A_754 = arith.constant 1 : i32
        %get3A_755 = arith.index_cast %get3A_754 : i32 to index
        %get3A_756 = arith.constant 16 : index
        %get3A_757 = tpu.vector_load %arg11[%get3A_755, %get3A_756] {strides = array<i32>} : memref<8x128xf32, #tpu.memory_space<vmem>>, vector<16xf32>,
        %mul3A_758 = arith.mulf %sub3A_741, %sub3A_741 : vector<16xf32>
        %add3A_759 = arith.addf %get3A_757, %mul3A_758 : vector<16xf32>
        %swap3A_760 = arith.constant 1 : i32
        %swap3A_761 = arith.index_cast %swap3A_760 : i32 to index
        %swap3A_762 = arith.constant 16 : index
        %swap3A_763 = tpu.vector_load %arg11[%swap3A_761, %swap3A_762] {strides = array<i32>} : memref<8x128xf32, #tpu.memory_space<vmem>>, vector<16xf32>,
        tpu.vector_store %arg11[%swap3A_761, %swap3A_762], %add3A_759 {strides = array<i32>} : memref<8x128xf32, #tpu.memory_space<vmem>>, vector<16xf32>,
        %get3A_764 = arith.index_cast %add3A_674 : i32 to index
        %get3A_765 = arith.constant 32 : index
        %get3A_766 = tpu.vector_load %arg10[%get3A_764, %get3A_765] {strides = array<i32>} : memref<128x128xf32, #tpu.memory_space<vmem>>, vector<16xf32>,
        %add3A_767 = arith.constant 32 : i32
        %add3A_768 = arith.addi %mul3A_703, %add3A_767 : i32
        %get3A_769 = arith.index_cast %add3A_768 : i32 to index
        %get3A_770 = tpu.vector_load %arg8[%get3A_769] {strides = array<i32>} : memref<16384xf32, #tpu.memory_space<vmem>>, vector<16xf32>,
        %sub3A_771 = arith.subf %get3A_766, %get3A_770 : vector<16xf32>
        %swap3A_772 = arith.index_cast %add3A_674 : i32 to index
        %swap3A_773 = arith.constant 32 : index
        %swap3A_774 = tpu.vector_load %arg10[%swap3A_772, %swap3A_773] {strides = array<i32>} : memref<128x128xf32, #tpu.memory_space<vmem>>, vector<16xf32>,
        tpu.vector_store %arg10[%swap3A_772, %swap3A_773], %sub3A_771 {strides = array<i32>} : memref<128x128xf32, #tpu.memory_space<vmem>>, vector<16xf32>,
        %get3A_775 = arith.constant 0 : i32
        %get3A_776 = arith.index_cast %get3A_775 : i32 to index
        %get3A_777 = arith.constant 32 : index
        %get3A_778 = tpu.vector_load %arg11[%get3A_776, %get3A_777] {strides = array<i32>} : memref<8x128xf32, #tpu.memory_space<vmem>>, vector<16xf32>,
        %add3A_779 = arith.addf %get3A_778, %sub3A_771 : vector<16xf32>
        %swap3A_780 = arith.constant 0 : i32
        %swap3A_781 = arith.index_cast %swap3A_780 : i32 to index
        %swap3A_782 = arith.constant 32 : index
        %swap3A_783 = tpu.vector_load %arg11[%swap3A_781, %swap3A_782] {strides = array<i32>} : memref<8x128xf32, #tpu.memory_space<vmem>>, vector<16xf32>,
        tpu.vector_store %arg11[%swap3A_781, %swap3A_782], %add3A_779 {strides = array<i32>} : memref<8x128xf32, #tpu.memory_space<vmem>>, vector<16xf32>,
        %get3A_784 = arith.constant 1 : i32
        %get3A_785 = arith.index_cast %get3A_784 : i32 to index
        %get3A_786 = arith.constant 32 : index
        %get3A_787 = tpu.vector_load %arg11[%get3A_785, %get3A_786] {strides = array<i32>} : memref<8x128xf32, #tpu.memory_space<vmem>>, vector<16xf32>,
        %mul3A_788 = arith.mulf %sub3A_771, %sub3A_771 : vector<16xf32>
        %add3A_789 = arith.addf %get3A_787, %mul3A_788 : vector<16xf32>
        %swap3A_790 = arith.constant 1 : i32
        %swap3A_791 = arith.index_cast %swap3A_790 : i32 to index
        %swap3A_792 = arith.constant 32 : index
        %swap3A_793 = tpu.vector_load %arg11[%swap3A_791, %swap3A_792] {strides = array<i32>} : memref<8x128xf32, #tpu.memory_space<vmem>>, vector<16xf32>,
        tpu.vector_store %arg11[%swap3A_791, %swap3A_792], %add3A_789 {strides = array<i32>} : memref<8x128xf32, #tpu.memory_space<vmem>>, vector<16xf32>,
        %get3A_794 = arith.index_cast %add3A_674 : i32 to index
        %get3A_795 = arith.constant 48 : index
        %get3A_796 = tpu.vector_load %arg10[%get3A_794, %get3A_795] {strides = array<i32>} : memref<128x128xf32, #tpu.memory_space<vmem>>, vector<16xf32>,
        %add3A_797 = arith.constant 48 : i32
        %add3A_798 = arith.addi %mul3A_703, %add3A_797 : i32
        %get3A_799 = arith.index_cast %add3A_798 : i32 to index
        %get3A_800 = tpu.vector_load %arg8[%get3A_799] {strides = array<i32>} : memref<16384xf32, #tpu.memory_space<vmem>>, vector<16xf32>,
        %sub3A_801 = arith.subf %get3A_796, %get3A_800 : vector<16xf32>
        %swap3A_802 = arith.index_cast %add3A_674 : i32 to index
        %swap3A_803 = arith.constant 48 : index
        %swap3A_804 = tpu.vector_load %arg10[%swap3A_802, %swap3A_803] {strides = array<i32>} : memref<128x128xf32, #tpu.memory_space<vmem>>, vector<16xf32>,
        tpu.vector_store %arg10[%swap3A_802, %swap3A_803], %sub3A_801 {strides = array<i32>} : memref<128x128xf32, #tpu.memory_space<vmem>>, vector<16xf32>,
        %get3A_805 = arith.constant 0 : i32
        %get3A_806 = arith.index_cast %get3A_805 : i32 to index
        %get3A_807 = arith.constant 48 : index
        %get3A_808 = tpu.vector_load %arg11[%get3A_806, %get3A_807] {strides = array<i32>} : memref<8x128xf32, #tpu.memory_space<vmem>>, vector<16xf32>,
        %add3A_809 = arith.addf %get3A_808, %sub3A_801 : vector<16xf32>
        %swap3A_810 = arith.constant 0 : i32
        %swap3A_811 = arith.index_cast %swap3A_810 : i32 to index
        %swap3A_812 = arith.constant 48 : index
        %swap3A_813 = tpu.vector_load %arg11[%swap3A_811, %swap3A_812] {strides = array<i32>} : memref<8x128xf32, #tpu.memory_space<vmem>>, vector<16xf32>,
        tpu.vector_store %arg11[%swap3A_811, %swap3A_812], %add3A_809 {strides = array<i32>} : memref<8x128xf32, #tpu.memory_space<vmem>>, vector<16xf32>,
        %get3A_814 = arith.constant 1 : i32
        %get3A_815 = arith.index_cast %get3A_814 : i32 to index
        %get3A_816 = arith.constant 48 : index
        %get3A_817 = tpu.vector_load %arg11[%get3A_815, %get3A_816] {strides = array<i32>} : memref<8x128xf32, #tpu.memory_space<vmem>>, vector<16xf32>,
        %mul3A_818 = arith.mulf %sub3A_801, %sub3A_801 : vector<16xf32>
        %add3A_819 = arith.addf %get3A_817, %mul3A_818 : vector<16xf32>
        %swap3A_820 = arith.constant 1 : i32
        %swap3A_821 = arith.index_cast %swap3A_820 : i32 to index
        %swap3A_822 = arith.constant 48 : index
        %swap3A_823 = tpu.vector_load %arg11[%swap3A_821, %swap3A_822] {strides = array<i32>} : memref<8x128xf32, #tpu.memory_space<vmem>>, vector<16xf32>,
        tpu.vector_store %arg11[%swap3A_821, %swap3A_822], %add3A_819 {strides = array<i32>} : memref<8x128xf32, #tpu.memory_space<vmem>>, vector<16xf32>,
        %mul3A_824 = arith.constant 8 : i32
        %mul3A_825 = arith.muli %scan3A_517, %mul3A_824 : i32
        %add3A_826 = arith.constant 2 : i32
        %add3A_827 = arith.addi %mul3A_825, %add3A_826 : i32
        %mul3A_828 = arith.constant 4 : i32
        %mul3A_829 = arith.muli %add3A_484, %mul3A_828 : i32
        %jit3A_830 = arith.constant 32 : i32
        %div3A_831 = arith.divsi %add3A_827, %jit3A_830 : i32
        %sign3A_832 = arith.constant 0 : i32
        %sign3A_833 = arith.cmpi sgt, %add3A_827, %sign3A_832 : i32
        %sign3A_834 = arith.extui %sign3A_833 : i1 to i32
        %sign3A_835 = arith.constant 0 : i32
        %sign3A_836 = arith.cmpi slt, %add3A_827, %sign3A_835 : i32
        %sign3A_837 = arith.extui %sign3A_836 : i1 to i32
        %sign3A_838 = arith.subi %sign3A_834, %sign3A_837 : i32
        %sign3A_839 = arith.constant 0 : i32
        %sign3A_840 = arith.cmpi sgt, %jit3A_830, %sign3A_839 : i32
        %sign3A_841 = arith.extui %sign3A_840 : i1 to i32
        %sign3A_842 = arith.constant 0 : i32
        %sign3A_843 = arith.cmpi slt, %jit3A_830, %sign3A_842 : i32
        %sign3A_844 = arith.extui %sign3A_843 : i1 to i32
        %sign3A_845 = arith.subi %sign3A_841, %sign3A_844 : i32
        %ne3A_846 = arith.cmpi ne, %sign3A_838, %sign3A_845 : i32
        %rem3A_847 = arith.remsi %add3A_827, %jit3A_830 : i32
        %ne3A_848 = arith.constant 0 : i32
        %ne3A_849 = arith.cmpi ne, %rem3A_847, %ne3A_848 : i32
        %and3A_850 = arith.andi %ne3A_846, %ne3A_849 : i1
        %sub3A_851 = arith.constant 1 : i32
        %sub3A_852 = arith.subi %div3A_831, %sub3A_851 : i32
        %select_n3A_853 = arith.select %and3A_850, %sub3A_852, %div3A_831 : i32
        %add3A_854 = arith.addi %mul3A_829, %select_n3A_853 : i32
        %mul3A_855 = arith.constant 64 : i32
        %mul3A_856 = arith.muli %add3A_854, %mul3A_855 : i32
        %get3A_857 = arith.index_cast %add3A_827 : i32 to index
        %get3A_858 = arith.constant 0 : index
        %get3A_859 = tpu.vector_load %arg10[%get3A_857, %get3A_858] {strides = array<i32>} : memref<128x128xf32, #tpu.memory_space<vmem>>, vector<16xf32>,
        %add3A_860 = arith.constant 0 : i32
        %add3A_861 = arith.addi %mul3A_856, %add3A_860 : i32
        %get3A_862 = arith.index_cast %add3A_861 : i32 to index
        %get3A_863 = tpu.vector_load %arg8[%get3A_862] {strides = array<i32>} : memref<16384xf32, #tpu.memory_space<vmem>>, vector<16xf32>,
        %sub3A_864 = arith.subf %get3A_859, %get3A_863 : vector<16xf32>
        %swap3A_865 = arith.index_cast %add3A_827 : i32 to index
        %swap3A_866 = arith.constant 0 : index
        %swap3A_867 = tpu.vector_load %arg10[%swap3A_865, %swap3A_866] {strides = array<i32>} : memref<128x128xf32, #tpu.memory_space<vmem>>, vector<16xf32>,
        tpu.vector_store %arg10[%swap3A_865, %swap3A_866], %sub3A_864 {strides = array<i32>} : memref<128x128xf32, #tpu.memory_space<vmem>>, vector<16xf32>,
        %get3A_868 = arith.constant 0 : i32
        %get3A_869 = arith.index_cast %get3A_868 : i32 to index
        %get3A_870 = arith.constant 0 : index
        %get3A_871 = tpu.vector_load %arg11[%get3A_869, %get3A_870] {strides = array<i32>} : memref<8x128xf32, #tpu.memory_space<vmem>>, vector<16xf32>,
        %add3A_872 = arith.addf %get3A_871, %sub3A_864 : vector<16xf32>
        %swap3A_873 = arith.constant 0 : i32
        %swap3A_874 = arith.index_cast %swap3A_873 : i32 to index
        %swap3A_875 = arith.constant 0 : index
        %swap3A_876 = tpu.vector_load %arg11[%swap3A_874, %swap3A_875] {strides = array<i32>} : memref<8x128xf32, #tpu.memory_space<vmem>>, vector<16xf32>,
        tpu.vector_store %arg11[%swap3A_874, %swap3A_875], %add3A_872 {strides = array<i32>} : memref<8x128xf32, #tpu.memory_space<vmem>>, vector<16xf32>,
        %get3A_877 = arith.constant 1 : i32
        %get3A_878 = arith.index_cast %get3A_877 : i32 to index
        %get3A_879 = arith.constant 0 : index
        %get3A_880 = tpu.vector_load %arg11[%get3A_878, %get3A_879] {strides = array<i32>} : memref<8x128xf32, #tpu.memory_space<vmem>>, vector<16xf32>,
        %mul3A_881 = arith.mulf %sub3A_864, %sub3A_864 : vector<16xf32>
        %add3A_882 = arith.addf %get3A_880, %mul3A_881 : vector<16xf32>
        %swap3A_883 = arith.constant 1 : i32
        %swap3A_884 = arith.index_cast %swap3A_883 : i32 to index
        %swap3A_885 = arith.constant 0 : index
        %swap3A_886 = tpu.vector_load %arg11[%swap3A_884, %swap3A_885] {strides = array<i32>} : memref<8x128xf32, #tpu.memory_space<vmem>>, vector<16xf32>,
        tpu.vector_store %arg11[%swap3A_884, %swap3A_885], %add3A_882 {strides = array<i32>} : memref<8x128xf32, #tpu.memory_space<vmem>>, vector<16xf32>,
        %get3A_887 = arith.index_cast %add3A_827 : i32 to index
        %get3A_888 = arith.constant 16 : index
        %get3A_889 = tpu.vector_load %arg10[%get3A_887, %get3A_888] {strides = array<i32>} : memref<128x128xf32, #tpu.memory_space<vmem>>, vector<16xf32>,
        %add3A_890 = arith.constant 16 : i32
        %add3A_891 = arith.addi %mul3A_856, %add3A_890 : i32
        %get3A_892 = arith.index_cast %add3A_891 : i32 to index
        %get3A_893 = tpu.vector_load %arg8[%get3A_892] {strides = array<i32>} : memref<16384xf32, #tpu.memory_space<vmem>>, vector<16xf32>,
        %sub3A_894 = arith.subf %get3A_889, %get3A_893 : vector<16xf32>
        %swap3A_895 = arith.index_cast %add3A_827 : i32 to index
        %swap3A_896 = arith.constant 16 : index
        %swap3A_897 = tpu.vector_load %arg10[%swap3A_895, %swap3A_896] {strides = array<i32>} : memref<128x128xf32, #tpu.memory_space<vmem>>, vector<16xf32>,
        tpu.vector_store %arg10[%swap3A_895, %swap3A_896], %sub3A_894 {strides = array<i32>} : memref<128x128xf32, #tpu.memory_space<vmem>>, vector<16xf32>,
        %get3A_898 = arith.constant 0 : i32
        %get3A_899 = arith.index_cast %get3A_898 : i32 to index
        %get3A_900 = arith.constant 16 : index
        %get3A_901 = tpu.vector_load %arg11[%get3A_899, %get3A_900] {strides = array<i32>} : memref<8x128xf32, #tpu.memory_space<vmem>>, vector<16xf32>,
        %add3A_902 = arith.addf %get3A_901, %sub3A_894 : vector<16xf32>
        %swap3A_903 = arith.constant 0 : i32
        %swap3A_904 = arith.index_cast %swap3A_903 : i32 to index
        %swap3A_905 = arith.constant 16 : index
        %swap3A_906 = tpu.vector_load %arg11[%swap3A_904, %swap3A_905] {strides = array<i32>} : memref<8x128xf32, #tpu.memory_space<vmem>>, vector<16xf32>,
        tpu.vector_store %arg11[%swap3A_904, %swap3A_905], %add3A_902 {strides = array<i32>} : memref<8x128xf32, #tpu.memory_space<vmem>>, vector<16xf32>,
        %get3A_907 = arith.constant 1 : i32
        %get3A_908 = arith.index_cast %get3A_907 : i32 to index
        %get3A_909 = arith.constant 16 : index
        %get3A_910 = tpu.vector_load %arg11[%get3A_908, %get3A_909] {strides = array<i32>} : memref<8x128xf32, #tpu.memory_space<vmem>>, vector<16xf32>,
        %mul3A_911 = arith.mulf %sub3A_894, %sub3A_894 : vector<16xf32>
        %add3A_912 = arith.addf %get3A_910, %mul3A_911 : vector<16xf32>
        %swap3A_913 = arith.constant 1 : i32
        %swap3A_914 = arith.index_cast %swap3A_913 : i32 to index
        %swap3A_915 = arith.constant 16 : index
        %swap3A_916 = tpu.vector_load %arg11[%swap3A_914, %swap3A_915] {strides = array<i32>} : memref<8x128xf32, #tpu.memory_space<vmem>>, vector<16xf32>,
        tpu.vector_store %arg11[%swap3A_914, %swap3A_915], %add3A_912 {strides = array<i32>} : memref<8x128xf32, #tpu.memory_space<vmem>>, vector<16xf32>,
        %get3A_917 = arith.index_cast %add3A_827 : i32 to index
        %get3A_918 = arith.constant 32 : index
        %get3A_919 = tpu.vector_load %arg10[%get3A_917, %get3A_918] {strides = array<i32>} : memref<128x128xf32, #tpu.memory_space<vmem>>, vector<16xf32>,
        %add3A_920 = arith.constant 32 : i32
        %add3A_921 = arith.addi %mul3A_856, %add3A_920 : i32
        %get3A_922 = arith.index_cast %add3A_921 : i32 to index
        %get3A_923 = tpu.vector_load %arg8[%get3A_922] {strides = array<i32>} : memref<16384xf32, #tpu.memory_space<vmem>>, vector<16xf32>,
        %sub3A_924 = arith.subf %get3A_919, %get3A_923 : vector<16xf32>
        %swap3A_925 = arith.index_cast %add3A_827 : i32 to index
        %swap3A_926 = arith.constant 32 : index
        %swap3A_927 = tpu.vector_load %arg10[%swap3A_925, %swap3A_926] {strides = array<i32>} : memref<128x128xf32, #tpu.memory_space<vmem>>, vector<16xf32>,
        tpu.vector_store %arg10[%swap3A_925, %swap3A_926], %sub3A_924 {strides = array<i32>} : memref<128x128xf32, #tpu.memory_space<vmem>>, vector<16xf32>,
        %get3A_928 = arith.constant 0 : i32
        %get3A_929 = arith.index_cast %get3A_928 : i32 to index
        %get3A_930 = arith.constant 32 : index
        %get3A_931 = tpu.vector_load %arg11[%get3A_929, %get3A_930] {strides = array<i32>} : memref<8x128xf32, #tpu.memory_space<vmem>>, vector<16xf32>,
        %add3A_932 = arith.addf %get3A_931, %sub3A_924 : vector<16xf32>
        %swap3A_933 = arith.constant 0 : i32
        %swap3A_934 = arith.index_cast %swap3A_933 : i32 to index
        %swap3A_935 = arith.constant 32 : index
        %swap3A_936 = tpu.vector_load %arg11[%swap3A_934, %swap3A_935] {strides = array<i32>} : memref<8x128xf32, #tpu.memory_space<vmem>>, vector<16xf32>,
        tpu.vector_store %arg11[%swap3A_934, %swap3A_935], %add3A_932 {strides = array<i32>} : memref<8x128xf32, #tpu.memory_space<vmem>>, vector<16xf32>,
        %get3A_937 = arith.constant 1 : i32
        %get3A_938 = arith.index_cast %get3A_937 : i32 to index
        %get3A_939 = arith.constant 32 : index
        %get3A_940 = tpu.vector_load %arg11[%get3A_938, %get3A_939] {strides = array<i32>} : memref<8x128xf32, #tpu.memory_space<vmem>>, vector<16xf32>,
        %mul3A_941 = arith.mulf %sub3A_924, %sub3A_924 : vector<16xf32>
        %add3A_942 = arith.addf %get3A_940, %mul3A_941 : vector<16xf32>
        %swap3A_943 = arith.constant 1 : i32
        %swap3A_944 = arith.index_cast %swap3A_943 : i32 to index
        %swap3A_945 = arith.constant 32 : index
        %swap3A_946 = tpu.vector_load %arg11[%swap3A_944, %swap3A_945] {strides = array<i32>} : memref<8x128xf32, #tpu.memory_space<vmem>>, vector<16xf32>,
        tpu.vector_store %arg11[%swap3A_944, %swap3A_945], %add3A_942 {strides = array<i32>} : memref<8x128xf32, #tpu.memory_space<vmem>>, vector<16xf32>,
        %get3A_947 = arith.index_cast %add3A_827 : i32 to index
        %get3A_948 = arith.constant 48 : index
        %get3A_949 = tpu.vector_load %arg10[%get3A_947, %get3A_948] {strides = array<i32>} : memref<128x128xf32, #tpu.memory_space<vmem>>, vector<16xf32>,
        %add3A_950 = arith.constant 48 : i32
        %add3A_951 = arith.addi %mul3A_856, %add3A_950 : i32
        %get3A_952 = arith.index_cast %add3A_951 : i32 to index
        %get3A_953 = tpu.vector_load %arg8[%get3A_952] {strides = array<i32>} : memref<16384xf32, #tpu.memory_space<vmem>>, vector<16xf32>,
        %sub3A_954 = arith.subf %get3A_949, %get3A_953 : vector<16xf32>
        %swap3A_955 = arith.index_cast %add3A_827 : i32 to index
        %swap3A_956 = arith.constant 48 : index
        %swap3A_957 = tpu.vector_load %arg10[%swap3A_955, %swap3A_956] {strides = array<i32>} : memref<128x128xf32, #tpu.memory_space<vmem>>, vector<16xf32>,
        tpu.vector_store %arg10[%swap3A_955, %swap3A_956], %sub3A_954 {strides = array<i32>} : memref<128x128xf32, #tpu.memory_space<vmem>>, vector<16xf32>,
        %get3A_958 = arith.constant 0 : i32
        %get3A_959 = arith.index_cast %get3A_958 : i32 to index
        %get3A_960 = arith.constant 48 : index
        %get3A_961 = tpu.vector_load %arg11[%get3A_959, %get3A_960] {strides = array<i32>} : memref<8x128xf32, #tpu.memory_space<vmem>>, vector<16xf32>,
        %add3A_962 = arith.addf %get3A_961, %sub3A_954 : vector<16xf32>
        %swap3A_963 = arith.constant 0 : i32
        %swap3A_964 = arith.index_cast %swap3A_963 : i32 to index
        %swap3A_965 = arith.constant 48 : index
        %swap3A_966 = tpu.vector_load %arg11[%swap3A_964, %swap3A_965] {strides = array<i32>} : memref<8x128xf32, #tpu.memory_space<vmem>>, vector<16xf32>,
        tpu.vector_store %arg11[%swap3A_964, %swap3A_965], %add3A_962 {strides = array<i32>} : memref<8x128xf32, #tpu.memory_space<vmem>>, vector<16xf32>,
        %get3A_967 = arith.constant 1 : i32
        %get3A_968 = arith.index_cast %get3A_967 : i32 to index
        %get3A_969 = arith.constant 48 : index
        %get3A_970 = tpu.vector_load %arg11[%get3A_968, %get3A_969] {strides = array<i32>} : memref<8x128xf32, #tpu.memory_space<vmem>>, vector<16xf32>,
        %mul3A_971 = arith.mulf %sub3A_954, %sub3A_954 : vector<16xf32>
        %add3A_972 = arith.addf %get3A_970, %mul3A_971 : vector<16xf32>
        %swap3A_973 = arith.constant 1 : i32
        %swap3A_974 = arith.index_cast %swap3A_973 : i32 to index
        %swap3A_975 = arith.constant 48 : index
        %swap3A_976 = tpu.vector_load %arg11[%swap3A_974, %swap3A_975] {strides = array<i32>} : memref<8x128xf32, #tpu.memory_space<vmem>>, vector<16xf32>,
        tpu.vector_store %arg11[%swap3A_974, %swap3A_975], %add3A_972 {strides = array<i32>} : memref<8x128xf32, #tpu.memory_space<vmem>>, vector<16xf32>,
        %mul3A_977 = arith.constant 8 : i32
        %mul3A_978 = arith.muli %scan3A_517, %mul3A_977 : i32
        %add3A_979 = arith.constant 3 : i32
        %add3A_980 = arith.addi %mul3A_978, %add3A_979 : i32
        %mul3A_981 = arith.constant 4 : i32
        %mul3A_982 = arith.muli %add3A_484, %mul3A_981 : i32
        %jit3A_983 = arith.constant 32 : i32
        %div3A_984 = arith.divsi %add3A_980, %jit3A_983 : i32
        %sign3A_985 = arith.constant 0 : i32
        %sign3A_986 = arith.cmpi sgt, %add3A_980, %sign3A_985 : i32
        %sign3A_987 = arith.extui %sign3A_986 : i1 to i32
        %sign3A_988 = arith.constant 0 : i32
        %sign3A_989 = arith.cmpi slt, %add3A_980, %sign3A_988 : i32
        %sign3A_990 = arith.extui %sign3A_989 : i1 to i32
        %sign3A_991 = arith.subi %sign3A_987, %sign3A_990 : i32
        %sign3A_992 = arith.constant 0 : i32
        %sign3A_993 = arith.cmpi sgt, %jit3A_983, %sign3A_992 : i32
        %sign3A_994 = arith.extui %sign3A_993 : i1 to i32
        %sign3A_995 = arith.constant 0 : i32
        %sign3A_996 = arith.cmpi slt, %jit3A_983, %sign3A_995 : i32
        %sign3A_997 = arith.extui %sign3A_996 : i1 to i32
        %sign3A_998 = arith.subi %sign3A_994, %sign3A_997 : i32
        %ne3A_999 = arith.cmpi ne, %sign3A_991, %sign3A_998 : i32
        %rem3A_1000 = arith.remsi %add3A_980, %jit3A_983 : i32
        %ne3A_1001 = arith.constant 0 : i32
        %ne3A_1002 = arith.cmpi ne, %rem3A_1000, %ne3A_1001 : i32
        %and3A_1003 = arith.andi %ne3A_999, %ne3A_1002 : i1
        %sub3A_1004 = arith.constant 1 : i32
        %sub3A_1005 = arith.subi %div3A_984, %sub3A_1004 : i32
        %select_n3A_1006 = arith.select %and3A_1003, %sub3A_1005, %div3A_984 : i32
        %add3A_1007 = arith.addi %mul3A_982, %select_n3A_1006 : i32
        %mul3A_1008 = arith.constant 64 : i32
        %mul3A_1009 = arith.muli %add3A_1007, %mul3A_1008 : i32
        %get3A_1010 = arith.index_cast %add3A_980 : i32 to index
        %get3A_1011 = arith.constant 0 : index
        %get3A_1012 = tpu.vector_load %arg10[%get3A_1010, %get3A_1011] {strides = array<i32>} : memref<128x128xf32, #tpu.memory_space<vmem>>, vector<16xf32>,
        %add3A_1013 = arith.constant 0 : i32
        %add3A_1014 = arith.addi %mul3A_1009, %add3A_1013 : i32
        %get3A_1015 = arith.index_cast %add3A_1014 : i32 to index
        %get3A_1016 = tpu.vector_load %arg8[%get3A_1015] {strides = array<i32>} : memref<16384xf32, #tpu.memory_space<vmem>>, vector<16xf32>,
        %sub3A_1017 = arith.subf %get3A_1012, %get3A_1016 : vector<16xf32>
        %swap3A_1018 = arith.index_cast %add3A_980 : i32 to index
        %swap3A_1019 = arith.constant 0 : index
        %swap3A_1020 = tpu.vector_load %arg10[%swap3A_1018, %swap3A_1019] {strides = array<i32>} : memref<128x128xf32, #tpu.memory_space<vmem>>, vector<16xf32>,
        tpu.vector_store %arg10[%swap3A_1018, %swap3A_1019], %sub3A_1017 {strides = array<i32>} : memref<128x128xf32, #tpu.memory_space<vmem>>, vector<16xf32>,
        %get3A_1021 = arith.constant 0 : i32
        %get3A_1022 = arith.index_cast %get3A_1021 : i32 to index
        %get3A_1023 = arith.constant 0 : index
        %get3A_1024 = tpu.vector_load %arg11[%get3A_1022, %get3A_1023] {strides = array<i32>} : memref<8x128xf32, #tpu.memory_space<vmem>>, vector<16xf32>,
        %add3A_1025 = arith.addf %get3A_1024, %sub3A_1017 : vector<16xf32>
        %swap3A_1026 = arith.constant 0 : i32
        %swap3A_1027 = arith.index_cast %swap3A_1026 : i32 to index
        %swap3A_1028 = arith.constant 0 : index
        %swap3A_1029 = tpu.vector_load %arg11[%swap3A_1027, %swap3A_1028] {strides = array<i32>} : memref<8x128xf32, #tpu.memory_space<vmem>>, vector<16xf32>,
        tpu.vector_store %arg11[%swap3A_1027, %swap3A_1028], %add3A_1025 {strides = array<i32>} : memref<8x128xf32, #tpu.memory_space<vmem>>, vector<16xf32>,
        %get3A_1030 = arith.constant 1 : i32
        %get3A_1031 = arith.index_cast %get3A_1030 : i32 to index
        %get3A_1032 = arith.constant 0 : index
        %get3A_1033 = tpu.vector_load %arg11[%get3A_1031, %get3A_1032] {strides = array<i32>} : memref<8x128xf32, #tpu.memory_space<vmem>>, vector<16xf32>,
        %mul3A_1034 = arith.mulf %sub3A_1017, %sub3A_1017 : vector<16xf32>
        %add3A_1035 = arith.addf %get3A_1033, %mul3A_1034 : vector<16xf32>
        %swap3A_1036 = arith.constant 1 : i32
        %swap3A_1037 = arith.index_cast %swap3A_1036 : i32 to index
        %swap3A_1038 = arith.constant 0 : index
        %swap3A_1039 = tpu.vector_load %arg11[%swap3A_1037, %swap3A_1038] {strides = array<i32>} : memref<8x128xf32, #tpu.memory_space<vmem>>, vector<16xf32>,
        tpu.vector_store %arg11[%swap3A_1037, %swap3A_1038], %add3A_1035 {strides = array<i32>} : memref<8x128xf32, #tpu.memory_space<vmem>>, vector<16xf32>,
        %get3A_1040 = arith.index_cast %add3A_980 : i32 to index
        %get3A_1041 = arith.constant 16 : index
        %get3A_1042 = tpu.vector_load %arg10[%get3A_1040, %get3A_1041] {strides = array<i32>} : memref<128x128xf32, #tpu.memory_space<vmem>>, vector<16xf32>,
        %add3A_1043 = arith.constant 16 : i32
        %add3A_1044 = arith.addi %mul3A_1009, %add3A_1043 : i32
        %get3A_1045 = arith.index_cast %add3A_1044 : i32 to index
        %get3A_1046 = tpu.vector_load %arg8[%get3A_1045] {strides = array<i32>} : memref<16384xf32, #tpu.memory_space<vmem>>, vector<16xf32>,
        %sub3A_1047 = arith.subf %get3A_1042, %get3A_1046 : vector<16xf32>
        %swap3A_1048 = arith.index_cast %add3A_980 : i32 to index
        %swap3A_1049 = arith.constant 16 : index
        %swap3A_1050 = tpu.vector_load %arg10[%swap3A_1048, %swap3A_1049] {strides = array<i32>} : memref<128x128xf32, #tpu.memory_space<vmem>>, vector<16xf32>,
        tpu.vector_store %arg10[%swap3A_1048, %swap3A_1049], %sub3A_1047 {strides = array<i32>} : memref<128x128xf32, #tpu.memory_space<vmem>>, vector<16xf32>,
        %get3A_1051 = arith.constant 0 : i32
        %get3A_1052 = arith.index_cast %get3A_1051 : i32 to index
        %get3A_1053 = arith.constant 16 : index
        %get3A_1054 = tpu.vector_load %arg11[%get3A_1052, %get3A_1053] {strides = array<i32>} : memref<8x128xf32, #tpu.memory_space<vmem>>, vector<16xf32>,
        %add3A_1055 = arith.addf %get3A_1054, %sub3A_1047 : vector<16xf32>
        %swap3A_1056 = arith.constant 0 : i32
        %swap3A_1057 = arith.index_cast %swap3A_1056 : i32 to index
        %swap3A_1058 = arith.constant 16 : index
        %swap3A_1059 = tpu.vector_load %arg11[%swap3A_1057, %swap3A_1058] {strides = array<i32>} : memref<8x128xf32, #tpu.memory_space<vmem>>, vector<16xf32>,
        tpu.vector_store %arg11[%swap3A_1057, %swap3A_1058], %add3A_1055 {strides = array<i32>} : memref<8x128xf32, #tpu.memory_space<vmem>>, vector<16xf32>,
        %get3A_1060 = arith.constant 1 : i32
        %get3A_1061 = arith.index_cast %get3A_1060 : i32 to index
        %get3A_1062 = arith.constant 16 : index
        %get3A_1063 = tpu.vector_load %arg11[%get3A_1061, %get3A_1062] {strides = array<i32>} : memref<8x128xf32, #tpu.memory_space<vmem>>, vector<16xf32>,
        %mul3A_1064 = arith.mulf %sub3A_1047, %sub3A_1047 : vector<16xf32>
        %add3A_1065 = arith.addf %get3A_1063, %mul3A_1064 : vector<16xf32>
        %swap3A_1066 = arith.constant 1 : i32
        %swap3A_1067 = arith.index_cast %swap3A_1066 : i32 to index
        %swap3A_1068 = arith.constant 16 : index
        %swap3A_1069 = tpu.vector_load %arg11[%swap3A_1067, %swap3A_1068] {strides = array<i32>} : memref<8x128xf32, #tpu.memory_space<vmem>>, vector<16xf32>,
        tpu.vector_store %arg11[%swap3A_1067, %swap3A_1068], %add3A_1065 {strides = array<i32>} : memref<8x128xf32, #tpu.memory_space<vmem>>, vector<16xf32>,
        %get3A_1070 = arith.index_cast %add3A_980 : i32 to index
        %get3A_1071 = arith.constant 32 : index
        %get3A_1072 = tpu.vector_load %arg10[%get3A_1070, %get3A_1071] {strides = array<i32>} : memref<128x128xf32, #tpu.memory_space<vmem>>, vector<16xf32>,
        %add3A_1073 = arith.constant 32 : i32
        %add3A_1074 = arith.addi %mul3A_1009, %add3A_1073 : i32
        %get3A_1075 = arith.index_cast %add3A_1074 : i32 to index
        %get3A_1076 = tpu.vector_load %arg8[%get3A_1075] {strides = array<i32>} : memref<16384xf32, #tpu.memory_space<vmem>>, vector<16xf32>,
        %sub3A_1077 = arith.subf %get3A_1072, %get3A_1076 : vector<16xf32>
        %swap3A_1078 = arith.index_cast %add3A_980 : i32 to index
        %swap3A_1079 = arith.constant 32 : index
        %swap3A_1080 = tpu.vector_load %arg10[%swap3A_1078, %swap3A_1079] {strides = array<i32>} : memref<128x128xf32, #tpu.memory_space<vmem>>, vector<16xf32>,
        tpu.vector_store %arg10[%swap3A_1078, %swap3A_1079], %sub3A_1077 {strides = array<i32>} : memref<128x128xf32, #tpu.memory_space<vmem>>, vector<16xf32>,
        %get3A_1081 = arith.constant 0 : i32
        %get3A_1082 = arith.index_cast %get3A_1081 : i32 to index
        %get3A_1083 = arith.constant 32 : index
        %get3A_1084 = tpu.vector_load %arg11[%get3A_1082, %get3A_1083] {strides = array<i32>} : memref<8x128xf32, #tpu.memory_space<vmem>>, vector<16xf32>,
        %add3A_1085 = arith.addf %get3A_1084, %sub3A_1077 : vector<16xf32>
        %swap3A_1086 = arith.constant 0 : i32
        %swap3A_1087 = arith.index_cast %swap3A_1086 : i32 to index
        %swap3A_1088 = arith.constant 32 : index
        %swap3A_1089 = tpu.vector_load %arg11[%swap3A_1087, %swap3A_1088] {strides = array<i32>} : memref<8x128xf32, #tpu.memory_space<vmem>>, vector<16xf32>,
        tpu.vector_store %arg11[%swap3A_1087, %swap3A_1088], %add3A_1085 {strides = array<i32>} : memref<8x128xf32, #tpu.memory_space<vmem>>, vector<16xf32>,
        %get3A_1090 = arith.constant 1 : i32
        %get3A_1091 = arith.index_cast %get3A_1090 : i32 to index
        %get3A_1092 = arith.constant 32 : index
        %get3A_1093 = tpu.vector_load %arg11[%get3A_1091, %get3A_1092] {strides = array<i32>} : memref<8x128xf32, #tpu.memory_space<vmem>>, vector<16xf32>,
        %mul3A_1094 = arith.mulf %sub3A_1077, %sub3A_1077 : vector<16xf32>
        %add3A_1095 = arith.addf %get3A_1093, %mul3A_1094 : vector<16xf32>
        %swap3A_1096 = arith.constant 1 : i32
        %swap3A_1097 = arith.index_cast %swap3A_1096 : i32 to index
        %swap3A_1098 = arith.constant 32 : index
        %swap3A_1099 = tpu.vector_load %arg11[%swap3A_1097, %swap3A_1098] {strides = array<i32>} : memref<8x128xf32, #tpu.memory_space<vmem>>, vector<16xf32>,
        tpu.vector_store %arg11[%swap3A_1097, %swap3A_1098], %add3A_1095 {strides = array<i32>} : memref<8x128xf32, #tpu.memory_space<vmem>>, vector<16xf32>,
        %get3A_1100 = arith.index_cast %add3A_980 : i32 to index
        %get3A_1101 = arith.constant 48 : index
        %get3A_1102 = tpu.vector_load %arg10[%get3A_1100, %get3A_1101] {strides = array<i32>} : memref<128x128xf32, #tpu.memory_space<vmem>>, vector<16xf32>,
        %add3A_1103 = arith.constant 48 : i32
        %add3A_1104 = arith.addi %mul3A_1009, %add3A_1103 : i32
        %get3A_1105 = arith.index_cast %add3A_1104 : i32 to index
        %get3A_1106 = tpu.vector_load %arg8[%get3A_1105] {strides = array<i32>} : memref<16384xf32, #tpu.memory_space<vmem>>, vector<16xf32>,
        %sub3A_1107 = arith.subf %get3A_1102, %get3A_1106 : vector<16xf32>
        %swap3A_1108 = arith.index_cast %add3A_980 : i32 to index
        %swap3A_1109 = arith.constant 48 : index
        %swap3A_1110 = tpu.vector_load %arg10[%swap3A_1108, %swap3A_1109] {strides = array<i32>} : memref<128x128xf32, #tpu.memory_space<vmem>>, vector<16xf32>,
        tpu.vector_store %arg10[%swap3A_1108, %swap3A_1109], %sub3A_1107 {strides = array<i32>} : memref<128x128xf32, #tpu.memory_space<vmem>>, vector<16xf32>,
        %get3A_1111 = arith.constant 0 : i32
        %get3A_1112 = arith.index_cast %get3A_1111 : i32 to index
        %get3A_1113 = arith.constant 48 : index
        %get3A_1114 = tpu.vector_load %arg11[%get3A_1112, %get3A_1113] {strides = array<i32>} : memref<8x128xf32, #tpu.memory_space<vmem>>, vector<16xf32>,
        %add3A_1115 = arith.addf %get3A_1114, %sub3A_1107 : vector<16xf32>
        %swap3A_1116 = arith.constant 0 : i32
        %swap3A_1117 = arith.index_cast %swap3A_1116 : i32 to index
        %swap3A_1118 = arith.constant 48 : index
        %swap3A_1119 = tpu.vector_load %arg11[%swap3A_1117, %swap3A_1118] {strides = array<i32>} : memref<8x128xf32, #tpu.memory_space<vmem>>, vector<16xf32>,
        tpu.vector_store %arg11[%swap3A_1117, %swap3A_1118], %add3A_1115 {strides = array<i32>} : memref<8x128xf32, #tpu.memory_space<vmem>>, vector<16xf32>,
        %get3A_1120 = arith.constant 1 : i32
        %get3A_1121 = arith.index_cast %get3A_1120 : i32 to index
        %get3A_1122 = arith.constant 48 : index
        %get3A_1123 = tpu.vector_load %arg11[%get3A_1121, %get3A_1122] {strides = array<i32>} : memref<8x128xf32, #tpu.memory_space<vmem>>, vector<16xf32>,
        %mul3A_1124 = arith.mulf %sub3A_1107, %sub3A_1107 : vector<16xf32>
        %add3A_1125 = arith.addf %get3A_1123, %mul3A_1124 : vector<16xf32>
        %swap3A_1126 = arith.constant 1 : i32
        %swap3A_1127 = arith.index_cast %swap3A_1126 : i32 to index
        %swap3A_1128 = arith.constant 48 : index
        %swap3A_1129 = tpu.vector_load %arg11[%swap3A_1127, %swap3A_1128] {strides = array<i32>} : memref<8x128xf32, #tpu.memory_space<vmem>>, vector<16xf32>,
        tpu.vector_store %arg11[%swap3A_1127, %swap3A_1128], %add3A_1125 {strides = array<i32>} : memref<8x128xf32, #tpu.memory_space<vmem>>, vector<16xf32>,
        %mul3A_1130 = arith.constant 8 : i32
        %mul3A_1131 = arith.muli %scan3A_517, %mul3A_1130 : i32
        %add3A_1132 = arith.constant 4 : i32
        %add3A_1133 = arith.addi %mul3A_1131, %add3A_1132 : i32
        %mul3A_1134 = arith.constant 4 : i32
        %mul3A_1135 = arith.muli %add3A_484, %mul3A_1134 : i32
        %jit3A_1136 = arith.constant 32 : i32
        %div3A_1137 = arith.divsi %add3A_1133, %jit3A_1136 : i32
        %sign3A_1138 = arith.constant 0 : i32
        %sign3A_1139 = arith.cmpi sgt, %add3A_1133, %sign3A_1138 : i32
        %sign3A_1140 = arith.extui %sign3A_1139 : i1 to i32
        %sign3A_1141 = arith.constant 0 : i32
        %sign3A_1142 = arith.cmpi slt, %add3A_1133, %sign3A_1141 : i32
        %sign3A_1143 = arith.extui %sign3A_1142 : i1 to i32
        %sign3A_1144 = arith.subi %sign3A_1140, %sign3A_1143 : i32
        %sign3A_1145 = arith.constant 0 : i32
        %sign3A_1146 = arith.cmpi sgt, %jit3A_1136, %sign3A_1145 : i32
        %sign3A_1147 = arith.extui %sign3A_1146 : i1 to i32
        %sign3A_1148 = arith.constant 0 : i32
        %sign3A_1149 = arith.cmpi slt, %jit3A_1136, %sign3A_1148 : i32
        %sign3A_1150 = arith.extui %sign3A_1149 : i1 to i32
        %sign3A_1151 = arith.subi %sign3A_1147, %sign3A_1150 : i32
        %ne3A_1152 = arith.cmpi ne, %sign3A_1144, %sign3A_1151 : i32
        %rem3A_1153 = arith.remsi %add3A_1133, %jit3A_1136 : i32
        %ne3A_1154 = arith.constant 0 : i32
        %ne3A_1155 = arith.cmpi ne, %rem3A_1153, %ne3A_1154 : i32
        %and3A_1156 = arith.andi %ne3A_1152, %ne3A_1155 : i1
        %sub3A_1157 = arith.constant 1 : i32
        %sub3A_1158 = arith.subi %div3A_1137, %sub3A_1157 : i32
        %select_n3A_1159 = arith.select %and3A_1156, %sub3A_1158, %div3A_1137 : i32
        %add3A_1160 = arith.addi %mul3A_1135, %select_n3A_1159 : i32
        %mul3A_1161 = arith.constant 64 : i32
        %mul3A_1162 = arith.muli %add3A_1160, %mul3A_1161 : i32
        %get3A_1163 = arith.index_cast %add3A_1133 : i32 to index
        %get3A_1164 = arith.constant 0 : index
        %get3A_1165 = tpu.vector_load %arg10[%get3A_1163, %get3A_1164] {strides = array<i32>} : memref<128x128xf32, #tpu.memory_space<vmem>>, vector<16xf32>,
        %add3A_1166 = arith.constant 0 : i32
        %add3A_1167 = arith.addi %mul3A_1162, %add3A_1166 : i32
        %get3A_1168 = arith.index_cast %add3A_1167 : i32 to index
        %get3A_1169 = tpu.vector_load %arg8[%get3A_1168] {strides = array<i32>} : memref<16384xf32, #tpu.memory_space<vmem>>, vector<16xf32>,
        %sub3A_1170 = arith.subf %get3A_1165, %get3A_1169 : vector<16xf32>
        %swap3A_1171 = arith.index_cast %add3A_1133 : i32 to index
        %swap3A_1172 = arith.constant 0 : index
        %swap3A_1173 = tpu.vector_load %arg10[%swap3A_1171, %swap3A_1172] {strides = array<i32>} : memref<128x128xf32, #tpu.memory_space<vmem>>, vector<16xf32>,
        tpu.vector_store %arg10[%swap3A_1171, %swap3A_1172], %sub3A_1170 {strides = array<i32>} : memref<128x128xf32, #tpu.memory_space<vmem>>, vector<16xf32>,
        %get3A_1174 = arith.constant 0 : i32
        %get3A_1175 = arith.index_cast %get3A_1174 : i32 to index
        %get3A_1176 = arith.constant 0 : index
        %get3A_1177 = tpu.vector_load %arg11[%get3A_1175, %get3A_1176] {strides = array<i32>} : memref<8x128xf32, #tpu.memory_space<vmem>>, vector<16xf32>,
        %add3A_1178 = arith.addf %get3A_1177, %sub3A_1170 : vector<16xf32>
        %swap3A_1179 = arith.constant 0 : i32
        %swap3A_1180 = arith.index_cast %swap3A_1179 : i32 to index
        %swap3A_1181 = arith.constant 0 : index
        %swap3A_1182 = tpu.vector_load %arg11[%swap3A_1180, %swap3A_1181] {strides = array<i32>} : memref<8x128xf32, #tpu.memory_space<vmem>>, vector<16xf32>,
        tpu.vector_store %arg11[%swap3A_1180, %swap3A_1181], %add3A_1178 {strides = array<i32>} : memref<8x128xf32, #tpu.memory_space<vmem>>, vector<16xf32>,
        %get3A_1183 = arith.constant 1 : i32
        %get3A_1184 = arith.index_cast %get3A_1183 : i32 to index
        %get3A_1185 = arith.constant 0 : index
        %get3A_1186 = tpu.vector_load %arg11[%get3A_1184, %get3A_1185] {strides = array<i32>} : memref<8x128xf32, #tpu.memory_space<vmem>>, vector<16xf32>,
        %mul3A_1187 = arith.mulf %sub3A_1170, %sub3A_1170 : vector<16xf32>
        %add3A_1188 = arith.addf %get3A_1186, %mul3A_1187 : vector<16xf32>
        %swap3A_1189 = arith.constant 1 : i32
        %swap3A_1190 = arith.index_cast %swap3A_1189 : i32 to index
        %swap3A_1191 = arith.constant 0 : index
        %swap3A_1192 = tpu.vector_load %arg11[%swap3A_1190, %swap3A_1191] {strides = array<i32>} : memref<8x128xf32, #tpu.memory_space<vmem>>, vector<16xf32>,
        tpu.vector_store %arg11[%swap3A_1190, %swap3A_1191], %add3A_1188 {strides = array<i32>} : memref<8x128xf32, #tpu.memory_space<vmem>>, vector<16xf32>,
        %get3A_1193 = arith.index_cast %add3A_1133 : i32 to index
        %get3A_1194 = arith.constant 16 : index
        %get3A_1195 = tpu.vector_load %arg10[%get3A_1193, %get3A_1194] {strides = array<i32>} : memref<128x128xf32, #tpu.memory_space<vmem>>, vector<16xf32>,
        %add3A_1196 = arith.constant 16 : i32
        %add3A_1197 = arith.addi %mul3A_1162, %add3A_1196 : i32
        %get3A_1198 = arith.index_cast %add3A_1197 : i32 to index
        %get3A_1199 = tpu.vector_load %arg8[%get3A_1198] {strides = array<i32>} : memref<16384xf32, #tpu.memory_space<vmem>>, vector<16xf32>,
        %sub3A_1200 = arith.subf %get3A_1195, %get3A_1199 : vector<16xf32>
        %swap3A_1201 = arith.index_cast %add3A_1133 : i32 to index
        %swap3A_1202 = arith.constant 16 : index
        %swap3A_1203 = tpu.vector_load %arg10[%swap3A_1201, %swap3A_1202] {strides = array<i32>} : memref<128x128xf32, #tpu.memory_space<vmem>>, vector<16xf32>,
        tpu.vector_store %arg10[%swap3A_1201, %swap3A_1202], %sub3A_1200 {strides = array<i32>} : memref<128x128xf32, #tpu.memory_space<vmem>>, vector<16xf32>,
        %get3A_1204 = arith.constant 0 : i32
        %get3A_1205 = arith.index_cast %get3A_1204 : i32 to index
        %get3A_1206 = arith.constant 16 : index
        %get3A_1207 = tpu.vector_load %arg11[%get3A_1205, %get3A_1206] {strides = array<i32>} : memref<8x128xf32, #tpu.memory_space<vmem>>, vector<16xf32>,
        %add3A_1208 = arith.addf %get3A_1207, %sub3A_1200 : vector<16xf32>
        %swap3A_1209 = arith.constant 0 : i32
        %swap3A_1210 = arith.index_cast %swap3A_1209 : i32 to index
        %swap3A_1211 = arith.constant 16 : index
        %swap3A_1212 = tpu.vector_load %arg11[%swap3A_1210, %swap3A_1211] {strides = array<i32>} : memref<8x128xf32, #tpu.memory_space<vmem>>, vector<16xf32>,
        tpu.vector_store %arg11[%swap3A_1210, %swap3A_1211], %add3A_1208 {strides = array<i32>} : memref<8x128xf32, #tpu.memory_space<vmem>>, vector<16xf32>,
        %get3A_1213 = arith.constant 1 : i32
        %get3A_1214 = arith.index_cast %get3A_1213 : i32 to index
        %get3A_1215 = arith.constant 16 : index
        %get3A_1216 = tpu.vector_load %arg11[%get3A_1214, %get3A_1215] {strides = array<i32>} : memref<8x128xf32, #tpu.memory_space<vmem>>, vector<16xf32>,
        %mul3A_1217 = arith.mulf %sub3A_1200, %sub3A_1200 : vector<16xf32>
        %add3A_1218 = arith.addf %get3A_1216, %mul3A_1217 : vector<16xf32>
        %swap3A_1219 = arith.constant 1 : i32
        %swap3A_1220 = arith.index_cast %swap3A_1219 : i32 to index
        %swap3A_1221 = arith.constant 16 : index
        %swap3A_1222 = tpu.vector_load %arg11[%swap3A_1220, %swap3A_1221] {strides = array<i32>} : memref<8x128xf32, #tpu.memory_space<vmem>>, vector<16xf32>,
        tpu.vector_store %arg11[%swap3A_1220, %swap3A_1221], %add3A_1218 {strides = array<i32>} : memref<8x128xf32, #tpu.memory_space<vmem>>, vector<16xf32>,
        %get3A_1223 = arith.index_cast %add3A_1133 : i32 to index
        %get3A_1224 = arith.constant 32 : index
        %get3A_1225 = tpu.vector_load %arg10[%get3A_1223, %get3A_1224] {strides = array<i32>} : memref<128x128xf32, #tpu.memory_space<vmem>>, vector<16xf32>,
        %add3A_1226 = arith.constant 32 : i32
        %add3A_1227 = arith.addi %mul3A_1162, %add3A_1226 : i32
        %get3A_1228 = arith.index_cast %add3A_1227 : i32 to index
        %get3A_1229 = tpu.vector_load %arg8[%get3A_1228] {strides = array<i32>} : memref<16384xf32, #tpu.memory_space<vmem>>, vector<16xf32>,
        %sub3A_1230 = arith.subf %get3A_1225, %get3A_1229 : vector<16xf32>
        %swap3A_1231 = arith.index_cast %add3A_1133 : i32 to index
        %swap3A_1232 = arith.constant 32 : index
        %swap3A_1233 = tpu.vector_load %arg10[%swap3A_1231, %swap3A_1232] {strides = array<i32>} : memref<128x128xf32, #tpu.memory_space<vmem>>, vector<16xf32>,
        tpu.vector_store %arg10[%swap3A_1231, %swap3A_1232], %sub3A_1230 {strides = array<i32>} : memref<128x128xf32, #tpu.memory_space<vmem>>, vector<16xf32>,
        %get3A_1234 = arith.constant 0 : i32
        %get3A_1235 = arith.index_cast %get3A_1234 : i32 to index
        %get3A_1236 = arith.constant 32 : index
        %get3A_1237 = tpu.vector_load %arg11[%get3A_1235, %get3A_1236] {strides = array<i32>} : memref<8x128xf32, #tpu.memory_space<vmem>>, vector<16xf32>,
        %add3A_1238 = arith.addf %get3A_1237, %sub3A_1230 : vector<16xf32>
        %swap3A_1239 = arith.constant 0 : i32
        %swap3A_1240 = arith.index_cast %swap3A_1239 : i32 to index
        %swap3A_1241 = arith.constant 32 : index
        %swap3A_1242 = tpu.vector_load %arg11[%swap3A_1240, %swap3A_1241] {strides = array<i32>} : memref<8x128xf32, #tpu.memory_space<vmem>>, vector<16xf32>,
        tpu.vector_store %arg11[%swap3A_1240, %swap3A_1241], %add3A_1238 {strides = array<i32>} : memref<8x128xf32, #tpu.memory_space<vmem>>, vector<16xf32>,
        %get3A_1243 = arith.constant 1 : i32
        %get3A_1244 = arith.index_cast %get3A_1243 : i32 to index
        %get3A_1245 = arith.constant 32 : index
        %get3A_1246 = tpu.vector_load %arg11[%get3A_1244, %get3A_1245] {strides = array<i32>} : memref<8x128xf32, #tpu.memory_space<vmem>>, vector<16xf32>,
        %mul3A_1247 = arith.mulf %sub3A_1230, %sub3A_1230 : vector<16xf32>
        %add3A_1248 = arith.addf %get3A_1246, %mul3A_1247 : vector<16xf32>
        %swap3A_1249 = arith.constant 1 : i32
        %swap3A_1250 = arith.index_cast %swap3A_1249 : i32 to index
        %swap3A_1251 = arith.constant 32 : index
        %swap3A_1252 = tpu.vector_load %arg11[%swap3A_1250, %swap3A_1251] {strides = array<i32>} : memref<8x128xf32, #tpu.memory_space<vmem>>, vector<16xf32>,
        tpu.vector_store %arg11[%swap3A_1250, %swap3A_1251], %add3A_1248 {strides = array<i32>} : memref<8x128xf32, #tpu.memory_space<vmem>>, vector<16xf32>,
        %get3A_1253 = arith.index_cast %add3A_1133 : i32 to index
        %get3A_1254 = arith.constant 48 : index
        %get3A_1255 = tpu.vector_load %arg10[%get3A_1253, %get3A_1254] {strides = array<i32>} : memref<128x128xf32, #tpu.memory_space<vmem>>, vector<16xf32>,
        %add3A_1256 = arith.constant 48 : i32
        %add3A_1257 = arith.addi %mul3A_1162, %add3A_1256 : i32
        %get3A_1258 = arith.index_cast %add3A_1257 : i32 to index
        %get3A_1259 = tpu.vector_load %arg8[%get3A_1258] {strides = array<i32>} : memref<16384xf32, #tpu.memory_space<vmem>>, vector<16xf32>,
        %sub3A_1260 = arith.subf %get3A_1255, %get3A_1259 : vector<16xf32>
        %swap3A_1261 = arith.index_cast %add3A_1133 : i32 to index
        %swap3A_1262 = arith.constant 48 : index
        %swap3A_1263 = tpu.vector_load %arg10[%swap3A_1261, %swap3A_1262] {strides = array<i32>} : memref<128x128xf32, #tpu.memory_space<vmem>>, vector<16xf32>,
        tpu.vector_store %arg10[%swap3A_1261, %swap3A_1262], %sub3A_1260 {strides = array<i32>} : memref<128x128xf32, #tpu.memory_space<vmem>>, vector<16xf32>,
        %get3A_1264 = arith.constant 0 : i32
        %get3A_1265 = arith.index_cast %get3A_1264 : i32 to index
        %get3A_1266 = arith.constant 48 : index
        %get3A_1267 = tpu.vector_load %arg11[%get3A_1265, %get3A_1266] {strides = array<i32>} : memref<8x128xf32, #tpu.memory_space<vmem>>, vector<16xf32>,
        %add3A_1268 = arith.addf %get3A_1267, %sub3A_1260 : vector<16xf32>
        %swap3A_1269 = arith.constant 0 : i32
        %swap3A_1270 = arith.index_cast %swap3A_1269 : i32 to index
        %swap3A_1271 = arith.constant 48 : index
        %swap3A_1272 = tpu.vector_load %arg11[%swap3A_1270, %swap3A_1271] {strides = array<i32>} : memref<8x128xf32, #tpu.memory_space<vmem>>, vector<16xf32>,
        tpu.vector_store %arg11[%swap3A_1270, %swap3A_1271], %add3A_1268 {strides = array<i32>} : memref<8x128xf32, #tpu.memory_space<vmem>>, vector<16xf32>,
        %get3A_1273 = arith.constant 1 : i32
        %get3A_1274 = arith.index_cast %get3A_1273 : i32 to index
        %get3A_1275 = arith.constant 48 : index
        %get3A_1276 = tpu.vector_load %arg11[%get3A_1274, %get3A_1275] {strides = array<i32>} : memref<8x128xf32, #tpu.memory_space<vmem>>, vector<16xf32>,
        %mul3A_1277 = arith.mulf %sub3A_1260, %sub3A_1260 : vector<16xf32>
        %add3A_1278 = arith.addf %get3A_1276, %mul3A_1277 : vector<16xf32>
        %swap3A_1279 = arith.constant 1 : i32
        %swap3A_1280 = arith.index_cast %swap3A_1279 : i32 to index
        %swap3A_1281 = arith.constant 48 : index
        %swap3A_1282 = tpu.vector_load %arg11[%swap3A_1280, %swap3A_1281] {strides = array<i32>} : memref<8x128xf32, #tpu.memory_space<vmem>>, vector<16xf32>,
        tpu.vector_store %arg11[%swap3A_1280, %swap3A_1281], %add3A_1278 {strides = array<i32>} : memref<8x128xf32, #tpu.memory_space<vmem>>, vector<16xf32>,
        %mul3A_1283 = arith.constant 8 : i32
        %mul3A_1284 = arith.muli %scan3A_517, %mul3A_1283 : i32
        %add3A_1285 = arith.constant 5 : i32
        %add3A_1286 = arith.addi %mul3A_1284, %add3A_1285 : i32
        %mul3A_1287 = arith.constant 4 : i32
        %mul3A_1288 = arith.muli %add3A_484, %mul3A_1287 : i32
        %jit3A_1289 = arith.constant 32 : i32
        %div3A_1290 = arith.divsi %add3A_1286, %jit3A_1289 : i32
        %sign3A_1291 = arith.constant 0 : i32
        %sign3A_1292 = arith.cmpi sgt, %add3A_1286, %sign3A_1291 : i32
        %sign3A_1293 = arith.extui %sign3A_1292 : i1 to i32
        %sign3A_1294 = arith.constant 0 : i32
        %sign3A_1295 = arith.cmpi slt, %add3A_1286, %sign3A_1294 : i32
        %sign3A_1296 = arith.extui %sign3A_1295 : i1 to i32
        %sign3A_1297 = arith.subi %sign3A_1293, %sign3A_1296 : i32
        %sign3A_1298 = arith.constant 0 : i32
        %sign3A_1299 = arith.cmpi sgt, %jit3A_1289, %sign3A_1298 : i32
        %sign3A_1300 = arith.extui %sign3A_1299 : i1 to i32
        %sign3A_1301 = arith.constant 0 : i32
        %sign3A_1302 = arith.cmpi slt, %jit3A_1289, %sign3A_1301 : i32
        %sign3A_1303 = arith.extui %sign3A_1302 : i1 to i32
        %sign3A_1304 = arith.subi %sign3A_1300, %sign3A_1303 : i32
        %ne3A_1305 = arith.cmpi ne, %sign3A_1297, %sign3A_1304 : i32
        %rem3A_1306 = arith.remsi %add3A_1286, %jit3A_1289 : i32
        %ne3A_1307 = arith.constant 0 : i32
        %ne3A_1308 = arith.cmpi ne, %rem3A_1306, %ne3A_1307 : i32
        %and3A_1309 = arith.andi %ne3A_1305, %ne3A_1308 : i1
        %sub3A_1310 = arith.constant 1 : i32
        %sub3A_1311 = arith.subi %div3A_1290, %sub3A_1310 : i32
        %select_n3A_1312 = arith.select %and3A_1309, %sub3A_1311, %div3A_1290 : i32
        %add3A_1313 = arith.addi %mul3A_1288, %select_n3A_1312 : i32
        %mul3A_1314 = arith.constant 64 : i32
        %mul3A_1315 = arith.muli %add3A_1313, %mul3A_1314 : i32
        %get3A_1316 = arith.index_cast %add3A_1286 : i32 to index
        %get3A_1317 = arith.constant 0 : index
        %get3A_1318 = tpu.vector_load %arg10[%get3A_1316, %get3A_1317] {strides = array<i32>} : memref<128x128xf32, #tpu.memory_space<vmem>>, vector<16xf32>,
        %add3A_1319 = arith.constant 0 : i32
        %add3A_1320 = arith.addi %mul3A_1315, %add3A_1319 : i32
        %get3A_1321 = arith.index_cast %add3A_1320 : i32 to index
        %get3A_1322 = tpu.vector_load %arg8[%get3A_1321] {strides = array<i32>} : memref<16384xf32, #tpu.memory_space<vmem>>, vector<16xf32>,
        %sub3A_1323 = arith.subf %get3A_1318, %get3A_1322 : vector<16xf32>
        %swap3A_1324 = arith.index_cast %add3A_1286 : i32 to index
        %swap3A_1325 = arith.constant 0 : index
        %swap3A_1326 = tpu.vector_load %arg10[%swap3A_1324, %swap3A_1325] {strides = array<i32>} : memref<128x128xf32, #tpu.memory_space<vmem>>, vector<16xf32>,
        tpu.vector_store %arg10[%swap3A_1324, %swap3A_1325], %sub3A_1323 {strides = array<i32>} : memref<128x128xf32, #tpu.memory_space<vmem>>, vector<16xf32>,
        %get3A_1327 = arith.constant 0 : i32
        %get3A_1328 = arith.index_cast %get3A_1327 : i32 to index
        %get3A_1329 = arith.constant 0 : index
        %get3A_1330 = tpu.vector_load %arg11[%get3A_1328, %get3A_1329] {strides = array<i32>} : memref<8x128xf32, #tpu.memory_space<vmem>>, vector<16xf32>,
        %add3A_1331 = arith.addf %get3A_1330, %sub3A_1323 : vector<16xf32>
        %swap3A_1332 = arith.constant 0 : i32
        %swap3A_1333 = arith.index_cast %swap3A_1332 : i32 to index
        %swap3A_1334 = arith.constant 0 : index
        %swap3A_1335 = tpu.vector_load %arg11[%swap3A_1333, %swap3A_1334] {strides = array<i32>} : memref<8x128xf32, #tpu.memory_space<vmem>>, vector<16xf32>,
        tpu.vector_store %arg11[%swap3A_1333, %swap3A_1334], %add3A_1331 {strides = array<i32>} : memref<8x128xf32, #tpu.memory_space<vmem>>, vector<16xf32>,
        %get3A_1336 = arith.constant 1 : i32
        %get3A_1337 = arith.index_cast %get3A_1336 : i32 to index
        %get3A_1338 = arith.constant 0 : index
        %get3A_1339 = tpu.vector_load %arg11[%get3A_1337, %get3A_1338] {strides = array<i32>} : memref<8x128xf32, #tpu.memory_space<vmem>>, vector<16xf32>,
        %mul3A_1340 = arith.mulf %sub3A_1323, %sub3A_1323 : vector<16xf32>
        %add3A_1341 = arith.addf %get3A_1339, %mul3A_1340 : vector<16xf32>
        %swap3A_1342 = arith.constant 1 : i32
        %swap3A_1343 = arith.index_cast %swap3A_1342 : i32 to index
        %swap3A_1344 = arith.constant 0 : index
        %swap3A_1345 = tpu.vector_load %arg11[%swap3A_1343, %swap3A_1344] {strides = array<i32>} : memref<8x128xf32, #tpu.memory_space<vmem>>, vector<16xf32>,
        tpu.vector_store %arg11[%swap3A_1343, %swap3A_1344], %add3A_1341 {strides = array<i32>} : memref<8x128xf32, #tpu.memory_space<vmem>>, vector<16xf32>,
        %get3A_1346 = arith.index_cast %add3A_1286 : i32 to index
        %get3A_1347 = arith.constant 16 : index
        %get3A_1348 = tpu.vector_load %arg10[%get3A_1346, %get3A_1347] {strides = array<i32>} : memref<128x128xf32, #tpu.memory_space<vmem>>, vector<16xf32>,
        %add3A_1349 = arith.constant 16 : i32
        %add3A_1350 = arith.addi %mul3A_1315, %add3A_1349 : i32
        %get3A_1351 = arith.index_cast %add3A_1350 : i32 to index
        %get3A_1352 = tpu.vector_load %arg8[%get3A_1351] {strides = array<i32>} : memref<16384xf32, #tpu.memory_space<vmem>>, vector<16xf32>,
        %sub3A_1353 = arith.subf %get3A_1348, %get3A_1352 : vector<16xf32>
        %swap3A_1354 = arith.index_cast %add3A_1286 : i32 to index
        %swap3A_1355 = arith.constant 16 : index
        %swap3A_1356 = tpu.vector_load %arg10[%swap3A_1354, %swap3A_1355] {strides = array<i32>} : memref<128x128xf32, #tpu.memory_space<vmem>>, vector<16xf32>,
        tpu.vector_store %arg10[%swap3A_1354, %swap3A_1355], %sub3A_1353 {strides = array<i32>} : memref<128x128xf32, #tpu.memory_space<vmem>>, vector<16xf32>,
        %get3A_1357 = arith.constant 0 : i32
        %get3A_1358 = arith.index_cast %get3A_1357 : i32 to index
        %get3A_1359 = arith.constant 16 : index
        %get3A_1360 = tpu.vector_load %arg11[%get3A_1358, %get3A_1359] {strides = array<i32>} : memref<8x128xf32, #tpu.memory_space<vmem>>, vector<16xf32>,
        %add3A_1361 = arith.addf %get3A_1360, %sub3A_1353 : vector<16xf32>
        %swap3A_1362 = arith.constant 0 : i32
        %swap3A_1363 = arith.index_cast %swap3A_1362 : i32 to index
        %swap3A_1364 = arith.constant 16 : index
        %swap3A_1365 = tpu.vector_load %arg11[%swap3A_1363, %swap3A_1364] {strides = array<i32>} : memref<8x128xf32, #tpu.memory_space<vmem>>, vector<16xf32>,
        tpu.vector_store %arg11[%swap3A_1363, %swap3A_1364], %add3A_1361 {strides = array<i32>} : memref<8x128xf32, #tpu.memory_space<vmem>>, vector<16xf32>,
        %get3A_1366 = arith.constant 1 : i32
        %get3A_1367 = arith.index_cast %get3A_1366 : i32 to index
        %get3A_1368 = arith.constant 16 : index
        %get3A_1369 = tpu.vector_load %arg11[%get3A_1367, %get3A_1368] {strides = array<i32>} : memref<8x128xf32, #tpu.memory_space<vmem>>, vector<16xf32>,
        %mul3A_1370 = arith.mulf %sub3A_1353, %sub3A_1353 : vector<16xf32>
        %add3A_1371 = arith.addf %get3A_1369, %mul3A_1370 : vector<16xf32>
        %swap3A_1372 = arith.constant 1 : i32
        %swap3A_1373 = arith.index_cast %swap3A_1372 : i32 to index
        %swap3A_1374 = arith.constant 16 : index
        %swap3A_1375 = tpu.vector_load %arg11[%swap3A_1373, %swap3A_1374] {strides = array<i32>} : memref<8x128xf32, #tpu.memory_space<vmem>>, vector<16xf32>,
        tpu.vector_store %arg11[%swap3A_1373, %swap3A_1374], %add3A_1371 {strides = array<i32>} : memref<8x128xf32, #tpu.memory_space<vmem>>, vector<16xf32>,
        %get3A_1376 = arith.index_cast %add3A_1286 : i32 to index
        %get3A_1377 = arith.constant 32 : index
        %get3A_1378 = tpu.vector_load %arg10[%get3A_1376, %get3A_1377] {strides = array<i32>} : memref<128x128xf32, #tpu.memory_space<vmem>>, vector<16xf32>,
        %add3A_1379 = arith.constant 32 : i32
        %add3A_1380 = arith.addi %mul3A_1315, %add3A_1379 : i32
        %get3A_1381 = arith.index_cast %add3A_1380 : i32 to index
        %get3A_1382 = tpu.vector_load %arg8[%get3A_1381] {strides = array<i32>} : memref<16384xf32, #tpu.memory_space<vmem>>, vector<16xf32>,
        %sub3A_1383 = arith.subf %get3A_1378, %get3A_1382 : vector<16xf32>
        %swap3A_1384 = arith.index_cast %add3A_1286 : i32 to index
        %swap3A_1385 = arith.constant 32 : index
        %swap3A_1386 = tpu.vector_load %arg10[%swap3A_1384, %swap3A_1385] {strides = array<i32>} : memref<128x128xf32, #tpu.memory_space<vmem>>, vector<16xf32>,
        tpu.vector_store %arg10[%swap3A_1384, %swap3A_1385], %sub3A_1383 {strides = array<i32>} : memref<128x128xf32, #tpu.memory_space<vmem>>, vector<16xf32>,
        %get3A_1387 = arith.constant 0 : i32
        %get3A_1388 = arith.index_cast %get3A_1387 : i32 to index
        %get3A_1389 = arith.constant 32 : index
        %get3A_1390 = tpu.vector_load %arg11[%get3A_1388, %get3A_1389] {strides = array<i32>} : memref<8x128xf32, #tpu.memory_space<vmem>>, vector<16xf32>,
        %add3A_1391 = arith.addf %get3A_1390, %sub3A_1383 : vector<16xf32>
        %swap3A_1392 = arith.constant 0 : i32
        %swap3A_1393 = arith.index_cast %swap3A_1392 : i32 to index
        %swap3A_1394 = arith.constant 32 : index
        %swap3A_1395 = tpu.vector_load %arg11[%swap3A_1393, %swap3A_1394] {strides = array<i32>} : memref<8x128xf32, #tpu.memory_space<vmem>>, vector<16xf32>,
        tpu.vector_store %arg11[%swap3A_1393, %swap3A_1394], %add3A_1391 {strides = array<i32>} : memref<8x128xf32, #tpu.memory_space<vmem>>, vector<16xf32>,
        %get3A_1396 = arith.constant 1 : i32
        %get3A_1397 = arith.index_cast %get3A_1396 : i32 to index
        %get3A_1398 = arith.constant 32 : index
        %get3A_1399 = tpu.vector_load %arg11[%get3A_1397, %get3A_1398] {strides = array<i32>} : memref<8x128xf32, #tpu.memory_space<vmem>>, vector<16xf32>,
        %mul3A_1400 = arith.mulf %sub3A_1383, %sub3A_1383 : vector<16xf32>
        %add3A_1401 = arith.addf %get3A_1399, %mul3A_1400 : vector<16xf32>
        %swap3A_1402 = arith.constant 1 : i32
        %swap3A_1403 = arith.index_cast %swap3A_1402 : i32 to index
        %swap3A_1404 = arith.constant 32 : index
        %swap3A_1405 = tpu.vector_load %arg11[%swap3A_1403, %swap3A_1404] {strides = array<i32>} : memref<8x128xf32, #tpu.memory_space<vmem>>, vector<16xf32>,
        tpu.vector_store %arg11[%swap3A_1403, %swap3A_1404], %add3A_1401 {strides = array<i32>} : memref<8x128xf32, #tpu.memory_space<vmem>>, vector<16xf32>,
        %get3A_1406 = arith.index_cast %add3A_1286 : i32 to index
        %get3A_1407 = arith.constant 48 : index
        %get3A_1408 = tpu.vector_load %arg10[%get3A_1406, %get3A_1407] {strides = array<i32>} : memref<128x128xf32, #tpu.memory_space<vmem>>, vector<16xf32>,
        %add3A_1409 = arith.constant 48 : i32
        %add3A_1410 = arith.addi %mul3A_1315, %add3A_1409 : i32
        %get3A_1411 = arith.index_cast %add3A_1410 : i32 to index
        %get3A_1412 = tpu.vector_load %arg8[%get3A_1411] {strides = array<i32>} : memref<16384xf32, #tpu.memory_space<vmem>>, vector<16xf32>,
        %sub3A_1413 = arith.subf %get3A_1408, %get3A_1412 : vector<16xf32>
        %swap3A_1414 = arith.index_cast %add3A_1286 : i32 to index
        %swap3A_1415 = arith.constant 48 : index
        %swap3A_1416 = tpu.vector_load %arg10[%swap3A_1414, %swap3A_1415] {strides = array<i32>} : memref<128x128xf32, #tpu.memory_space<vmem>>, vector<16xf32>,
        tpu.vector_store %arg10[%swap3A_1414, %swap3A_1415], %sub3A_1413 {strides = array<i32>} : memref<128x128xf32, #tpu.memory_space<vmem>>, vector<16xf32>,
        %get3A_1417 = arith.constant 0 : i32
        %get3A_1418 = arith.index_cast %get3A_1417 : i32 to index
        %get3A_1419 = arith.constant 48 : index
        %get3A_1420 = tpu.vector_load %arg11[%get3A_1418, %get3A_1419] {strides = array<i32>} : memref<8x128xf32, #tpu.memory_space<vmem>>, vector<16xf32>,
        %add3A_1421 = arith.addf %get3A_1420, %sub3A_1413 : vector<16xf32>
        %swap3A_1422 = arith.constant 0 : i32
        %swap3A_1423 = arith.index_cast %swap3A_1422 : i32 to index
        %swap3A_1424 = arith.constant 48 : index
        %swap3A_1425 = tpu.vector_load %arg11[%swap3A_1423, %swap3A_1424] {strides = array<i32>} : memref<8x128xf32, #tpu.memory_space<vmem>>, vector<16xf32>,
        tpu.vector_store %arg11[%swap3A_1423, %swap3A_1424], %add3A_1421 {strides = array<i32>} : memref<8x128xf32, #tpu.memory_space<vmem>>, vector<16xf32>,
        %get3A_1426 = arith.constant 1 : i32
        %get3A_1427 = arith.index_cast %get3A_1426 : i32 to index
        %get3A_1428 = arith.constant 48 : index
        %get3A_1429 = tpu.vector_load %arg11[%get3A_1427, %get3A_1428] {strides = array<i32>} : memref<8x128xf32, #tpu.memory_space<vmem>>, vector<16xf32>,
        %mul3A_1430 = arith.mulf %sub3A_1413, %sub3A_1413 : vector<16xf32>
        %add3A_1431 = arith.addf %get3A_1429, %mul3A_1430 : vector<16xf32>
        %swap3A_1432 = arith.constant 1 : i32
        %swap3A_1433 = arith.index_cast %swap3A_1432 : i32 to index
        %swap3A_1434 = arith.constant 48 : index
        %swap3A_1435 = tpu.vector_load %arg11[%swap3A_1433, %swap3A_1434] {strides = array<i32>} : memref<8x128xf32, #tpu.memory_space<vmem>>, vector<16xf32>,
        tpu.vector_store %arg11[%swap3A_1433, %swap3A_1434], %add3A_1431 {strides = array<i32>} : memref<8x128xf32, #tpu.memory_space<vmem>>, vector<16xf32>,
        %mul3A_1436 = arith.constant 8 : i32
        %mul3A_1437 = arith.muli %scan3A_517, %mul3A_1436 : i32
        %add3A_1438 = arith.constant 6 : i32
        %add3A_1439 = arith.addi %mul3A_1437, %add3A_1438 : i32
        %mul3A_1440 = arith.constant 4 : i32
        %mul3A_1441 = arith.muli %add3A_484, %mul3A_1440 : i32
        %jit3A_1442 = arith.constant 32 : i32
        %div3A_1443 = arith.divsi %add3A_1439, %jit3A_1442 : i32
        %sign3A_1444 = arith.constant 0 : i32
        %sign3A_1445 = arith.cmpi sgt, %add3A_1439, %sign3A_1444 : i32
        %sign3A_1446 = arith.extui %sign3A_1445 : i1 to i32
        %sign3A_1447 = arith.constant 0 : i32
        %sign3A_1448 = arith.cmpi slt, %add3A_1439, %sign3A_1447 : i32
        %sign3A_1449 = arith.extui %sign3A_1448 : i1 to i32
        %sign3A_1450 = arith.subi %sign3A_1446, %sign3A_1449 : i32
        %sign3A_1451 = arith.constant 0 : i32
        %sign3A_1452 = arith.cmpi sgt, %jit3A_1442, %sign3A_1451 : i32
        %sign3A_1453 = arith.extui %sign3A_1452 : i1 to i32
        %sign3A_1454 = arith.constant 0 : i32
        %sign3A_1455 = arith.cmpi slt, %jit3A_1442, %sign3A_1454 : i32
        %sign3A_1456 = arith.extui %sign3A_1455 : i1 to i32
        %sign3A_1457 = arith.subi %sign3A_1453, %sign3A_1456 : i32
        %ne3A_1458 = arith.cmpi ne, %sign3A_1450, %sign3A_1457 : i32
        %rem3A_1459 = arith.remsi %add3A_1439, %jit3A_1442 : i32
        %ne3A_1460 = arith.constant 0 : i32
        %ne3A_1461 = arith.cmpi ne, %rem3A_1459, %ne3A_1460 : i32
        %and3A_1462 = arith.andi %ne3A_1458, %ne3A_1461 : i1
        %sub3A_1463 = arith.constant 1 : i32
        %sub3A_1464 = arith.subi %div3A_1443, %sub3A_1463 : i32
        %select_n3A_1465 = arith.select %and3A_1462, %sub3A_1464, %div3A_1443 : i32
        %add3A_1466 = arith.addi %mul3A_1441, %select_n3A_1465 : i32
        %mul3A_1467 = arith.constant 64 : i32
        %mul3A_1468 = arith.muli %add3A_1466, %mul3A_1467 : i32
        %get3A_1469 = arith.index_cast %add3A_1439 : i32 to index
        %get3A_1470 = arith.constant 0 : index
        %get3A_1471 = tpu.vector_load %arg10[%get3A_1469, %get3A_1470] {strides = array<i32>} : memref<128x128xf32, #tpu.memory_space<vmem>>, vector<16xf32>,
        %add3A_1472 = arith.constant 0 : i32
        %add3A_1473 = arith.addi %mul3A_1468, %add3A_1472 : i32
        %get3A_1474 = arith.index_cast %add3A_1473 : i32 to index
        %get3A_1475 = tpu.vector_load %arg8[%get3A_1474] {strides = array<i32>} : memref<16384xf32, #tpu.memory_space<vmem>>, vector<16xf32>,
        %sub3A_1476 = arith.subf %get3A_1471, %get3A_1475 : vector<16xf32>
        %swap3A_1477 = arith.index_cast %add3A_1439 : i32 to index
        %swap3A_1478 = arith.constant 0 : index
        %swap3A_1479 = tpu.vector_load %arg10[%swap3A_1477, %swap3A_1478] {strides = array<i32>} : memref<128x128xf32, #tpu.memory_space<vmem>>, vector<16xf32>,
        tpu.vector_store %arg10[%swap3A_1477, %swap3A_1478], %sub3A_1476 {strides = array<i32>} : memref<128x128xf32, #tpu.memory_space<vmem>>, vector<16xf32>,
        %get3A_1480 = arith.constant 0 : i32
        %get3A_1481 = arith.index_cast %get3A_1480 : i32 to index
        %get3A_1482 = arith.constant 0 : index
        %get3A_1483 = tpu.vector_load %arg11[%get3A_1481, %get3A_1482] {strides = array<i32>} : memref<8x128xf32, #tpu.memory_space<vmem>>, vector<16xf32>,
        %add3A_1484 = arith.addf %get3A_1483, %sub3A_1476 : vector<16xf32>
        %swap3A_1485 = arith.constant 0 : i32
        %swap3A_1486 = arith.index_cast %swap3A_1485 : i32 to index
        %swap3A_1487 = arith.constant 0 : index
        %swap3A_1488 = tpu.vector_load %arg11[%swap3A_1486, %swap3A_1487] {strides = array<i32>} : memref<8x128xf32, #tpu.memory_space<vmem>>, vector<16xf32>,
        tpu.vector_store %arg11[%swap3A_1486, %swap3A_1487], %add3A_1484 {strides = array<i32>} : memref<8x128xf32, #tpu.memory_space<vmem>>, vector<16xf32>,
        %get3A_1489 = arith.constant 1 : i32
        %get3A_1490 = arith.index_cast %get3A_1489 : i32 to index
        %get3A_1491 = arith.constant 0 : index
        %get3A_1492 = tpu.vector_load %arg11[%get3A_1490, %get3A_1491] {strides = array<i32>} : memref<8x128xf32, #tpu.memory_space<vmem>>, vector<16xf32>,
        %mul3A_1493 = arith.mulf %sub3A_1476, %sub3A_1476 : vector<16xf32>
        %add3A_1494 = arith.addf %get3A_1492, %mul3A_1493 : vector<16xf32>
        %swap3A_1495 = arith.constant 1 : i32
        %swap3A_1496 = arith.index_cast %swap3A_1495 : i32 to index
        %swap3A_1497 = arith.constant 0 : index
        %swap3A_1498 = tpu.vector_load %arg11[%swap3A_1496, %swap3A_1497] {strides = array<i32>} : memref<8x128xf32, #tpu.memory_space<vmem>>, vector<16xf32>,
        tpu.vector_store %arg11[%swap3A_1496, %swap3A_1497], %add3A_1494 {strides = array<i32>} : memref<8x128xf32, #tpu.memory_space<vmem>>, vector<16xf32>,
        %get3A_1499 = arith.index_cast %add3A_1439 : i32 to index
        %get3A_1500 = arith.constant 16 : index
        %get3A_1501 = tpu.vector_load %arg10[%get3A_1499, %get3A_1500] {strides = array<i32>} : memref<128x128xf32, #tpu.memory_space<vmem>>, vector<16xf32>,
        %add3A_1502 = arith.constant 16 : i32
        %add3A_1503 = arith.addi %mul3A_1468, %add3A_1502 : i32
        %get3A_1504 = arith.index_cast %add3A_1503 : i32 to index
        %get3A_1505 = tpu.vector_load %arg8[%get3A_1504] {strides = array<i32>} : memref<16384xf32, #tpu.memory_space<vmem>>, vector<16xf32>,
        %sub3A_1506 = arith.subf %get3A_1501, %get3A_1505 : vector<16xf32>
        %swap3A_1507 = arith.index_cast %add3A_1439 : i32 to index
        %swap3A_1508 = arith.constant 16 : index
        %swap3A_1509 = tpu.vector_load %arg10[%swap3A_1507, %swap3A_1508] {strides = array<i32>} : memref<128x128xf32, #tpu.memory_space<vmem>>, vector<16xf32>,
        tpu.vector_store %arg10[%swap3A_1507, %swap3A_1508], %sub3A_1506 {strides = array<i32>} : memref<128x128xf32, #tpu.memory_space<vmem>>, vector<16xf32>,
        %get3A_1510 = arith.constant 0 : i32
        %get3A_1511 = arith.index_cast %get3A_1510 : i32 to index
        %get3A_1512 = arith.constant 16 : index
        %get3A_1513 = tpu.vector_load %arg11[%get3A_1511, %get3A_1512] {strides = array<i32>} : memref<8x128xf32, #tpu.memory_space<vmem>>, vector<16xf32>,
        %add3A_1514 = arith.addf %get3A_1513, %sub3A_1506 : vector<16xf32>
        %swap3A_1515 = arith.constant 0 : i32
        %swap3A_1516 = arith.index_cast %swap3A_1515 : i32 to index
        %swap3A_1517 = arith.constant 16 : index
        %swap3A_1518 = tpu.vector_load %arg11[%swap3A_1516, %swap3A_1517] {strides = array<i32>} : memref<8x128xf32, #tpu.memory_space<vmem>>, vector<16xf32>,
        tpu.vector_store %arg11[%swap3A_1516, %swap3A_1517], %add3A_1514 {strides = array<i32>} : memref<8x128xf32, #tpu.memory_space<vmem>>, vector<16xf32>,
        %get3A_1519 = arith.constant 1 : i32
        %get3A_1520 = arith.index_cast %get3A_1519 : i32 to index
        %get3A_1521 = arith.constant 16 : index
        %get3A_1522 = tpu.vector_load %arg11[%get3A_1520, %get3A_1521] {strides = array<i32>} : memref<8x128xf32, #tpu.memory_space<vmem>>, vector<16xf32>,
        %mul3A_1523 = arith.mulf %sub3A_1506, %sub3A_1506 : vector<16xf32>
        %add3A_1524 = arith.addf %get3A_1522, %mul3A_1523 : vector<16xf32>
        %swap3A_1525 = arith.constant 1 : i32
        %swap3A_1526 = arith.index_cast %swap3A_1525 : i32 to index
        %swap3A_1527 = arith.constant 16 : index
        %swap3A_1528 = tpu.vector_load %arg11[%swap3A_1526, %swap3A_1527] {strides = array<i32>} : memref<8x128xf32, #tpu.memory_space<vmem>>, vector<16xf32>,
        tpu.vector_store %arg11[%swap3A_1526, %swap3A_1527], %add3A_1524 {strides = array<i32>} : memref<8x128xf32, #tpu.memory_space<vmem>>, vector<16xf32>,
        %get3A_1529 = arith.index_cast %add3A_1439 : i32 to index
        %get3A_1530 = arith.constant 32 : index
        %get3A_1531 = tpu.vector_load %arg10[%get3A_1529, %get3A_1530] {strides = array<i32>} : memref<128x128xf32, #tpu.memory_space<vmem>>, vector<16xf32>,
        %add3A_1532 = arith.constant 32 : i32
        %add3A_1533 = arith.addi %mul3A_1468, %add3A_1532 : i32
        %get3A_1534 = arith.index_cast %add3A_1533 : i32 to index
        %get3A_1535 = tpu.vector_load %arg8[%get3A_1534] {strides = array<i32>} : memref<16384xf32, #tpu.memory_space<vmem>>, vector<16xf32>,
        %sub3A_1536 = arith.subf %get3A_1531, %get3A_1535 : vector<16xf32>
        %swap3A_1537 = arith.index_cast %add3A_1439 : i32 to index
        %swap3A_1538 = arith.constant 32 : index
        %swap3A_1539 = tpu.vector_load %arg10[%swap3A_1537, %swap3A_1538] {strides = array<i32>} : memref<128x128xf32, #tpu.memory_space<vmem>>, vector<16xf32>,
        tpu.vector_store %arg10[%swap3A_1537, %swap3A_1538], %sub3A_1536 {strides = array<i32>} : memref<128x128xf32, #tpu.memory_space<vmem>>, vector<16xf32>,
        %get3A_1540 = arith.constant 0 : i32
        %get3A_1541 = arith.index_cast %get3A_1540 : i32 to index
        %get3A_1542 = arith.constant 32 : index
        %get3A_1543 = tpu.vector_load %arg11[%get3A_1541, %get3A_1542] {strides = array<i32>} : memref<8x128xf32, #tpu.memory_space<vmem>>, vector<16xf32>,
        %add3A_1544 = arith.addf %get3A_1543, %sub3A_1536 : vector<16xf32>
        %swap3A_1545 = arith.constant 0 : i32
        %swap3A_1546 = arith.index_cast %swap3A_1545 : i32 to index
        %swap3A_1547 = arith.constant 32 : index
        %swap3A_1548 = tpu.vector_load %arg11[%swap3A_1546, %swap3A_1547] {strides = array<i32>} : memref<8x128xf32, #tpu.memory_space<vmem>>, vector<16xf32>,
        tpu.vector_store %arg11[%swap3A_1546, %swap3A_1547], %add3A_1544 {strides = array<i32>} : memref<8x128xf32, #tpu.memory_space<vmem>>, vector<16xf32>,
        %get3A_1549 = arith.constant 1 : i32
        %get3A_1550 = arith.index_cast %get3A_1549 : i32 to index
        %get3A_1551 = arith.constant 32 : index
        %get3A_1552 = tpu.vector_load %arg11[%get3A_1550, %get3A_1551] {strides = array<i32>} : memref<8x128xf32, #tpu.memory_space<vmem>>, vector<16xf32>,
        %mul3A_1553 = arith.mulf %sub3A_1536, %sub3A_1536 : vector<16xf32>
        %add3A_1554 = arith.addf %get3A_1552, %mul3A_1553 : vector<16xf32>
        %swap3A_1555 = arith.constant 1 : i32
        %swap3A_1556 = arith.index_cast %swap3A_1555 : i32 to index
        %swap3A_1557 = arith.constant 32 : index
        %swap3A_1558 = tpu.vector_load %arg11[%swap3A_1556, %swap3A_1557] {strides = array<i32>} : memref<8x128xf32, #tpu.memory_space<vmem>>, vector<16xf32>,
        tpu.vector_store %arg11[%swap3A_1556, %swap3A_1557], %add3A_1554 {strides = array<i32>} : memref<8x128xf32, #tpu.memory_space<vmem>>, vector<16xf32>,
        %get3A_1559 = arith.index_cast %add3A_1439 : i32 to index
        %get3A_1560 = arith.constant 48 : index
        %get3A_1561 = tpu.vector_load %arg10[%get3A_1559, %get3A_1560] {strides = array<i32>} : memref<128x128xf32, #tpu.memory_space<vmem>>, vector<16xf32>,
        %add3A_1562 = arith.constant 48 : i32
        %add3A_1563 = arith.addi %mul3A_1468, %add3A_1562 : i32
        %get3A_1564 = arith.index_cast %add3A_1563 : i32 to index
        %get3A_1565 = tpu.vector_load %arg8[%get3A_1564] {strides = array<i32>} : memref<16384xf32, #tpu.memory_space<vmem>>, vector<16xf32>,
        %sub3A_1566 = arith.subf %get3A_1561, %get3A_1565 : vector<16xf32>
        %swap3A_1567 = arith.index_cast %add3A_1439 : i32 to index
        %swap3A_1568 = arith.constant 48 : index
        %swap3A_1569 = tpu.vector_load %arg10[%swap3A_1567, %swap3A_1568] {strides = array<i32>} : memref<128x128xf32, #tpu.memory_space<vmem>>, vector<16xf32>,
        tpu.vector_store %arg10[%swap3A_1567, %swap3A_1568], %sub3A_1566 {strides = array<i32>} : memref<128x128xf32, #tpu.memory_space<vmem>>, vector<16xf32>,
        %get3A_1570 = arith.constant 0 : i32
        %get3A_1571 = arith.index_cast %get3A_1570 : i32 to index
        %get3A_1572 = arith.constant 48 : index
        %get3A_1573 = tpu.vector_load %arg11[%get3A_1571, %get3A_1572] {strides = array<i32>} : memref<8x128xf32, #tpu.memory_space<vmem>>, vector<16xf32>,
        %add3A_1574 = arith.addf %get3A_1573, %sub3A_1566 : vector<16xf32>
        %swap3A_1575 = arith.constant 0 : i32
        %swap3A_1576 = arith.index_cast %swap3A_1575 : i32 to index
        %swap3A_1577 = arith.constant 48 : index
        %swap3A_1578 = tpu.vector_load %arg11[%swap3A_1576, %swap3A_1577] {strides = array<i32>} : memref<8x128xf32, #tpu.memory_space<vmem>>, vector<16xf32>,
        tpu.vector_store %arg11[%swap3A_1576, %swap3A_1577], %add3A_1574 {strides = array<i32>} : memref<8x128xf32, #tpu.memory_space<vmem>>, vector<16xf32>,
        %get3A_1579 = arith.constant 1 : i32
        %get3A_1580 = arith.index_cast %get3A_1579 : i32 to index
        %get3A_1581 = arith.constant 48 : index
        %get3A_1582 = tpu.vector_load %arg11[%get3A_1580, %get3A_1581] {strides = array<i32>} : memref<8x128xf32, #tpu.memory_space<vmem>>, vector<16xf32>,
        %mul3A_1583 = arith.mulf %sub3A_1566, %sub3A_1566 : vector<16xf32>
        %add3A_1584 = arith.addf %get3A_1582, %mul3A_1583 : vector<16xf32>
        %swap3A_1585 = arith.constant 1 : i32
        %swap3A_1586 = arith.index_cast %swap3A_1585 : i32 to index
        %swap3A_1587 = arith.constant 48 : index
        %swap3A_1588 = tpu.vector_load %arg11[%swap3A_1586, %swap3A_1587] {strides = array<i32>} : memref<8x128xf32, #tpu.memory_space<vmem>>, vector<16xf32>,
        tpu.vector_store %arg11[%swap3A_1586, %swap3A_1587], %add3A_1584 {strides = array<i32>} : memref<8x128xf32, #tpu.memory_space<vmem>>, vector<16xf32>,
        %mul3A_1589 = arith.constant 8 : i32
        %mul3A_1590 = arith.muli %scan3A_517, %mul3A_1589 : i32
        %add3A_1591 = arith.constant 7 : i32
        %add3A_1592 = arith.addi %mul3A_1590, %add3A_1591 : i32
        %mul3A_1593 = arith.constant 4 : i32
        %mul3A_1594 = arith.muli %add3A_484, %mul3A_1593 : i32
        %jit3A_1595 = arith.constant 32 : i32
        %div3A_1596 = arith.divsi %add3A_1592, %jit3A_1595 : i32
        %sign3A_1597 = arith.constant 0 : i32
        %sign3A_1598 = arith.cmpi sgt, %add3A_1592, %sign3A_1597 : i32
        %sign3A_1599 = arith.extui %sign3A_1598 : i1 to i32
        %sign3A_1600 = arith.constant 0 : i32
        %sign3A_1601 = arith.cmpi slt, %add3A_1592, %sign3A_1600 : i32
        %sign3A_1602 = arith.extui %sign3A_1601 : i1 to i32
        %sign3A_1603 = arith.subi %sign3A_1599, %sign3A_1602 : i32
        %sign3A_1604 = arith.constant 0 : i32
        %sign3A_1605 = arith.cmpi sgt, %jit3A_1595, %sign3A_1604 : i32
        %sign3A_1606 = arith.extui %sign3A_1605 : i1 to i32
        %sign3A_1607 = arith.constant 0 : i32
        %sign3A_1608 = arith.cmpi slt, %jit3A_1595, %sign3A_1607 : i32
        %sign3A_1609 = arith.extui %sign3A_1608 : i1 to i32
        %sign3A_1610 = arith.subi %sign3A_1606, %sign3A_1609 : i32
        %ne3A_1611 = arith.cmpi ne, %sign3A_1603, %sign3A_1610 : i32
        %rem3A_1612 = arith.remsi %add3A_1592, %jit3A_1595 : i32
        %ne3A_1613 = arith.constant 0 : i32
        %ne3A_1614 = arith.cmpi ne, %rem3A_1612, %ne3A_1613 : i32
        %and3A_1615 = arith.andi %ne3A_1611, %ne3A_1614 : i1
        %sub3A_1616 = arith.constant 1 : i32
        %sub3A_1617 = arith.subi %div3A_1596, %sub3A_1616 : i32
        %select_n3A_1618 = arith.select %and3A_1615, %sub3A_1617, %div3A_1596 : i32
        %add3A_1619 = arith.addi %mul3A_1594, %select_n3A_1618 : i32
        %mul3A_1620 = arith.constant 64 : i32
        %mul3A_1621 = arith.muli %add3A_1619, %mul3A_1620 : i32
        %get3A_1622 = arith.index_cast %add3A_1592 : i32 to index
        %get3A_1623 = arith.constant 0 : index
        %get3A_1624 = tpu.vector_load %arg10[%get3A_1622, %get3A_1623] {strides = array<i32>} : memref<128x128xf32, #tpu.memory_space<vmem>>, vector<16xf32>,
        %add3A_1625 = arith.constant 0 : i32
        %add3A_1626 = arith.addi %mul3A_1621, %add3A_1625 : i32
        %get3A_1627 = arith.index_cast %add3A_1626 : i32 to index
        %get3A_1628 = tpu.vector_load %arg8[%get3A_1627] {strides = array<i32>} : memref<16384xf32, #tpu.memory_space<vmem>>, vector<16xf32>,
        %sub3A_1629 = arith.subf %get3A_1624, %get3A_1628 : vector<16xf32>
        %swap3A_1630 = arith.index_cast %add3A_1592 : i32 to index
        %swap3A_1631 = arith.constant 0 : index
        %swap3A_1632 = tpu.vector_load %arg10[%swap3A_1630, %swap3A_1631] {strides = array<i32>} : memref<128x128xf32, #tpu.memory_space<vmem>>, vector<16xf32>,
        tpu.vector_store %arg10[%swap3A_1630, %swap3A_1631], %sub3A_1629 {strides = array<i32>} : memref<128x128xf32, #tpu.memory_space<vmem>>, vector<16xf32>,
        %get3A_1633 = arith.constant 0 : i32
        %get3A_1634 = arith.index_cast %get3A_1633 : i32 to index
        %get3A_1635 = arith.constant 0 : index
        %get3A_1636 = tpu.vector_load %arg11[%get3A_1634, %get3A_1635] {strides = array<i32>} : memref<8x128xf32, #tpu.memory_space<vmem>>, vector<16xf32>,
        %add3A_1637 = arith.addf %get3A_1636, %sub3A_1629 : vector<16xf32>
        %swap3A_1638 = arith.constant 0 : i32
        %swap3A_1639 = arith.index_cast %swap3A_1638 : i32 to index
        %swap3A_1640 = arith.constant 0 : index
        %swap3A_1641 = tpu.vector_load %arg11[%swap3A_1639, %swap3A_1640] {strides = array<i32>} : memref<8x128xf32, #tpu.memory_space<vmem>>, vector<16xf32>,
        tpu.vector_store %arg11[%swap3A_1639, %swap3A_1640], %add3A_1637 {strides = array<i32>} : memref<8x128xf32, #tpu.memory_space<vmem>>, vector<16xf32>,
        %get3A_1642 = arith.constant 1 : i32
        %get3A_1643 = arith.index_cast %get3A_1642 : i32 to index
        %get3A_1644 = arith.constant 0 : index
        %get3A_1645 = tpu.vector_load %arg11[%get3A_1643, %get3A_1644] {strides = array<i32>} : memref<8x128xf32, #tpu.memory_space<vmem>>, vector<16xf32>,
        %mul3A_1646 = arith.mulf %sub3A_1629, %sub3A_1629 : vector<16xf32>
        %add3A_1647 = arith.addf %get3A_1645, %mul3A_1646 : vector<16xf32>
        %swap3A_1648 = arith.constant 1 : i32
        %swap3A_1649 = arith.index_cast %swap3A_1648 : i32 to index
        %swap3A_1650 = arith.constant 0 : index
        %swap3A_1651 = tpu.vector_load %arg11[%swap3A_1649, %swap3A_1650] {strides = array<i32>} : memref<8x128xf32, #tpu.memory_space<vmem>>, vector<16xf32>,
        tpu.vector_store %arg11[%swap3A_1649, %swap3A_1650], %add3A_1647 {strides = array<i32>} : memref<8x128xf32, #tpu.memory_space<vmem>>, vector<16xf32>,
        %get3A_1652 = arith.index_cast %add3A_1592 : i32 to index
        %get3A_1653 = arith.constant 16 : index
        %get3A_1654 = tpu.vector_load %arg10[%get3A_1652, %get3A_1653] {strides = array<i32>} : memref<128x128xf32, #tpu.memory_space<vmem>>, vector<16xf32>,
        %add3A_1655 = arith.constant 16 : i32
        %add3A_1656 = arith.addi %mul3A_1621, %add3A_1655 : i32
        %get3A_1657 = arith.index_cast %add3A_1656 : i32 to index
        %get3A_1658 = tpu.vector_load %arg8[%get3A_1657] {strides = array<i32>} : memref<16384xf32, #tpu.memory_space<vmem>>, vector<16xf32>,
        %sub3A_1659 = arith.subf %get3A_1654, %get3A_1658 : vector<16xf32>
        %swap3A_1660 = arith.index_cast %add3A_1592 : i32 to index
        %swap3A_1661 = arith.constant 16 : index
        %swap3A_1662 = tpu.vector_load %arg10[%swap3A_1660, %swap3A_1661] {strides = array<i32>} : memref<128x128xf32, #tpu.memory_space<vmem>>, vector<16xf32>,
        tpu.vector_store %arg10[%swap3A_1660, %swap3A_1661], %sub3A_1659 {strides = array<i32>} : memref<128x128xf32, #tpu.memory_space<vmem>>, vector<16xf32>,
        %get3A_1663 = arith.constant 0 : i32
        %get3A_1664 = arith.index_cast %get3A_1663 : i32 to index
        %get3A_1665 = arith.constant 16 : index
        %get3A_1666 = tpu.vector_load %arg11[%get3A_1664, %get3A_1665] {strides = array<i32>} : memref<8x128xf32, #tpu.memory_space<vmem>>, vector<16xf32>,
        %add3A_1667 = arith.addf %get3A_1666, %sub3A_1659 : vector<16xf32>
        %swap3A_1668 = arith.constant 0 : i32
        %swap3A_1669 = arith.index_cast %swap3A_1668 : i32 to index
        %swap3A_1670 = arith.constant 16 : index
        %swap3A_1671 = tpu.vector_load %arg11[%swap3A_1669, %swap3A_1670] {strides = array<i32>} : memref<8x128xf32, #tpu.memory_space<vmem>>, vector<16xf32>,
        tpu.vector_store %arg11[%swap3A_1669, %swap3A_1670], %add3A_1667 {strides = array<i32>} : memref<8x128xf32, #tpu.memory_space<vmem>>, vector<16xf32>,
        %get3A_1672 = arith.constant 1 : i32
        %get3A_1673 = arith.index_cast %get3A_1672 : i32 to index
        %get3A_1674 = arith.constant 16 : index
        %get3A_1675 = tpu.vector_load %arg11[%get3A_1673, %get3A_1674] {strides = array<i32>} : memref<8x128xf32, #tpu.memory_space<vmem>>, vector<16xf32>,
        %mul3A_1676 = arith.mulf %sub3A_1659, %sub3A_1659 : vector<16xf32>
        %add3A_1677 = arith.addf %get3A_1675, %mul3A_1676 : vector<16xf32>
        %swap3A_1678 = arith.constant 1 : i32
        %swap3A_1679 = arith.index_cast %swap3A_1678 : i32 to index
        %swap3A_1680 = arith.constant 16 : index
        %swap3A_1681 = tpu.vector_load %arg11[%swap3A_1679, %swap3A_1680] {strides = array<i32>} : memref<8x128xf32, #tpu.memory_space<vmem>>, vector<16xf32>,
        tpu.vector_store %arg11[%swap3A_1679, %swap3A_1680], %add3A_1677 {strides = array<i32>} : memref<8x128xf32, #tpu.memory_space<vmem>>, vector<16xf32>,
        %get3A_1682 = arith.index_cast %add3A_1592 : i32 to index
        %get3A_1683 = arith.constant 32 : index
        %get3A_1684 = tpu.vector_load %arg10[%get3A_1682, %get3A_1683] {strides = array<i32>} : memref<128x128xf32, #tpu.memory_space<vmem>>, vector<16xf32>,
        %add3A_1685 = arith.constant 32 : i32
        %add3A_1686 = arith.addi %mul3A_1621, %add3A_1685 : i32
        %get3A_1687 = arith.index_cast %add3A_1686 : i32 to index
        %get3A_1688 = tpu.vector_load %arg8[%get3A_1687] {strides = array<i32>} : memref<16384xf32, #tpu.memory_space<vmem>>, vector<16xf32>,
        %sub3A_1689 = arith.subf %get3A_1684, %get3A_1688 : vector<16xf32>
        %swap3A_1690 = arith.index_cast %add3A_1592 : i32 to index
        %swap3A_1691 = arith.constant 32 : index
        %swap3A_1692 = tpu.vector_load %arg10[%swap3A_1690, %swap3A_1691] {strides = array<i32>} : memref<128x128xf32, #tpu.memory_space<vmem>>, vector<16xf32>,
        tpu.vector_store %arg10[%swap3A_1690, %swap3A_1691], %sub3A_1689 {strides = array<i32>} : memref<128x128xf32, #tpu.memory_space<vmem>>, vector<16xf32>,
        %get3A_1693 = arith.constant 0 : i32
        %get3A_1694 = arith.index_cast %get3A_1693 : i32 to index
        %get3A_1695 = arith.constant 32 : index
        %get3A_1696 = tpu.vector_load %arg11[%get3A_1694, %get3A_1695] {strides = array<i32>} : memref<8x128xf32, #tpu.memory_space<vmem>>, vector<16xf32>,
        %add3A_1697 = arith.addf %get3A_1696, %sub3A_1689 : vector<16xf32>
        %swap3A_1698 = arith.constant 0 : i32
        %swap3A_1699 = arith.index_cast %swap3A_1698 : i32 to index
        %swap3A_1700 = arith.constant 32 : index
        %swap3A_1701 = tpu.vector_load %arg11[%swap3A_1699, %swap3A_1700] {strides = array<i32>} : memref<8x128xf32, #tpu.memory_space<vmem>>, vector<16xf32>,
        tpu.vector_store %arg11[%swap3A_1699, %swap3A_1700], %add3A_1697 {strides = array<i32>} : memref<8x128xf32, #tpu.memory_space<vmem>>, vector<16xf32>,
        %get3A_1702 = arith.constant 1 : i32
        %get3A_1703 = arith.index_cast %get3A_1702 : i32 to index
        %get3A_1704 = arith.constant 32 : index
        %get3A_1705 = tpu.vector_load %arg11[%get3A_1703, %get3A_1704] {strides = array<i32>} : memref<8x128xf32, #tpu.memory_space<vmem>>, vector<16xf32>,
        %mul3A_1706 = arith.mulf %sub3A_1689, %sub3A_1689 : vector<16xf32>
        %add3A_1707 = arith.addf %get3A_1705, %mul3A_1706 : vector<16xf32>
        %swap3A_1708 = arith.constant 1 : i32
        %swap3A_1709 = arith.index_cast %swap3A_1708 : i32 to index
        %swap3A_1710 = arith.constant 32 : index
        %swap3A_1711 = tpu.vector_load %arg11[%swap3A_1709, %swap3A_1710] {strides = array<i32>} : memref<8x128xf32, #tpu.memory_space<vmem>>, vector<16xf32>,
        tpu.vector_store %arg11[%swap3A_1709, %swap3A_1710], %add3A_1707 {strides = array<i32>} : memref<8x128xf32, #tpu.memory_space<vmem>>, vector<16xf32>,
        %get3A_1712 = arith.index_cast %add3A_1592 : i32 to index
        %get3A_1713 = arith.constant 48 : index
        %get3A_1714 = tpu.vector_load %arg10[%get3A_1712, %get3A_1713] {strides = array<i32>} : memref<128x128xf32, #tpu.memory_space<vmem>>, vector<16xf32>,
        %add3A_1715 = arith.constant 48 : i32
        %add3A_1716 = arith.addi %mul3A_1621, %add3A_1715 : i32
        %get3A_1717 = arith.index_cast %add3A_1716 : i32 to index
        %get3A_1718 = tpu.vector_load %arg8[%get3A_1717] {strides = array<i32>} : memref<16384xf32, #tpu.memory_space<vmem>>, vector<16xf32>,
        %sub3A_1719 = arith.subf %get3A_1714, %get3A_1718 : vector<16xf32>
        %swap3A_1720 = arith.index_cast %add3A_1592 : i32 to index
        %swap3A_1721 = arith.constant 48 : index
        %swap3A_1722 = tpu.vector_load %arg10[%swap3A_1720, %swap3A_1721] {strides = array<i32>} : memref<128x128xf32, #tpu.memory_space<vmem>>, vector<16xf32>,
        tpu.vector_store %arg10[%swap3A_1720, %swap3A_1721], %sub3A_1719 {strides = array<i32>} : memref<128x128xf32, #tpu.memory_space<vmem>>, vector<16xf32>,
        %get3A_1723 = arith.constant 0 : i32
        %get3A_1724 = arith.index_cast %get3A_1723 : i32 to index
        %get3A_1725 = arith.constant 48 : index
        %get3A_1726 = tpu.vector_load %arg11[%get3A_1724, %get3A_1725] {strides = array<i32>} : memref<8x128xf32, #tpu.memory_space<vmem>>, vector<16xf32>,
        %add3A_1727 = arith.addf %get3A_1726, %sub3A_1719 : vector<16xf32>
        %swap3A_1728 = arith.constant 0 : i32
        %swap3A_1729 = arith.index_cast %swap3A_1728 : i32 to index
        %swap3A_1730 = arith.constant 48 : index
        %swap3A_1731 = tpu.vector_load %arg11[%swap3A_1729, %swap3A_1730] {strides = array<i32>} : memref<8x128xf32, #tpu.memory_space<vmem>>, vector<16xf32>,
        tpu.vector_store %arg11[%swap3A_1729, %swap3A_1730], %add3A_1727 {strides = array<i32>} : memref<8x128xf32, #tpu.memory_space<vmem>>, vector<16xf32>,
        %get3A_1732 = arith.constant 1 : i32
        %get3A_1733 = arith.index_cast %get3A_1732 : i32 to index
        %get3A_1734 = arith.constant 48 : index
        %get3A_1735 = tpu.vector_load %arg11[%get3A_1733, %get3A_1734] {strides = array<i32>} : memref<8x128xf32, #tpu.memory_space<vmem>>, vector<16xf32>,
        %mul3A_1736 = arith.mulf %sub3A_1719, %sub3A_1719 : vector<16xf32>
        %add3A_1737 = arith.addf %get3A_1735, %mul3A_1736 : vector<16xf32>
        %swap3A_1738 = arith.constant 1 : i32
        %swap3A_1739 = arith.index_cast %swap3A_1738 : i32 to index
        %swap3A_1740 = arith.constant 48 : index
        %swap3A_1741 = tpu.vector_load %arg11[%swap3A_1739, %swap3A_1740] {strides = array<i32>} : memref<8x128xf32, #tpu.memory_space<vmem>>, vector<16xf32>,
        tpu.vector_store %arg11[%swap3A_1739, %swap3A_1740], %add3A_1737 {strides = array<i32>} : memref<8x128xf32, #tpu.memory_space<vmem>>, vector<16xf32>,
        %scan3A_1742 = arith.constant 0 : i32
        scf.yield %scan3A_1742 : i32
      }
      %scan3A_504 = arith.constant 16 : i32
      %mul3A_505 = arith.constant 128 : i32
      %mul3A_506 = arith.muli %add3A_484, %mul3A_505 : i32
      %add3A_507 = arith.addi %mul3A_37, %mul3A_506 : i32
      %dma_start3A_508 = arith.constant 0 : i32
      %dma_start3A_509 = tpu.memref_slice %arg5[%add3A_507, %dma_start3A_508] : memref<262144x128xf32, #tpu.memory_space<hbm>> -> memref<128x128xf32, #tpu.memory_space<hbm>>
      %dma_start3A_510 = arith.constant 0 : i32
      %dma_start3A_511 = tpu.memref_slice %arg5[%add3A_507, %dma_start3A_510] : memref<262144x128xf32, #tpu.memory_space<hbm>> -> memref<128x128xf32, #tpu.memory_space<hbm>>
      tpu.enqueue_dma source(%arg10 : memref<128x128xf32, #tpu.memory_space<vmem>>) target(%dma_start3A_511 : memref<128x128xf32, #tpu.memory_space<hbm>>) target_semaphore(%arg14 : memref<!tpu.dma_semaphore, #tpu.memory_space<semaphore_mem>>)
      %dma_wait3A_512 = arith.constant 0 : i32
      %dma_wait3A_513 = tpu.memref_slice %arg5[%add3A_507, %dma_wait3A_512] : memref<262144x128xf32, #tpu.memory_space<hbm>> -> memref<128x128xf32, #tpu.memory_space<hbm>>
      %dma_wait3A_514 = arith.constant 0 : i32
      %dma_wait3A_515 = tpu.memref_slice %arg5[%add3A_507, %dma_wait3A_514] : memref<262144x128xf32, #tpu.memory_space<hbm>> -> memref<128x128xf32, #tpu.memory_space<hbm>>
      tpu.wait_dma2 semaphore(%arg14 : memref<!tpu.dma_semaphore, #tpu.memory_space<semaphore_mem>>) src(%arg10 : memref<128x128xf32, #tpu.memory_space<vmem>>) dst(%dma_wait3A_515 : memref<128x128xf32, #tpu.memory_space<hbm>>)
      %scan3A_516 = arith.constant 0 : i32
      scf.yield %scan3A_516 : i32
    }
    %scan3A_446 = arith.constant 32 : i32
    "tpu.region"() ({
      %run_scoped3A_447 = tpu.sem_alloc : memref<!tpu.dma_semaphore, #tpu.memory_space<semaphore_mem>>
      %dma_start3A_448 = arith.constant 0 : i32
      %dma_start3A_449 = arith.constant 0 : i32
      %dma_start3A_450 = tpu.memref_slice %arg6[%add3A, %dma_start3A_448, %dma_start3A_449] : memref<32x8x128xf32, #tpu.memory_space<hbm>> -> memref<1x8x128xf32, #tpu.memory_space<hbm>>
      %dma_start3A_451 = tpu.memref_squeeze %dma_start3A_450 : memref<1x8x128xf32, #tpu.memory_space<hbm>> -> memref<8x128xf32, #tpu.memory_space<hbm>>
      %dma_start3A_452 = arith.constant 0 : i32
      %dma_start3A_453 = arith.constant 0 : i32
      %dma_start3A_454 = tpu.memref_slice %arg6[%add3A, %dma_start3A_452, %dma_start3A_453] : memref<32x8x128xf32, #tpu.memory_space<hbm>> -> memref<1x8x128xf32, #tpu.memory_space<hbm>>
      %dma_start3A_455 = tpu.memref_squeeze %dma_start3A_454 : memref<1x8x128xf32, #tpu.memory_space<hbm>> -> memref<8x128xf32, #tpu.memory_space<hbm>>
      tpu.enqueue_dma source(%arg11 : memref<8x128xf32, #tpu.memory_space<vmem>>) target(%dma_start3A_455 : memref<8x128xf32, #tpu.memory_space<hbm>>) target_semaphore(%run_scoped3A_447 : memref<!tpu.dma_semaphore, #tpu.memory_space<semaphore_mem>>)
      %dma_wait3A = arith.constant 0 : i32
      %dma_wait3A_456 = arith.constant 0 : i32
      %dma_wait3A_457 = tpu.memref_slice %arg6[%add3A, %dma_wait3A, %dma_wait3A_456] : memref<32x8x128xf32, #tpu.memory_space<hbm>> -> memref<1x8x128xf32, #tpu.memory_space<hbm>>
      %dma_wait3A_458 = tpu.memref_squeeze %dma_wait3A_457 : memref<1x8x128xf32, #tpu.memory_space<hbm>> -> memref<8x128xf32, #tpu.memory_space<hbm>>
      %dma_wait3A_459 = arith.constant 0 : i32
      %dma_wait3A_460 = arith.constant 0 : i32
      %dma_wait3A_461 = tpu.memref_slice %arg6[%add3A, %dma_wait3A_459, %dma_wait3A_460] : memref<32x8x128xf32, #tpu.memory_space<hbm>> -> memref<1x8x128xf32, #tpu.memory_space<hbm>>
      %dma_wait3A_462 = tpu.memref_squeeze %dma_wait3A_461 : memref<1x8x128xf32, #tpu.memory_space<hbm>> -> memref<8x128xf32, #tpu.memory_space<hbm>>
      tpu.wait_dma2 semaphore(%run_scoped3A_447 : memref<!tpu.dma_semaphore, #tpu.memory_space<semaphore_mem>>) src(%arg11 : memref<8x128xf32, #tpu.memory_space<vmem>>) dst(%dma_wait3A_462 : memref<8x128xf32, #tpu.memory_space<hbm>>)
      tpu.yield
    }) : () -> ()
    return
  }
}

module attributes {stable_mosaic.version = 14 : i64} {
  func.func @_fps_body(%arg0: memref<16x3x4096xf32, #tpu.memory_space<vmem>>, %arg1: memref<16x512xi32, #tpu.memory_space<vmem>>, %arg2: memref<16x3x512xf32, #tpu.memory_space<vmem>>, %arg3: memref<16x4096xf32, #tpu.memory_space<vmem>>) attributes {dimension_semantics = [], scalar_prefetch = 0 : i64, scratch_operands = 1 : i64, tpu.core_type = #tpu.core_type<tc>} {
    %get3A = arith.constant 0 : index
    %get3A_0 = arith.constant 0 : index
    %get3A_1 = arith.constant 0 : index
    %get3A_2 = vector.load %arg0[%get3A, %get3A_0, %get3A_1] : memref<16x3x4096xf32, #tpu.memory_space<vmem>>, vector<16x1x4096xf32>
    %get3A_3 = vector.shape_cast %get3A_2 : vector<16x1x4096xf32> to vector<16x4096xf32>
    %get3A_4 = arith.constant 0 : index
    %get3A_5 = arith.constant 1 : index
    %get3A_6 = arith.constant 0 : index
    %get3A_7 = vector.load %arg0[%get3A_4, %get3A_5, %get3A_6] : memref<16x3x4096xf32, #tpu.memory_space<vmem>>, vector<16x1x4096xf32>
    %get3A_8 = vector.shape_cast %get3A_7 : vector<16x1x4096xf32> to vector<16x4096xf32>
    %get3A_9 = arith.constant 0 : index
    %get3A_10 = arith.constant 2 : index
    %get3A_11 = arith.constant 0 : index
    %get3A_12 = vector.load %arg0[%get3A_9, %get3A_10, %get3A_11] : memref<16x3x4096xf32, #tpu.memory_space<vmem>>, vector<16x1x4096xf32>
    %get3A_13 = vector.shape_cast %get3A_12 : vector<16x1x4096xf32> to vector<16x4096xf32>
    %iota3A = tpu.iota {dimensions = array<i32: 1>} : vector<16x4096xi32>
    %iota3A_14 = tpu.iota {dimensions = array<i32: 1>} : vector<16x512xi32>
    %broadcast_in_dim3A = arith.constant 1.000000e+10 : f32
    %broadcast_in_dim3A_15 = vector.broadcast %broadcast_in_dim3A : f32 to vector<16x4096xf32>
    %swap3A = arith.constant 0 : index
    %swap3A_16 = arith.constant 0 : index
    %swap3A_17 = vector.load %arg3[%swap3A, %swap3A_16] : memref<16x4096xf32, #tpu.memory_space<vmem>>, vector<16x4096xf32>
    tpu.vector_store %arg3[%swap3A, %swap3A_16], %broadcast_in_dim3A_15 {strides = array<i32>} : memref<16x4096xf32, #tpu.memory_space<vmem>>, vector<16x4096xf32>,
    %broadcast_in_dim3A_18 = arith.constant 0 : i32
    %broadcast_in_dim3A_19 = vector.broadcast %broadcast_in_dim3A_18 : i32 to vector<16x512xi32>
    %swap3A_20 = arith.constant 0 : index
    %swap3A_21 = arith.constant 0 : index
    %swap3A_22 = vector.load %arg1[%swap3A_20, %swap3A_21] : memref<16x512xi32, #tpu.memory_space<vmem>>, vector<16x512xi32>
    tpu.vector_store %arg1[%swap3A_20, %swap3A_21], %broadcast_in_dim3A_19 {strides = array<i32>} : memref<16x512xi32, #tpu.memory_space<vmem>>, vector<16x512xi32>,
    %broadcast_in_dim3A_23 = arith.constant 0.000000e+00 : f32
    %broadcast_in_dim3A_24 = vector.broadcast %broadcast_in_dim3A_23 : f32 to vector<16x3x512xf32>
    %swap3A_25 = arith.constant 0 : index
    %swap3A_26 = arith.constant 0 : index
    %swap3A_27 = arith.constant 0 : index
    %swap3A_28 = vector.load %arg2[%swap3A_25, %swap3A_26, %swap3A_27] : memref<16x3x512xf32, #tpu.memory_space<vmem>>, vector<16x3x512xf32>
    tpu.vector_store %arg2[%swap3A_25, %swap3A_26, %swap3A_27], %broadcast_in_dim3A_24 {strides = array<i32>} : memref<16x3x512xf32, #tpu.memory_space<vmem>>, vector<16x3x512xf32>,
    %broadcast_in_dim3A_29 = arith.constant 0 : i32
    %broadcast_in_dim3A_30 = vector.broadcast %broadcast_in_dim3A_29 : i32 to vector<16x1xi32>
    %scan3A = arith.constant 0 : i32
    %scan3A_31 = arith.constant 512 : i32
    %scan3A_32 = arith.addi %scan3A, %scan3A_31 : i32
    %scan3A_33 = arith.constant 1 : i32
    %scan3A_34 = scf.for %scan3A_36 = %scan3A to %scan3A_32 step %scan3A_33 iter_args(%scan3A_37 = %broadcast_in_dim3A_30) -> (vector<16x1xi32>)  : i32 {
      %eq3A = vector.broadcast %scan3A_37 : vector<16x1xi32> to vector<16x4096xi32>
      %eq3A_38 = arith.cmpi eq, %iota3A, %eq3A : vector<16x4096xi32>
      %jit3A = arith.constant 0.000000e+00 : f32
      %broadcast_in_dim3A_39 = vector.broadcast %jit3A : f32 to vector<16x4096xf32>
      %select_n3A = arith.select %eq3A_38, %get3A_3, %broadcast_in_dim3A_39 : vector<16x4096xi1>, vector<16x4096xf32>
      %reduce_sum3A = arith.constant dense<0.000000e+00> : vector<16xf32>
      %reduce_sum3A_40 = vector.multi_reduction <add>, %select_n3A, %reduce_sum3A [1] : vector<16x4096xf32> to vector<16xf32>
      %broadcast_in_dim3A_41 = vector.shape_cast %reduce_sum3A_40 : vector<16xf32> to vector<16x1xf32>
      %jit3A_42 = arith.constant 0.000000e+00 : f32
      %broadcast_in_dim3A_43 = vector.broadcast %jit3A_42 : f32 to vector<16x4096xf32>
      %select_n3A_44 = arith.select %eq3A_38, %get3A_8, %broadcast_in_dim3A_43 : vector<16x4096xi1>, vector<16x4096xf32>
      %reduce_sum3A_45 = arith.constant dense<0.000000e+00> : vector<16xf32>
      %reduce_sum3A_46 = vector.multi_reduction <add>, %select_n3A_44, %reduce_sum3A_45 [1] : vector<16x4096xf32> to vector<16xf32>
      %broadcast_in_dim3A_47 = vector.shape_cast %reduce_sum3A_46 : vector<16xf32> to vector<16x1xf32>
      %jit3A_48 = arith.constant 0.000000e+00 : f32
      %broadcast_in_dim3A_49 = vector.broadcast %jit3A_48 : f32 to vector<16x4096xf32>
      %select_n3A_50 = arith.select %eq3A_38, %get3A_13, %broadcast_in_dim3A_49 : vector<16x4096xi1>, vector<16x4096xf32>
      %reduce_sum3A_51 = arith.constant dense<0.000000e+00> : vector<16xf32>
      %reduce_sum3A_52 = vector.multi_reduction <add>, %select_n3A_50, %reduce_sum3A_51 [1] : vector<16x4096xf32> to vector<16xf32>
      %broadcast_in_dim3A_53 = vector.shape_cast %reduce_sum3A_52 : vector<16xf32> to vector<16x1xf32>
      %eq3A_54 = vector.broadcast %scan3A_36 : i32 to vector<16x512xi32>
      %eq3A_55 = arith.cmpi eq, %iota3A_14, %eq3A_54 : vector<16x512xi32>
      %broadcast_in_dim3A_56 = vector.shape_cast %scan3A_37 : vector<16x1xi32> to vector<16x1xi32>
      %broadcast_in_dim3A_57 = vector.broadcast %broadcast_in_dim3A_56 : vector<16x1xi32> to vector<16x512xi32>
      %get3A_58 = arith.constant 0 : index
      %get3A_59 = arith.constant 0 : index
      %get3A_60 = vector.load %arg1[%get3A_58, %get3A_59] : memref<16x512xi32, #tpu.memory_space<vmem>>, vector<16x512xi32>
      %select_n3A_61 = arith.select %eq3A_55, %broadcast_in_dim3A_57, %get3A_60 : vector<16x512xi1>, vector<16x512xi32>
      %swap3A_62 = arith.constant 0 : index
      %swap3A_63 = arith.constant 0 : index
      %swap3A_64 = vector.load %arg1[%swap3A_62, %swap3A_63] : memref<16x512xi32, #tpu.memory_space<vmem>>, vector<16x512xi32>
      tpu.vector_store %arg1[%swap3A_62, %swap3A_63], %select_n3A_61 {strides = array<i32>} : memref<16x512xi32, #tpu.memory_space<vmem>>, vector<16x512xi32>,
      %broadcast_in_dim3A_65 = vector.shape_cast %broadcast_in_dim3A_41 : vector<16x1xf32> to vector<16x1xf32>
      %broadcast_in_dim3A_66 = vector.broadcast %broadcast_in_dim3A_65 : vector<16x1xf32> to vector<16x512xf32>
      %get3A_67 = arith.constant 0 : index
      %get3A_68 = arith.constant 0 : index
      %get3A_69 = arith.constant 0 : index
      %get3A_70 = vector.load %arg2[%get3A_67, %get3A_68, %get3A_69] : memref<16x3x512xf32, #tpu.memory_space<vmem>>, vector<16x1x512xf32>
      %get3A_71 = vector.shape_cast %get3A_70 : vector<16x1x512xf32> to vector<16x512xf32>
      %select_n3A_72 = arith.select %eq3A_55, %broadcast_in_dim3A_66, %get3A_71 : vector<16x512xi1>, vector<16x512xf32>
      %swap3A_73 = arith.constant 0 : index
      %swap3A_74 = arith.constant 0 : index
      %swap3A_75 = arith.constant 0 : index
      %swap3A_76 = vector.load %arg2[%swap3A_73, %swap3A_74, %swap3A_75] : memref<16x3x512xf32, #tpu.memory_space<vmem>>, vector<16x1x512xf32>
      %swap3A_77 = vector.shape_cast %swap3A_76 : vector<16x1x512xf32> to vector<16x512xf32>
      %swap3A_78 = vector.shape_cast %select_n3A_72 : vector<16x512xf32> to vector<16x1x512xf32>
      tpu.vector_store %arg2[%swap3A_73, %swap3A_74, %swap3A_75], %swap3A_78 {strides = array<i32>} : memref<16x3x512xf32, #tpu.memory_space<vmem>>, vector<16x1x512xf32>,
      %broadcast_in_dim3A_79 = vector.shape_cast %broadcast_in_dim3A_47 : vector<16x1xf32> to vector<16x1xf32>
      %broadcast_in_dim3A_80 = vector.broadcast %broadcast_in_dim3A_79 : vector<16x1xf32> to vector<16x512xf32>
      %get3A_81 = arith.constant 0 : index
      %get3A_82 = arith.constant 1 : index
      %get3A_83 = arith.constant 0 : index
      %get3A_84 = vector.load %arg2[%get3A_81, %get3A_82, %get3A_83] : memref<16x3x512xf32, #tpu.memory_space<vmem>>, vector<16x1x512xf32>
      %get3A_85 = vector.shape_cast %get3A_84 : vector<16x1x512xf32> to vector<16x512xf32>
      %select_n3A_86 = arith.select %eq3A_55, %broadcast_in_dim3A_80, %get3A_85 : vector<16x512xi1>, vector<16x512xf32>
      %swap3A_87 = arith.constant 0 : index
      %swap3A_88 = arith.constant 1 : index
      %swap3A_89 = arith.constant 0 : index
      %swap3A_90 = vector.load %arg2[%swap3A_87, %swap3A_88, %swap3A_89] : memref<16x3x512xf32, #tpu.memory_space<vmem>>, vector<16x1x512xf32>
      %swap3A_91 = vector.shape_cast %swap3A_90 : vector<16x1x512xf32> to vector<16x512xf32>
      %swap3A_92 = vector.shape_cast %select_n3A_86 : vector<16x512xf32> to vector<16x1x512xf32>
      tpu.vector_store %arg2[%swap3A_87, %swap3A_88, %swap3A_89], %swap3A_92 {strides = array<i32>} : memref<16x3x512xf32, #tpu.memory_space<vmem>>, vector<16x1x512xf32>,
      %broadcast_in_dim3A_93 = vector.shape_cast %broadcast_in_dim3A_53 : vector<16x1xf32> to vector<16x1xf32>
      %broadcast_in_dim3A_94 = vector.broadcast %broadcast_in_dim3A_93 : vector<16x1xf32> to vector<16x512xf32>
      %get3A_95 = arith.constant 0 : index
      %get3A_96 = arith.constant 2 : index
      %get3A_97 = arith.constant 0 : index
      %get3A_98 = vector.load %arg2[%get3A_95, %get3A_96, %get3A_97] : memref<16x3x512xf32, #tpu.memory_space<vmem>>, vector<16x1x512xf32>
      %get3A_99 = vector.shape_cast %get3A_98 : vector<16x1x512xf32> to vector<16x512xf32>
      %select_n3A_100 = arith.select %eq3A_55, %broadcast_in_dim3A_94, %get3A_99 : vector<16x512xi1>, vector<16x512xf32>
      %swap3A_101 = arith.constant 0 : index
      %swap3A_102 = arith.constant 2 : index
      %swap3A_103 = arith.constant 0 : index
      %swap3A_104 = vector.load %arg2[%swap3A_101, %swap3A_102, %swap3A_103] : memref<16x3x512xf32, #tpu.memory_space<vmem>>, vector<16x1x512xf32>
      %swap3A_105 = vector.shape_cast %swap3A_104 : vector<16x1x512xf32> to vector<16x512xf32>
      %swap3A_106 = vector.shape_cast %select_n3A_100 : vector<16x512xf32> to vector<16x1x512xf32>
      tpu.vector_store %arg2[%swap3A_101, %swap3A_102, %swap3A_103], %swap3A_106 {strides = array<i32>} : memref<16x3x512xf32, #tpu.memory_space<vmem>>, vector<16x1x512xf32>,
      %sub3A = vector.broadcast %broadcast_in_dim3A_41 : vector<16x1xf32> to vector<16x4096xf32>
      %sub3A_107 = arith.subf %get3A_3, %sub3A : vector<16x4096xf32>
      %sub3A_108 = vector.broadcast %broadcast_in_dim3A_47 : vector<16x1xf32> to vector<16x4096xf32>
      %sub3A_109 = arith.subf %get3A_8, %sub3A_108 : vector<16x4096xf32>
      %sub3A_110 = vector.broadcast %broadcast_in_dim3A_53 : vector<16x1xf32> to vector<16x4096xf32>
      %sub3A_111 = arith.subf %get3A_13, %sub3A_110 : vector<16x4096xf32>
      %mul3A = arith.mulf %sub3A_107, %sub3A_107 : vector<16x4096xf32>
      %mul3A_112 = arith.mulf %sub3A_109, %sub3A_109 : vector<16x4096xf32>
      %add3A = arith.addf %mul3A, %mul3A_112 : vector<16x4096xf32>
      %mul3A_113 = arith.mulf %sub3A_111, %sub3A_111 : vector<16x4096xf32>
      %add3A_114 = arith.addf %add3A, %mul3A_113 : vector<16x4096xf32>
      %get3A_115 = arith.constant 0 : index
      %get3A_116 = arith.constant 0 : index
      %get3A_117 = vector.load %arg3[%get3A_115, %get3A_116] : memref<16x4096xf32, #tpu.memory_space<vmem>>, vector<16x4096xf32>
      %min3A = arith.minimumf %get3A_117, %add3A_114 : vector<16x4096xf32>
      %swap3A_118 = arith.constant 0 : index
      %swap3A_119 = arith.constant 0 : index
      %swap3A_120 = vector.load %arg3[%swap3A_118, %swap3A_119] : memref<16x4096xf32, #tpu.memory_space<vmem>>, vector<16x4096xf32>
      tpu.vector_store %arg3[%swap3A_118, %swap3A_119], %min3A {strides = array<i32>} : memref<16x4096xf32, #tpu.memory_space<vmem>>, vector<16x4096xf32>,
      %reduce_max3A = arith.constant dense<0xFF800000> : vector<16xf32>
      %reduce_max3A_121 = vector.multi_reduction <maximumf>, %min3A, %reduce_max3A [1] : vector<16x4096xf32> to vector<16xf32>
      %broadcast_in_dim3A_122 = vector.shape_cast %reduce_max3A_121 : vector<16xf32> to vector<16x1xf32>
      %eq3A_123 = vector.broadcast %broadcast_in_dim3A_122 : vector<16x1xf32> to vector<16x4096xf32>
      %eq3A_124 = arith.cmpf oeq, %min3A, %eq3A_123 : vector<16x4096xf32>
      %jit3A_125 = arith.constant 4096 : i32
      %broadcast_in_dim3A_126 = vector.broadcast %jit3A_125 : i32 to vector<16x4096xi32>
      %select_n3A_127 = arith.select %eq3A_124, %iota3A, %broadcast_in_dim3A_126 : vector<16x4096xi1>, vector<16x4096xi32>
      %reduce_min3A = arith.constant dense<2147483647> : vector<16xi32>
      %reduce_min3A_128 = vector.multi_reduction <minsi>, %select_n3A_127, %reduce_min3A [1] : vector<16x4096xi32> to vector<16xi32>
      %broadcast_in_dim3A_129 = vector.shape_cast %reduce_min3A_128 : vector<16xi32> to vector<16x1xi32>
      scf.yield %broadcast_in_dim3A_129 : vector<16x1xi32>
    }
    %scan3A_35 = arith.constant 512 : i32
    return
  }
}

module attributes {stable_mosaic.version = 14 : i64} {
  func.func @_q_body(%arg0: i32, %arg1: memref<1x512x3xf32, #tpu.memory_space<vmem>>, %arg2: memref<64x67xf32, #tpu.memory_space<vmem>>, %arg3: memref<1x512x64xf32, #tpu.memory_space<vmem>>) attributes {dimension_semantics = [#tpu.dimension_semantics<arbitrary>], iteration_bounds = array<i64: 16>, scalar_prefetch = 0 : i64, scratch_operands = 0 : i64, tpu.core_type = #tpu.core_type<tc>, window_params = [{transform_indices = @transform_0, window_bounds = array<i64: 1, 512, 3>}, {pipeline_mode = #tpu.pipeline_mode<synchronous>, transform_indices = @transform_1, window_bounds = array<i64: 64, 67>}, {transform_indices = @transform_2, window_bounds = array<i64: 1, 512, 64>}]} {
    %get3A = arith.constant 0 : index
    %get3A_0 = arith.constant 0 : index
    %get3A_1 = vector.load %arg2[%get3A, %get3A_0] : memref<64x67xf32, #tpu.memory_space<vmem>>, vector<64x3xf32>
    %get3A_2 = arith.constant 0 : index
    %get3A_3 = arith.constant 0 : index
    %get3A_4 = arith.constant 0 : index
    %get3A_5 = vector.load %arg1[%get3A_2, %get3A_3, %get3A_4] : memref<1x512x3xf32, #tpu.memory_space<vmem>>, vector<1x512x3xf32>
    %get3A_6 = vector.shape_cast %get3A_5 : vector<1x512x3xf32> to vector<512x3xf32>
    %dot_general3A = arith.constant dense<0.000000e+00> : vector<512x64xf32>
    %dot_general3A_7 = tpu.matmul %get3A_6, %get3A_1, %dot_general3A {dimension_numbers = #tpu.dot_dimension_numbers<[1], [1], [0], [0], [0, 0, 1, 0], [], []>, transpose_lhs_hint = false} : vector<512x3xf32>, vector<64x3xf32>, vector<512x64xf32> -> vector<512x64xf32>
    %swap3A = arith.constant 0 : index
    %swap3A_8 = arith.constant 0 : index
    %swap3A_9 = arith.constant 0 : index
    %swap3A_10 = vector.load %arg3[%swap3A, %swap3A_8, %swap3A_9] : memref<1x512x64xf32, #tpu.memory_space<vmem>>, vector<1x512x64xf32>
    %swap3A_11 = vector.shape_cast %swap3A_10 : vector<1x512x64xf32> to vector<512x64xf32>
    %swap3A_12 = vector.shape_cast %dot_general3A_7 : vector<512x64xf32> to vector<1x512x64xf32>
    tpu.vector_store %arg3[%swap3A, %swap3A_8, %swap3A_9], %swap3A_12 {strides = array<i32>} : memref<1x512x64xf32, #tpu.memory_space<vmem>>, vector<1x512x64xf32>,
    return
  }
  func.func @transform_0(%arg0: i32) -> (i32, i32, i32) {
    %c0_i32 = arith.constant 0 : i32
    %c0_i32_0 = arith.constant 0 : i32
    %c0_i32_1 = arith.constant 0 : i32
    return %arg0, %c0_i32, %c0_i32_0 : i32, i32, i32
  }
  func.func @transform_1(%arg0: i32) -> (i32, i32) {
    %c0_i32 = arith.constant 0 : i32
    %c0_i32_0 = arith.constant 0 : i32
    %c0_i32_1 = arith.constant 0 : i32
    return %c0_i32, %c0_i32_0 : i32, i32
  }
  func.func @transform_2(%arg0: i32) -> (i32, i32, i32) {
    %c0_i32 = arith.constant 0 : i32
    %c0_i32_0 = arith.constant 0 : i32
    %c0_i32_1 = arith.constant 0 : i32
    return %arg0, %c0_i32, %c0_i32_0 : i32, i32, i32
  }
}

module attributes {stable_mosaic.version = 14 : i64} {
  func.func @_pre_body(%arg0: i32, %arg1: i32, %arg2: memref<1x512x3xf32, #tpu.memory_space<vmem>>, %arg3: memref<1x512x64xf32, #tpu.memory_space<vmem>>, %arg4: memref<64x67xf32, #tpu.memory_space<vmem>>, %arg5: memref<64xf32, #tpu.memory_space<vmem>>, %arg6: memref<1x512x128xf32, #tpu.memory_space<vmem>>) attributes {dimension_semantics = [#tpu.dimension_semantics<arbitrary>, #tpu.dimension_semantics<arbitrary>], iteration_bounds = array<i64: 16, 8>, scalar_prefetch = 0 : i64, scratch_operands = 0 : i64, tpu.core_type = #tpu.core_type<tc>, window_params = [{transform_indices = @transform_0, window_bounds = array<i64: 1, 512, 3>}, {transform_indices = @transform_1, window_bounds = array<i64: 1, 512, 64>}, {pipeline_mode = #tpu.pipeline_mode<synchronous>, transform_indices = @transform_2, window_bounds = array<i64: 64, 67>}, {pipeline_mode = #tpu.pipeline_mode<synchronous>, transform_indices = @transform_3, window_bounds = array<i64: 64>}, {transform_indices = @transform_4, window_bounds = array<i64: 1, 512, 128>}]} {
    %get3A = arith.constant 0 : index
    %get3A_0 = arith.constant 0 : index
    %get3A_1 = arith.constant 0 : index
    %get3A_2 = vector.load %arg3[%get3A, %get3A_0, %get3A_1] : memref<1x512x64xf32, #tpu.memory_space<vmem>>, vector<1x512x64xf32>
    %get3A_3 = vector.shape_cast %get3A_2 : vector<1x512x64xf32> to vector<512x64xf32>
    %get3A_4 = arith.constant 0 : index
    %get3A_5 = arith.constant 0 : index
    %get3A_6 = arith.constant 0 : index
    %get3A_7 = vector.load %arg2[%get3A_4, %get3A_5, %get3A_6] : memref<1x512x3xf32, #tpu.memory_space<vmem>>, vector<1x512x3xf32>
    %get3A_8 = vector.shape_cast %get3A_7 : vector<1x512x3xf32> to vector<512x3xf32>
    %get3A_9 = arith.constant 0 : index
    %get3A_10 = arith.constant 0 : index
    %get3A_11 = vector.load %arg4[%get3A_9, %get3A_10] : memref<64x67xf32, #tpu.memory_space<vmem>>, vector<64x3xf32>
    %get3A_12 = arith.constant 0 : index
    %get3A_13 = arith.constant 3 : index
    %get3A_14 = vector.load %arg4[%get3A_12, %get3A_13] : memref<64x67xf32, #tpu.memory_space<vmem>>, vector<64x64xf32>
    %dot_general3A = arith.constant dense<0.000000e+00> : vector<512x64xf32>
    %dot_general3A_15 = tpu.matmul %get3A_3, %get3A_14, %dot_general3A {dimension_numbers = #tpu.dot_dimension_numbers<[1], [1], [0], [0], [0, 0, 1, 0], [], []>, transpose_lhs_hint = false} : vector<512x64xf32>, vector<64x64xf32>, vector<512x64xf32> -> vector<512x64xf32>
    %dot_general3A_16 = arith.constant dense<0.000000e+00> : vector<512x64xf32>
    %dot_general3A_17 = tpu.matmul %get3A_8, %get3A_11, %dot_general3A_16 {dimension_numbers = #tpu.dot_dimension_numbers<[1], [1], [0], [0], [0, 0, 1, 0], [], []>, transpose_lhs_hint = false} : vector<512x3xf32>, vector<64x3xf32>, vector<512x64xf32> -> vector<512x64xf32>
    %add3A = arith.addf %dot_general3A_15, %dot_general3A_17 : vector<512x64xf32>
    %get3A_18 = arith.constant 0 : index
    %get3A_19 = vector.load %arg5[%get3A_18] : memref<64xf32, #tpu.memory_space<vmem>>, vector<64xf32>
    %broadcast_in_dim3A = vector.shape_cast %get3A_19 : vector<64xf32> to vector<1x64xf32>
    %add3A_20 = vector.broadcast %broadcast_in_dim3A : vector<1x64xf32> to vector<512x64xf32>
    %add3A_21 = arith.addf %add3A, %add3A_20 : vector<512x64xf32>
    %broadcast_in_dim3A_22 = arith.constant 0.000000e+00 : f32
    %broadcast_in_dim3A_23 = vector.broadcast %broadcast_in_dim3A_22 : f32 to vector<512x64xf32>
    %concatenate3A = tpu.concatenate %add3A_21, %broadcast_in_dim3A_23 in 1 : vector<512x64xf32>, vector<512x64xf32> -> vector<512x128xf32>
    %swap3A = arith.constant 0 : index
    %swap3A_24 = arith.constant 0 : index
    %swap3A_25 = arith.constant 0 : index
    %swap3A_26 = vector.load %arg6[%swap3A, %swap3A_24, %swap3A_25] : memref<1x512x128xf32, #tpu.memory_space<vmem>>, vector<1x512x128xf32>
    %swap3A_27 = vector.shape_cast %swap3A_26 : vector<1x512x128xf32> to vector<512x128xf32>
    %swap3A_28 = vector.shape_cast %concatenate3A : vector<512x128xf32> to vector<1x512x128xf32>
    tpu.vector_store %arg6[%swap3A, %swap3A_24, %swap3A_25], %swap3A_28 {strides = array<i32>} : memref<1x512x128xf32, #tpu.memory_space<vmem>>, vector<1x512x128xf32>,
    return
  }
  func.func @transform_0(%arg0: i32, %arg1: i32) -> (i32, i32, i32) {
    %c0_i32 = arith.constant 0 : i32
    %c0_i32_0 = arith.constant 0 : i32
    return %arg0, %arg1, %c0_i32 : i32, i32, i32
  }
  func.func @transform_1(%arg0: i32, %arg1: i32) -> (i32, i32, i32) {
    %c0_i32 = arith.constant 0 : i32
    %c0_i32_0 = arith.constant 0 : i32
    return %arg0, %arg1, %c0_i32 : i32, i32, i32
  }
  func.func @transform_2(%arg0: i32, %arg1: i32) -> (i32, i32) {
    %c0_i32 = arith.constant 0 : i32
    %c0_i32_0 = arith.constant 0 : i32
    %c0_i32_1 = arith.constant 0 : i32
    return %c0_i32, %c0_i32_0 : i32, i32
  }
  func.func @transform_3(%arg0: i32, %arg1: i32) -> i32 {
    %c0_i32 = arith.constant 0 : i32
    %c0_i32_0 = arith.constant 0 : i32
    return %c0_i32 : i32
  }
  func.func @transform_4(%arg0: i32, %arg1: i32) -> (i32, i32, i32) {
    %c0_i32 = arith.constant 0 : i32
    %c0_i32_0 = arith.constant 0 : i32
    return %arg0, %arg1, %c0_i32 : i32, i32, i32
  }
}

module attributes {stable_mosaic.version = 14 : i64} {
  func.func @_mlp_body(%arg0: i32, %arg1: memref<1024x128xf32, #tpu.memory_space<vmem>>, %arg2: memref<32x2x128xf32, #tpu.memory_space<vmem>>, %arg3: memref<64xf32, #tpu.memory_space<vmem>>, %arg4: memref<64xf32, #tpu.memory_space<vmem>>, %arg5: memref<64x64xf32, #tpu.memory_space<vmem>>, %arg6: memref<64xf32, #tpu.memory_space<vmem>>, %arg7: memref<1024x64xf32, #tpu.memory_space<vmem>>, %arg8: memref<1x2x64xf32, #tpu.memory_space<vmem>>, %arg9: memref<2x64xf32, #tpu.memory_space<vmem>>) attributes {dimension_semantics = [#tpu.dimension_semantics<arbitrary>], iteration_bounds = array<i64: 256>, scalar_prefetch = 0 : i64, scratch_operands = 1 : i64, tpu.core_type = #tpu.core_type<tc>, window_params = [{transform_indices = @transform_0, window_bounds = array<i64: 1024, 128>}, {pipeline_mode = #tpu.pipeline_mode<synchronous>, transform_indices = @transform_1, window_bounds = array<i64: 32, 2, 128>}, {pipeline_mode = #tpu.pipeline_mode<synchronous>, transform_indices = @transform_2, window_bounds = array<i64: 64>}, {pipeline_mode = #tpu.pipeline_mode<synchronous>, transform_indices = @transform_3, window_bounds = array<i64: 64>}, {pipeline_mode = #tpu.pipeline_mode<synchronous>, transform_indices = @transform_4, window_bounds = array<i64: 64, 64>}, {pipeline_mode = #tpu.pipeline_mode<synchronous>, transform_indices = @transform_5, window_bounds = array<i64: 64>}, {transform_indices = @transform_6, window_bounds = array<i64: 1024, 64>}, {pipeline_mode = #tpu.pipeline_mode<synchronous>, transform_indices = @transform_7, window_bounds = array<i64: 1, 2, 64>}]} {
    %get3A = arith.constant 0 : index
    %get3A_0 = arith.constant 0 : index
    %get3A_1 = arith.constant 0 : index
    %get3A_2 = vector.load %arg2[%get3A, %get3A_0, %get3A_1] : memref<32x2x128xf32, #tpu.memory_space<vmem>>, vector<32x1x64xf32>
    %get3A_3 = vector.shape_cast %get3A_2 : vector<32x1x64xf32> to vector<32x64xf32>
    %reduce_sum3A = arith.constant dense<0.000000e+00> : vector<64xf32>
    %reduce_sum3A_4 = vector.multi_reduction <add>, %get3A_3, %reduce_sum3A [0] : vector<32x64xf32> to vector<64xf32>
    %get3A_5 = arith.constant 0 : index
    %get3A_6 = arith.constant 1 : index
    %get3A_7 = arith.constant 0 : index
    %get3A_8 = vector.load %arg2[%get3A_5, %get3A_6, %get3A_7] : memref<32x2x128xf32, #tpu.memory_space<vmem>>, vector<32x1x64xf32>
    %get3A_9 = vector.shape_cast %get3A_8 : vector<32x1x64xf32> to vector<32x64xf32>
    %reduce_sum3A_10 = arith.constant dense<0.000000e+00> : vector<64xf32>
    %reduce_sum3A_11 = vector.multi_reduction <add>, %get3A_9, %reduce_sum3A_10 [0] : vector<32x64xf32> to vector<64xf32>
    %mul3A = arith.constant 3.81469727E-6 : f32
    %mul3A_12 = vector.broadcast %mul3A : f32 to vector<64xf32>
    %mul3A_13 = arith.mulf %reduce_sum3A_4, %mul3A_12 : vector<64xf32>
    %mul3A_14 = arith.constant 3.81469727E-6 : f32
    %mul3A_15 = vector.broadcast %mul3A_14 : f32 to vector<64xf32>
    %mul3A_16 = arith.mulf %reduce_sum3A_11, %mul3A_15 : vector<64xf32>
    %mul3A_17 = arith.mulf %mul3A_13, %mul3A_13 : vector<64xf32>
    %sub3A = arith.subf %mul3A_16, %mul3A_17 : vector<64xf32>
    %get3A_18 = arith.constant 0 : index
    %get3A_19 = vector.load %arg3[%get3A_18] : memref<64xf32, #tpu.memory_space<vmem>>, vector<64xf32>
    %add3A = arith.constant 9.99999974E-6 : f32
    %add3A_20 = vector.broadcast %add3A : f32 to vector<64xf32>
    %add3A_21 = arith.addf %sub3A, %add3A_20 : vector<64xf32>
    %rsqrt3A = math.rsqrt %add3A_21 : vector<64xf32>
    %mul3A_22 = arith.mulf %get3A_19, %rsqrt3A : vector<64xf32>
    %get3A_23 = arith.constant 0 : index
    %get3A_24 = vector.load %arg4[%get3A_23] : memref<64xf32, #tpu.memory_space<vmem>>, vector<64xf32>
    %mul3A_25 = arith.mulf %mul3A_22, %mul3A_13 : vector<64xf32>
    %sub3A_26 = arith.subf %get3A_24, %mul3A_25 : vector<64xf32>
    %get3A_27 = arith.constant 0 : index
    %get3A_28 = arith.constant 0 : index
    %get3A_29 = vector.load %arg1[%get3A_27, %get3A_28] : memref<1024x128xf32, #tpu.memory_space<vmem>>, vector<1024x64xf32>
    %broadcast_in_dim3A = vector.shape_cast %mul3A_22 : vector<64xf32> to vector<1x64xf32>
    %mul3A_30 = vector.broadcast %broadcast_in_dim3A : vector<1x64xf32> to vector<1024x64xf32>
    %mul3A_31 = arith.mulf %get3A_29, %mul3A_30 : vector<1024x64xf32>
    %broadcast_in_dim3A_32 = vector.shape_cast %sub3A_26 : vector<64xf32> to vector<1x64xf32>
    %add3A_33 = vector.broadcast %broadcast_in_dim3A_32 : vector<1x64xf32> to vector<1024x64xf32>
    %add3A_34 = arith.addf %mul3A_31, %add3A_33 : vector<1024x64xf32>
    %max3A = arith.constant 0.000000e+00 : f32
    %max3A_35 = vector.broadcast %max3A : f32 to vector<1024x64xf32>
    %max3A_36 = arith.maximumf %add3A_34, %max3A_35 : vector<1024x64xf32>
    %get3A_37 = arith.constant 0 : index
    %get3A_38 = arith.constant 0 : index
    %get3A_39 = vector.load %arg5[%get3A_37, %get3A_38] : memref<64x64xf32, #tpu.memory_space<vmem>>, vector<64x64xf32>
    %dot_general3A = arith.constant dense<0.000000e+00> : vector<1024x64xf32>
    %dot_general3A_40 = tpu.matmul %max3A_36, %get3A_39, %dot_general3A {dimension_numbers = #tpu.dot_dimension_numbers<[1], [1], [0], [0], [0, 0, 1, 0], [], []>, transpose_lhs_hint = false} : vector<1024x64xf32>, vector<64x64xf32>, vector<1024x64xf32> -> vector<1024x64xf32>
    %get3A_41 = arith.constant 0 : index
    %get3A_42 = vector.load %arg6[%get3A_41] : memref<64xf32, #tpu.memory_space<vmem>>, vector<64xf32>
    %broadcast_in_dim3A_43 = vector.shape_cast %get3A_42 : vector<64xf32> to vector<1x64xf32>
    %add3A_44 = vector.broadcast %broadcast_in_dim3A_43 : vector<1x64xf32> to vector<1024x64xf32>
    %add3A_45 = arith.addf %dot_general3A_40, %add3A_44 : vector<1024x64xf32>
    %swap3A = arith.constant 0 : index
    %swap3A_46 = arith.constant 0 : index
    %swap3A_47 = vector.load %arg7[%swap3A, %swap3A_46] : memref<1024x64xf32, #tpu.memory_space<vmem>>, vector<1024x64xf32>
    tpu.vector_store %arg7[%swap3A, %swap3A_46], %add3A_45 {strides = array<i32>} : memref<1024x64xf32, #tpu.memory_space<vmem>>, vector<1024x64xf32>,
    %eq3A = arith.constant 0 : i32
    %eq3A_48 = arith.cmpi eq, %arg0, %eq3A : i32
    %convert_element_type3A = arith.extui %eq3A_48 : i1 to i32
    %cond3A = arith.constant 0 : i32
    %cond3A_49 = arith.cmpi ne, %convert_element_type3A, %cond3A : i32
    scf.if %cond3A_49 {
      %broadcast_in_dim3A_80 = arith.constant 0.000000e+00 : f32
      %broadcast_in_dim3A_81 = vector.broadcast %broadcast_in_dim3A_80 : f32 to vector<2x64xf32>
      %swap3A_82 = arith.constant 0 : index
      %swap3A_83 = arith.constant 0 : index
      %swap3A_84 = vector.load %arg9[%swap3A_82, %swap3A_83] : memref<2x64xf32, #tpu.memory_space<vmem>>, vector<2x64xf32>
      tpu.vector_store %arg9[%swap3A_82, %swap3A_83], %broadcast_in_dim3A_81 {strides = array<i32>} : memref<2x64xf32, #tpu.memory_space<vmem>>, vector<2x64xf32>,
    } else {
    }
    %get3A_50 = arith.constant 0 : index
    %get3A_51 = arith.constant 0 : index
    %get3A_52 = vector.load %arg9[%get3A_50, %get3A_51] : memref<2x64xf32, #tpu.memory_space<vmem>>, vector<1x64xf32>
    %get3A_53 = vector.shape_cast %get3A_52 : vector<1x64xf32> to vector<64xf32>
    %reduce_sum3A_54 = arith.constant dense<0.000000e+00> : vector<64xf32>
    %reduce_sum3A_55 = vector.multi_reduction <add>, %add3A_45, %reduce_sum3A_54 [0] : vector<1024x64xf32> to vector<64xf32>
    %add3A_56 = arith.addf %get3A_53, %reduce_sum3A_55 : vector<64xf32>
    %swap3A_57 = arith.constant 0 : index
    %swap3A_58 = arith.constant 0 : index
    %swap3A_59 = vector.load %arg9[%swap3A_57, %swap3A_58] : memref<2x64xf32, #tpu.memory_space<vmem>>, vector<1x64xf32>
    %swap3A_60 = vector.shape_cast %swap3A_59 : vector<1x64xf32> to vector<64xf32>
    %swap3A_61 = vector.shape_cast %add3A_56 : vector<64xf32> to vector<1x64xf32>
    tpu.vector_store %arg9[%swap3A_57, %swap3A_58], %swap3A_61 {strides = array<i32>} : memref<2x64xf32, #tpu.memory_space<vmem>>, vector<1x64xf32>,
    %get3A_62 = arith.constant 1 : index
    %get3A_63 = arith.constant 0 : index
    %get3A_64 = vector.load %arg9[%get3A_62, %get3A_63] : memref<2x64xf32, #tpu.memory_space<vmem>>, vector<1x64xf32>
    %get3A_65 = vector.shape_cast %get3A_64 : vector<1x64xf32> to vector<64xf32>
    %mul3A_66 = arith.mulf %add3A_45, %add3A_45 : vector<1024x64xf32>
    %reduce_sum3A_67 = arith.constant dense<0.000000e+00> : vector<64xf32>
    %reduce_sum3A_68 = vector.multi_reduction <add>, %mul3A_66, %reduce_sum3A_67 [0] : vector<1024x64xf32> to vector<64xf32>
    %add3A_69 = arith.addf %get3A_65, %reduce_sum3A_68 : vector<64xf32>
    %swap3A_70 = arith.constant 1 : index
    %swap3A_71 = arith.constant 0 : index
    %swap3A_72 = vector.load %arg9[%swap3A_70, %swap3A_71] : memref<2x64xf32, #tpu.memory_space<vmem>>, vector<1x64xf32>
    %swap3A_73 = vector.shape_cast %swap3A_72 : vector<1x64xf32> to vector<64xf32>
    %swap3A_74 = vector.shape_cast %add3A_69 : vector<64xf32> to vector<1x64xf32>
    tpu.vector_store %arg9[%swap3A_70, %swap3A_71], %swap3A_74 {strides = array<i32>} : memref<2x64xf32, #tpu.memory_space<vmem>>, vector<1x64xf32>,
    %eq3A_75 = arith.constant 255 : i32
    %eq3A_76 = arith.cmpi eq, %arg0, %eq3A_75 : i32
    %convert_element_type3A_77 = arith.extui %eq3A_76 : i1 to i32
    %cond3A_78 = arith.constant 0 : i32
    %cond3A_79 = arith.cmpi ne, %convert_element_type3A_77, %cond3A_78 : i32
    scf.if %cond3A_79 {
      %get3A_80 = arith.constant 0 : index
      %get3A_81 = arith.constant 0 : index
      %get3A_82 = vector.load %arg9[%get3A_80, %get3A_81] : memref<2x64xf32, #tpu.memory_space<vmem>>, vector<2x64xf32>
      %swap3A_83 = arith.constant 0 : index
      %swap3A_84 = arith.constant 0 : index
      %swap3A_85 = arith.constant 0 : index
      %swap3A_86 = vector.load %arg8[%swap3A_83, %swap3A_84, %swap3A_85] : memref<1x2x64xf32, #tpu.memory_space<vmem>>, vector<1x2x64xf32>
      %swap3A_87 = vector.shape_cast %swap3A_86 : vector<1x2x64xf32> to vector<2x64xf32>
      %swap3A_88 = vector.shape_cast %get3A_82 : vector<2x64xf32> to vector<1x2x64xf32>
      tpu.vector_store %arg8[%swap3A_83, %swap3A_84, %swap3A_85], %swap3A_88 {strides = array<i32>} : memref<1x2x64xf32, #tpu.memory_space<vmem>>, vector<1x2x64xf32>,
    } else {
    }
    return
  }
  func.func @transform_0(%arg0: i32) -> (i32, i32) {
    %c0_i32 = arith.constant 0 : i32
    %c0_i32_0 = arith.constant 0 : i32
    return %arg0, %c0_i32 : i32, i32
  }
  func.func @transform_1(%arg0: i32) -> (i32, i32, i32) {
    %c0_i32 = arith.constant 0 : i32
    %c0_i32_0 = arith.constant 0 : i32
    %c0_i32_1 = arith.constant 0 : i32
    %c0_i32_2 = arith.constant 0 : i32
    return %c0_i32, %c0_i32_0, %c0_i32_1 : i32, i32, i32
  }
  func.func @transform_2(%arg0: i32) -> i32 {
    %c0_i32 = arith.constant 0 : i32
    %c0_i32_0 = arith.constant 0 : i32
    return %c0_i32 : i32
  }
  func.func @transform_3(%arg0: i32) -> i32 {
    %c0_i32 = arith.constant 0 : i32
    %c0_i32_0 = arith.constant 0 : i32
    return %c0_i32 : i32
  }
  func.func @transform_4(%arg0: i32) -> (i32, i32) {
    %c0_i32 = arith.constant 0 : i32
    %c0_i32_0 = arith.constant 0 : i32
    %c0_i32_1 = arith.constant 0 : i32
    return %c0_i32, %c0_i32_0 : i32, i32
  }
  func.func @transform_5(%arg0: i32) -> i32 {
    %c0_i32 = arith.constant 0 : i32
    %c0_i32_0 = arith.constant 0 : i32
    return %c0_i32 : i32
  }
  func.func @transform_6(%arg0: i32) -> (i32, i32) {
    %c0_i32 = arith.constant 0 : i32
    %c0_i32_0 = arith.constant 0 : i32
    return %arg0, %c0_i32 : i32, i32
  }
  func.func @transform_7(%arg0: i32) -> (i32, i32, i32) {
    %c0_i32 = arith.constant 0 : i32
    %c0_i32_0 = arith.constant 0 : i32
    %c0_i32_1 = arith.constant 0 : i32
    %c0_i32_2 = arith.constant 0 : i32
    return %c0_i32, %c0_i32_0, %c0_i32_1 : i32, i32, i32
  }
}

module attributes {stable_mosaic.version = 14 : i64} {
  func.func @_mlp_body(%arg0: i32, %arg1: memref<1024x64xf32, #tpu.memory_space<vmem>>, %arg2: memref<1x2x64xf32, #tpu.memory_space<vmem>>, %arg3: memref<64xf32, #tpu.memory_space<vmem>>, %arg4: memref<64xf32, #tpu.memory_space<vmem>>, %arg5: memref<128x64xf32, #tpu.memory_space<vmem>>, %arg6: memref<128xf32, #tpu.memory_space<vmem>>, %arg7: memref<1024x128xf32, #tpu.memory_space<vmem>>, %arg8: memref<1x2x128xf32, #tpu.memory_space<vmem>>, %arg9: memref<2x128xf32, #tpu.memory_space<vmem>>) attributes {dimension_semantics = [#tpu.dimension_semantics<arbitrary>], iteration_bounds = array<i64: 256>, scalar_prefetch = 0 : i64, scratch_operands = 1 : i64, tpu.core_type = #tpu.core_type<tc>, window_params = [{transform_indices = @transform_0, window_bounds = array<i64: 1024, 64>}, {pipeline_mode = #tpu.pipeline_mode<synchronous>, transform_indices = @transform_1, window_bounds = array<i64: 1, 2, 64>}, {pipeline_mode = #tpu.pipeline_mode<synchronous>, transform_indices = @transform_2, window_bounds = array<i64: 64>}, {pipeline_mode = #tpu.pipeline_mode<synchronous>, transform_indices = @transform_3, window_bounds = array<i64: 64>}, {pipeline_mode = #tpu.pipeline_mode<synchronous>, transform_indices = @transform_4, window_bounds = array<i64: 128, 64>}, {pipeline_mode = #tpu.pipeline_mode<synchronous>, transform_indices = @transform_5, window_bounds = array<i64: 128>}, {transform_indices = @transform_6, window_bounds = array<i64: 1024, 128>}, {pipeline_mode = #tpu.pipeline_mode<synchronous>, transform_indices = @transform_7, window_bounds = array<i64: 1, 2, 128>}]} {
    %get3A = arith.constant 0 : index
    %get3A_0 = arith.constant 0 : index
    %get3A_1 = arith.constant 0 : index
    %get3A_2 = vector.load %arg2[%get3A, %get3A_0, %get3A_1] : memref<1x2x64xf32, #tpu.memory_space<vmem>>, vector<1x1x64xf32>
    %get3A_3 = vector.shape_cast %get3A_2 : vector<1x1x64xf32> to vector<1x64xf32>
    %reduce_sum3A = arith.constant dense<0.000000e+00> : vector<64xf32>
    %reduce_sum3A_4 = vector.multi_reduction <add>, %get3A_3, %reduce_sum3A [0] : vector<1x64xf32> to vector<64xf32>
    %get3A_5 = arith.constant 0 : index
    %get3A_6 = arith.constant 1 : index
    %get3A_7 = arith.constant 0 : index
    %get3A_8 = vector.load %arg2[%get3A_5, %get3A_6, %get3A_7] : memref<1x2x64xf32, #tpu.memory_space<vmem>>, vector<1x1x64xf32>
    %get3A_9 = vector.shape_cast %get3A_8 : vector<1x1x64xf32> to vector<1x64xf32>
    %reduce_sum3A_10 = arith.constant dense<0.000000e+00> : vector<64xf32>
    %reduce_sum3A_11 = vector.multi_reduction <add>, %get3A_9, %reduce_sum3A_10 [0] : vector<1x64xf32> to vector<64xf32>
    %mul3A = arith.constant 3.81469727E-6 : f32
    %mul3A_12 = vector.broadcast %mul3A : f32 to vector<64xf32>
    %mul3A_13 = arith.mulf %reduce_sum3A_4, %mul3A_12 : vector<64xf32>
    %mul3A_14 = arith.constant 3.81469727E-6 : f32
    %mul3A_15 = vector.broadcast %mul3A_14 : f32 to vector<64xf32>
    %mul3A_16 = arith.mulf %reduce_sum3A_11, %mul3A_15 : vector<64xf32>
    %mul3A_17 = arith.mulf %mul3A_13, %mul3A_13 : vector<64xf32>
    %sub3A = arith.subf %mul3A_16, %mul3A_17 : vector<64xf32>
    %get3A_18 = arith.constant 0 : index
    %get3A_19 = vector.load %arg3[%get3A_18] : memref<64xf32, #tpu.memory_space<vmem>>, vector<64xf32>
    %add3A = arith.constant 9.99999974E-6 : f32
    %add3A_20 = vector.broadcast %add3A : f32 to vector<64xf32>
    %add3A_21 = arith.addf %sub3A, %add3A_20 : vector<64xf32>
    %rsqrt3A = math.rsqrt %add3A_21 : vector<64xf32>
    %mul3A_22 = arith.mulf %get3A_19, %rsqrt3A : vector<64xf32>
    %get3A_23 = arith.constant 0 : index
    %get3A_24 = vector.load %arg4[%get3A_23] : memref<64xf32, #tpu.memory_space<vmem>>, vector<64xf32>
    %mul3A_25 = arith.mulf %mul3A_22, %mul3A_13 : vector<64xf32>
    %sub3A_26 = arith.subf %get3A_24, %mul3A_25 : vector<64xf32>
    %get3A_27 = arith.constant 0 : index
    %get3A_28 = arith.constant 0 : index
    %get3A_29 = vector.load %arg1[%get3A_27, %get3A_28] : memref<1024x64xf32, #tpu.memory_space<vmem>>, vector<1024x64xf32>
    %broadcast_in_dim3A = vector.shape_cast %mul3A_22 : vector<64xf32> to vector<1x64xf32>
    %mul3A_30 = vector.broadcast %broadcast_in_dim3A : vector<1x64xf32> to vector<1024x64xf32>
    %mul3A_31 = arith.mulf %get3A_29, %mul3A_30 : vector<1024x64xf32>
    %broadcast_in_dim3A_32 = vector.shape_cast %sub3A_26 : vector<64xf32> to vector<1x64xf32>
    %add3A_33 = vector.broadcast %broadcast_in_dim3A_32 : vector<1x64xf32> to vector<1024x64xf32>
    %add3A_34 = arith.addf %mul3A_31, %add3A_33 : vector<1024x64xf32>
    %max3A = arith.constant 0.000000e+00 : f32
    %max3A_35 = vector.broadcast %max3A : f32 to vector<1024x64xf32>
    %max3A_36 = arith.maximumf %add3A_34, %max3A_35 : vector<1024x64xf32>
    %get3A_37 = arith.constant 0 : index
    %get3A_38 = arith.constant 0 : index
    %get3A_39 = vector.load %arg5[%get3A_37, %get3A_38] : memref<128x64xf32, #tpu.memory_space<vmem>>, vector<128x64xf32>
    %dot_general3A = arith.constant dense<0.000000e+00> : vector<1024x128xf32>
    %dot_general3A_40 = tpu.matmul %max3A_36, %get3A_39, %dot_general3A {dimension_numbers = #tpu.dot_dimension_numbers<[1], [1], [0], [0], [0, 0, 1, 0], [], []>, transpose_lhs_hint = false} : vector<1024x64xf32>, vector<128x64xf32>, vector<1024x128xf32> -> vector<1024x128xf32>
    %get3A_41 = arith.constant 0 : index
    %get3A_42 = vector.load %arg6[%get3A_41] : memref<128xf32, #tpu.memory_space<vmem>>, vector<128xf32>
    %broadcast_in_dim3A_43 = vector.shape_cast %get3A_42 : vector<128xf32> to vector<1x128xf32>
    %add3A_44 = vector.broadcast %broadcast_in_dim3A_43 : vector<1x128xf32> to vector<1024x128xf32>
    %add3A_45 = arith.addf %dot_general3A_40, %add3A_44 : vector<1024x128xf32>
    %swap3A = arith.constant 0 : index
    %swap3A_46 = arith.constant 0 : index
    %swap3A_47 = vector.load %arg7[%swap3A, %swap3A_46] : memref<1024x128xf32, #tpu.memory_space<vmem>>, vector<1024x128xf32>
    tpu.vector_store %arg7[%swap3A, %swap3A_46], %add3A_45 {strides = array<i32>} : memref<1024x128xf32, #tpu.memory_space<vmem>>, vector<1024x128xf32>,
    %eq3A = arith.constant 0 : i32
    %eq3A_48 = arith.cmpi eq, %arg0, %eq3A : i32
    %convert_element_type3A = arith.extui %eq3A_48 : i1 to i32
    %cond3A = arith.constant 0 : i32
    %cond3A_49 = arith.cmpi ne, %convert_element_type3A, %cond3A : i32
    scf.if %cond3A_49 {
      %broadcast_in_dim3A_80 = arith.constant 0.000000e+00 : f32
      %broadcast_in_dim3A_81 = vector.broadcast %broadcast_in_dim3A_80 : f32 to vector<2x128xf32>
      %swap3A_82 = arith.constant 0 : index
      %swap3A_83 = arith.constant 0 : index
      %swap3A_84 = vector.load %arg9[%swap3A_82, %swap3A_83] : memref<2x128xf32, #tpu.memory_space<vmem>>, vector<2x128xf32>
      tpu.vector_store %arg9[%swap3A_82, %swap3A_83], %broadcast_in_dim3A_81 {strides = array<i32>} : memref<2x128xf32, #tpu.memory_space<vmem>>, vector<2x128xf32>,
    } else {
    }
    %get3A_50 = arith.constant 0 : index
    %get3A_51 = arith.constant 0 : index
    %get3A_52 = vector.load %arg9[%get3A_50, %get3A_51] : memref<2x128xf32, #tpu.memory_space<vmem>>, vector<1x128xf32>
    %get3A_53 = vector.shape_cast %get3A_52 : vector<1x128xf32> to vector<128xf32>
    %reduce_sum3A_54 = arith.constant dense<0.000000e+00> : vector<128xf32>
    %reduce_sum3A_55 = vector.multi_reduction <add>, %add3A_45, %reduce_sum3A_54 [0] : vector<1024x128xf32> to vector<128xf32>
    %add3A_56 = arith.addf %get3A_53, %reduce_sum3A_55 : vector<128xf32>
    %swap3A_57 = arith.constant 0 : index
    %swap3A_58 = arith.constant 0 : index
    %swap3A_59 = vector.load %arg9[%swap3A_57, %swap3A_58] : memref<2x128xf32, #tpu.memory_space<vmem>>, vector<1x128xf32>
    %swap3A_60 = vector.shape_cast %swap3A_59 : vector<1x128xf32> to vector<128xf32>
    %swap3A_61 = vector.shape_cast %add3A_56 : vector<128xf32> to vector<1x128xf32>
    tpu.vector_store %arg9[%swap3A_57, %swap3A_58], %swap3A_61 {strides = array<i32>} : memref<2x128xf32, #tpu.memory_space<vmem>>, vector<1x128xf32>,
    %get3A_62 = arith.constant 1 : index
    %get3A_63 = arith.constant 0 : index
    %get3A_64 = vector.load %arg9[%get3A_62, %get3A_63] : memref<2x128xf32, #tpu.memory_space<vmem>>, vector<1x128xf32>
    %get3A_65 = vector.shape_cast %get3A_64 : vector<1x128xf32> to vector<128xf32>
    %mul3A_66 = arith.mulf %add3A_45, %add3A_45 : vector<1024x128xf32>
    %reduce_sum3A_67 = arith.constant dense<0.000000e+00> : vector<128xf32>
    %reduce_sum3A_68 = vector.multi_reduction <add>, %mul3A_66, %reduce_sum3A_67 [0] : vector<1024x128xf32> to vector<128xf32>
    %add3A_69 = arith.addf %get3A_65, %reduce_sum3A_68 : vector<128xf32>
    %swap3A_70 = arith.constant 1 : index
    %swap3A_71 = arith.constant 0 : index
    %swap3A_72 = vector.load %arg9[%swap3A_70, %swap3A_71] : memref<2x128xf32, #tpu.memory_space<vmem>>, vector<1x128xf32>
    %swap3A_73 = vector.shape_cast %swap3A_72 : vector<1x128xf32> to vector<128xf32>
    %swap3A_74 = vector.shape_cast %add3A_69 : vector<128xf32> to vector<1x128xf32>
    tpu.vector_store %arg9[%swap3A_70, %swap3A_71], %swap3A_74 {strides = array<i32>} : memref<2x128xf32, #tpu.memory_space<vmem>>, vector<1x128xf32>,
    %eq3A_75 = arith.constant 255 : i32
    %eq3A_76 = arith.cmpi eq, %arg0, %eq3A_75 : i32
    %convert_element_type3A_77 = arith.extui %eq3A_76 : i1 to i32
    %cond3A_78 = arith.constant 0 : i32
    %cond3A_79 = arith.cmpi ne, %convert_element_type3A_77, %cond3A_78 : i32
    scf.if %cond3A_79 {
      %get3A_80 = arith.constant 0 : index
      %get3A_81 = arith.constant 0 : index
      %get3A_82 = vector.load %arg9[%get3A_80, %get3A_81] : memref<2x128xf32, #tpu.memory_space<vmem>>, vector<2x128xf32>
      %swap3A_83 = arith.constant 0 : index
      %swap3A_84 = arith.constant 0 : index
      %swap3A_85 = arith.constant 0 : index
      %swap3A_86 = vector.load %arg8[%swap3A_83, %swap3A_84, %swap3A_85] : memref<1x2x128xf32, #tpu.memory_space<vmem>>, vector<1x2x128xf32>
      %swap3A_87 = vector.shape_cast %swap3A_86 : vector<1x2x128xf32> to vector<2x128xf32>
      %swap3A_88 = vector.shape_cast %get3A_82 : vector<2x128xf32> to vector<1x2x128xf32>
      tpu.vector_store %arg8[%swap3A_83, %swap3A_84, %swap3A_85], %swap3A_88 {strides = array<i32>} : memref<1x2x128xf32, #tpu.memory_space<vmem>>, vector<1x2x128xf32>,
    } else {
    }
    return
  }
  func.func @transform_0(%arg0: i32) -> (i32, i32) {
    %c0_i32 = arith.constant 0 : i32
    %c0_i32_0 = arith.constant 0 : i32
    return %arg0, %c0_i32 : i32, i32
  }
  func.func @transform_1(%arg0: i32) -> (i32, i32, i32) {
    %c0_i32 = arith.constant 0 : i32
    %c0_i32_0 = arith.constant 0 : i32
    %c0_i32_1 = arith.constant 0 : i32
    %c0_i32_2 = arith.constant 0 : i32
    return %c0_i32, %c0_i32_0, %c0_i32_1 : i32, i32, i32
  }
  func.func @transform_2(%arg0: i32) -> i32 {
    %c0_i32 = arith.constant 0 : i32
    %c0_i32_0 = arith.constant 0 : i32
    return %c0_i32 : i32
  }
  func.func @transform_3(%arg0: i32) -> i32 {
    %c0_i32 = arith.constant 0 : i32
    %c0_i32_0 = arith.constant 0 : i32
    return %c0_i32 : i32
  }
  func.func @transform_4(%arg0: i32) -> (i32, i32) {
    %c0_i32 = arith.constant 0 : i32
    %c0_i32_0 = arith.constant 0 : i32
    %c0_i32_1 = arith.constant 0 : i32
    return %c0_i32, %c0_i32_0 : i32, i32
  }
  func.func @transform_5(%arg0: i32) -> i32 {
    %c0_i32 = arith.constant 0 : i32
    %c0_i32_0 = arith.constant 0 : i32
    return %c0_i32 : i32
  }
  func.func @transform_6(%arg0: i32) -> (i32, i32) {
    %c0_i32 = arith.constant 0 : i32
    %c0_i32_0 = arith.constant 0 : i32
    return %arg0, %c0_i32 : i32, i32
  }
  func.func @transform_7(%arg0: i32) -> (i32, i32, i32) {
    %c0_i32 = arith.constant 0 : i32
    %c0_i32_0 = arith.constant 0 : i32
    %c0_i32_1 = arith.constant 0 : i32
    %c0_i32_2 = arith.constant 0 : i32
    return %c0_i32, %c0_i32_0, %c0_i32_1 : i32, i32, i32
  }
}

module attributes {stable_mosaic.version = 14 : i64} {
  func.func @_pool_body(%arg0: i32, %arg1: memref<8192x128xf32, #tpu.memory_space<vmem>>, %arg2: memref<1x2x128xf32, #tpu.memory_space<vmem>>, %arg3: memref<128xf32, #tpu.memory_space<vmem>>, %arg4: memref<128xf32, #tpu.memory_space<vmem>>, %arg5: memref<256x128xf32, #tpu.memory_space<vmem>>) attributes {dimension_semantics = [#tpu.dimension_semantics<arbitrary>], iteration_bounds = array<i64: 32>, scalar_prefetch = 0 : i64, scratch_operands = 0 : i64, tpu.core_type = #tpu.core_type<tc>, window_params = [{transform_indices = @transform_0, window_bounds = array<i64: 8192, 128>}, {pipeline_mode = #tpu.pipeline_mode<synchronous>, transform_indices = @transform_1, window_bounds = array<i64: 1, 2, 128>}, {pipeline_mode = #tpu.pipeline_mode<synchronous>, transform_indices = @transform_2, window_bounds = array<i64: 128>}, {pipeline_mode = #tpu.pipeline_mode<synchronous>, transform_indices = @transform_3, window_bounds = array<i64: 128>}, {transform_indices = @transform_4, window_bounds = array<i64: 256, 128>}]} {
    %get3A = arith.constant 0 : index
    %get3A_0 = arith.constant 0 : index
    %get3A_1 = arith.constant 0 : index
    %get3A_2 = vector.load %arg2[%get3A, %get3A_0, %get3A_1] : memref<1x2x128xf32, #tpu.memory_space<vmem>>, vector<1x1x128xf32>
    %get3A_3 = vector.shape_cast %get3A_2 : vector<1x1x128xf32> to vector<1x128xf32>
    %reduce_sum3A = arith.constant dense<0.000000e+00> : vector<128xf32>
    %reduce_sum3A_4 = vector.multi_reduction <add>, %get3A_3, %reduce_sum3A [0] : vector<1x128xf32> to vector<128xf32>
    %get3A_5 = arith.constant 0 : index
    %get3A_6 = arith.constant 1 : index
    %get3A_7 = arith.constant 0 : index
    %get3A_8 = vector.load %arg2[%get3A_5, %get3A_6, %get3A_7] : memref<1x2x128xf32, #tpu.memory_space<vmem>>, vector<1x1x128xf32>
    %get3A_9 = vector.shape_cast %get3A_8 : vector<1x1x128xf32> to vector<1x128xf32>
    %reduce_sum3A_10 = arith.constant dense<0.000000e+00> : vector<128xf32>
    %reduce_sum3A_11 = vector.multi_reduction <add>, %get3A_9, %reduce_sum3A_10 [0] : vector<1x128xf32> to vector<128xf32>
    %mul3A = arith.constant 3.81469727E-6 : f32
    %mul3A_12 = vector.broadcast %mul3A : f32 to vector<128xf32>
    %mul3A_13 = arith.mulf %reduce_sum3A_4, %mul3A_12 : vector<128xf32>
    %mul3A_14 = arith.constant 3.81469727E-6 : f32
    %mul3A_15 = vector.broadcast %mul3A_14 : f32 to vector<128xf32>
    %mul3A_16 = arith.mulf %reduce_sum3A_11, %mul3A_15 : vector<128xf32>
    %mul3A_17 = arith.mulf %mul3A_13, %mul3A_13 : vector<128xf32>
    %sub3A = arith.subf %mul3A_16, %mul3A_17 : vector<128xf32>
    %get3A_18 = arith.constant 0 : index
    %get3A_19 = vector.load %arg3[%get3A_18] : memref<128xf32, #tpu.memory_space<vmem>>, vector<128xf32>
    %add3A = arith.constant 9.99999974E-6 : f32
    %add3A_20 = vector.broadcast %add3A : f32 to vector<128xf32>
    %add3A_21 = arith.addf %sub3A, %add3A_20 : vector<128xf32>
    %rsqrt3A = math.rsqrt %add3A_21 : vector<128xf32>
    %mul3A_22 = arith.mulf %get3A_19, %rsqrt3A : vector<128xf32>
    %get3A_23 = arith.constant 0 : index
    %get3A_24 = vector.load %arg4[%get3A_23] : memref<128xf32, #tpu.memory_space<vmem>>, vector<128xf32>
    %mul3A_25 = arith.mulf %mul3A_22, %mul3A_13 : vector<128xf32>
    %sub3A_26 = arith.subf %get3A_24, %mul3A_25 : vector<128xf32>
    %get3A_27 = arith.constant 0 : index
    %get3A_28 = arith.constant 0 : index
    %get3A_29 = vector.load %arg1[%get3A_27, %get3A_28] : memref<8192x128xf32, #tpu.memory_space<vmem>>, vector<8192x128xf32>
    %broadcast_in_dim3A = vector.shape_cast %mul3A_22 : vector<128xf32> to vector<1x128xf32>
    %mul3A_30 = vector.broadcast %broadcast_in_dim3A : vector<1x128xf32> to vector<8192x128xf32>
    %mul3A_31 = arith.mulf %get3A_29, %mul3A_30 : vector<8192x128xf32>
    %neg3A = arith.constant 0.000000e+00 : f32
    %neg3A_32 = vector.broadcast %neg3A : f32 to vector<128xf32>
    %neg3A_33 = arith.subf %neg3A_32, %sub3A_26 : vector<128xf32>
    %broadcast_in_dim3A_34 = vector.shape_cast %neg3A_33 : vector<128xf32> to vector<1x128xf32>
    %max3A = vector.broadcast %broadcast_in_dim3A_34 : vector<1x128xf32> to vector<8192x128xf32>
    %max3A_35 = arith.maximumf %mul3A_31, %max3A : vector<8192x128xf32>
    %broadcast_in_dim3A_36 = vector.shape_cast %sub3A_26 : vector<128xf32> to vector<1x128xf32>
    %add3A_37 = vector.broadcast %broadcast_in_dim3A_36 : vector<1x128xf32> to vector<8192x128xf32>
    %add3A_38 = arith.addf %max3A_35, %add3A_37 : vector<8192x128xf32>
    %reshape3A = vector.shape_cast %add3A_38 : vector<8192x128xf32> to vector<256x32x128xf32>
    %reduce_max3A = arith.constant dense<0xFF800000> : vector<256x128xf32>
    %reduce_max3A_39 = vector.multi_reduction <maximumf>, %reshape3A, %reduce_max3A [1] : vector<256x32x128xf32> to vector<256x128xf32>
    %swap3A = arith.constant 0 : index
    %swap3A_40 = arith.constant 0 : index
    %swap3A_41 = vector.load %arg5[%swap3A, %swap3A_40] : memref<256x128xf32, #tpu.memory_space<vmem>>, vector<256x128xf32>
    tpu.vector_store %arg5[%swap3A, %swap3A_40], %reduce_max3A_39 {strides = array<i32>} : memref<256x128xf32, #tpu.memory_space<vmem>>, vector<256x128xf32>,
    return
  }
  func.func @transform_0(%arg0: i32) -> (i32, i32) {
    %c0_i32 = arith.constant 0 : i32
    %c0_i32_0 = arith.constant 0 : i32
    return %arg0, %c0_i32 : i32, i32
  }
  func.func @transform_1(%arg0: i32) -> (i32, i32, i32) {
    %c0_i32 = arith.constant 0 : i32
    %c0_i32_0 = arith.constant 0 : i32
    %c0_i32_1 = arith.constant 0 : i32
    %c0_i32_2 = arith.constant 0 : i32
    return %c0_i32, %c0_i32_0, %c0_i32_1 : i32, i32, i32
  }
  func.func @transform_2(%arg0: i32) -> i32 {
    %c0_i32 = arith.constant 0 : i32
    %c0_i32_0 = arith.constant 0 : i32
    return %c0_i32 : i32
  }
  func.func @transform_3(%arg0: i32) -> i32 {
    %c0_i32 = arith.constant 0 : i32
    %c0_i32_0 = arith.constant 0 : i32
    return %c0_i32 : i32
  }
  func.func @transform_4(%arg0: i32) -> (i32, i32) {
    %c0_i32 = arith.constant 0 : i32
    %c0_i32_0 = arith.constant 0 : i32
    return %arg0, %c0_i32 : i32, i32
  }
}

</mosaic_0001>

<sc_bundles>
// kernel: kernel.10.cloned.1.call-start
scs
__scs_entry_jumppad:
0x0: {  	(pc) =	sbr.rel $0x88, $3  }
0x1: {  	(tag) =	ssettag $0x0;
	lr =	simm.s32 $0x1  }
0x2: {  	[smem:$0x3F93] =	sst lr;
	_ =	strace $0xD0000000  }
0x3: {  	_ = 	snop  }
0x4: {  	_ = 	snop  }
0x5: {  	_ = 	snop  }
0x6: {  	_ = 	snop  }
0x7: {  	_ = 	snop  }
__scs_overlays_trampoline_lowered:
0x8: {  	[smem:$0x3FA2] =	sst s0  }
0x9: {  	[smem:$0x3FA3] =	sst s1  }
0xa: {  	[smem:$0x3FA4] =	sst s2  }
0xb: {  	[smem:$0x3FA5] =	sst s3  }
0xc: {  	[smem:$0x3FA6] =	sst s4  }
0xd: {  	[smem:$0x3FA7] =	sst s5  }
0xe: {  	[smem:$0x3FA8] =	sst s6  }
0xf: {  	[smem:$0x3FA9] =	sst s7  }
0x10: {  	[smem:$0x3FAA] =	sst s8  }
0x11: {  	[smem:$0x3FAB] =	sst s9;
	s0 =	simm.s32 @!p0 $0x0  }
0x12: {  	s1 =	sld [smem:$0x3F91];
	s0 =	simm.s32 @p0 $0x1  }
0x13: {  	[smem:$0x3FAC] =	sst s0;
	s0 =	simm.s32 @!p1 $0x0  }
0x14: {  	s2 =	sld [smem:$0x3F90];
	s0 =	simm.s32 @p1 $0x1  }
0x15: {  	[smem:$0x3FAD] =	sst s0;
	s0 =	simm.s32 @!p2 $0x0  }
0x16: {  	s3 =	sld [smem:$0x3FDB];
	s0 =	simm.s32 @p2 $0x1  }
0x17: {  	s4 =	simm.s32 $0x1BF5;
	[smem:$0x3FAF] =	sst s0  }
0x18: {  	s0 =	sld [smem:$0x3F92];
	_ =	swait.ge [sflag:s4], $0x0  }
0x19: {  	s7 =	sld [smem:$0x3F93]  }
0x1a: {  	s8 =	sadd.s32 $0xFFFFE003, lr  }
0x1b: {  	s9 =	sadd.s32 $0xFFFFFEF7, lr;
	s5 =	simm.s32 $0xFFFFFFFF;
	p2 =	slt.u32 s8, $0xFFFFF086  }
0x1c: {  	p1 =	slt.u32 s9, $0xF7A;
	s5 =	simm.s32 @!p2 $0x0  }
0x1d: {  	s5 =	simm.s32 @p1 $0x1;
	p0 =	seq.s32 s7, s2  }
0x1e: {  	s7 =	smul.u32 @!p0 $0xF7A, s2;
	p2 =	seq.s32 @!p0 s5, $0x0  }
0x1f: {  	s9 =	smul.u32 $0xF7A, s1;
	s8 =	simm.s32 @!p0 $0x1BF5;
	p2 =	por !p2, p0  }
0x20: {  	[sflag:s8] =	ssyncset.s32 @!p0 $0xFFFFF086;
	s6 =	sadd.s32 @!p0 s3, s7;
	s7 =	simm.s32 @!p0 $0x108  }
0x21: {  	s3 =	sadd.s32 s3, s9;
	s6 =	sadd.s32 @!p0 $0x88, s6;
	s7 =	simm.s32 @p2 $0x1082  }
0x22: {  	[simem:s7], [sflag:s8] =	dma.local @!p0 [hbm:s6], $0xF7A  }
0x23: {  	s9 =	sor.u32 $0xD0000000, s2;
	s6 =	simm.s32 $0x108;
	_ =	swait.ge @!p0 [sflag:s8], $0x0  }
0x24: {  	s3 =	sadd.s32 $0x88, s3;
	s6 =	simm.s32 @!p1 $0x1082;
	[sflag:s4] =	ssyncset.s32 $0xFFFFF086  }
0x25: {  	[simem:s6], [sflag:s4] =	dma.local [hbm:s3], $0xF7A  }
0x26: {  	[smem:$0x3F93] =	sst s1;
	(tag) =	ssettag s2;
	_ =	strace s9  }
0x27: {  	s1 =	sld [smem:$0x3FA3]  }
0x28: {  	s2 =	sld [smem:$0x3FA4]  }
0x29: {  	s4 =	sld [smem:$0x3FA6]  }
0x2a: {  	p0 =	seq.s32 s5, $0x0;
	s5 =	sld [smem:$0x3FA7]  }
0x2b: {  	s6 =	sld [smem:$0x3FA8]  }
0x2c: {  	s7 =	sld [smem:$0x3FA9]  }
0x2d: {  	s3 =	simm.s32 $0x108;
	s8 =	sld [smem:$0x3FAA]  }
0x2e: {  	s3 =	simm.s32 @!p0 $0x1082;
	s9 =	sld [smem:$0x3FAB]  }
0x2f: {  	lr =	sadd.s32 s0, s3;
	s0 =	sld [smem:$0x3FA2]  }
0x30: {  	s3 =	sld [smem:$0x3FA5]  }
0x31: {  	[smem:$0x3FAE] =	sst s10  }
0x32: {  	s10 =	sld [smem:$0x3FAC];
	_ =	sdelay $0x3  }
0x33: {  	p0 =	seq.s32 s10, $0x1;
	s10 =	sld [smem:$0x3FAE];
	_ =	sdelay $0x3  }
0x34: {  	[smem:$0x3FAE] =	sst s10  }
0x35: {  	s10 =	sld [smem:$0x3FAD];
	_ =	sdelay $0x3  }
0x36: {  	p1 =	seq.s32 s10, $0x1;
	s10 =	sld [smem:$0x3FAE];
	_ =	sdelay $0x3  }
0x37: {  	[smem:$0x3FAE] =	sst s10  }
0x38: {  	s10 =	sld [smem:$0x3FAF]  }
0x39: {  	_ = 	snop;
	(pc) =	sbr.ind lr, $3  }
0x3a: {  	_ = 	snop  }
0x3b: {  	_ = 	snop  }
0x3c: {  	p2 =	seq.s32 s10, $0x1;
	s10 =	sld [smem:$0x3FAE]  }
0x3d: {  	_ =	shalt  }
0x3e: {  	_ =	shalt  }
0x3f: {  	_ =	shalt  }
0x40: {  	_ =	shalt  }
0x41: {  	_ =	shalt  }
0x42: {  	_ =	shalt  }
0x43: {  	_ =	shalt  }
0x44: {  	_ =	shalt  }
0x45: {  	_ =	shalt  }
0x46: {  	_ =	shalt  }
0x47: {  	_ =	shalt  }
0x48: {  	_ =	shalt  }
0x49: {  	_ =	shalt  }
0x4a: {  	_ =	shalt  }
0x4b: {  	_ =	shalt  }
0x4c: {  	_ =	shalt  }
0x4d: {  	_ =	shalt  }
0x4e: {  	_ =	shalt  }
0x4f: {  	_ =	shalt  }
0x50: {  	_ =	shalt  }
0x51: {  	_ =	shalt  }
0x52: {  	_ =	shalt  }
0x53: {  	_ =	shalt  }
0x54: {  	_ =	shalt  }
0x55: {  	_ =	shalt  }
0x56: {  	_ =	shalt  }
0x57: {  	_ =	shalt  }
0x58: {  	_ =	shalt  }
0x59: {  	_ =	shalt  }
0x5a: {  	_ =	shalt  }
0x5b: {  	_ =	shalt  }
0x5c: {  	_ =	shalt  }
0x5d: {  	_ =	shalt  }
0x5e: {  	_ =	shalt  }
0x5f: {  	_ =	shalt  }
0x60: {  	_ =	shalt  }
0x61: {  	_ =	shalt  }
0x62: {  	_ =	shalt  }
0x63: {  	_ =	shalt  }
0x64: {  	_ =	shalt  }
0x65: {  	_ =	shalt  }
0x66: {  	_ =	shalt  }
0x67: {  	_ =	shalt  }
0x68: {  	_ =	shalt  }
0x69: {  	_ =	shalt  }
0x6a: {  	_ =	shalt  }
0x6b: {  	_ =	shalt  }
0x6c: {  	_ =	shalt  }
0x6d: {  	_ =	shalt  }
0x6e: {  	_ =	shalt  }
0x6f: {  	_ =	shalt  }
0x70: {  	_ =	shalt  }
0x71: {  	_ =	shalt  }
0x72: {  	_ =	shalt  }
0x73: {  	_ =	shalt  }
0x74: {  	_ =	shalt  }
0x75: {  	_ =	shalt  }
0x76: {  	_ =	shalt  }
0x77: {  	_ =	shalt  }
0x78: {  	_ =	shalt  }
0x79: {  	_ =	shalt  }
0x7a: {  	_ =	shalt  }
0x7b: {  	_ =	shalt  }
0x7c: {  	_ =	shalt  }
0x7d: {  	_ =	shalt  }
0x7e: {  	_ =	shalt  }
0x7f: {  	_ =	shalt  }
0x80: {  	_ =	shalt  }
0x81: {  	_ =	shalt  }
0x82: {  	_ =	shalt  }
0x83: {  	_ =	shalt  }
0x84: {  	_ =	shalt  }
0x85: {  	_ =	shalt  }
0x86: {  	_ =	shalt  }
0x87: {  	_ =	shalt  }
.Lfunc_end0:
.L_simem_size_0:
called_computation_lowered:
.L_overlay_start_0:
0x88: {  	s2 =	sld [smem:$0x3FD9]  }
0x89: {  	s3 =	sld [smem:$0x3FFE];
	_ =	sdelay $0x1  }
0x8a: {  	s1 =	srdreg.scid  }
0x8b: {  	s0 =	sand.u32 $0x1, s1  }
0x8c: {  	s14 =	sshll.u32 s0, $0xA;
	s2 =	sadd.s32 s3, s2  }
0x8d: {  	s2 =	sadd.s32 s2, s14  }
0x8e: {  	[smem:$0x3FBA] =	sst s2  }
0x8f: {  	_ = 	snop  }
0x90: {  	s2 =	sld [smem:$0x3FD0];
	_ =	sdelay $0x2  }
0x91: {  	s15 =	simm.s32 $0xA;
	s4 =	simm.s32 $0x10  }
0x92: {  	[smem:s4], [sflag:s15] =	dma.local [hbm:s2], $0x1  }
0x93: {  	_ =	swait.eq [sflag:s15], $0x1  }
0x94: {  	[sflag:s15] =	ssyncset.done $0x0  }
0x95: {  	[sflag:s15] =	ssyncadd.s32 $0xFFFFFFFF  }
0x96: {  	s16 =	sld [smem:$0x10];
	(tm) =	ssettm $0x1  }
0x97: {  	s17 =	sld [smem:$0x3FFB];
	_ =	sdelay $0x3  }
0x98: {  	_ =	strace s17  }
0x99: {  	s3 =	sld [smem:$0x3FFC];
	_ =	sdelay $0x3  }
0x9a: {  	_ =	strace s3  }
0x9b: {  	s3 =	sld [smem:$0x3FFD];
	_ =	sdelay $0x3  }
0x9c: {  	_ =	strace s3  }
0x9d: {  	_ =	strace $0x8FFFFFFF  }
0x9e: {  	s18 =	sld [smem:$0x3FDB];
	_ =	sdelay $0x1  }
0x9f: {  	s19 =	simm.s32 $_scs_section_size  }
0xa0: {  	s5 =	simm.s32 $_size__tile_overlayer_lowered;
	s6 =	simm.s32 $_tile_overlayer_lowered  }
0xa1: {  	s22 =	simm.s32 $0x1BFF;
	s21 =	sshll.u32 s6, $0x1;
	s3 =	sadd.s32 s19, s18  }
0xa2: {  	s7 =	simm.s32 $0x0;
	s20 =	sshll.u32 s5, $0x1;
	s5 =	sadd.s32 s21, s3  }
0xa3: {  	[timem:s7], [sflag:s22] =	dma.local [hbm:s5], s20  }
0xa4: {  	_ =	swait.ge [sflag:s22], s20  }
0xa5: {  	s4 =	ssub.s32 $0x0, s20;
	[sflag:s22] =	ssyncset.done $0x0  }
0xa6: {  	[sflag:s22] =	ssyncadd.s32 s4;
	_ =	sdelay $0x1  }
0xa7: {  	s23 =	simm.s32 $0x1B8B  }
0xa8: {  	_ =	swait.ge [sflag:s23], $0x1  }
0xa9: {  	[sflag:s23] =	ssyncset.done $0x0  }
0xaa: {  	s25 =	simm.s32 $0x1B8E;
	s24 =	sld [smem:$0x3FFE];
	[sflag:s23] =	ssyncadd.s32 $0xFFFFFFFF  }
0xab: {  	s26 =	simm.s32 $execute0_lowered;
	[smem:$0x3FD2] =	sst s25  }
0xac: {  	s5 =	sshll.u32 s26, $0x1;
	_ =	strace $0x80000046;
	[dreg:$0x1] =	wrdreg $0xFFFFFFFF  }
0xad: {  	s28 =	simm.s32 $_size_execute0_lowered;
	s3 =	sadd.s32 s3, s5;
	[dreg:$0x0] =	wrdreg $0x0  }
0xae: {  	s5 =	sshll.u32 s28, $0x1;
	[dreg:$0x2] =	wrdreg s3  }
0xaf: {  	[dreg:$0x3] =	wrdreg s5  }
0xb0: {  	[dreg:$0x4] =	wrdreg $0xC0  }
0xb1: {  	_ =	task [dreg:s7], $0x5FFFF  }
0xb2: {  	[dreg:$0x1] =	wrdreg $0xFFFFFFFF  }
0xb3: {  	[dreg:$0x0] =	wrdreg $0x60  }
0xb4: {  	[dreg:$0x2] =	wrdreg s24  }
0xb5: {  	[dreg:$0x3] =	wrdreg s16  }
0xb6: {  	[dreg:$0x4] =	wrdreg $0x9  }
0xb7: {  	_ =	task.clear_ibuf [dreg:s7], $0x5FFFF;
	_ =	strace $0x90000046  }
0xb8: {  	s29 =	simm.s32 $0x9;
	_ =	strace $0x80000048  }
0xb9: {  	_ =	swait.ge [sflag:s29], $0x1  }
0xba: {  	[sflag:s29] =	ssyncadd.s32 $0xFFFFFFFF  }
0xbb: {  	_ =	strace $0x90000048  }
0xbc: {  	_ =	sfence  }
0xbd: {  	s30 =	sld [smem:$0x0];
	_ =	sdelay $0x2  }
0xbe: {  	s31 =	sshll.u32 s1, $0xD;
	s1 =	sshrl.u32 s1, $0x2  }
0xbf: {  	s3 =	sand.u32 $0x4000, s31;
	s1 =	sadd.s32 s1, s30  }
0xc0: {  	s0 =	sor.u32 s3, s0;
	s1 =	sshll.u32 s1, $0x11  }
0xc1: {  	s0 =	sor.u32 s1, s0  }
0xc2: {  	s0 =	sadd.s32 $0x8F2B, s0  }
0xc3: {  	[sflag:s0] =	ssyncadd.remote.s32 $0x1  }
0xc4: {  	_ =	sfence.sel $0xFFFF  }
0xc5: {  	[dreg:$0x0] =	wrdreg $0xFFFFFFFF;
	(pc) =	sbr.abs _section_cstart, $3  }
0xc6: {  	[dreg:$0x1] =	wrdreg $0xFFFFFFFF  }
0xc7: {  	_ =	task.clear_ibuf [dreg:s7], $0x2FFFF;
	_ =	strace $0x9FFFFFFF  }
0xc8: {  	(tm) =	ssettm $0x7FFFFFFF  }
0xc9: {  	_ =	shalt  }
tec
execute0_lowered:
.L_overlay_start_1:
0x0: {  	(tag) =	ssettag $0x1  }
0x1: {  	s1 =	srdreg.scid;
	s4 =	rddreg [dreg:$0x0]  }
0x2: {  	s0 =	stileid.u32;
	s7 =	rddreg [dreg:$0x1];
	s6 =	simm.s32 $0x1  }
0x3: {  	s2 =	simm.s32 $0x0;
	s13 =	simm.s32 $0x3100;
	s14 =	simm.s32 $0x3200  }
0x4: {  	s15 =	simm.s32 $0x3300;
	s5 =	sand.u32 $0x1, s1;
	s28 =	sshll.u32 s0, $0x1  }
0x5: {  	s16 =	simm.s32 $0x7400;
	s17 =	simm.s32 $0x7500;
	s3 =	sor.u32 s5, s28  }
0x6: {  	s18 =	simm.s32 $0x8580;
	p1 =	seq.s32 s5, $0x1;
	p0 =	seq.s32 s3, $0x0  }
0x7: {  	s19 =	simm.s32 $0x9600;
	s1 =	rddreg [dreg:$0x2];
	p0 =	por !p0, !p1  }
0x8: {  	s20 =	simm.s32 $0x0;
	[smem:$0x7FF] =	sst s2;
	p0 =	por !p0, !p0  }
0x9: {  	s9 =	sadd.s32 $0x3A00, s4;
	_ =	strace $0x80000047;
	s6 =	simm.s32 @!p0 $0x0  }
0xa: {  	s10 =	ssub.s32 $0x2, s5;
	s5 =	sshll.u32 s5, $0x8;
	s6 =	ssub.s32 s0, s6  }
0xb: {  	s3 =	sshll.u32 s3, $0xA;
	s29 =	sshrl.u32 s10, $0x1;
	s8 =	smul.u32 $0x3000, s6  }
0xc: {  	s11 =	sadd.s32 s3, s4;
	s10 =	ssub.s32 s10, s29;
	s6 =	sshll.u32 s6, $0x9  }
0xd: {  	s3 =	simm.s32 $0x1;
	s6 =	sor.u32 s5, s6;
	s30 =	sshrl.u32 s8, $0x3  }
.Ltmp0:
0xe: {  	s12 =	sadd.s32 $0x1000, s8;
	s8 =	sadd.s32 $0x2000, s8;
	(pc) =	sbr.rel .LBB2_1-.Ltmp0, $4  }
0xf: {  	v0 =	vlaneseq.u32;
	s31 =	sshrl.u32 s6, $0x3;
	s4 =	sadd.s32 s9, s30;
	s12 =	sshrl.u32 s12, $0x3  }
0x10: {  	v2 =	vmul.u32 $0xFFFFFFFF, v0;
	s8 =	sshrl.u32 s8, $0x3;
	s7 =	sadd.s32 s7, s31;
	s5 =	sadd.s32 s9, s12  }
0x11: {  	v1 =	vimm.s32 $0x0;
	s6 =	sadd.s32 s9, s8;
	s8 =	sadd.s32 $0x9A00, s11;
	s9 =	smax.u32 s10, $0x1  }
0x12: {  	vm0 =	vmmov $0xffff;
	vm1 =	vmmov $0x1;
	v2 =	vadd.s32 $0xF, v2;
	s10 =	simm.s32 $0x1000;
	s11 =	simm.s32 $0x2000;
	s12 =	simm.s32 $0x3000  }
.LBB2_21:
0x13: {  	s20 =	sadd.s32 $0x1, s20  }
0x14: {  	p0 =	sne.s32 s20, s9  }
.Ltmp1:
0x15: {  	_ = 	snop;
	(pc) =	sbr.rel @!p0 .LBB2_22-.Ltmp1, $4  }
0x16: {  	[hbm4b:s8+s2] =	stream.linear.scatter [tilespmem:s19], [sflag:$0x1], $0x2000, $0x38;
	[tilespmem:$0xB600] =	vst v63  }
0x17: {  	_ =	swait.ge [sflag:s3], $0x2000  }
0x18: {  	[sflag:s3] =	ssyncset.done $0x0  }
0x19: {  	[sflag:s3] =	ssyncadd.s32 $0xFFFFE000  }
.LBB2_1:
0x1a: {  	[tilespmem:s2], [sflag:$0x1] =	stream.linear.gather [hbm4b:s4+s2], $0x1000, $0x38;
	[tilespmem:$0xB600] =	vst v63  }
0x1b: {  	_ =	swait.ge [sflag:s3], $0x1000  }
0x1c: {  	[sflag:s3] =	ssyncset.done $0x0  }
0x1d: {  	[sflag:s3] =	ssyncadd.s32 $0xFFFFF000  }
0x1e: {  	[tilespmem:s10], [sflag:$0x1] =	stream.linear.gather [hbm4b:s5+s2], $0x1000, $0x38;
	[tilespmem:$0xB600] =	vst v63  }
0x1f: {  	_ =	swait.ge [sflag:s3], $0x1000  }
0x20: {  	[sflag:s3] =	ssyncset.done $0x0  }
0x21: {  	[sflag:s3] =	ssyncadd.s32 $0xFFFFF000  }
0x22: {  	[tilespmem:s11], [sflag:$0x1] =	stream.linear.gather [hbm4b:s6+s2], $0x1000, $0x38;
	[tilespmem:$0xB600] =	vst v63  }
0x23: {  	_ =	swait.ge [sflag:s3], $0x1000  }
0x24: {  	[sflag:s3] =	ssyncset.done $0x0  }
0x25: {  	[sflag:s3] =	ssyncadd.s32 $0xFFFFF000  }
0x26: {  	[tilespmem:s12], [sflag:$0x1] =	stream.linear.gather [hbm4b:s7+s2], $0x100, $0x38;
	[tilespmem:$0xB600] =	vst v63  }
0x27: {  	_ =	swait.ge [sflag:s3], $0x100  }
0x28: {  	[sflag:s3] =	ssyncset.done $0x0  }
0x29: {  	s22 =	simm.s32 $0x0;
	[sflag:s3] =	ssyncadd.s32 $0xFFFFFF00  }
0x2a: {  	v3 =	vld [tilespmem:s22+$0x0]  }
0x2b: {  	v4 =	vld [tilespmem:s22+$0x1000]  }
0x2c: {  	v7 =	vld [tilespmem:s22+$0x2000];
	_ =	sdelay $0x3  }
0x2d: {  	s21 =	simm.s32 $0x10;
	v6 =	vmul.f32 v3, v3;
	v8 =	vmul.f32 v4, v4;
	v9 =	vshrl.u32 v3, $0x10  }
0x2e: {  	v5 =	vld [tilespmem:s21+$0x0];
	v10 =	vshrl.u32 v4, $0x10;
	v11 =	vmul.f32 v7, v7;
	v12 =	vshrl.u32 v7, $0x10  }
0x2f: {  	v9 =	vand.u32 $0x1, v9;
	v10 =	vand.u32 $0x1, v10;
	v8 =	vadd.f32 v8, v6;
	v6 =	vld [tilespmem:s21+$0x1000]  }
0x30: {  	v3 =	vadd.s32 v9, v3;
	v9 =	vadd.s32 v10, v4;
	v10 =	vand.u32 $0x1, v12  }
0x31: {  	v4 =	vld [tilespmem:s21+$0x2000];
	v3 =	vadd.s32 $0x7FFF, v3;
	v7 =	vadd.s32 v10, v7  }
0x32: {  	v9 =	vadd.s32 $0x7FFF, v9;
	v8 =	vadd.f32 v11, v8;
	v3 =	vand.u32 $0xFFFF0000, v3  }
0x33: {  	v7 =	vadd.s32 $0x7FFF, v7;
	v11 =	vshrl.u32 v5, $0x10;
	v63 =	vand.u32 $0xFFFF0000, v9;
	[tilespmem:s22+$0x3400] =	vst v3  }
0x34: {  	s23 =	simm.s32 $0x20;
	[tilespmem:s22+$0x6400] =	vst v8;
	v8 =	vmul.f32 v5, v5;
	v9 =	vshrl.u32 v6, $0x10;
	v10 =	vmul.f32 v6, v6  }
0x35: {  	s24 =	simm.s32 $0xC0;
	v7 =	vand.u32 $0xFFFF0000, v7;
	v11 =	vand.u32 $0x1, v11;
	v3 =	vld [tilespmem:s23+$0x0];
	[tilespmem:s22+$0x4400] =	vst v63;
	v9 =	vand.u32 $0x1, v9  }
.LBB2_2:
0x36: {  	p0 =	sne.s32 s24, $0x3FC0;
	v12 =	vld [tilespmem:s23+$0x1000];
	v13 =	vshrl.u32 v4, $0x10;
	v8 =	vadd.f32 v10, v8;
	v10 =	vmul.f32 v4, v4;
	[tilespmem:s22+$0x5400] =	vst v7;
	s22 =	smov.u32 s21;
	s21 =	smov.u32 s23  }
0x37: {  	v5 =	vadd.s32 v11, v5;
	v6 =	vadd.s32 v9, v6;
	v7 =	vand.u32 $0x1, v13  }
.Ltmp2:
0x38: {  	v14 =	vadd.s32 $0x7FFF, v5;
	v7 =	vadd.s32 v7, v4;
	v4 =	vld [tilespmem:s21+$0x2000];
	v8 =	vadd.f32 v10, v8;
	(pc) =	sbr.rel @p0 .LBB2_2-.Ltmp2, $4  }
0x39: {  	v9 =	vand.u32 $0xFFFF0000, v14;
	v10 =	vadd.s32 $0x7FFF, v6;
	v15 =	vadd.s32 $0x7FFF, v7  }
0x3a: {  	v13 =	vand.u32 $0xFFFF0000, v10;
	v11 =	vshrl.u32 v3, $0x10;
	v7 =	vand.u32 $0xFFFF0000, v15;
	[tilespmem:s22+$0x6400] =	vst v8;
	v5 =	vmovc v3  }
0x3b: {  	s23 =	sshra.s32 s24, $0x2;
	v14 =	vshrl.u32 v12, $0x10;
	v8 =	vmul.f32 v3, v5;
	v10 =	vmul.f32 v12, v12;
	[tilespmem:s22+$0x3400] =	vst v9;
	v6 =	vmovc v12  }
0x3c: {  	s24 =	sadd.s32 $0x40, s24;
	v11 =	vand.u32 $0x1, v11;
	v3 =	vld [tilespmem:s23+$0x0];
	v9 =	vand.u32 $0x1, v14;
	[tilespmem:s22+$0x4400] =	vst v13  }
0x3d: {  	v12 =	vld [tilespmem:s23+$0x1000];
	v13 =	vshrl.u32 v4, $0x10;
	[tilespmem:s22+$0x5400] =	vst v7;
	v54 =	vadd.f32 v10, v8  }
0x3e: {  	v55 =	vmul.f32 v4, v4;
	v5 =	vadd.s32 v11, v5;
	v6 =	vadd.s32 v9, v6;
	v56 =	vld [tilespmem:s23+$0x2000]  }
0x3f: {  	v57 =	vand.u32 $0x1, v13;
	v5 =	vadd.s32 $0x7FFF, v5;
	v6 =	vadd.s32 $0x7FFF, v6  }
0x40: {  	v4 =	vadd.s32 v57, v4;
	v7 =	vadd.f32 v55, v54;
	v5 =	vand.u32 $0xFFFF0000, v5  }
0x41: {  	v6 =	vand.u32 $0xFFFF0000, v6;
	v4 =	vadd.s32 $0x7FFF, v4;
	v58 =	vmul.f32 v3, v3  }
0x42: {  	v60 =	vshrl.u32 v3, $0x10;
	v4 =	vand.u32 $0xFFFF0000, v4;
	v59 =	vmul.f32 v12, v12  }
0x43: {  	[tilespmem:s21+$0x3400] =	vst v5;
	v61 =	vshrl.u32 v12, $0x10;
	v5 =	vand.u32 $0x1, v60;
	v62 =	vmul.f32 v56, v56  }
0x44: {  	[tilespmem:s21+$0x6400] =	vst v7;
	v7 =	vand.u32 $0x1, v61;
	v3 =	vadd.s32 v5, v3;
	v8 =	vadd.f32 v59, v58  }
0x45: {  	[tilespmem:s21+$0x5400] =	vst v4;
	v63 =	vshrl.u32 v56, $0x10;
	v4 =	vadd.s32 v7, v12;
	v3 =	vadd.s32 $0x7FFF, v3  }
0x46: {  	p1 =	por $0x1, $0x1;
	[tilespmem:s21+$0x4400] =	vst v6;
	v6 =	vand.u32 $0x1, v63;
	v3 =	vand.u32 $0xFFFF0000, v3;
	v5 =	vadd.f32 v62, v8  }
.Ltmp3:
0x47: {  	v6 =	vadd.s32 v6, v56;
	v4 =	vadd.s32 $0x7FFF, v4;
	[tilespmem:s23+$0x3400] =	vst v3;
	(pc) =	sbr.rel @!p1 .LBB2_4-.Ltmp3, $4  }
0x48: {  	v4 =	vand.u32 $0xFFFF0000, v4;
	[tilespmem:s23+$0x6400] =	vst v5;
	v5 =	vadd.s32 $0x7FFF, v6  }
0x49: {  	[tilespmem:s23+$0x4400] =	vst v4;
	v3 =	vand.u32 $0xFFFF0000, v5  }
0x4a: {  	s22 =	simm.s32 $0x0;
	[tilespmem:s23+$0x5400] =	vst v3  }
0x4b: {  	p0 =	por $0x0, $0x0;
	s21 =	simm.s32 $0x0;
	v3 =	vld [tilespmem:s22+$0x3000]  }
0x4c: {  	_ =	sdelay $0x7  }
0x4d: {  	v5 =	vld.idx.msk [tilespmem:v3+s11+$0x0], $0xffff  }
0x4e: {  	v6 =	vld.idx.msk [tilespmem:v3+s21+$0x0], $0xffff  }
0x4f: {  	v3 =	vld.idx.msk [tilespmem:v3+s10+$0x0], $0xffff;
	_ =	sdelay $0x3  }
0x50: {  	v7 =	vshrl.u32 v5, $0x10;
	v4 =	vmul.f32 v5, v5;
	v8 =	vshrl.u32 v6, $0x10  }
0x51: {  	p1 =	por $0x1, $0x1;
	v9 =	vmul.f32 v6, v6;
	v10 =	vshrl.u32 v3, $0x10;
	v8 =	vand.u32 $0x1, v8  }
.Ltmp4:
0x52: {  	s24 =	simm.s32 $0x10;
	v7 =	vand.u32 $0x1, v7;
	v6 =	vadd.s32 v8, v6;
	v8 =	vand.u32 $0x1, v10;
	(pc) =	sbr.rel @!p1 .LBB2_6-.Ltmp4, $3  }
0x53: {  	v11 =	vmul.f32 v3, v3;
	v5 =	vadd.s32 v7, v5;
	v7 =	vadd.s32 v8, v3;
	v3 =	vld [tilespmem:s24+$0x3000];
	_ =	sdelay $0x1  }
0x54: {  	v8 =	vadd.s32 $0x7FFF, v5;
	v5 =	vadd.f32 v11, v9  }
0x55: {  	s23 =	simm.s32 $0x80;
	p0 =	por $0x1, $0x1;
	v6 =	vadd.s32 $0x7FFF, v6;
	v7 =	vadd.s32 $0x7FFF, v7;
	v8 =	vand.u32 $0xFFFF0000, v8  }
.LBB2_7:
0x56: {  	p1 =	sne.s32 s23, $0x3C0;
	v6 =	vand.u32 $0xFFFF0000, v6;
	v7 =	vand.u32 $0xFFFF0000, v7;
	[tilespmem:s22+$0x3300] =	vst v8;
	v4 =	vadd.f32 v4, v5;
	s25 =	smov.u32 s23;
	s23 =	sadd.s32 $0x40, s23  }
0x57: {  	[tilespmem:s22+$0x3200] =	vst v7  }
0x58: {  	[tilespmem:s22+$0x7400] =	vst v4  }
0x59: {  	[tilespmem:s22+$0x3100] =	vst v6;
	s22 =	smov.u32 s24  }
0x5a: {  	v5 =	vld.idx.msk [tilespmem:v3+s11+$0x0], $0xffff  }
0x5b: {  	v6 =	vld.idx.msk [tilespmem:v3+s21+$0x0], $0xffff  }
0x5c: {  	v7 =	vld.idx.msk [tilespmem:v3+s10+$0x0], $0xffff;
	_ =	sdelay $0x3  }
0x5d: {  	v3 =	vshrl.u32 v5, $0x10;
	v4 =	vmul.f32 v5, v5  }
.Ltmp5:
0x5e: {  	s24 =	sshra.s32 s25, $0x2;
	v8 =	vshrl.u32 v6, $0x10;
	v9 =	vand.u32 $0x1, v3;
	v10 =	vmul.f32 v6, v6;
	(pc) =	sbr.rel @p1 .LBB2_7-.Ltmp5, $4  }
0x5f: {  	v8 =	vand.u32 $0x1, v8;
	v11 =	vshrl.u32 v7, $0x10;
	v12 =	vmul.f32 v7, v7;
	v3 =	vld [tilespmem:s24+$0x3000]  }
0x60: {  	v5 =	vadd.s32 v9, v5;
	v6 =	vadd.s32 v8, v6;
	v8 =	vand.u32 $0x1, v11  }
0x61: {  	v7 =	vadd.s32 v8, v7;
	v8 =	vadd.s32 $0x7FFF, v5;
	v5 =	vadd.f32 v12, v10  }
0x62: {  	v6 =	vadd.s32 $0x7FFF, v6;
	v7 =	vadd.s32 $0x7FFF, v7;
	v8 =	vand.u32 $0xFFFF0000, v8  }
0x63: {  	s23 =	smov.u32 s22;
	s22 =	smov.u32 s24  }
.LBB2_9:
0x64: {  	v7 =	vand.u32 @p0 $0xFFFF0000, v7;
	[tilespmem:s23+$0x3300] =	vst @p0 v8  }
0x65: {  	v4 =	vadd.f32 @p0 v4, v5;
	v5 =	vand.u32 @p0 $0xFFFF0000, v6;
	[tilespmem:s23+$0x3200] =	vst @p0 v7  }
0x66: {  	[tilespmem:s23+$0x3100] =	vst @p0 v5  }
0x67: {  	[tilespmem:s23+$0x7400] =	vst @p0 v4  }
0x68: {  	v4 =	vld.idx.msk [tilespmem:v3+s11+$0x0], $0xffff  }
0x69: {  	v5 =	vld.idx.msk [tilespmem:v3+s21+$0x0], $0xffff  }
0x6a: {  	v3 =	vld.idx.msk [tilespmem:v3+s10+$0x0], $0xffff;
	_ =	sdelay $0x3  }
0x6b: {  	v58 =	vshrl.u32 v4, $0x10;
	v59 =	vmul.f32 v4, v4;
	v60 =	vmul.f32 v5, v5  }
0x6c: {  	v9 =	vshrl.u32 v3, $0x10;
	v10 =	vmul.f32 v3, v3;
	v6 =	vand.u32 $0x1, v58  }
0x6d: {  	v11 =	vshrl.u32 v5, $0x10;
	v9 =	vand.u32 $0x1, v9;
	v4 =	vadd.s32 v6, v4  }
0x6e: {  	v3 =	vadd.s32 v9, v3;
	v61 =	vadd.f32 v10, v60;
	v4 =	vadd.s32 $0x7FFF, v4  }
.Ltmp6:
0x6f: {  	v62 =	vand.u32 $0x1, v11;
	v3 =	vadd.s32 $0x7FFF, v3;
	v4 =	vand.u32 $0xFFFF0000, v4;
	(pc) =	sbr.rel .LBB2_10-.Ltmp6, $4  }
0x70: {  	v5 =	vadd.s32 v62, v5;
	v3 =	vand.u32 $0xFFFF0000, v3;
	v63 =	vadd.f32 v59, v61;
	[tilespmem:s22+$0x3300] =	vst v4  }
0x71: {  	v5 =	vadd.s32 $0x7FFF, v5;
	[tilespmem:s22+$0x3200] =	vst v3  }
0x72: {  	v3 =	vand.u32 $0xFFFF0000, v5;
	[tilespmem:s22+$0x7400] =	vst v63  }
0x73: {  	[tilespmem:s22+$0x3100] =	vst v3  }
.LBB2_13:
0x74: {  	vm3 =	vmmov vm0;
	vm2 =	vmmov vm0;
	v4 =	vimm.s32 $0x0  }
.LBB2_20:
0x75: {  	v5 =	vnsel vm1, $0x0, v3  }
0x76: {  	(xrf0) =	vadd.scan.msk.s32 $0xffff, v5;
	_ =	sdelay $0x4  }
0x77: {  	s22 =	sshll.u32 s21, $0x5;
	s21 =	sadd.s32 $0x1, s21  }
0x78: {  	p0 =	sne.s32 s21, $0x100;
	v5, _, _ =	vpop (xrf0)  }
.Ltmp7:
0x79: {  	v5 =	vbroadcast v5, $0xF;
	(pc) =	sbr.rel @!p0 .LBB2_21-.Ltmp7, $4  }
0x7a: {  	_ = 	snop  }
0x7b: {  	s22 =	sand.u32 $0x3FFFFFE0, s22;
	v3 =	vsel vm3, v5, v3  }
0x7c: {  	v4 =	vsel vm2, v5, v4;
	[tilespmem:s22+$0x9600] =	vst v3  }
0x7d: {  	[tilespmem:s22+$0x9610] =	vst v4  }
.LBB2_10:
0x7e: {  	v6 =	vmov s21;
	_ =	sdelay $0x4  }
0x7f: {  	v3 =	vld.idx.msk [tilespmem:v6+s13+$0x0], $0xffff  }
0x80: {  	v4 =	vld.idx.msk [tilespmem:v6+s14+$0x0], $0xffff  }
0x81: {  	s22 =	simm.s32 $0x70;
	s23 =	simm.s32 $0x3440;
	v5 =	vld.idx.msk [tilespmem:v6+s15+$0x0], $0xffff  }
0x82: {  	v7 =	vimm.s32 $0x0;
	s24 =	simm.s32 $0x4440;
	s25 =	simm.s32 $0x6440;
	s26 =	simm.s32 $0x5440;
	v6 =	vld.idx.msk [tilespmem:v6+s16+$0x0], $0xffff  }
.LBB2_11:
0x83: {  	v8 =	vld [tilespmem:s23+$0xFFFFFFC0]  }
0x84: {  	v9 =	vld [tilespmem:s24+$0xFFFFFFC0];
	_ =	sdelay $0x1  }
0x85: {  	v10 =	vld [tilespmem:s26+$0xFFFFFFC0];
	_ =	sdelay $0x2  }
0x86: {  	v8 =	vmul.f32 v8, v3;
	v9 =	vmul.f32 v9, v4;
	_ =	sdelay $0x1  }
0x87: {  	v61 =	vmul.f32 v10, v5;
	v8 =	vadd.f32 v9, v8;
	_ =	sdelay $0x1  }
0x88: {  	v8 =	vadd.f32 v61, v8  }
0x89: {  	v62 =	vld [tilespmem:s25+$0xFFFFFFC0]  }
0x8a: {  	v8 =	vadd.f32 v8, v8;
	_ =	sdelay $0x1  }
0x8b: {  	v8 =	vsub.f32 v6, v8;
	_ =	sdelay $0x1  }
0x8c: {  	v8 =	vadd.f32 v8, v62;
	_ =	sdelay $0x1  }
0x8d: {  	vm2 =	vle.f32 v8, $3.999999910e-02  }
0x8e: {  	v63 =	vsel vm2, $0x1, v1  }
0x8f: {  	(xrf0) =	vadd.scan.msk.s32 $0xffff, v63;
	_ =	sdelay $0x4  }
0x90: {  	v12 =	vsel vm2, $0xFFFFFFFF, v1  }
0x91: {  	v9 =	vadd.s32 v12, v7;
	v13, _, _ =	vpop (xrf0)  }
0x92: {  	v9 =	vadd.s32 v13, v9;
	_ =	sdelay $0x3  }
0x93: {  	s28 =	sadd.s32 $0xFFFFFF90, s22  }
0x94: {  	[tilespmem:v9+s17+$0x0] =	vst.idx.msk vm2, v8;
	v8 =	vor.u32 s28, v0  }
0x95: {  	[tilespmem:v9+s18+$0x0] =	vst.idx.msk vm2, v8  }
0x96: {  	v8 =	vld [tilespmem:s23+$0xFFFFFFD0]  }
0x97: {  	v9 =	vld [tilespmem:s24+$0xFFFFFFD0];
	_ =	sdelay $0x1  }
0x98: {  	v14 =	vld [tilespmem:s26+$0xFFFFFFD0];
	_ =	sdelay $0x2  }
0x99: {  	v8 =	vmul.f32 v8, v3;
	v9 =	vmul.f32 v9, v4;
	_ =	sdelay $0x1  }
0x9a: {  	v15 =	vmul.f32 v14, v5;
	v8 =	vadd.f32 v9, v8;
	_ =	sdelay $0x1  }
0x9b: {  	v8 =	vadd.f32 v15, v8  }
0x9c: {  	v16 =	vld [tilespmem:s25+$0xFFFFFFD0]  }
0x9d: {  	v8 =	vadd.f32 v8, v8;
	_ =	sdelay $0x1  }
0x9e: {  	v8 =	vsub.f32 v6, v8;
	_ =	sdelay $0x1  }
0x9f: {  	v8 =	vadd.f32 v8, v16;
	_ =	sdelay $0x1  }
0xa0: {  	vm3 =	vle.f32 v8, $3.999999910e-02  }
0xa1: {  	v17 =	vsel vm3, $0x1, v1  }
0xa2: {  	(xrf0) =	vadd.scan.msk.s32 $0xffff, v17;
	_ =	sdelay $0x2  }
0xa3: {  	v18 =	vmpcnt.ones.xlane vm2;
	_ =	sdelay $0x1  }
0xa4: {  	v7 =	vadd.s32 v7, v18;
	v19 =	vsel vm3, $0xFFFFFFFF, v1  }
0xa5: {  	v9 =	vadd.s32 v19, v7;
	v20, _, _ =	vpop (xrf0)  }
0xa6: {  	v9 =	vadd.s32 v20, v9;
	_ =	sdelay $0x3  }
0xa7: {  	s29 =	sadd.s32 $0xFFFFFFA0, s22  }
0xa8: {  	[tilespmem:v9+s17+$0x0] =	vst.idx.msk vm3, v8;
	v8 =	vor.u32 s29, v0  }
0xa9: {  	[tilespmem:v9+s18+$0x0] =	vst.idx.msk vm3, v8  }
0xaa: {  	v8 =	vld [tilespmem:s23+$0xFFFFFFE0]  }
0xab: {  	v9 =	vld [tilespmem:s24+$0xFFFFFFE0];
	_ =	sdelay $0x1  }
0xac: {  	v21 =	vld [tilespmem:s26+$0xFFFFFFE0];
	_ =	sdelay $0x2  }
0xad: {  	v8 =	vmul.f32 v8, v3;
	v9 =	vmul.f32 v9, v4;
	_ =	sdelay $0x1  }
0xae: {  	v22 =	vmul.f32 v21, v5;
	v8 =	vadd.f32 v9, v8;
	_ =	sdelay $0x1  }
0xaf: {  	v8 =	vadd.f32 v22, v8  }
0xb0: {  	v23 =	vld [tilespmem:s25+$0xFFFFFFE0]  }
0xb1: {  	v8 =	vadd.f32 v8, v8;
	_ =	sdelay $0x1  }
0xb2: {  	v8 =	vsub.f32 v6, v8;
	_ =	sdelay $0x1  }
0xb3: {  	v8 =	vadd.f32 v8, v23;
	_ =	sdelay $0x1  }
0xb4: {  	vm2 =	vle.f32 v8, $3.999999910e-02  }
0xb5: {  	v24 =	vsel vm2, $0x1, v1  }
0xb6: {  	(xrf0) =	vadd.scan.msk.s32 $0xffff, v24;
	_ =	sdelay $0x2  }
0xb7: {  	v25 =	vmpcnt.ones.xlane vm3;
	_ =	sdelay $0x1  }
0xb8: {  	v7 =	vadd.s32 v7, v25;
	v26 =	vsel vm2, $0xFFFFFFFF, v1  }
0xb9: {  	v9 =	vadd.s32 v26, v7;
	v27, _, _ =	vpop (xrf0)  }
0xba: {  	v9 =	vadd.s32 v27, v9;
	_ =	sdelay $0x3  }
0xbb: {  	s30 =	sadd.s32 $0xFFFFFFB0, s22  }
0xbc: {  	[tilespmem:v9+s17+$0x0] =	vst.idx.msk vm2, v8;
	v8 =	vor.u32 s30, v0  }
0xbd: {  	[tilespmem:v9+s18+$0x0] =	vst.idx.msk vm2, v8  }
0xbe: {  	v8 =	vld [tilespmem:s23+$0xFFFFFFF0]  }
0xbf: {  	v9 =	vld [tilespmem:s24+$0xFFFFFFF0];
	_ =	sdelay $0x1  }
0xc0: {  	v28 =	vld [tilespmem:s26+$0xFFFFFFF0];
	_ =	sdelay $0x2  }
0xc1: {  	v8 =	vmul.f32 v8, v3;
	v9 =	vmul.f32 v9, v4;
	_ =	sdelay $0x1  }
0xc2: {  	v29 =	vmul.f32 v28, v5;
	v8 =	vadd.f32 v9, v8;
	_ =	sdelay $0x1  }
0xc3: {  	v8 =	vadd.f32 v29, v8  }
0xc4: {  	v30 =	vld [tilespmem:s25+$0xFFFFFFF0]  }
0xc5: {  	v8 =	vadd.f32 v8, v8;
	_ =	sdelay $0x1  }
0xc6: {  	v8 =	vsub.f32 v6, v8;
	_ =	sdelay $0x1  }
0xc7: {  	v8 =	vadd.f32 v8, v30;
	_ =	sdelay $0x1  }
0xc8: {  	vm3 =	vle.f32 v8, $3.999999910e-02  }
0xc9: {  	v31 =	vsel vm3, $0x1, v1  }
0xca: {  	(xrf0) =	vadd.scan.msk.s32 $0xffff, v31;
	_ =	sdelay $0x2  }
0xcb: {  	v32 =	vmpcnt.ones.xlane vm2;
	_ =	sdelay $0x1  }
0xcc: {  	v7 =	vadd.s32 v7, v32;
	v33 =	vsel vm3, $0xFFFFFFFF, v1  }
0xcd: {  	v9 =	vadd.s32 v33, v7;
	v34, _, _ =	vpop (xrf0)  }
0xce: {  	v9 =	vadd.s32 v34, v9;
	_ =	sdelay $0x3  }
0xcf: {  	s31 =	sadd.s32 $0xFFFFFFC0, s22  }
0xd0: {  	[tilespmem:v9+s17+$0x0] =	vst.idx.msk vm3, v8;
	v8 =	vor.u32 s31, v0  }
0xd1: {  	[tilespmem:v9+s18+$0x0] =	vst.idx.msk vm3, v8  }
0xd2: {  	v8 =	vld [tilespmem:s23+$0x0]  }
0xd3: {  	v9 =	vld [tilespmem:s24+$0x0];
	_ =	sdelay $0x1  }
0xd4: {  	v35 =	vld [tilespmem:s26+$0x0];
	_ =	sdelay $0x2  }
0xd5: {  	v8 =	vmul.f32 v8, v3;
	v9 =	vmul.f32 v9, v4;
	_ =	sdelay $0x1  }
0xd6: {  	v36 =	vmul.f32 v35, v5;
	v8 =	vadd.f32 v9, v8;
	_ =	sdelay $0x1  }
0xd7: {  	v8 =	vadd.f32 v36, v8  }
0xd8: {  	v37 =	vld [tilespmem:s25+$0x0]  }
0xd9: {  	v8 =	vadd.f32 v8, v8;
	_ =	sdelay $0x1  }
0xda: {  	v8 =	vsub.f32 v6, v8;
	_ =	sdelay $0x1  }
0xdb: {  	v8 =	vadd.f32 v8, v37;
	_ =	sdelay $0x1  }
0xdc: {  	vm2 =	vle.f32 v8, $3.999999910e-02  }
0xdd: {  	v38 =	vsel vm2, $0x1, v1  }
0xde: {  	(xrf0) =	vadd.scan.msk.s32 $0xffff, v38;
	_ =	sdelay $0x2  }
0xdf: {  	v39 =	vmpcnt.ones.xlane vm3;
	_ =	sdelay $0x1  }
0xe0: {  	v7 =	vadd.s32 v7, v39;
	v40 =	vsel vm2, $0xFFFFFFFF, v1  }
0xe1: {  	v9 =	vadd.s32 v40, v7;
	v41, _, _ =	vpop (xrf0)  }
0xe2: {  	v9 =	vadd.s32 v41, v9;
	_ =	sdelay $0x3  }
0xe3: {  	s29 =	sadd.s32 $0xFFFFFFD0, s22  }
0xe4: {  	[tilespmem:v9+s17+$0x0] =	vst.idx.msk vm2, v8;
	v8 =	vor.u32 s29, v0  }
0xe5: {  	[tilespmem:v9+s18+$0x0] =	vst.idx.msk vm2, v8  }
0xe6: {  	v8 =	vld [tilespmem:s23+$0x10]  }
0xe7: {  	v9 =	vld [tilespmem:s24+$0x10];
	_ =	sdelay $0x1  }
0xe8: {  	v42 =	vld [tilespmem:s26+$0x10];
	_ =	sdelay $0x2  }
0xe9: {  	v8 =	vmul.f32 v8, v3;
	v9 =	vmul.f32 v9, v4;
	_ =	sdelay $0x1  }
0xea: {  	v43 =	vmul.f32 v42, v5;
	v8 =	vadd.f32 v9, v8;
	_ =	sdelay $0x1  }
0xeb: {  	v8 =	vadd.f32 v43, v8  }
0xec: {  	v44 =	vld [tilespmem:s25+$0x10]  }
0xed: {  	v8 =	vadd.f32 v8, v8;
	_ =	sdelay $0x1  }
0xee: {  	v8 =	vsub.f32 v6, v8;
	_ =	sdelay $0x1  }
0xef: {  	v8 =	vadd.f32 v8, v44;
	_ =	sdelay $0x1  }
0xf0: {  	vm3 =	vle.f32 v8, $3.999999910e-02  }
0xf1: {  	v45 =	vsel vm3, $0x1, v1  }
0xf2: {  	(xrf0) =	vadd.scan.msk.s32 $0xffff, v45;
	_ =	sdelay $0x2  }
0xf3: {  	v46 =	vmpcnt.ones.xlane vm2;
	_ =	sdelay $0x1  }
0xf4: {  	v7 =	vadd.s32 v7, v46;
	v47 =	vsel vm3, $0xFFFFFFFF, v1  }
0xf5: {  	v9 =	vadd.s32 v47, v7;
	v48, _, _ =	vpop (xrf0)  }
0xf6: {  	v9 =	vadd.s32 v48, v9;
	_ =	sdelay $0x3  }
0xf7: {  	s30 =	sadd.s32 $0xFFFFFFE0, s22  }
0xf8: {  	[tilespmem:v9+s17+$0x0] =	vst.idx.msk vm3, v8;
	v8 =	vor.u32 s30, v0  }
0xf9: {  	[tilespmem:v9+s18+$0x0] =	vst.idx.msk vm3, v8  }
0xfa: {  	v8 =	vld [tilespmem:s23+$0x20]  }
0xfb: {  	v9 =	vld [tilespmem:s24+$0x20];
	_ =	sdelay $0x1  }
0xfc: {  	v49 =	vld [tilespmem:s26+$0x20];
	_ =	sdelay $0x2  }
0xfd: {  	v8 =	vmul.f32 v8, v3;
	v9 =	vmul.f32 v9, v4;
	_ =	sdelay $0x1  }
0xfe: {  	v50 =	vmul.f32 v49, v5;
	v8 =	vadd.f32 v9, v8;
	_ =	sdelay $0x1  }
0xff: {  	v8 =	vadd.f32 v50, v8  }
0x100: {  	v51 =	vld [tilespmem:s25+$0x20]  }
0x101: {  	v8 =	vadd.f32 v8, v8;
	_ =	sdelay $0x1  }
0x102: {  	v8 =	vsub.f32 v6, v8;
	_ =	sdelay $0x1  }
0x103: {  	v8 =	vadd.f32 v8, v51;
	_ =	sdelay $0x1  }
0x104: {  	vm2 =	vle.f32 v8, $3.999999910e-02  }
0x105: {  	v52 =	vsel vm2, $0x1, v1  }
0x106: {  	(xrf0) =	vadd.scan.msk.s32 $0xffff, v52;
	_ =	sdelay $0x2  }
0x107: {  	v53 =	vmpcnt.ones.xlane vm3;
	_ =	sdelay $0x1  }
0x108: {  	v7 =	vadd.s32 v7, v53;
	v54 =	vsel vm2, $0xFFFFFFFF, v1  }
0x109: {  	v9 =	vadd.s32 v54, v7;
	v55, _, _ =	vpop (xrf0)  }
0x10a: {  	v9 =	vadd.s32 v55, v9;
	_ =	sdelay $0x3  }
0x10b: {  	s31 =	sadd.s32 $0xFFFFFFF0, s22  }
0x10c: {  	[tilespmem:v9+s17+$0x0] =	vst.idx.msk vm2, v8;
	v8 =	vor.u32 s31, v0  }
0x10d: {  	[tilespmem:v9+s18+$0x0] =	vst.idx.msk vm2, v8  }
0x10e: {  	v8 =	vld [tilespmem:s23+$0x30]  }
0x10f: {  	v9 =	vld [tilespmem:s24+$0x30];
	_ =	sdelay $0x1  }
0x110: {  	v56 =	vld [tilespmem:s26+$0x30];
	_ =	sdelay $0x2  }
0x111: {  	v8 =	vmul.f32 v8, v3;
	v9 =	vmul.f32 v9, v4;
	_ =	sdelay $0x1  }
0x112: {  	v57 =	vmul.f32 v56, v5;
	v8 =	vadd.f32 v9, v8;
	_ =	sdelay $0x1  }
0x113: {  	v8 =	vadd.f32 v57, v8  }
0x114: {  	v58 =	vld [tilespmem:s25+$0x30]  }
0x115: {  	v8 =	vadd.f32 v8, v8;
	_ =	sdelay $0x1  }
0x116: {  	v8 =	vsub.f32 v6, v8;
	_ =	sdelay $0x1  }
0x117: {  	v8 =	vadd.f32 v8, v58;
	_ =	sdelay $0x1  }
0x118: {  	vm3 =	vle.f32 v8, $3.999999910e-02  }
0x119: {  	v59 =	vsel vm3, $0x1, v1  }
0x11a: {  	(xrf0) =	vadd.scan.msk.s32 $0xffff, v59;
	_ =	sdelay $0x2  }
0x11b: {  	v60 =	vmpcnt.ones.xlane vm2;
	_ =	sdelay $0x1  }
0x11c: {  	v7 =	vadd.s32 v7, v60;
	v61 =	vsel vm3, $0xFFFFFFFF, v1  }
0x11d: {  	v9 =	vadd.s32 v61, v7;
	v62, _, _ =	vpop (xrf0)  }
0x11e: {  	v9 =	vadd.s32 v62, v9  }
0x11f: {  	p0 =	sne.s32 s22, $0xFF0  }
.Ltmp8:
0x120: {  	_ = 	snop;
	(pc) =	sbr.rel @p0 .LBB2_11-.Ltmp8, $4  }
0x121: {  	_ = 	snop  }
0x122: {  	v63 =	vmpcnt.ones.xlane vm3  }
0x123: {  	s23 =	sadd.s32 $0x80, s23;
	s24 =	sadd.s32 $0x80, s24;
	[tilespmem:v9+s17+$0x0] =	vst.idx.msk vm3, v8;
	v8 =	vor.u32 s22, v0  }
0x124: {  	s25 =	sadd.s32 $0x80, s25;
	s26 =	sadd.s32 $0x80, s26;
	v7 =	vadd.s32 v7, v63;
	s22 =	sadd.s32 $0x80, s22;
	[tilespmem:v9+s18+$0x0] =	vst.idx.msk vm3, v8  }
0x125: {  	v3 =	vnsel vm1, $0x0, v7  }
0x126: {  	(xrf0) =	vadd.scan.msk.s32 $0xffff, v3;
	_ =	sdelay $0x5  }
0x127: {  	v3, _, _ =	vpop (xrf0)  }
0x128: {  	(v2sf) =	vpush v3, $0xF;
	_ =	sdelay $0xe  }
0x129: {  	s22 =	spop (v2sf)  }
0x12a: {  	s22 =	sadd.s32 $0xF, s22  }
0x12b: {  	s23 =	sand.u32 $0xF, s22  }
0x12c: {  	s24 =	sshra.s32 s22, $0x1F;
	p0 =	slt.s32 s22, $0x1;
	p1 =	sne.s32 s23, $0x0  }
0x12d: {  	s30 =	sshrl.u32 s24, $0x1C;
	p0 =	por !p0, !p1  }
0x12e: {  	s23 =	simm.s32 $0x1;
	s22 =	sadd.s32 s30, s22;
	p0 =	por !p0, !p0  }
0x12f: {  	s31 =	sshra.s32 s22, $0x4;
	s23 =	simm.s32 @!p0 $0x0  }
0x130: {  	v5 =	vadd.s32 v0, v7;
	s24 =	ssub.s32 s31, s23  }
0x131: {  	p0 =	slt.s32 s24, $0x1  }
.Ltmp9:
0x132: {  	_ = 	snop;
	(pc) =	sbr.rel @p0 .LBB2_13-.Ltmp9, $4  }
0x133: {  	_ = 	snop  }
0x134: {  	v4 =	vimm.f32 $3.000000010e+38;
	s22 =	simm.s32 $0x7500  }
0x135: {  	v3 =	vimm.s32 $0x0;
	[tilespmem:v5+s22+$0x0] =	vst.idx.msk $0xffff, v4;
	s23 =	simm.s32 $0x8580  }
0x136: {  	[tilespmem:v5+s23+$0x0] =	vst.idx.msk $0xffff, v3  }
0x137: {  	v5 =	vld [tilespmem:s22+$0x0]  }
0x138: {  	v6 =	vld [tilespmem:s23+$0x0];
	p1 =	sne.s32 s24, $0x1  }
.Ltmp10:
0x139: {  	_ = 	snop;
	(pc) =	sbr.rel @!p1 .LBB2_15-.Ltmp10, $2  }
0x13a: {  	_ =	sdelay $0x2  }
0x13b: {  	s24 =	sadd.s32 $0xFFFFFFFF, s24;
	p0 =	por $0x0, $0x0;
	(xrf1) =	vsort.ascd.msk.f32 $0xffff, v5, v6  }
0x13c: {  	_ =	sdelay $0xc  }
0x13d: {  	v5, v6, _ =	vpop (xrf1)  }
0x13e: {  	s22 =	sadd.s32 $0x10, s22;
	v5 =	vperm.xlane v5, v2  }
0x13f: {  	s23 =	sadd.s32 $0x10, s23;
	v7 =	vld [tilespmem:s22+$0x0];
	v6 =	vperm.xlane v6, v2  }
0x140: {  	p1 =	sne.s32 s24, $0x1;
	v8 =	vld [tilespmem:s23+$0x0];
	vm2 =	vle.f32 v4, v5  }
.Ltmp11:
0x141: {  	v5 =	vsel vm2, v4, v5;
	v6 =	vsel vm2, v3, v6;
	(pc) =	sbr.rel @!p1 .LBB2_17-.Ltmp11, $2  }
0x142: {  	(xrf1) =	vsort.ascd.msk.f32 $0xffff, v5, v6;
	_ =	sdelay $0x2  }
0x143: {  	s24 =	sadd.s32 $0xFFFFFFFF, s24;
	p0 =	por $0x1, $0x1;
	v6 =	vimm.f32 $3.000000010e+38;
	v5 =	vimm.s32 $0x0;
	(xrf1) =	vsort.ascd.msk.f32 $0xffff, v7, v8  }
.LBB2_18:
0x144: {  	_ = 	snop  }
0x145: {  	p1 =	sne.s32 s24, $0x1;
	s24 =	sadd.s32 $0xFFFFFFFF, s24;
	_ =	sdelay $0x8  }
0x146: {  	v7, v8, _ =	vpop (xrf1)  }
0x147: {  	v7 =	vperm.xlane v7, v2  }
0x148: {  	v8 =	vperm.xlane v8, v2  }
0x149: {  	v9, v10, _ =	vpop (xrf1);
	vm2 =	vle.f32 v6, v7  }
0x14a: {  	v9 =	vperm.xlane v9, v2;
	v11 =	vsel vm2, v7, v6;
	v12 =	vsel vm2, v8, v5  }
0x14b: {  	v6 =	vsel vm2, v6, v7;
	v5 =	vsel vm2, v5, v8;
	(xrf1) =	vsort.ascd.msk.f32 $0xffff, v11, v12  }
0x14c: {  	(xrf1) =	vsort.ascd.msk.f32 $0xffff, v6, v5;
	_ =	sdelay $0xb  }
0x14d: {  	s22 =	sadd.s32 $0x10, s22  }
0x14e: {  	s23 =	sadd.s32 $0x10, s23;
	v8 =	vperm.xlane v10, v2;
	v7 =	vld [tilespmem:s22+$0x0];
	v10, v11, _ =	vpop (xrf1)  }
0x14f: {  	v12 =	vld [tilespmem:s23+$0x0];
	vm2 =	vle.f32 v10, v9;
	v6, v5, _ =	vpop (xrf1)  }
.Ltmp12:
0x150: {  	v9 =	vsel vm2, v10, v9;
	v8 =	vsel vm2, v11, v8;
	(pc) =	sbr.rel @p1 .LBB2_18-.Ltmp12, $2  }
0x151: {  	(xrf1) =	vsort.ascd.msk.f32 $0xffff, v9, v8;
	_ =	sdelay $0x2  }
0x152: {  	(xrf1) =	vsort.ascd.msk.f32 $0xffff, v7, v12  }
.LBB2_19:
0x153: {  	_ =	sdelay $0x9  }
0x154: {  	v7, v8, _ =	vpop @p0 (xrf1)  }
0x155: {  	v7 =	vperm.xlane @p0 v7, v2  }
0x156: {  	v8 =	vperm.xlane @p0 v8, v2  }
0x157: {  	vm2 =	vle.f32 @p0 v6, v7  }
0x158: {  	v9 =	vsel @p0 vm2, v7, v6;
	v10 =	vsel @p0 vm2, v8, v5  }
0x159: {  	(xrf1) =	vsort.ascd.msk.f32 @p0 $0xffff, v9, v10;
	_ =	sdelay $0xc  }
0x15a: {  	v9, v10, _ =	vpop (xrf1)  }
0x15b: {  	v9 =	vperm.xlane v9, v2;
	v11, v12, _ =	vpop @p0 (xrf1)  }
0x15c: {  	v6 =	vsel @p0 vm2, v6, v7;
	v7 =	vperm.xlane v10, v2;
	v62 =	vpsel p0, v11, v4  }
0x15d: {  	v5 =	vsel @p0 vm2, v5, v8;
	v63 =	vpsel p0, v12, v3;
	vm2 =	vle.f32 v62, v9  }
0x15e: {  	(xrf1) =	vsort.ascd.msk.f32 @p0 $0xffff, v6, v5;
	v5 =	vsel vm2, v62, v9;
	v6 =	vsel vm2, v63, v7  }
0x15f: {  	(xrf1) =	vsort.ascd.msk.f32 $0xffff, v5, v6;
	_ =	sdelay $0xc  }
0x160: {  	v5, v6, _ =	vpop @p0 (xrf1)  }
0x161: {  	v7, v8, _ =	vpop (xrf1)  }
0x162: {  	v7 =	vperm.xlane v7, v2  }
0x163: {  	v4 =	vpsel p0, v5, v4;
	v5 =	vperm.xlane v8, v2  }
0x164: {  	v3 =	vpsel p0, v6, v3;
	vm2 =	vle.f32 v4, v7  }
0x165: {  	v6 =	vsel vm2, v7, v4;
	v8 =	vsel vm2, v5, v3  }
0x166: {  	v4 =	vsel vm2, v4, v7;
	v3 =	vsel vm2, v3, v5;
	(xrf1) =	vsort.ascd.msk.f32 $0xffff, v6, v8  }
0x167: {  	(xrf1) =	vsort.ascd.msk.f32 $0xffff, v4, v3;
	_ =	sdelay $0xa  }
.Ltmp13:
0x168: {  	_ = 	snop;
	(pc) =	sbr.rel .LBB2_20-.Ltmp13, $4  }
0x169: {  	_ = 	snop  }
0x16a: {  	v5, v4, _ =	vpop (xrf1)  }
0x16b: {  	v6, v3, _ =	vpop (xrf1)  }
0x16c: {  	vm2 =	vge.f32 v5, $3.000000010e+38;
	vm3 =	vge.f32 v6, $3.000000010e+38  }
.LBB2_15:
.Ltmp14:
0x16d: {  	(pc) =	sbr.rel .LBB2_19-.Ltmp14, $2  }
0x16e: {  	_ =	sdelay $0x2  }
0x16f: {  	v6 =	vimm.f32 $3.000000010e+38;
	v5 =	vimm.s32 $0x0  }
.LBB2_17:
.Ltmp15:
0x170: {  	(pc) =	sbr.rel .LBB2_19-.Ltmp15, $2  }
0x171: {  	_ =	sdelay $0x2  }
0x172: {  	v6 =	vimm.f32 $3.000000010e+38;
	v5 =	vimm.s32 $0x0  }
.LBB2_4:
.Ltmp16:
0x173: {  	(pc) =	sbr.rel .LBB2_9-.Ltmp16, $2  }
0x174: {  	_ =	sdelay $0x2  }
0x175: {  	_ = 	snop  }
.LBB2_6:
.Ltmp17:
0x176: {  	(pc) =	sbr.rel .LBB2_9-.Ltmp17, $2  }
0x177: {  	_ =	sdelay $0x2  }
0x178: {  	s23 =	simm.s32 $0x0;
	s22 =	simm.s32 $0x10  }
.LBB2_22:
0x179: {  	_ =	sfence.sel $0x180000  }
0x17a: {  	[bflag:$0x0] =	sbarrier.arrive $0xFFFF  }
0x17b: {  	p0 =	sne.s32 s0, $0x0;
	_ =	strace $0x90000047  }
0x17c: {  	s0 =	sadd.s32 @!p0 $0x100000, s1;
	[bflag:$0x2] =	sbarrier.arrive $0xFFFF  }
0x17d: {  	[sflag:s0] =	ssyncadd.tile.s32 @!p0 $0x1;
	_ =	shalt  }
.Lfunc_end2:
_tile_overlayer_lowered:
.L_overlay_start_2:
0x17e: {  	(tag) =	ssettag $0x2  }
0x17f: {  	s0 =	rddreg [dreg:$0x0];
	s2 =	stileid.u32  }
0x180: {  	s1 =	rddreg [dreg:$0x1];
	p0 =	sne.s32 s2, $0x0  }
0x181: {  	s3 =	rddreg [dreg:$0x2];
	[bflag:$0x3] =	sbarrier.arrive $0xFFFF;
	s2 =	simm.s32 @!p0 $0x1C01  }
0x182: {  	[timem:s3], [sflag:s2] =	dma.local @!p0 [hbm:s0], s1  }
0x183: {  	s0 =	simm.s32 @!p0 $0x1  }
0x184: {  	_ =	swait.ge @!p0 [sflag:s0], s1  }
0x185: {  	s1 =	ssub.s32 @!p0 $0x0, s1;
	[sflag:s0] =	ssyncset.done @!p0 $0x0  }
0x186: {  	[sflag:s0] =	ssyncadd.s32 @!p0 s1  }
0x187: {  	[bflag:$0x3] =	sbarrier.arrive $0xFFFF  }
0x188: {  	_ =	shalt  }

// kernel: kernel.13.cloned.1.call-start
scs
__scs_entry_jumppad:
0x0: {  	(pc) =	sbr.rel $0x88, $3  }
0x1: {  	(tag) =	ssettag $0x0;
	lr =	simm.s32 $0x1  }
0x2: {  	[smem:$0x3F93] =	sst lr;
	_ =	strace $0xD0000000  }
0x3: {  	_ = 	snop  }
0x4: {  	_ = 	snop  }
0x5: {  	_ = 	snop  }
0x6: {  	_ = 	snop  }
0x7: {  	_ = 	snop  }
__scs_overlays_trampoline_lowered:
0x8: {  	[smem:$0x3FA2] =	sst s0  }
0x9: {  	[smem:$0x3FA3] =	sst s1  }
0xa: {  	[smem:$0x3FA4] =	sst s2  }
0xb: {  	[smem:$0x3FA5] =	sst s3  }
0xc: {  	[smem:$0x3FA6] =	sst s4  }
0xd: {  	[smem:$0x3FA7] =	sst s5  }
0xe: {  	[smem:$0x3FA8] =	sst s6  }
0xf: {  	[smem:$0x3FA9] =	sst s7  }
0x10: {  	[smem:$0x3FAA] =	sst s8  }
0x11: {  	[smem:$0x3FAB] =	sst s9;
	s0 =	simm.s32 @!p0 $0x0  }
0x12: {  	s1 =	sld [smem:$0x3F91];
	s0 =	simm.s32 @p0 $0x1  }
0x13: {  	[smem:$0x3FAC] =	sst s0;
	s0 =	simm.s32 @!p1 $0x0  }
0x14: {  	s2 =	sld [smem:$0x3F90];
	s0 =	simm.s32 @p1 $0x1  }
0x15: {  	[smem:$0x3FAD] =	sst s0;
	s0 =	simm.s32 @!p2 $0x0  }
0x16: {  	s3 =	sld [smem:$0x3FDB];
	s0 =	simm.s32 @p2 $0x1  }
0x17: {  	s4 =	simm.s32 $0x1BF5;
	[smem:$0x3FAF] =	sst s0  }
0x18: {  	s0 =	sld [smem:$0x3F92];
	_ =	swait.ge [sflag:s4], $0x0  }
0x19: {  	s7 =	sld [smem:$0x3F93]  }
0x1a: {  	s8 =	sadd.s32 $0xFFFFE003, lr  }
0x1b: {  	s9 =	sadd.s32 $0xFFFFFEF7, lr;
	s5 =	simm.s32 $0xFFFFFFFF;
	p2 =	slt.u32 s8, $0xFFFFF086  }
0x1c: {  	p1 =	slt.u32 s9, $0xF7A;
	s5 =	simm.s32 @!p2 $0x0  }
0x1d: {  	s5 =	simm.s32 @p1 $0x1;
	p0 =	seq.s32 s7, s2  }
0x1e: {  	s7 =	smul.u32 @!p0 $0xF7A, s2;
	p2 =	seq.s32 @!p0 s5, $0x0  }
0x1f: {  	s9 =	smul.u32 $0xF7A, s1;
	s8 =	simm.s32 @!p0 $0x1BF5;
	p2 =	por !p2, p0  }
0x20: {  	[sflag:s8] =	ssyncset.s32 @!p0 $0xFFFFF086;
	s6 =	sadd.s32 @!p0 s3, s7;
	s7 =	simm.s32 @!p0 $0x108  }
0x21: {  	s3 =	sadd.s32 s3, s9;
	s6 =	sadd.s32 @!p0 $0x88, s6;
	s7 =	simm.s32 @p2 $0x1082  }
0x22: {  	[simem:s7], [sflag:s8] =	dma.local @!p0 [hbm:s6], $0xF7A  }
0x23: {  	s9 =	sor.u32 $0xD0000000, s2;
	s6 =	simm.s32 $0x108;
	_ =	swait.ge @!p0 [sflag:s8], $0x0  }
0x24: {  	s3 =	sadd.s32 $0x88, s3;
	s6 =	simm.s32 @!p1 $0x1082;
	[sflag:s4] =	ssyncset.s32 $0xFFFFF086  }
0x25: {  	[simem:s6], [sflag:s4] =	dma.local [hbm:s3], $0xF7A  }
0x26: {  	[smem:$0x3F93] =	sst s1;
	(tag) =	ssettag s2;
	_ =	strace s9  }
0x27: {  	s1 =	sld [smem:$0x3FA3]  }
0x28: {  	s2 =	sld [smem:$0x3FA4]  }
0x29: {  	s4 =	sld [smem:$0x3FA6]  }
0x2a: {  	p0 =	seq.s32 s5, $0x0;
	s5 =	sld [smem:$0x3FA7]  }
0x2b: {  	s6 =	sld [smem:$0x3FA8]  }
0x2c: {  	s7 =	sld [smem:$0x3FA9]  }
0x2d: {  	s3 =	simm.s32 $0x108;
	s8 =	sld [smem:$0x3FAA]  }
0x2e: {  	s3 =	simm.s32 @!p0 $0x1082;
	s9 =	sld [smem:$0x3FAB]  }
0x2f: {  	lr =	sadd.s32 s0, s3;
	s0 =	sld [smem:$0x3FA2]  }
0x30: {  	s3 =	sld [smem:$0x3FA5]  }
0x31: {  	[smem:$0x3FAE] =	sst s10  }
0x32: {  	s10 =	sld [smem:$0x3FAC];
	_ =	sdelay $0x3  }
0x33: {  	p0 =	seq.s32 s10, $0x1;
	s10 =	sld [smem:$0x3FAE];
	_ =	sdelay $0x3  }
0x34: {  	[smem:$0x3FAE] =	sst s10  }
0x35: {  	s10 =	sld [smem:$0x3FAD];
	_ =	sdelay $0x3  }
0x36: {  	p1 =	seq.s32 s10, $0x1;
	s10 =	sld [smem:$0x3FAE];
	_ =	sdelay $0x3  }
0x37: {  	[smem:$0x3FAE] =	sst s10  }
0x38: {  	s10 =	sld [smem:$0x3FAF]  }
0x39: {  	_ = 	snop;
	(pc) =	sbr.ind lr, $3  }
0x3a: {  	_ = 	snop  }
0x3b: {  	_ = 	snop  }
0x3c: {  	p2 =	seq.s32 s10, $0x1;
	s10 =	sld [smem:$0x3FAE]  }
0x3d: {  	_ =	shalt  }
0x3e: {  	_ =	shalt  }
0x3f: {  	_ =	shalt  }
0x40: {  	_ =	shalt  }
0x41: {  	_ =	shalt  }
0x42: {  	_ =	shalt  }
0x43: {  	_ =	shalt  }
0x44: {  	_ =	shalt  }
0x45: {  	_ =	shalt  }
0x46: {  	_ =	shalt  }
0x47: {  	_ =	shalt  }
0x48: {  	_ =	shalt  }
0x49: {  	_ =	shalt  }
0x4a: {  	_ =	shalt  }
0x4b: {  	_ =	shalt  }
0x4c: {  	_ =	shalt  }
0x4d: {  	_ =	shalt  }
0x4e: {  	_ =	shalt  }
0x4f: {  	_ =	shalt  }
0x50: {  	_ =	shalt  }
0x51: {  	_ =	shalt  }
0x52: {  	_ =	shalt  }
0x53: {  	_ =	shalt  }
0x54: {  	_ =	shalt  }
0x55: {  	_ =	shalt  }
0x56: {  	_ =	shalt  }
0x57: {  	_ =	shalt  }
0x58: {  	_ =	shalt  }
0x59: {  	_ =	shalt  }
0x5a: {  	_ =	shalt  }
0x5b: {  	_ =	shalt  }
0x5c: {  	_ =	shalt  }
0x5d: {  	_ =	shalt  }
0x5e: {  	_ =	shalt  }
0x5f: {  	_ =	shalt  }
0x60: {  	_ =	shalt  }
0x61: {  	_ =	shalt  }
0x62: {  	_ =	shalt  }
0x63: {  	_ =	shalt  }
0x64: {  	_ =	shalt  }
0x65: {  	_ =	shalt  }
0x66: {  	_ =	shalt  }
0x67: {  	_ =	shalt  }
0x68: {  	_ =	shalt  }
0x69: {  	_ =	shalt  }
0x6a: {  	_ =	shalt  }
0x6b: {  	_ =	shalt  }
0x6c: {  	_ =	shalt  }
0x6d: {  	_ =	shalt  }
0x6e: {  	_ =	shalt  }
0x6f: {  	_ =	shalt  }
0x70: {  	_ =	shalt  }
0x71: {  	_ =	shalt  }
0x72: {  	_ =	shalt  }
0x73: {  	_ =	shalt  }
0x74: {  	_ =	shalt  }
0x75: {  	_ =	shalt  }
0x76: {  	_ =	shalt  }
0x77: {  	_ =	shalt  }
0x78: {  	_ =	shalt  }
0x79: {  	_ =	shalt  }
0x7a: {  	_ =	shalt  }
0x7b: {  	_ =	shalt  }
0x7c: {  	_ =	shalt  }
0x7d: {  	_ =	shalt  }
0x7e: {  	_ =	shalt  }
0x7f: {  	_ =	shalt  }
0x80: {  	_ =	shalt  }
0x81: {  	_ =	shalt  }
0x82: {  	_ =	shalt  }
0x83: {  	_ =	shalt  }
0x84: {  	_ =	shalt  }
0x85: {  	_ =	shalt  }
0x86: {  	_ =	shalt  }
0x87: {  	_ =	shalt  }
.Lfunc_end0:
.L_simem_size_0:
called_computation.1_lowered:
.L_overlay_start_0:
0x88: {  	s2 =	sld [smem:$0x3FD9]  }
0x89: {  	s3 =	sld [smem:$0x3FFE];
	_ =	sdelay $0x1  }
0x8a: {  	s1 =	srdreg.scid  }
0x8b: {  	s0 =	sand.u32 $0x1, s1  }
0x8c: {  	s14 =	sshll.u32 s0, $0xA;
	s2 =	sadd.s32 s3, s2  }
0x8d: {  	s2 =	sadd.s32 s2, s14  }
0x8e: {  	[smem:$0x3FBA] =	sst s2  }
0x8f: {  	_ = 	snop  }
0x90: {  	s2 =	sld [smem:$0x3FD0];
	_ =	sdelay $0x2  }
0x91: {  	s15 =	simm.s32 $0xA;
	s4 =	simm.s32 $0x10  }
0x92: {  	[smem:s4], [sflag:s15] =	dma.local [hbm:s2], $0x1  }
0x93: {  	_ =	swait.eq [sflag:s15], $0x1  }
0x94: {  	[sflag:s15] =	ssyncset.done $0x0  }
0x95: {  	[sflag:s15] =	ssyncadd.s32 $0xFFFFFFFF  }
0x96: {  	s16 =	sld [smem:$0x11];
	(tm) =	ssettm $0x1  }
0x97: {  	s17 =	sld [smem:$0x3FFB];
	_ =	sdelay $0x3  }
0x98: {  	_ =	strace s17  }
0x99: {  	s3 =	sld [smem:$0x3FFC];
	_ =	sdelay $0x3  }
0x9a: {  	_ =	strace s3  }
0x9b: {  	s3 =	sld [smem:$0x3FFD];
	_ =	sdelay $0x3  }
0x9c: {  	_ =	strace s3  }
0x9d: {  	_ =	strace $0x8FFFFFFF  }
0x9e: {  	s18 =	sld [smem:$0x3FDB];
	_ =	sdelay $0x1  }
0x9f: {  	s19 =	simm.s32 $_scs_section_size  }
0xa0: {  	s5 =	simm.s32 $_size__tile_overlayer_lowered;
	s6 =	simm.s32 $_tile_overlayer_lowered  }
0xa1: {  	s22 =	simm.s32 $0x1BFF;
	s21 =	sshll.u32 s6, $0x1;
	s3 =	sadd.s32 s19, s18  }
0xa2: {  	s7 =	simm.s32 $0x0;
	s20 =	sshll.u32 s5, $0x1;
	s5 =	sadd.s32 s21, s3  }
0xa3: {  	[timem:s7], [sflag:s22] =	dma.local [hbm:s5], s20  }
0xa4: {  	_ =	swait.ge [sflag:s22], s20  }
0xa5: {  	s4 =	ssub.s32 $0x0, s20;
	[sflag:s22] =	ssyncset.done $0x0  }
0xa6: {  	[sflag:s22] =	ssyncadd.s32 s4;
	_ =	sdelay $0x1  }
0xa7: {  	s23 =	simm.s32 $0x1B8B  }
0xa8: {  	_ =	swait.ge [sflag:s23], $0x1  }
0xa9: {  	[sflag:s23] =	ssyncset.done $0x0  }
0xaa: {  	s25 =	simm.s32 $0x1B8E;
	s24 =	sld [smem:$0x3FFE];
	[sflag:s23] =	ssyncadd.s32 $0xFFFFFFFF  }
0xab: {  	s26 =	simm.s32 $execute0_lowered;
	[smem:$0x3FD2] =	sst s25  }
0xac: {  	s5 =	sshll.u32 s26, $0x1;
	_ =	strace $0x80000049;
	[dreg:$0x1] =	wrdreg $0xFFFFFFFF  }
0xad: {  	s28 =	simm.s32 $_size_execute0_lowered;
	s3 =	sadd.s32 s3, s5;
	[dreg:$0x0] =	wrdreg $0x0  }
0xae: {  	s5 =	sshll.u32 s28, $0x1;
	[dreg:$0x2] =	wrdreg s3  }
0xaf: {  	[dreg:$0x3] =	wrdreg s5  }
0xb0: {  	[dreg:$0x4] =	wrdreg $0xC0  }
0xb1: {  	_ =	task [dreg:s7], $0x5FFFF  }
0xb2: {  	[dreg:$0x1] =	wrdreg $0xFFFFFFFF  }
0xb3: {  	[dreg:$0x0] =	wrdreg $0x60  }
0xb4: {  	[dreg:$0x2] =	wrdreg s24  }
0xb5: {  	[dreg:$0x3] =	wrdreg s16  }
0xb6: {  	[dreg:$0x4] =	wrdreg $0x9  }
0xb7: {  	_ =	task.clear_ibuf [dreg:s7], $0x5FFFF;
	_ =	strace $0x90000049  }
0xb8: {  	s29 =	simm.s32 $0x9;
	_ =	strace $0x8000004B  }
0xb9: {  	_ =	swait.ge [sflag:s29], $0x1  }
0xba: {  	[sflag:s29] =	ssyncadd.s32 $0xFFFFFFFF  }
0xbb: {  	_ =	strace $0x9000004B  }
0xbc: {  	_ =	sfence  }
0xbd: {  	s30 =	sld [smem:$0x0];
	_ =	sdelay $0x2  }
0xbe: {  	s31 =	sshll.u32 s1, $0xD;
	s1 =	sshrl.u32 s1, $0x2  }
0xbf: {  	s3 =	sand.u32 $0x4000, s31;
	s1 =	sadd.s32 s1, s30  }
0xc0: {  	s0 =	sor.u32 s3, s0;
	s1 =	sshll.u32 s1, $0x11  }
0xc1: {  	s0 =	sor.u32 s1, s0  }
0xc2: {  	s0 =	sadd.s32 $0x8F2B, s0  }
0xc3: {  	[sflag:s0] =	ssyncadd.remote.s32 $0x1  }
0xc4: {  	_ =	sfence.sel $0xFFFF  }
0xc5: {  	[dreg:$0x0] =	wrdreg $0xFFFFFFFF;
	(pc) =	sbr.abs _section_cstart, $3  }
0xc6: {  	[dreg:$0x1] =	wrdreg $0xFFFFFFFF  }
0xc7: {  	_ =	task.clear_ibuf [dreg:s7], $0x2FFFF;
	_ =	strace $0x9FFFFFFF  }
0xc8: {  	(tm) =	ssettm $0x7FFFFFFF  }
0xc9: {  	_ =	shalt  }
tec
execute0_lowered:
.L_overlay_start_1:
0x0: {  	(tag) =	ssettag $0x1  }
0x1: {  	s1 =	srdreg.scid  }
0x2: {  	s0 =	stileid.u32;
	s6 =	rddreg [dreg:$0x0]  }
0x3: {  	s8 =	rddreg [dreg:$0x1];
	s2 =	simm.s32 $0x0;
	s4 =	simm.s32 $0x1  }
0x4: {  	s15 =	simm.s32 $0xA000;
	s16 =	simm.s32 $0x3;
	s18 =	simm.s32 $0xE000  }
0x5: {  	s19 =	simm.s32 $0x0;
	s5 =	sand.u32 $0x1, s1;
	s1 =	rddreg [dreg:$0x2]  }
0x6: {  	s28 =	sshll.u32 s0, $0x1;
	[smem:$0x7FF] =	sst s2;
	s3 =	sadd.s32 $0x211A00, s6  }
0x7: {  	s7 =	sor.u32 s5, s28;
	p1 =	seq.s32 s5, $0x1;
	_ =	strace $0x8000004A  }
0x8: {  	s12 =	sshll.u32 s5, $0x8;
	s5 =	ssub.s32 $0x2, s5;
	p0 =	seq.s32 s7, $0x0  }
0x9: {  	s9 =	sshll.u32 s7, $0xA;
	s7 =	sshll.u32 s7, $0x7;
	p0 =	por !p0, !p1  }
0xa: {  	s30 =	sshrl.u32 s5, $0x1;
	s9 =	sadd.s32 s9, s6;
	p0 =	por !p0, !p0  }
0xb: {  	s29 =	sadd.s32 s7, s6;
	s13 =	ssub.s32 s5, s30;
	s4 =	simm.s32 @!p0 $0x0  }
0xc: {  	s5 =	simm.s32 $0x1;
	s7 =	sadd.s32 $0x9A00, s9;
	s10 =	ssub.s32 s0, s4  }
0xd: {  	s9 =	sadd.s32 $0x3A00, s29;
	s4 =	sadd.s32 $0x311A00, s6;
	s11 =	sshll.u32 s10, $0x9  }
0xe: {  	s17 =	sshll.u32 s10, $0xC;
	s10 =	smax.u32 s13, $0x1;
	s11 =	sor.u32 s12, s11  }
0xf: {  	s13 =	simm.s32 $0x80;
	s12 =	simm.s32 $0x2000;
	s31 =	sshll.u32 s11, $0x3  }
0x10: {  	v0 =	vmov s17;
	s17 =	simm.s32 $0x2;
	s6 =	sshll.u32 s11, $0xC;
	s14 =	sand.u32 $0x1FFFF800, s31  }
0x11: {  	v1 =	vimm.f32 $0.0e+00;
	s11 =	simm.s32 $0x4;
	s8 =	sadd.s32 s8, s14;
	s14 =	simm.s32 $0x6000  }
.LBB2_1:
0x12: {  	[tilespmem:s2], [sflag:$0x4] =	stream.linear.gather [hbm4b:s7+s2], $0x2000, $0x38;
	[tilespmem:$0xE400] =	vst v63  }
0x13: {  	_ =	swait.ge [sflag:s11], $0x2000  }
0x14: {  	[sflag:s11] =	ssyncset.done $0x0  }
0x15: {  	[sflag:s11] =	ssyncadd.s32 $0xFFFFE000  }
0x16: {  	[tilespmem:s12], [sflag:$0x4] =	stream.linear.gather [hbm4b:s8+s2], $0x4000, $0x38;
	[tilespmem:$0xE400] =	vst v63  }
0x17: {  	_ =	swait.ge [sflag:s11], $0x4000  }
0x18: {  	[sflag:s11] =	ssyncset.done $0x0  }
0x19: {  	s20 =	simm.s32 $0x0;
	s21 =	simm.s32 $0x40;
	[sflag:s11] =	ssyncadd.s32 $0xFFFFC000  }
.LBB2_2:
0x1a: {  	p0 =	sne.s32 s21, $0x7FC0;
	v2 =	vld [tilespmem:s20+$0x0];
	_ =	sdelay $0x1  }
.Ltmp0:
0x1b: {  	(pc) =	sbr.rel @p0 .LBB2_2-.Ltmp0, $3  }
0x1c: {  	_ =	sdelay $0x1  }
0x1d: {  	v2 =	vadd.s32 v0, v2  }
0x1e: {  	[tilespmem:s20+$0x0] =	vst v2;
	s20 =	sshra.s32 s21, $0x2;
	s21 =	sadd.s32 $0x40, s21  }
0x1f: {  	v2 =	vld [tilespmem:s20+$0x0];
	_ =	sdelay $0x4  }
0x20: {  	v2 =	vadd.s32 v0, v2  }
0x21: {  	[tilespmem:s20+$0x0] =	vst v2  }
0x22: {  	[tilespmem:$0xE000] =	vst v1  }
0x23: {  	[tilespmem:$0xE010] =	vst v1  }
0x24: {  	[tilespmem:$0xE020] =	vst v1  }
0x25: {  	[tilespmem:$0xE030] =	vst v1  }
0x26: {  	[tilespmem:$0xE040] =	vst v1  }
0x27: {  	[tilespmem:$0xE050] =	vst v1  }
0x28: {  	[tilespmem:$0xE060] =	vst v1  }
0x29: {  	[tilespmem:$0xE070] =	vst v1  }
0x2a: {  	[tilespmem:$0xE080] =	vst v1  }
0x2b: {  	[tilespmem:$0xE090] =	vst v1  }
0x2c: {  	[tilespmem:$0xE0A0] =	vst v1  }
0x2d: {  	[tilespmem:$0xE0B0] =	vst v1  }
0x2e: {  	[tilespmem:$0xE0C0] =	vst v1  }
0x2f: {  	[tilespmem:$0xE0D0] =	vst v1  }
0x30: {  	[tilespmem:$0xE0E0] =	vst v1  }
0x31: {  	[tilespmem:$0xE0F0] =	vst v1  }
0x32: {  	[tilespmem:$0xE100] =	vst v1  }
0x33: {  	[tilespmem:$0xE110] =	vst v1  }
0x34: {  	[tilespmem:$0xE120] =	vst v1  }
0x35: {  	[tilespmem:$0xE130] =	vst v1  }
0x36: {  	[tilespmem:$0xE140] =	vst v1  }
0x37: {  	[tilespmem:$0xE150] =	vst v1  }
0x38: {  	[tilespmem:$0xE160] =	vst v1  }
0x39: {  	[tilespmem:$0xE170] =	vst v1  }
0x3a: {  	[tilespmem:$0xE180] =	vst v1  }
0x3b: {  	[tilespmem:$0xE190] =	vst v1  }
0x3c: {  	[tilespmem:$0xE1A0] =	vst v1  }
0x3d: {  	[tilespmem:$0xE1B0] =	vst v1  }
0x3e: {  	[tilespmem:$0xE1C0] =	vst v1  }
0x3f: {  	[tilespmem:$0xE1D0] =	vst v1  }
0x40: {  	[tilespmem:$0xE1E0] =	vst v1  }
0x41: {  	[tilespmem:$0xE1F0] =	vst v1  }
0x42: {  	[tilespmem:$0xE200] =	vst v1  }
0x43: {  	[tilespmem:$0xE210] =	vst v1  }
0x44: {  	[tilespmem:$0xE220] =	vst v1  }
0x45: {  	[tilespmem:$0xE230] =	vst v1  }
0x46: {  	[tilespmem:$0xE240] =	vst v1  }
0x47: {  	[tilespmem:$0xE250] =	vst v1  }
0x48: {  	[tilespmem:$0xE260] =	vst v1  }
0x49: {  	[tilespmem:$0xE270] =	vst v1  }
0x4a: {  	[tilespmem:$0xE280] =	vst v1  }
0x4b: {  	[tilespmem:$0xE290] =	vst v1  }
0x4c: {  	[tilespmem:$0xE2A0] =	vst v1  }
0x4d: {  	[tilespmem:$0xE2B0] =	vst v1  }
0x4e: {  	[tilespmem:$0xE2C0] =	vst v1  }
0x4f: {  	[tilespmem:$0xE2D0] =	vst v1  }
0x50: {  	[tilespmem:$0xE2E0] =	vst v1  }
0x51: {  	[tilespmem:$0xE2F0] =	vst v1  }
0x52: {  	[tilespmem:$0xE300] =	vst v1  }
0x53: {  	[tilespmem:$0xE310] =	vst v1  }
0x54: {  	[tilespmem:$0xE320] =	vst v1  }
0x55: {  	[tilespmem:$0xE330] =	vst v1  }
0x56: {  	[tilespmem:$0xE340] =	vst v1  }
0x57: {  	[tilespmem:$0xE350] =	vst v1  }
0x58: {  	[tilespmem:$0xE360] =	vst v1  }
0x59: {  	[tilespmem:$0xE370] =	vst v1  }
0x5a: {  	[tilespmem:$0xE380] =	vst v1  }
0x5b: {  	[tilespmem:$0xE390] =	vst v1  }
0x5c: {  	[tilespmem:$0xE3A0] =	vst v1  }
0x5d: {  	[tilespmem:$0xE3B0] =	vst v1  }
0x5e: {  	[tilespmem:$0xE3C0] =	vst v1  }
0x5f: {  	[tilespmem:$0xE3D0] =	vst v1  }
0x60: {  	[tilespmem:$0xE3E0] =	vst v1  }
0x61: {  	s20 =	simm.s32 $0x0;
	[tilespmem:$0xE3F0] =	vst v1  }
0x62: {  	[tilespmem:s14], [sflag:$0x1] =	stream.indirect.gather [hbm4b:s3+s13], $0x80, s20, s13, $0xb8;
	[tilespmem:$0xE400] =	vst v63  }
.LBB2_4:
0x63: {  	s21 =	sshllo.u32 s20, $0x1  }
0x64: {  	s22 =	sshll.u32 s21, $0x7  }
0x65: {  	s31 =	sshll.u32 s20, $0x9;
	s22 =	sand.u32 $0x3FFFFF80, s22  }
0x66: {  	[tilespmem:s15], [sflag:$0x2] =	stream.indirect.gather [hbm4b:s3+s13], $0x80, s22, s13, $0xb8;
	[tilespmem:$0xE400] =	vst v63  }
0x67: {  	s22 =	sand.u32 $0x3FFFFE00, s31  }
0x68: {  	s23 =	sadd.s32 $0x2000, s22  }
0x69: {  	v2 =	vmov s23  }
0x6a: {  	_ =	swait.ge [sflag:s5], $0x4000  }
0x6b: {  	[sflag:s5] =	ssyncset.done $0x0  }
0x6c: {  	s22 =	simm.s32 $0x6200;
	s23 =	simm.s32 $0x0;
	[sflag:s5] =	ssyncadd.s32 $0xFFFFC000  }
.LBB2_5:
0x6d: {  	s24 =	sand.u32 $0xC0, s23;
	v3 =	vld [tilespmem:s22+$0xFFFFFE00]  }
0x6e: {  	v4 =	vld.idx.msk [tilespmem:v2+s24+$0x0 ss:$0x1], $0xffff;
	_ =	sdelay $0x4  }
0x6f: {  	v3 =	vsub.f32 v3, v4;
	_ =	sdelay $0x1  }
0x70: {  	[tilespmem:s22+$0xFFFFFE00] =	vst v3  }
0x71: {  	v48 =	vld [tilespmem:$0xE000]  }
0x72: {  	v5 =	vld [tilespmem:$0xE080];
	_ =	sdelay $0x2  }
0x73: {  	v6 =	vmul.f32 v3, v3  }
0x74: {  	v3 =	vadd.f32 v48, v3  }
0x75: {  	v49 =	vadd.f32 v5, v6  }
0x76: {  	[tilespmem:$0xE000] =	vst v3  }
0x77: {  	[tilespmem:$0xE080] =	vst v49  }
0x78: {  	v3 =	vld [tilespmem:s22+$0xFFFFFE10]  }
0x79: {  	v4 =	vld.idx.msk [tilespmem:v2+s24+$0x10 ss:$0x1], $0xffff;
	_ =	sdelay $0x4  }
0x7a: {  	v3 =	vsub.f32 v3, v4;
	_ =	sdelay $0x1  }
0x7b: {  	[tilespmem:s22+$0xFFFFFE10] =	vst v3  }
0x7c: {  	v50 =	vld [tilespmem:$0xE010]  }
0x7d: {  	v51 =	vld [tilespmem:$0xE090];
	_ =	sdelay $0x2  }
0x7e: {  	v52 =	vmul.f32 v3, v3  }
0x7f: {  	v3 =	vadd.f32 v50, v3  }
0x80: {  	v53 =	vadd.f32 v51, v52  }
0x81: {  	[tilespmem:$0xE010] =	vst v3  }
0x82: {  	[tilespmem:$0xE090] =	vst v53  }
0x83: {  	v3 =	vld [tilespmem:s22+$0xFFFFFE20]  }
0x84: {  	v4 =	vld.idx.msk [tilespmem:v2+s24+$0x20 ss:$0x1], $0xffff;
	_ =	sdelay $0x4  }
0x85: {  	v3 =	vsub.f32 v3, v4;
	_ =	sdelay $0x1  }
0x86: {  	[tilespmem:s22+$0xFFFFFE20] =	vst v3  }
0x87: {  	v54 =	vld [tilespmem:$0xE020]  }
0x88: {  	v55 =	vld [tilespmem:$0xE0A0];
	_ =	sdelay $0x2  }
0x89: {  	v56 =	vmul.f32 v3, v3  }
0x8a: {  	v3 =	vadd.f32 v54, v3  }
0x8b: {  	v57 =	vadd.f32 v55, v56  }
0x8c: {  	[tilespmem:$0xE020] =	vst v3  }
0x8d: {  	[tilespmem:$0xE0A0] =	vst v57  }
0x8e: {  	v3 =	vld [tilespmem:s22+$0xFFFFFE30]  }
0x8f: {  	v4 =	vld.idx.msk [tilespmem:v2+s24+$0x30 ss:$0x1], $0xffff;
	_ =	sdelay $0x4  }
0x90: {  	v3 =	vsub.f32 v3, v4;
	_ =	sdelay $0x1  }
0x91: {  	[tilespmem:s22+$0xFFFFFE30] =	vst v3  }
0x92: {  	v58 =	vld [tilespmem:$0xE030]  }
0x93: {  	v59 =	vld [tilespmem:$0xE0B0];
	_ =	sdelay $0x2  }
0x94: {  	v60 =	vmul.f32 v3, v3  }
0x95: {  	v3 =	vadd.f32 v58, v3  }
0x96: {  	v61 =	vadd.f32 v59, v60  }
0x97: {  	[tilespmem:$0xE030] =	vst v3  }
0x98: {  	[tilespmem:$0xE0B0] =	vst v61  }
0x99: {  	v3 =	vld [tilespmem:s22+$0xFFFFFE80]  }
0x9a: {  	v4 =	vld.idx.msk [tilespmem:v2+s24+$0x0 ss:$0x1], $0xffff;
	_ =	sdelay $0x4  }
0x9b: {  	v3 =	vsub.f32 v3, v4;
	_ =	sdelay $0x1  }
0x9c: {  	[tilespmem:s22+$0xFFFFFE80] =	vst v3  }
0x9d: {  	v62 =	vld [tilespmem:$0xE000]  }
0x9e: {  	v63 =	vld [tilespmem:$0xE080];
	_ =	sdelay $0x2  }
0x9f: {  	v9 =	vmul.f32 v3, v3  }
0xa0: {  	v3 =	vadd.f32 v62, v3  }
0xa1: {  	v10 =	vadd.f32 v63, v9  }
0xa2: {  	[tilespmem:$0xE000] =	vst v3  }
0xa3: {  	[tilespmem:$0xE080] =	vst v10  }
0xa4: {  	v3 =	vld [tilespmem:s22+$0xFFFFFE90]  }
0xa5: {  	v4 =	vld.idx.msk [tilespmem:v2+s24+$0x10 ss:$0x1], $0xffff;
	_ =	sdelay $0x4  }
0xa6: {  	v3 =	vsub.f32 v3, v4;
	_ =	sdelay $0x1  }
0xa7: {  	[tilespmem:s22+$0xFFFFFE90] =	vst v3  }
0xa8: {  	v11 =	vld [tilespmem:$0xE010]  }
0xa9: {  	v12 =	vld [tilespmem:$0xE090];
	_ =	sdelay $0x2  }
0xaa: {  	v13 =	vmul.f32 v3, v3  }
0xab: {  	v3 =	vadd.f32 v11, v3  }
0xac: {  	v14 =	vadd.f32 v12, v13  }
0xad: {  	[tilespmem:$0xE010] =	vst v3  }
0xae: {  	[tilespmem:$0xE090] =	vst v14  }
0xaf: {  	v3 =	vld [tilespmem:s22+$0xFFFFFEA0]  }
0xb0: {  	v4 =	vld.idx.msk [tilespmem:v2+s24+$0x20 ss:$0x1], $0xffff;
	_ =	sdelay $0x4  }
0xb1: {  	v3 =	vsub.f32 v3, v4;
	_ =	sdelay $0x1  }
0xb2: {  	[tilespmem:s22+$0xFFFFFEA0] =	vst v3  }
0xb3: {  	v15 =	vld [tilespmem:$0xE020]  }
0xb4: {  	v16 =	vld [tilespmem:$0xE0A0];
	_ =	sdelay $0x2  }
0xb5: {  	v17 =	vmul.f32 v3, v3  }
0xb6: {  	v3 =	vadd.f32 v15, v3  }
0xb7: {  	v18 =	vadd.f32 v16, v17  }
0xb8: {  	[tilespmem:$0xE020] =	vst v3  }
0xb9: {  	[tilespmem:$0xE0A0] =	vst v18  }
0xba: {  	v3 =	vld [tilespmem:s22+$0xFFFFFEB0]  }
0xbb: {  	v4 =	vld.idx.msk [tilespmem:v2+s24+$0x30 ss:$0x1], $0xffff;
	_ =	sdelay $0x4  }
0xbc: {  	v3 =	vsub.f32 v3, v4;
	_ =	sdelay $0x1  }
0xbd: {  	[tilespmem:s22+$0xFFFFFEB0] =	vst v3  }
0xbe: {  	v19 =	vld [tilespmem:$0xE030]  }
0xbf: {  	v20 =	vld [tilespmem:$0xE0B0];
	_ =	sdelay $0x2  }
0xc0: {  	v21 =	vmul.f32 v3, v3  }
0xc1: {  	v3 =	vadd.f32 v19, v3  }
0xc2: {  	v22 =	vadd.f32 v20, v21  }
0xc3: {  	[tilespmem:$0xE030] =	vst v3  }
0xc4: {  	[tilespmem:$0xE0B0] =	vst v22  }
0xc5: {  	v3 =	vld [tilespmem:s22+$0xFFFFFF00]  }
0xc6: {  	v4 =	vld.idx.msk [tilespmem:v2+s24+$0x0 ss:$0x1], $0xffff;
	_ =	sdelay $0x4  }
0xc7: {  	v3 =	vsub.f32 v3, v4;
	_ =	sdelay $0x1  }
0xc8: {  	[tilespmem:s22+$0xFFFFFF00] =	vst v3  }
0xc9: {  	v23 =	vld [tilespmem:$0xE000]  }
0xca: {  	v24 =	vld [tilespmem:$0xE080];
	_ =	sdelay $0x2  }
0xcb: {  	v25 =	vmul.f32 v3, v3  }
0xcc: {  	v3 =	vadd.f32 v23, v3  }
0xcd: {  	v26 =	vadd.f32 v24, v25  }
0xce: {  	[tilespmem:$0xE000] =	vst v3  }
0xcf: {  	[tilespmem:$0xE080] =	vst v26  }
0xd0: {  	v3 =	vld [tilespmem:s22+$0xFFFFFF10]  }
0xd1: {  	v4 =	vld.idx.msk [tilespmem:v2+s24+$0x10 ss:$0x1], $0xffff;
	_ =	sdelay $0x4  }
0xd2: {  	v3 =	vsub.f32 v3, v4;
	_ =	sdelay $0x1  }
0xd3: {  	[tilespmem:s22+$0xFFFFFF10] =	vst v3  }
0xd4: {  	v27 =	vld [tilespmem:$0xE010]  }
0xd5: {  	v28 =	vld [tilespmem:$0xE090];
	_ =	sdelay $0x2  }
0xd6: {  	v29 =	vmul.f32 v3, v3  }
0xd7: {  	v3 =	vadd.f32 v27, v3  }
0xd8: {  	v30 =	vadd.f32 v28, v29  }
0xd9: {  	[tilespmem:$0xE010] =	vst v3  }
0xda: {  	[tilespmem:$0xE090] =	vst v30  }
0xdb: {  	v3 =	vld [tilespmem:s22+$0xFFFFFF20]  }
0xdc: {  	v4 =	vld.idx.msk [tilespmem:v2+s24+$0x20 ss:$0x1], $0xffff;
	_ =	sdelay $0x4  }
0xdd: {  	v3 =	vsub.f32 v3, v4;
	_ =	sdelay $0x1  }
0xde: {  	[tilespmem:s22+$0xFFFFFF20] =	vst v3  }
0xdf: {  	v31 =	vld [tilespmem:$0xE020]  }
0xe0: {  	v32 =	vld [tilespmem:$0xE0A0];
	_ =	sdelay $0x2  }
0xe1: {  	v33 =	vmul.f32 v3, v3  }
0xe2: {  	v3 =	vadd.f32 v31, v3  }
0xe3: {  	v34 =	vadd.f32 v32, v33  }
0xe4: {  	[tilespmem:$0xE020] =	vst v3  }
0xe5: {  	[tilespmem:$0xE0A0] =	vst v34  }
0xe6: {  	v3 =	vld [tilespmem:s22+$0xFFFFFF30]  }
0xe7: {  	v4 =	vld.idx.msk [tilespmem:v2+s24+$0x30 ss:$0x1], $0xffff;
	_ =	sdelay $0x4  }
0xe8: {  	v3 =	vsub.f32 v3, v4;
	_ =	sdelay $0x1  }
0xe9: {  	[tilespmem:s22+$0xFFFFFF30] =	vst v3  }
0xea: {  	v35 =	vld [tilespmem:$0xE030]  }
0xeb: {  	v36 =	vld [tilespmem:$0xE0B0];
	_ =	sdelay $0x2  }
0xec: {  	v37 =	vmul.f32 v3, v3  }
0xed: {  	v3 =	vadd.f32 v35, v3  }
0xee: {  	v38 =	vadd.f32 v36, v37  }
0xef: {  	[tilespmem:$0xE030] =	vst v3  }
0xf0: {  	[tilespmem:$0xE0B0] =	vst v38  }
0xf1: {  	v3 =	vld [tilespmem:s22+$0xFFFFFF80]  }
0xf2: {  	v4 =	vld.idx.msk [tilespmem:v2+s24+$0x0 ss:$0x1], $0xffff;
	_ =	sdelay $0x4  }
0xf3: {  	v3 =	vsub.f32 v3, v4;
	_ =	sdelay $0x1  }
0xf4: {  	[tilespmem:s22+$0xFFFFFF80] =	vst v3  }
0xf5: {  	v39 =	vld [tilespmem:$0xE000]  }
0xf6: {  	v40 =	vld [tilespmem:$0xE080];
	_ =	sdelay $0x2  }
0xf7: {  	v41 =	vmul.f32 v3, v3  }
0xf8: {  	v3 =	vadd.f32 v39, v3  }
0xf9: {  	v42 =	vadd.f32 v40, v41  }
0xfa: {  	[tilespmem:$0xE000] =	vst v3  }
0xfb: {  	[tilespmem:$0xE080] =	vst v42  }
0xfc: {  	v3 =	vld [tilespmem:s22+$0xFFFFFF90]  }
0xfd: {  	v4 =	vld.idx.msk [tilespmem:v2+s24+$0x10 ss:$0x1], $0xffff;
	_ =	sdelay $0x4  }
0xfe: {  	v3 =	vsub.f32 v3, v4;
	_ =	sdelay $0x1  }
0xff: {  	[tilespmem:s22+$0xFFFFFF90] =	vst v3  }
0x100: {  	v43 =	vld [tilespmem:$0xE010]  }
0x101: {  	v44 =	vld [tilespmem:$0xE090];
	_ =	sdelay $0x2  }
0x102: {  	v45 =	vmul.f32 v3, v3  }
0x103: {  	v3 =	vadd.f32 v43, v3  }
0x104: {  	v46 =	vadd.f32 v44, v45  }
0x105: {  	[tilespmem:$0xE010] =	vst v3  }
0x106: {  	[tilespmem:$0xE090] =	vst v46  }
0x107: {  	v3 =	vld [tilespmem:s22+$0xFFFFFFA0]  }
0x108: {  	v4 =	vld.idx.msk [tilespmem:v2+s24+$0x20 ss:$0x1], $0xffff;
	_ =	sdelay $0x4  }
0x109: {  	v3 =	vsub.f32 v3, v4;
	_ =	sdelay $0x1  }
0x10a: {  	[tilespmem:s22+$0xFFFFFFA0] =	vst v3  }
0x10b: {  	v47 =	vld [tilespmem:$0xE020]  }
0x10c: {  	v48 =	vld [tilespmem:$0xE0A0];
	_ =	sdelay $0x2  }
0x10d: {  	v49 =	vmul.f32 v3, v3  }
0x10e: {  	v3 =	vadd.f32 v47, v3  }
0x10f: {  	v50 =	vadd.f32 v48, v49  }
0x110: {  	[tilespmem:$0xE020] =	vst v3  }
0x111: {  	[tilespmem:$0xE0A0] =	vst v50  }
0x112: {  	v3 =	vld [tilespmem:s22+$0xFFFFFFB0]  }
0x113: {  	v4 =	vld.idx.msk [tilespmem:v2+s24+$0x30 ss:$0x1], $0xffff;
	_ =	sdelay $0x4  }
0x114: {  	v3 =	vsub.f32 v3, v4;
	_ =	sdelay $0x1  }
0x115: {  	[tilespmem:s22+$0xFFFFFFB0] =	vst v3  }
0x116: {  	v51 =	vld [tilespmem:$0xE030]  }
0x117: {  	v52 =	vld [tilespmem:$0xE0B0];
	_ =	sdelay $0x2  }
0x118: {  	v53 =	vmul.f32 v3, v3  }
0x119: {  	v3 =	vadd.f32 v51, v3  }
0x11a: {  	v54 =	vadd.f32 v52, v53  }
0x11b: {  	[tilespmem:$0xE030] =	vst v3  }
0x11c: {  	[tilespmem:$0xE0B0] =	vst v54  }
0x11d: {  	v3 =	vld [tilespmem:s22+$0x0]  }
0x11e: {  	v4 =	vld.idx.msk [tilespmem:v2+s24+$0x0 ss:$0x1], $0xffff;
	_ =	sdelay $0x4  }
0x11f: {  	v3 =	vsub.f32 v3, v4;
	_ =	sdelay $0x1  }
0x120: {  	[tilespmem:s22+$0x0] =	vst v3  }
0x121: {  	v55 =	vld [tilespmem:$0xE000]  }
0x122: {  	v56 =	vld [tilespmem:$0xE080];
	_ =	sdelay $0x2  }
0x123: {  	v57 =	vmul.f32 v3, v3  }
0x124: {  	v3 =	vadd.f32 v55, v3  }
0x125: {  	v58 =	vadd.f32 v56, v57  }
0x126: {  	[tilespmem:$0xE000] =	vst v3  }
0x127: {  	[tilespmem:$0xE080] =	vst v58  }
0x128: {  	v3 =	vld [tilespmem:s22+$0x10]  }
0x129: {  	v4 =	vld.idx.msk [tilespmem:v2+s24+$0x10 ss:$0x1], $0xffff;
	_ =	sdelay $0x4  }
0x12a: {  	v3 =	vsub.f32 v3, v4;
	_ =	sdelay $0x1  }
0x12b: {  	[tilespmem:s22+$0x10] =	vst v3  }
0x12c: {  	v59 =	vld [tilespmem:$0xE010]  }
0x12d: {  	v60 =	vld [tilespmem:$0xE090];
	_ =	sdelay $0x2  }
0x12e: {  	v61 =	vmul.f32 v3, v3  }
0x12f: {  	v3 =	vadd.f32 v59, v3  }
0x130: {  	v62 =	vadd.f32 v60, v61  }
0x131: {  	[tilespmem:$0xE010] =	vst v3  }
0x132: {  	[tilespmem:$0xE090] =	vst v62  }
0x133: {  	v3 =	vld [tilespmem:s22+$0x20]  }
0x134: {  	v4 =	vld.idx.msk [tilespmem:v2+s24+$0x20 ss:$0x1], $0xffff;
	_ =	sdelay $0x4  }
0x135: {  	v3 =	vsub.f32 v3, v4;
	_ =	sdelay $0x1  }
0x136: {  	[tilespmem:s22+$0x20] =	vst v3  }
0x137: {  	v63 =	vld [tilespmem:$0xE020]  }
0x138: {  	v9 =	vld [tilespmem:$0xE0A0];
	_ =	sdelay $0x2  }
0x139: {  	v10 =	vmul.f32 v3, v3  }
0x13a: {  	v3 =	vadd.f32 v63, v3  }
0x13b: {  	v11 =	vadd.f32 v9, v10  }
0x13c: {  	[tilespmem:$0xE020] =	vst v3  }
0x13d: {  	[tilespmem:$0xE0A0] =	vst v11  }
0x13e: {  	v3 =	vld [tilespmem:s22+$0x30]  }
0x13f: {  	v4 =	vld.idx.msk [tilespmem:v2+s24+$0x30 ss:$0x1], $0xffff;
	_ =	sdelay $0x4  }
0x140: {  	v3 =	vsub.f32 v3, v4;
	_ =	sdelay $0x1  }
0x141: {  	[tilespmem:s22+$0x30] =	vst v3  }
0x142: {  	v12 =	vld [tilespmem:$0xE030]  }
0x143: {  	v13 =	vld [tilespmem:$0xE0B0];
	_ =	sdelay $0x2  }
0x144: {  	v14 =	vmul.f32 v3, v3  }
0x145: {  	v3 =	vadd.f32 v12, v3  }
0x146: {  	v15 =	vadd.f32 v13, v14  }
0x147: {  	[tilespmem:$0xE030] =	vst v3  }
0x148: {  	[tilespmem:$0xE0B0] =	vst v15  }
0x149: {  	v3 =	vld [tilespmem:s22+$0x80]  }
0x14a: {  	v4 =	vld.idx.msk [tilespmem:v2+s24+$0x0 ss:$0x1], $0xffff;
	_ =	sdelay $0x4  }
0x14b: {  	v3 =	vsub.f32 v3, v4;
	_ =	sdelay $0x1  }
0x14c: {  	[tilespmem:s22+$0x80] =	vst v3  }
0x14d: {  	v16 =	vld [tilespmem:$0xE000]  }
0x14e: {  	v17 =	vld [tilespmem:$0xE080];
	_ =	sdelay $0x2  }
0x14f: {  	v18 =	vmul.f32 v3, v3  }
0x150: {  	v3 =	vadd.f32 v16, v3  }
0x151: {  	v19 =	vadd.f32 v17, v18  }
0x152: {  	[tilespmem:$0xE000] =	vst v3  }
0x153: {  	[tilespmem:$0xE080] =	vst v19  }
0x154: {  	v3 =	vld [tilespmem:s22+$0x90]  }
0x155: {  	v4 =	vld.idx.msk [tilespmem:v2+s24+$0x10 ss:$0x1], $0xffff;
	_ =	sdelay $0x4  }
0x156: {  	v3 =	vsub.f32 v3, v4;
	_ =	sdelay $0x1  }
0x157: {  	[tilespmem:s22+$0x90] =	vst v3  }
0x158: {  	v20 =	vld [tilespmem:$0xE010]  }
0x159: {  	v21 =	vld [tilespmem:$0xE090];
	_ =	sdelay $0x2  }
0x15a: {  	v22 =	vmul.f32 v3, v3  }
0x15b: {  	v3 =	vadd.f32 v20, v3  }
0x15c: {  	v23 =	vadd.f32 v21, v22  }
0x15d: {  	[tilespmem:$0xE010] =	vst v3  }
0x15e: {  	[tilespmem:$0xE090] =	vst v23  }
0x15f: {  	v3 =	vld [tilespmem:s22+$0xA0]  }
0x160: {  	v4 =	vld.idx.msk [tilespmem:v2+s24+$0x20 ss:$0x1], $0xffff;
	_ =	sdelay $0x4  }
0x161: {  	v3 =	vsub.f32 v3, v4;
	_ =	sdelay $0x1  }
0x162: {  	[tilespmem:s22+$0xA0] =	vst v3  }
0x163: {  	v24 =	vld [tilespmem:$0xE020]  }
0x164: {  	v25 =	vld [tilespmem:$0xE0A0];
	_ =	sdelay $0x2  }
0x165: {  	v26 =	vmul.f32 v3, v3  }
0x166: {  	v3 =	vadd.f32 v24, v3  }
0x167: {  	v27 =	vadd.f32 v25, v26  }
0x168: {  	[tilespmem:$0xE020] =	vst v3  }
0x169: {  	[tilespmem:$0xE0A0] =	vst v27  }
0x16a: {  	v3 =	vld [tilespmem:s22+$0xB0]  }
0x16b: {  	v4 =	vld.idx.msk [tilespmem:v2+s24+$0x30 ss:$0x1], $0xffff;
	_ =	sdelay $0x4  }
0x16c: {  	v3 =	vsub.f32 v3, v4;
	_ =	sdelay $0x1  }
0x16d: {  	[tilespmem:s22+$0xB0] =	vst v3  }
0x16e: {  	v28 =	vld [tilespmem:$0xE030]  }
0x16f: {  	v29 =	vld [tilespmem:$0xE0B0];
	_ =	sdelay $0x2  }
0x170: {  	v30 =	vmul.f32 v3, v3  }
0x171: {  	v3 =	vadd.f32 v28, v3  }
0x172: {  	v31 =	vadd.f32 v29, v30  }
0x173: {  	[tilespmem:$0xE030] =	vst v3  }
0x174: {  	[tilespmem:$0xE0B0] =	vst v31  }
0x175: {  	v3 =	vld [tilespmem:s22+$0x100]  }
0x176: {  	v4 =	vld.idx.msk [tilespmem:v2+s24+$0x0 ss:$0x1], $0xffff;
	_ =	sdelay $0x4  }
0x177: {  	v3 =	vsub.f32 v3, v4;
	_ =	sdelay $0x1  }
0x178: {  	[tilespmem:s22+$0x100] =	vst v3  }
0x179: {  	v32 =	vld [tilespmem:$0xE000]  }
0x17a: {  	v33 =	vld [tilespmem:$0xE080];
	_ =	sdelay $0x2  }
0x17b: {  	v34 =	vmul.f32 v3, v3  }
0x17c: {  	v3 =	vadd.f32 v32, v3  }
0x17d: {  	v35 =	vadd.f32 v33, v34  }
0x17e: {  	[tilespmem:$0xE000] =	vst v3  }
0x17f: {  	[tilespmem:$0xE080] =	vst v35  }
0x180: {  	v3 =	vld [tilespmem:s22+$0x110]  }
0x181: {  	v4 =	vld.idx.msk [tilespmem:v2+s24+$0x10 ss:$0x1], $0xffff;
	_ =	sdelay $0x4  }
0x182: {  	v3 =	vsub.f32 v3, v4;
	_ =	sdelay $0x1  }
0x183: {  	[tilespmem:s22+$0x110] =	vst v3  }
0x184: {  	v36 =	vld [tilespmem:$0xE010]  }
0x185: {  	v37 =	vld [tilespmem:$0xE090];
	_ =	sdelay $0x2  }
0x186: {  	v38 =	vmul.f32 v3, v3  }
0x187: {  	v3 =	vadd.f32 v36, v3  }
0x188: {  	v39 =	vadd.f32 v37, v38  }
0x189: {  	[tilespmem:$0xE010] =	vst v3  }
0x18a: {  	[tilespmem:$0xE090] =	vst v39  }
0x18b: {  	v3 =	vld [tilespmem:s22+$0x120]  }
0x18c: {  	v4 =	vld.idx.msk [tilespmem:v2+s24+$0x20 ss:$0x1], $0xffff;
	_ =	sdelay $0x4  }
0x18d: {  	v3 =	vsub.f32 v3, v4;
	_ =	sdelay $0x1  }
0x18e: {  	[tilespmem:s22+$0x120] =	vst v3  }
0x18f: {  	v40 =	vld [tilespmem:$0xE020]  }
0x190: {  	v41 =	vld [tilespmem:$0xE0A0];
	_ =	sdelay $0x2  }
0x191: {  	v42 =	vmul.f32 v3, v3  }
0x192: {  	v3 =	vadd.f32 v40, v3  }
0x193: {  	v43 =	vadd.f32 v41, v42  }
0x194: {  	[tilespmem:$0xE020] =	vst v3  }
0x195: {  	[tilespmem:$0xE0A0] =	vst v43  }
0x196: {  	v3 =	vld [tilespmem:s22+$0x130]  }
0x197: {  	v4 =	vld.idx.msk [tilespmem:v2+s24+$0x30 ss:$0x1], $0xffff;
	_ =	sdelay $0x4  }
0x198: {  	v3 =	vsub.f32 v3, v4;
	_ =	sdelay $0x1  }
0x199: {  	[tilespmem:s22+$0x130] =	vst v3  }
0x19a: {  	v44 =	vld [tilespmem:$0xE030]  }
0x19b: {  	v45 =	vld [tilespmem:$0xE0B0];
	_ =	sdelay $0x2  }
0x19c: {  	v46 =	vmul.f32 v3, v3  }
0x19d: {  	v3 =	vadd.f32 v44, v3  }
0x19e: {  	v47 =	vadd.f32 v45, v46  }
0x19f: {  	[tilespmem:$0xE030] =	vst v3  }
0x1a0: {  	[tilespmem:$0xE0B0] =	vst v47  }
0x1a1: {  	v3 =	vld [tilespmem:s22+$0x180]  }
0x1a2: {  	v4 =	vld.idx.msk [tilespmem:v2+s24+$0x0 ss:$0x1], $0xffff;
	_ =	sdelay $0x4  }
0x1a3: {  	v3 =	vsub.f32 v3, v4;
	_ =	sdelay $0x1  }
0x1a4: {  	[tilespmem:s22+$0x180] =	vst v3  }
0x1a5: {  	v48 =	vld [tilespmem:$0xE000]  }
0x1a6: {  	v49 =	vld [tilespmem:$0xE080];
	_ =	sdelay $0x2  }
0x1a7: {  	v50 =	vmul.f32 v3, v3  }
0x1a8: {  	v3 =	vadd.f32 v48, v3  }
0x1a9: {  	v51 =	vadd.f32 v49, v50  }
0x1aa: {  	[tilespmem:$0xE000] =	vst v3  }
0x1ab: {  	[tilespmem:$0xE080] =	vst v51  }
0x1ac: {  	v3 =	vld [tilespmem:s22+$0x190]  }
0x1ad: {  	v4 =	vld.idx.msk [tilespmem:v2+s24+$0x10 ss:$0x1], $0xffff;
	_ =	sdelay $0x4  }
0x1ae: {  	v3 =	vsub.f32 v3, v4;
	_ =	sdelay $0x1  }
0x1af: {  	[tilespmem:s22+$0x190] =	vst v3  }
0x1b0: {  	v52 =	vld [tilespmem:$0xE010]  }
0x1b1: {  	v53 =	vld [tilespmem:$0xE090];
	_ =	sdelay $0x2  }
0x1b2: {  	v54 =	vmul.f32 v3, v3  }
0x1b3: {  	v3 =	vadd.f32 v52, v3  }
0x1b4: {  	v55 =	vadd.f32 v53, v54  }
0x1b5: {  	[tilespmem:$0xE010] =	vst v3  }
0x1b6: {  	[tilespmem:$0xE090] =	vst v55  }
0x1b7: {  	v3 =	vld [tilespmem:s22+$0x1A0]  }
0x1b8: {  	v4 =	vld.idx.msk [tilespmem:v2+s24+$0x20 ss:$0x1], $0xffff;
	_ =	sdelay $0x4  }
0x1b9: {  	v3 =	vsub.f32 v3, v4;
	_ =	sdelay $0x1  }
0x1ba: {  	[tilespmem:s22+$0x1A0] =	vst v3  }
0x1bb: {  	v56 =	vld [tilespmem:$0xE020]  }
0x1bc: {  	v57 =	vld [tilespmem:$0xE0A0];
	_ =	sdelay $0x2  }
0x1bd: {  	v58 =	vmul.f32 v3, v3  }
0x1be: {  	v3 =	vadd.f32 v56, v3  }
0x1bf: {  	v59 =	vadd.f32 v57, v58  }
0x1c0: {  	[tilespmem:$0xE020] =	vst v3  }
0x1c1: {  	[tilespmem:$0xE0A0] =	vst v59  }
0x1c2: {  	v3 =	vld [tilespmem:s22+$0x1B0]  }
0x1c3: {  	v4 =	vld.idx.msk [tilespmem:v2+s24+$0x30 ss:$0x1], $0xffff;
	_ =	sdelay $0x4  }
0x1c4: {  	v3 =	vsub.f32 v3, v4;
	_ =	sdelay $0x1  }
0x1c5: {  	[tilespmem:s22+$0x1B0] =	vst v3  }
0x1c6: {  	v60 =	vld [tilespmem:$0xE030]  }
0x1c7: {  	v61 =	vld [tilespmem:$0xE0B0];
	_ =	sdelay $0x1  }
0x1c8: {  	p0 =	sne.s32 s23, $0xF0  }
.Ltmp1:
0x1c9: {  	v62 =	vmul.f32 v3, v3;
	(pc) =	sbr.rel @p0 .LBB2_5-.Ltmp1, $4  }
0x1ca: {  	v3 =	vadd.f32 v60, v3  }
0x1cb: {  	v63 =	vadd.f32 v61, v62  }
0x1cc: {  	[tilespmem:$0xE030] =	vst v3  }
0x1cd: {  	s23 =	sadd.s32 $0x10, s23;
	s22 =	sadd.s32 $0x400, s22;
	[tilespmem:$0xE0B0] =	vst v63  }
0x1ce: {  	s22 =	sshll.u32 s20, $0xF  }
0x1cf: {  	s22 =	sadd.s32 s6, s22  }
0x1d0: {  	s22 =	sshrl.u32 s22, $0x3  }
0x1d1: {  	p0 =	seq.s32 s20, $0x1F;
	s22 =	sadd.s32 s4, s22  }
0x1d2: {  	[hbm4b:s22+s2] =	stream.linear.scatter [tilespmem:s14], [sflag:$0x3], $0x4000, $0x38;
	[tilespmem:$0xE400] =	vst v63  }
0x1d3: {  	s30 =	sshll.u32 s21, $0x8;
	s22 =	sshll.u32 @!p0 s20, $0x8;
	_ =	swait.ge [sflag:s16], $0x4000  }
0x1d4: {  	s23 =	simm.s32 @!p0 $0x80;
	s22 =	sand.u32 @!p0 $0x3FFFFF00, s22;
	[sflag:s16] =	ssyncset.done $0x0  }
0x1d5: {  	s24 =	simm.s32 @!p0 $0x6000;
	s22 =	sadd.s32 @!p0 $0x100, s22;
	[sflag:s16] =	ssyncadd.s32 $0xFFFFC000  }
0x1d6: {  	[tilespmem:s24], [sflag:$0x1] =	stream.indirect.gather @!p0 [hbm4b:s3+s23], $0x80, s22, s23, $0xb8;
	[tilespmem:$0xE400] =	vst v63  }
0x1d7: {  	s22 =	sand.u32 $0x3FFFFF00, s30  }
0x1d8: {  	s31 =	sadd.s32 $0x2000, s22  }
0x1d9: {  	v2 =	vmov s31  }
0x1da: {  	_ =	swait.ge [sflag:s17], $0x4000  }
0x1db: {  	[sflag:s17] =	ssyncset.done $0x0  }
0x1dc: {  	s23 =	simm.s32 $0xA200;
	s22 =	simm.s32 $0x0;
	[sflag:s17] =	ssyncadd.s32 $0xFFFFC000  }
.LBB2_7:
0x1dd: {  	s24 =	sand.u32 $0xC0, s22;
	v3 =	vld [tilespmem:s23+$0xFFFFFE00]  }
0x1de: {  	v4 =	vld.idx.msk [tilespmem:v2+s24+$0x0 ss:$0x1], $0xffff;
	_ =	sdelay $0x4  }
0x1df: {  	v3 =	vsub.f32 v3, v4;
	_ =	sdelay $0x1  }
0x1e0: {  	[tilespmem:s23+$0xFFFFFE00] =	vst v3  }
0x1e1: {  	v48 =	vld [tilespmem:$0xE000]  }
0x1e2: {  	v5 =	vld [tilespmem:$0xE080];
	_ =	sdelay $0x2  }
0x1e3: {  	v6 =	vmul.f32 v3, v3  }
0x1e4: {  	v3 =	vadd.f32 v48, v3  }
0x1e5: {  	v49 =	vadd.f32 v5, v6  }
0x1e6: {  	[tilespmem:$0xE000] =	vst v3  }
0x1e7: {  	[tilespmem:$0xE080] =	vst v49  }
0x1e8: {  	v3 =	vld [tilespmem:s23+$0xFFFFFE10]  }
0x1e9: {  	v4 =	vld.idx.msk [tilespmem:v2+s24+$0x10 ss:$0x1], $0xffff;
	_ =	sdelay $0x4  }
0x1ea: {  	v3 =	vsub.f32 v3, v4;
	_ =	sdelay $0x1  }
0x1eb: {  	[tilespmem:s23+$0xFFFFFE10] =	vst v3  }
0x1ec: {  	v50 =	vld [tilespmem:$0xE010]  }
0x1ed: {  	v51 =	vld [tilespmem:$0xE090];
	_ =	sdelay $0x2  }
0x1ee: {  	v52 =	vmul.f32 v3, v3  }
0x1ef: {  	v3 =	vadd.f32 v50, v3  }
0x1f0: {  	v53 =	vadd.f32 v51, v52  }
0x1f1: {  	[tilespmem:$0xE010] =	vst v3  }
0x1f2: {  	[tilespmem:$0xE090] =	vst v53  }
0x1f3: {  	v3 =	vld [tilespmem:s23+$0xFFFFFE20]  }
0x1f4: {  	v4 =	vld.idx.msk [tilespmem:v2+s24+$0x20 ss:$0x1], $0xffff;
	_ =	sdelay $0x4  }
0x1f5: {  	v3 =	vsub.f32 v3, v4;
	_ =	sdelay $0x1  }
0x1f6: {  	[tilespmem:s23+$0xFFFFFE20] =	vst v3  }
0x1f7: {  	v54 =	vld [tilespmem:$0xE020]  }
0x1f8: {  	v55 =	vld [tilespmem:$0xE0A0];
	_ =	sdelay $0x2  }
0x1f9: {  	v56 =	vmul.f32 v3, v3  }
0x1fa: {  	v3 =	vadd.f32 v54, v3  }
0x1fb: {  	v57 =	vadd.f32 v55, v56  }
0x1fc: {  	[tilespmem:$0xE020] =	vst v3  }
0x1fd: {  	[tilespmem:$0xE0A0] =	vst v57  }
0x1fe: {  	v3 =	vld [tilespmem:s23+$0xFFFFFE30]  }
0x1ff: {  	v4 =	vld.idx.msk [tilespmem:v2+s24+$0x30 ss:$0x1], $0xffff;
	_ =	sdelay $0x4  }
0x200: {  	v3 =	vsub.f32 v3, v4;
	_ =	sdelay $0x1  }
0x201: {  	[tilespmem:s23+$0xFFFFFE30] =	vst v3  }
0x202: {  	v58 =	vld [tilespmem:$0xE030]  }
0x203: {  	v59 =	vld [tilespmem:$0xE0B0];
	_ =	sdelay $0x2  }
0x204: {  	v60 =	vmul.f32 v3, v3  }
0x205: {  	v3 =	vadd.f32 v58, v3  }
0x206: {  	v61 =	vadd.f32 v59, v60  }
0x207: {  	[tilespmem:$0xE030] =	vst v3  }
0x208: {  	[tilespmem:$0xE0B0] =	vst v61  }
0x209: {  	v3 =	vld [tilespmem:s23+$0xFFFFFE80]  }
0x20a: {  	v4 =	vld.idx.msk [tilespmem:v2+s24+$0x0 ss:$0x1], $0xffff;
	_ =	sdelay $0x4  }
0x20b: {  	v3 =	vsub.f32 v3, v4;
	_ =	sdelay $0x1  }
0x20c: {  	[tilespmem:s23+$0xFFFFFE80] =	vst v3  }
0x20d: {  	v62 =	vld [tilespmem:$0xE000]  }
0x20e: {  	v63 =	vld [tilespmem:$0xE080];
	_ =	sdelay $0x2  }
0x20f: {  	v9 =	vmul.f32 v3, v3  }
0x210: {  	v3 =	vadd.f32 v62, v3  }
0x211: {  	v10 =	vadd.f32 v63, v9  }
0x212: {  	[tilespmem:$0xE000] =	vst v3  }
0x213: {  	[tilespmem:$0xE080] =	vst v10  }
0x214: {  	v3 =	vld [tilespmem:s23+$0xFFFFFE90]  }
0x215: {  	v4 =	vld.idx.msk [tilespmem:v2+s24+$0x10 ss:$0x1], $0xffff;
	_ =	sdelay $0x4  }
0x216: {  	v3 =	vsub.f32 v3, v4;
	_ =	sdelay $0x1  }
0x217: {  	[tilespmem:s23+$0xFFFFFE90] =	vst v3  }
0x218: {  	v11 =	vld [tilespmem:$0xE010]  }
0x219: {  	v12 =	vld [tilespmem:$0xE090];
	_ =	sdelay $0x2  }
0x21a: {  	v13 =	vmul.f32 v3, v3  }
0x21b: {  	v3 =	vadd.f32 v11, v3  }
0x21c: {  	v14 =	vadd.f32 v12, v13  }
0x21d: {  	[tilespmem:$0xE010] =	vst v3  }
0x21e: {  	[tilespmem:$0xE090] =	vst v14  }
0x21f: {  	v3 =	vld [tilespmem:s23+$0xFFFFFEA0]  }
0x220: {  	v4 =	vld.idx.msk [tilespmem:v2+s24+$0x20 ss:$0x1], $0xffff;
	_ =	sdelay $0x4  }
0x221: {  	v3 =	vsub.f32 v3, v4;
	_ =	sdelay $0x1  }
0x222: {  	[tilespmem:s23+$0xFFFFFEA0] =	vst v3  }
0x223: {  	v15 =	vld [tilespmem:$0xE020]  }
0x224: {  	v16 =	vld [tilespmem:$0xE0A0];
	_ =	sdelay $0x2  }
0x225: {  	v17 =	vmul.f32 v3, v3  }
0x226: {  	v3 =	vadd.f32 v15, v3  }
0x227: {  	v18 =	vadd.f32 v16, v17  }
0x228: {  	[tilespmem:$0xE020] =	vst v3  }
0x229: {  	[tilespmem:$0xE0A0] =	vst v18  }
0x22a: {  	v3 =	vld [tilespmem:s23+$0xFFFFFEB0]  }
0x22b: {  	v4 =	vld.idx.msk [tilespmem:v2+s24+$0x30 ss:$0x1], $0xffff;
	_ =	sdelay $0x4  }
0x22c: {  	v3 =	vsub.f32 v3, v4;
	_ =	sdelay $0x1  }
0x22d: {  	[tilespmem:s23+$0xFFFFFEB0] =	vst v3  }
0x22e: {  	v19 =	vld [tilespmem:$0xE030]  }
0x22f: {  	v20 =	vld [tilespmem:$0xE0B0];
	_ =	sdelay $0x2  }
0x230: {  	v21 =	vmul.f32 v3, v3  }
0x231: {  	v3 =	vadd.f32 v19, v3  }
0x232: {  	v22 =	vadd.f32 v20, v21  }
0x233: {  	[tilespmem:$0xE030] =	vst v3  }
0x234: {  	[tilespmem:$0xE0B0] =	vst v22  }
0x235: {  	v3 =	vld [tilespmem:s23+$0xFFFFFF00]  }
0x236: {  	v4 =	vld.idx.msk [tilespmem:v2+s24+$0x0 ss:$0x1], $0xffff;
	_ =	sdelay $0x4  }
0x237: {  	v3 =	vsub.f32 v3, v4;
	_ =	sdelay $0x1  }
0x238: {  	[tilespmem:s23+$0xFFFFFF00] =	vst v3  }
0x239: {  	v23 =	vld [tilespmem:$0xE000]  }
0x23a: {  	v24 =	vld [tilespmem:$0xE080];
	_ =	sdelay $0x2  }
0x23b: {  	v25 =	vmul.f32 v3, v3  }
0x23c: {  	v3 =	vadd.f32 v23, v3  }
0x23d: {  	v26 =	vadd.f32 v24, v25  }
0x23e: {  	[tilespmem:$0xE000] =	vst v3  }
0x23f: {  	[tilespmem:$0xE080] =	vst v26  }
0x240: {  	v3 =	vld [tilespmem:s23+$0xFFFFFF10]  }
0x241: {  	v4 =	vld.idx.msk [tilespmem:v2+s24+$0x10 ss:$0x1], $0xffff;
	_ =	sdelay $0x4  }
0x242: {  	v3 =	vsub.f32 v3, v4;
	_ =	sdelay $0x1  }
0x243: {  	[tilespmem:s23+$0xFFFFFF10] =	vst v3  }
0x244: {  	v27 =	vld [tilespmem:$0xE010]  }
0x245: {  	v28 =	vld [tilespmem:$0xE090];
	_ =	sdelay $0x2  }
0x246: {  	v29 =	vmul.f32 v3, v3  }
0x247: {  	v3 =	vadd.f32 v27, v3  }
0x248: {  	v30 =	vadd.f32 v28, v29  }
0x249: {  	[tilespmem:$0xE010] =	vst v3  }
0x24a: {  	[tilespmem:$0xE090] =	vst v30  }
0x24b: {  	v3 =	vld [tilespmem:s23+$0xFFFFFF20]  }
0x24c: {  	v4 =	vld.idx.msk [tilespmem:v2+s24+$0x20 ss:$0x1], $0xffff;
	_ =	sdelay $0x4  }
0x24d: {  	v3 =	vsub.f32 v3, v4;
	_ =	sdelay $0x1  }
0x24e: {  	[tilespmem:s23+$0xFFFFFF20] =	vst v3  }
0x24f: {  	v31 =	vld [tilespmem:$0xE020]  }
0x250: {  	v32 =	vld [tilespmem:$0xE0A0];
	_ =	sdelay $0x2  }
0x251: {  	v33 =	vmul.f32 v3, v3  }
0x252: {  	v3 =	vadd.f32 v31, v3  }
0x253: {  	v34 =	vadd.f32 v32, v33  }
0x254: {  	[tilespmem:$0xE020] =	vst v3  }
0x255: {  	[tilespmem:$0xE0A0] =	vst v34  }
0x256: {  	v3 =	vld [tilespmem:s23+$0xFFFFFF30]  }
0x257: {  	v4 =	vld.idx.msk [tilespmem:v2+s24+$0x30 ss:$0x1], $0xffff;
	_ =	sdelay $0x4  }
0x258: {  	v3 =	vsub.f32 v3, v4;
	_ =	sdelay $0x1  }
0x259: {  	[tilespmem:s23+$0xFFFFFF30] =	vst v3  }
0x25a: {  	v35 =	vld [tilespmem:$0xE030]  }
0x25b: {  	v36 =	vld [tilespmem:$0xE0B0];
	_ =	sdelay $0x2  }
0x25c: {  	v37 =	vmul.f32 v3, v3  }
0x25d: {  	v3 =	vadd.f32 v35, v3  }
0x25e: {  	v38 =	vadd.f32 v36, v37  }
0x25f: {  	[tilespmem:$0xE030] =	vst v3  }
0x260: {  	[tilespmem:$0xE0B0] =	vst v38  }
0x261: {  	v3 =	vld [tilespmem:s23+$0xFFFFFF80]  }
0x262: {  	v4 =	vld.idx.msk [tilespmem:v2+s24+$0x0 ss:$0x1], $0xffff;
	_ =	sdelay $0x4  }
0x263: {  	v3 =	vsub.f32 v3, v4;
	_ =	sdelay $0x1  }
0x264: {  	[tilespmem:s23+$0xFFFFFF80] =	vst v3  }
0x265: {  	v39 =	vld [tilespmem:$0xE000]  }
0x266: {  	v40 =	vld [tilespmem:$0xE080];
	_ =	sdelay $0x2  }
0x267: {  	v41 =	vmul.f32 v3, v3  }
0x268: {  	v3 =	vadd.f32 v39, v3  }
0x269: {  	v42 =	vadd.f32 v40, v41  }
0x26a: {  	[tilespmem:$0xE000] =	vst v3  }
0x26b: {  	[tilespmem:$0xE080] =	vst v42  }
0x26c: {  	v3 =	vld [tilespmem:s23+$0xFFFFFF90]  }
0x26d: {  	v4 =	vld.idx.msk [tilespmem:v2+s24+$0x10 ss:$0x1], $0xffff;
	_ =	sdelay $0x4  }
0x26e: {  	v3 =	vsub.f32 v3, v4;
	_ =	sdelay $0x1  }
0x26f: {  	[tilespmem:s23+$0xFFFFFF90] =	vst v3  }
0x270: {  	v43 =	vld [tilespmem:$0xE010]  }
0x271: {  	v44 =	vld [tilespmem:$0xE090];
	_ =	sdelay $0x2  }
0x272: {  	v45 =	vmul.f32 v3, v3  }
0x273: {  	v3 =	vadd.f32 v43, v3  }
0x274: {  	v46 =	vadd.f32 v44, v45  }
0x275: {  	[tilespmem:$0xE010] =	vst v3  }
0x276: {  	[tilespmem:$0xE090] =	vst v46  }
0x277: {  	v3 =	vld [tilespmem:s23+$0xFFFFFFA0]  }
0x278: {  	v4 =	vld.idx.msk [tilespmem:v2+s24+$0x20 ss:$0x1], $0xffff;
	_ =	sdelay $0x4  }
0x279: {  	v3 =	vsub.f32 v3, v4;
	_ =	sdelay $0x1  }
0x27a: {  	[tilespmem:s23+$0xFFFFFFA0] =	vst v3  }
0x27b: {  	v47 =	vld [tilespmem:$0xE020]  }
0x27c: {  	v48 =	vld [tilespmem:$0xE0A0];
	_ =	sdelay $0x2  }
0x27d: {  	v49 =	vmul.f32 v3, v3  }
0x27e: {  	v3 =	vadd.f32 v47, v3  }
0x27f: {  	v50 =	vadd.f32 v48, v49  }
0x280: {  	[tilespmem:$0xE020] =	vst v3  }
0x281: {  	[tilespmem:$0xE0A0] =	vst v50  }
0x282: {  	v3 =	vld [tilespmem:s23+$0xFFFFFFB0]  }
0x283: {  	v4 =	vld.idx.msk [tilespmem:v2+s24+$0x30 ss:$0x1], $0xffff;
	_ =	sdelay $0x4  }
0x284: {  	v3 =	vsub.f32 v3, v4;
	_ =	sdelay $0x1  }
0x285: {  	[tilespmem:s23+$0xFFFFFFB0] =	vst v3  }
0x286: {  	v51 =	vld [tilespmem:$0xE030]  }
0x287: {  	v52 =	vld [tilespmem:$0xE0B0];
	_ =	sdelay $0x2  }
0x288: {  	v53 =	vmul.f32 v3, v3  }
0x289: {  	v3 =	vadd.f32 v51, v3  }
0x28a: {  	v54 =	vadd.f32 v52, v53  }
0x28b: {  	[tilespmem:$0xE030] =	vst v3  }
0x28c: {  	[tilespmem:$0xE0B0] =	vst v54  }
0x28d: {  	v3 =	vld [tilespmem:s23+$0x0]  }
0x28e: {  	v4 =	vld.idx.msk [tilespmem:v2+s24+$0x0 ss:$0x1], $0xffff;
	_ =	sdelay $0x4  }
0x28f: {  	v3 =	vsub.f32 v3, v4;
	_ =	sdelay $0x1  }
0x290: {  	[tilespmem:s23+$0x0] =	vst v3  }
0x291: {  	v55 =	vld [tilespmem:$0xE000]  }
0x292: {  	v56 =	vld [tilespmem:$0xE080];
	_ =	sdelay $0x2  }
0x293: {  	v57 =	vmul.f32 v3, v3  }
0x294: {  	v3 =	vadd.f32 v55, v3  }
0x295: {  	v58 =	vadd.f32 v56, v57  }
0x296: {  	[tilespmem:$0xE000] =	vst v3  }
0x297: {  	[tilespmem:$0xE080] =	vst v58  }
0x298: {  	v3 =	vld [tilespmem:s23+$0x10]  }
0x299: {  	v4 =	vld.idx.msk [tilespmem:v2+s24+$0x10 ss:$0x1], $0xffff;
	_ =	sdelay $0x4  }
0x29a: {  	v3 =	vsub.f32 v3, v4;
	_ =	sdelay $0x1  }
0x29b: {  	[tilespmem:s23+$0x10] =	vst v3  }
0x29c: {  	v59 =	vld [tilespmem:$0xE010]  }
0x29d: {  	v60 =	vld [tilespmem:$0xE090];
	_ =	sdelay $0x2  }
0x29e: {  	v61 =	vmul.f32 v3, v3  }
0x29f: {  	v3 =	vadd.f32 v59, v3  }
0x2a0: {  	v62 =	vadd.f32 v60, v61  }
0x2a1: {  	[tilespmem:$0xE010] =	vst v3  }
0x2a2: {  	[tilespmem:$0xE090] =	vst v62  }
0x2a3: {  	v3 =	vld [tilespmem:s23+$0x20]  }
0x2a4: {  	v4 =	vld.idx.msk [tilespmem:v2+s24+$0x20 ss:$0x1], $0xffff;
	_ =	sdelay $0x4  }
0x2a5: {  	v3 =	vsub.f32 v3, v4;
	_ =	sdelay $0x1  }
0x2a6: {  	[tilespmem:s23+$0x20] =	vst v3  }
0x2a7: {  	v63 =	vld [tilespmem:$0xE020]  }
0x2a8: {  	v9 =	vld [tilespmem:$0xE0A0];
	_ =	sdelay $0x2  }
0x2a9: {  	v10 =	vmul.f32 v3, v3  }
0x2aa: {  	v3 =	vadd.f32 v63, v3  }
0x2ab: {  	v11 =	vadd.f32 v9, v10  }
0x2ac: {  	[tilespmem:$0xE020] =	vst v3  }
0x2ad: {  	[tilespmem:$0xE0A0] =	vst v11  }
0x2ae: {  	v3 =	vld [tilespmem:s23+$0x30]  }
0x2af: {  	v4 =	vld.idx.msk [tilespmem:v2+s24+$0x30 ss:$0x1], $0xffff;
	_ =	sdelay $0x4  }
0x2b0: {  	v3 =	vsub.f32 v3, v4;
	_ =	sdelay $0x1  }
0x2b1: {  	[tilespmem:s23+$0x30] =	vst v3  }
0x2b2: {  	v12 =	vld [tilespmem:$0xE030]  }
0x2b3: {  	v13 =	vld [tilespmem:$0xE0B0];
	_ =	sdelay $0x2  }
0x2b4: {  	v14 =	vmul.f32 v3, v3  }
0x2b5: {  	v3 =	vadd.f32 v12, v3  }
0x2b6: {  	v15 =	vadd.f32 v13, v14  }
0x2b7: {  	[tilespmem:$0xE030] =	vst v3  }
0x2b8: {  	[tilespmem:$0xE0B0] =	vst v15  }
0x2b9: {  	v3 =	vld [tilespmem:s23+$0x80]  }
0x2ba: {  	v4 =	vld.idx.msk [tilespmem:v2+s24+$0x0 ss:$0x1], $0xffff;
	_ =	sdelay $0x4  }
0x2bb: {  	v3 =	vsub.f32 v3, v4;
	_ =	sdelay $0x1  }
0x2bc: {  	[tilespmem:s23+$0x80] =	vst v3  }
0x2bd: {  	v16 =	vld [tilespmem:$0xE000]  }
0x2be: {  	v17 =	vld [tilespmem:$0xE080];
	_ =	sdelay $0x2  }
0x2bf: {  	v18 =	vmul.f32 v3, v3  }
0x2c0: {  	v3 =	vadd.f32 v16, v3  }
0x2c1: {  	v19 =	vadd.f32 v17, v18  }
0x2c2: {  	[tilespmem:$0xE000] =	vst v3  }
0x2c3: {  	[tilespmem:$0xE080] =	vst v19  }
0x2c4: {  	v3 =	vld [tilespmem:s23+$0x90]  }
0x2c5: {  	v4 =	vld.idx.msk [tilespmem:v2+s24+$0x10 ss:$0x1], $0xffff;
	_ =	sdelay $0x4  }
0x2c6: {  	v3 =	vsub.f32 v3, v4;
	_ =	sdelay $0x1  }
0x2c7: {  	[tilespmem:s23+$0x90] =	vst v3  }
0x2c8: {  	v20 =	vld [tilespmem:$0xE010]  }
0x2c9: {  	v21 =	vld [tilespmem:$0xE090];
	_ =	sdelay $0x2  }
0x2ca: {  	v22 =	vmul.f32 v3, v3  }
0x2cb: {  	v3 =	vadd.f32 v20, v3  }
0x2cc: {  	v23 =	vadd.f32 v21, v22  }
0x2cd: {  	[tilespmem:$0xE010] =	vst v3  }
0x2ce: {  	[tilespmem:$0xE090] =	vst v23  }
0x2cf: {  	v3 =	vld [tilespmem:s23+$0xA0]  }
0x2d0: {  	v4 =	vld.idx.msk [tilespmem:v2+s24+$0x20 ss:$0x1], $0xffff;
	_ =	sdelay $0x4  }
0x2d1: {  	v3 =	vsub.f32 v3, v4;
	_ =	sdelay $0x1  }
0x2d2: {  	[tilespmem:s23+$0xA0] =	vst v3  }
0x2d3: {  	v24 =	vld [tilespmem:$0xE020]  }
0x2d4: {  	v25 =	vld [tilespmem:$0xE0A0];
	_ =	sdelay $0x2  }
0x2d5: {  	v26 =	vmul.f32 v3, v3  }
0x2d6: {  	v3 =	vadd.f32 v24, v3  }
0x2d7: {  	v27 =	vadd.f32 v25, v26  }
0x2d8: {  	[tilespmem:$0xE020] =	vst v3  }
0x2d9: {  	[tilespmem:$0xE0A0] =	vst v27  }
0x2da: {  	v3 =	vld [tilespmem:s23+$0xB0]  }
0x2db: {  	v4 =	vld.idx.msk [tilespmem:v2+s24+$0x30 ss:$0x1], $0xffff;
	_ =	sdelay $0x4  }
0x2dc: {  	v3 =	vsub.f32 v3, v4;
	_ =	sdelay $0x1  }
0x2dd: {  	[tilespmem:s23+$0xB0] =	vst v3  }
0x2de: {  	v28 =	vld [tilespmem:$0xE030]  }
0x2df: {  	v29 =	vld [tilespmem:$0xE0B0];
	_ =	sdelay $0x2  }
0x2e0: {  	v30 =	vmul.f32 v3, v3  }
0x2e1: {  	v3 =	vadd.f32 v28, v3  }
0x2e2: {  	v31 =	vadd.f32 v29, v30  }
0x2e3: {  	[tilespmem:$0xE030] =	vst v3  }
0x2e4: {  	[tilespmem:$0xE0B0] =	vst v31  }
0x2e5: {  	v3 =	vld [tilespmem:s23+$0x100]  }
0x2e6: {  	v4 =	vld.idx.msk [tilespmem:v2+s24+$0x0 ss:$0x1], $0xffff;
	_ =	sdelay $0x4  }
0x2e7: {  	v3 =	vsub.f32 v3, v4;
	_ =	sdelay $0x1  }
0x2e8: {  	[tilespmem:s23+$0x100] =	vst v3  }
0x2e9: {  	v32 =	vld [tilespmem:$0xE000]  }
0x2ea: {  	v33 =	vld [tilespmem:$0xE080];
	_ =	sdelay $0x2  }
0x2eb: {  	v34 =	vmul.f32 v3, v3  }
0x2ec: {  	v3 =	vadd.f32 v32, v3  }
0x2ed: {  	v35 =	vadd.f32 v33, v34  }
0x2ee: {  	[tilespmem:$0xE000] =	vst v3  }
0x2ef: {  	[tilespmem:$0xE080] =	vst v35  }
0x2f0: {  	v3 =	vld [tilespmem:s23+$0x110]  }
0x2f1: {  	v4 =	vld.idx.msk [tilespmem:v2+s24+$0x10 ss:$0x1], $0xffff;
	_ =	sdelay $0x4  }
0x2f2: {  	v3 =	vsub.f32 v3, v4;
	_ =	sdelay $0x1  }
0x2f3: {  	[tilespmem:s23+$0x110] =	vst v3  }
0x2f4: {  	v36 =	vld [tilespmem:$0xE010]  }
0x2f5: {  	v37 =	vld [tilespmem:$0xE090];
	_ =	sdelay $0x2  }
0x2f6: {  	v38 =	vmul.f32 v3, v3  }
0x2f7: {  	v3 =	vadd.f32 v36, v3  }
0x2f8: {  	v39 =	vadd.f32 v37, v38  }
0x2f9: {  	[tilespmem:$0xE010] =	vst v3  }
0x2fa: {  	[tilespmem:$0xE090] =	vst v39  }
0x2fb: {  	v3 =	vld [tilespmem:s23+$0x120]  }
0x2fc: {  	v4 =	vld.idx.msk [tilespmem:v2+s24+$0x20 ss:$0x1], $0xffff;
	_ =	sdelay $0x4  }
0x2fd: {  	v3 =	vsub.f32 v3, v4;
	_ =	sdelay $0x1  }
0x2fe: {  	[tilespmem:s23+$0x120] =	vst v3  }
0x2ff: {  	v40 =	vld [tilespmem:$0xE020]  }
0x300: {  	v41 =	vld [tilespmem:$0xE0A0];
	_ =	sdelay $0x2  }
0x301: {  	v42 =	vmul.f32 v3, v3  }
0x302: {  	v3 =	vadd.f32 v40, v3  }
0x303: {  	v43 =	vadd.f32 v41, v42  }
0x304: {  	[tilespmem:$0xE020] =	vst v3  }
0x305: {  	[tilespmem:$0xE0A0] =	vst v43  }
0x306: {  	v3 =	vld [tilespmem:s23+$0x130]  }
0x307: {  	v4 =	vld.idx.msk [tilespmem:v2+s24+$0x30 ss:$0x1], $0xffff;
	_ =	sdelay $0x4  }
0x308: {  	v3 =	vsub.f32 v3, v4;
	_ =	sdelay $0x1  }
0x309: {  	[tilespmem:s23+$0x130] =	vst v3  }
0x30a: {  	v44 =	vld [tilespmem:$0xE030]  }
0x30b: {  	v45 =	vld [tilespmem:$0xE0B0];
	_ =	sdelay $0x2  }
0x30c: {  	v46 =	vmul.f32 v3, v3  }
0x30d: {  	v3 =	vadd.f32 v44, v3  }
0x30e: {  	v47 =	vadd.f32 v45, v46  }
0x30f: {  	[tilespmem:$0xE030] =	vst v3  }
0x310: {  	[tilespmem:$0xE0B0] =	vst v47  }
0x311: {  	v3 =	vld [tilespmem:s23+$0x180]  }
0x312: {  	v4 =	vld.idx.msk [tilespmem:v2+s24+$0x0 ss:$0x1], $0xffff;
	_ =	sdelay $0x4  }
0x313: {  	v3 =	vsub.f32 v3, v4;
	_ =	sdelay $0x1  }
0x314: {  	[tilespmem:s23+$0x180] =	vst v3  }
0x315: {  	v48 =	vld [tilespmem:$0xE000]  }
0x316: {  	v49 =	vld [tilespmem:$0xE080];
	_ =	sdelay $0x2  }
0x317: {  	v50 =	vmul.f32 v3, v3  }
0x318: {  	v3 =	vadd.f32 v48, v3  }
0x319: {  	v51 =	vadd.f32 v49, v50  }
0x31a: {  	[tilespmem:$0xE000] =	vst v3  }
0x31b: {  	[tilespmem:$0xE080] =	vst v51  }
0x31c: {  	v3 =	vld [tilespmem:s23+$0x190]  }
0x31d: {  	v4 =	vld.idx.msk [tilespmem:v2+s24+$0x10 ss:$0x1], $0xffff;
	_ =	sdelay $0x4  }
0x31e: {  	v3 =	vsub.f32 v3, v4;
	_ =	sdelay $0x1  }
0x31f: {  	[tilespmem:s23+$0x190] =	vst v3  }
0x320: {  	v52 =	vld [tilespmem:$0xE010]  }
0x321: {  	v53 =	vld [tilespmem:$0xE090];
	_ =	sdelay $0x2  }
0x322: {  	v54 =	vmul.f32 v3, v3  }
0x323: {  	v3 =	vadd.f32 v52, v3  }
0x324: {  	v55 =	vadd.f32 v53, v54  }
0x325: {  	[tilespmem:$0xE010] =	vst v3  }
0x326: {  	[tilespmem:$0xE090] =	vst v55  }
0x327: {  	v3 =	vld [tilespmem:s23+$0x1A0]  }
0x328: {  	v4 =	vld.idx.msk [tilespmem:v2+s24+$0x20 ss:$0x1], $0xffff;
	_ =	sdelay $0x4  }
0x329: {  	v3 =	vsub.f32 v3, v4;
	_ =	sdelay $0x1  }
0x32a: {  	[tilespmem:s23+$0x1A0] =	vst v3  }
0x32b: {  	v56 =	vld [tilespmem:$0xE020]  }
0x32c: {  	v57 =	vld [tilespmem:$0xE0A0];
	_ =	sdelay $0x2  }
0x32d: {  	v58 =	vmul.f32 v3, v3  }
0x32e: {  	v3 =	vadd.f32 v56, v3  }
0x32f: {  	v59 =	vadd.f32 v57, v58  }
0x330: {  	[tilespmem:$0xE020] =	vst v3  }
0x331: {  	[tilespmem:$0xE0A0] =	vst v59  }
0x332: {  	v3 =	vld [tilespmem:s23+$0x1B0]  }
0x333: {  	v4 =	vld.idx.msk [tilespmem:v2+s24+$0x30 ss:$0x1], $0xffff;
	_ =	sdelay $0x4  }
0x334: {  	v3 =	vsub.f32 v3, v4;
	_ =	sdelay $0x1  }
0x335: {  	[tilespmem:s23+$0x1B0] =	vst v3  }
0x336: {  	v60 =	vld [tilespmem:$0xE030]  }
0x337: {  	v61 =	vld [tilespmem:$0xE0B0];
	_ =	sdelay $0x1  }
0x338: {  	p0 =	sne.s32 s22, $0xF0  }
.Ltmp2:
0x339: {  	v62 =	vmul.f32 v3, v3;
	(pc) =	sbr.rel @p0 .LBB2_7-.Ltmp2, $4  }
0x33a: {  	v3 =	vadd.f32 v60, v3  }
0x33b: {  	v63 =	vadd.f32 v61, v62  }
0x33c: {  	[tilespmem:$0xE030] =	vst v3  }
0x33d: {  	s22 =	sadd.s32 $0x10, s22;
	s23 =	sadd.s32 $0x400, s23;
	[tilespmem:$0xE0B0] =	vst v63  }
0x33e: {  	s21 =	sshll.u32 s21, $0xE  }
0x33f: {  	s20 =	sadd.s32 $0x1, s20;
	s21 =	sadd.s32 s6, s21  }
0x340: {  	p0 =	sne.s32 s20, $0x20;
	s21 =	sshrl.u32 s21, $0x3  }
.Ltmp3:
0x341: {  	s21 =	sadd.s32 s4, s21;
	(pc) =	sbr.rel @p0 .LBB2_4-.Ltmp3, $4  }
0x342: {  	[hbm4b:s21+s2] =	stream.linear.scatter [tilespmem:s15], [sflag:$0x3], $0x4000, $0x38;
	[tilespmem:$0xE400] =	vst v63  }
0x343: {  	_ =	swait.ge [sflag:s16], $0x4000  }
0x344: {  	[sflag:s16] =	ssyncset.done $0x0  }
0x345: {  	[sflag:s16] =	ssyncadd.s32 $0xFFFFC000  }
0x346: {  	s19 =	sadd.s32 $0x1, s19  }
0x347: {  	p0 =	sne.s32 s19, s10  }
.Ltmp4:
0x348: {  	_ = 	snop;
	(pc) =	sbr.rel @p0 .LBB2_1-.Ltmp4, $4  }
0x349: {  	[hbm4b:s9+s2] =	stream.linear.scatter [tilespmem:s18], [sflag:$0x4], $0x400, $0x38;
	[tilespmem:$0xE400] =	vst v63  }
0x34a: {  	_ =	swait.ge [sflag:s11], $0x400  }
0x34b: {  	[sflag:s11] =	ssyncset.done $0x0  }
0x34c: {  	[sflag:s11] =	ssyncadd.s32 $0xFFFFFC00  }
0x34d: {  	_ =	sfence.sel $0x180000  }
0x34e: {  	[bflag:$0x0] =	sbarrier.arrive $0xFFFF  }
0x34f: {  	p0 =	sne.s32 s0, $0x0;
	_ =	strace $0x9000004A  }
0x350: {  	s0 =	sadd.s32 @!p0 $0x100000, s1;
	[bflag:$0x2] =	sbarrier.arrive $0xFFFF  }
0x351: {  	[sflag:s0] =	ssyncadd.tile.s32 @!p0 $0x1;
	_ =	shalt  }
.Lfunc_end2:
_tile_overlayer_lowered:
.L_overlay_start_2:
0x352: {  	(tag) =	ssettag $0x2  }
0x353: {  	s0 =	rddreg [dreg:$0x0];
	s2 =	stileid.u32  }
0x354: {  	s1 =	rddreg [dreg:$0x1];
	p0 =	sne.s32 s2, $0x0  }
0x355: {  	s3 =	rddreg [dreg:$0x2];
	[bflag:$0x3] =	sbarrier.arrive $0xFFFF;
	s2 =	simm.s32 @!p0 $0x1C04  }
0x356: {  	[timem:s3], [sflag:s2] =	dma.local @!p0 [hbm:s0], s1  }
0x357: {  	s0 =	simm.s32 @!p0 $0x4  }
0x358: {  	_ =	swait.ge @!p0 [sflag:s0], s1  }
0x359: {  	s1 =	ssub.s32 @!p0 $0x0, s1;
	[sflag:s0] =	ssyncset.done @!p0 $0x0  }
0x35a: {  	[sflag:s0] =	ssyncadd.s32 @!p0 s1  }
0x35b: {  	[bflag:$0x3] =	sbarrier.arrive $0xFFFF  }
0x35c: {  	_ =	shalt  }

</sc_bundles>
